<compile_context>
chip_gen: v7x
topology: tpu7x:2x2x1
jax: 0.10.2.dev20260603
libtpu: 0.0.44.dev20260713+nightly
codegen_flags: <defaults>
</compile_context>

<pallas_src>
import functools

import jax
import jax.numpy as jnp
from jax import lax
from jax.experimental import pallas as pl
from jax.experimental.pallas import tpu as pltpu
from jax.experimental.pallas import tpu_sc as plsc

N = 50000
E = 800000
H = 64
G = 512

NC = 2
NS = 16
L = 16
NW = NC * NS

SLICE = 3136
NPAD = NS * SLICE
NVEC = SLICE // L

EPW = 25088
EPAD = NW * EPW
CH = 6272
NCH = EPW // CH

DUMP = NPAD
ACCN = NPAD + 8
GACC = G + 16

f32 = jnp.float32
i32 = jnp.int32

_mesh = plsc.VectorSubcoreMesh(core_axis_name="c", subcore_axis_name="s")


def _ids():
  return lax.axis_index("c"), lax.axis_index("s")


def _rsqrt_vec(d):
  bits = plsc.bitcast(d, i32)
  magic = jnp.full((L,), 0x5F3759DF, dtype=i32)
  one = jnp.full((L,), 1, dtype=i32)
  h = plsc.bitcast(magic - lax.shift_right_logical(bits, one), f32)
  for _ in range(3):
    h = h * (1.5 - 0.5 * d * h * h)
  return h


@functools.partial(
    pl.kernel,
    out_type=[jax.ShapeDtypeStruct((NPAD,), f32),
              jax.ShapeDtypeStruct((NPAD,), f32)],
    mesh=_mesh,
    compiler_params=pltpu.CompilerParams(needs_layout_passes=False),
    scratch_types=[
        pltpu.VMEM((CH,), i32),
        pltpu.VMEM((CH,), f32),
        pltpu.VMEM((128,), i32),
        pltpu.VMEM((128,), f32),
        pltpu.VMEM_SHARED((ACCN,), f32),
    ],
)
def _deg_kernel(dst_hbm, zeros_hbm, ones_hbm, out0, out1, idx, val,
                idx128, v128, acc_sh):
  c, s = _ids()
  nsl = pl.ds(s * SLICE, SLICE)
  pltpu.sync_copy(zeros_hbm, val.at[pl.ds(0, SLICE)])
  pltpu.sync_copy(val.at[pl.ds(0, SLICE)], acc_sh.at[nsl])

  @pl.when(s == 0)
  def _():
    pltpu.sync_copy(val.at[pl.ds(0, 8)], acc_sh.at[pl.ds(NPAD, 8)])

  pltpu.sync_copy(ones_hbm.at[pl.ds(0, 128)], v128)
  plsc.subcore_barrier()
  wid = c * NS + s

  @pl.loop(0, EPW // 128)
  def _(k):
    base = wid * EPW + k * 128
    pltpu.sync_copy(dst_hbm.at[pl.ds(base, 128)], idx128)
    pltpu.sync_copy(v128, acc_sh.at[idx128], add=True)

  plsc.subcore_barrier()
  pltpu.sync_copy(acc_sh.at[nsl], val.at[pl.ds(0, SLICE)])

  @pl.when(c == 0)
  def _():
    pltpu.sync_copy(val.at[pl.ds(0, SLICE)], out0.at[nsl])

  @pl.when(c == 1)
  def _():
    pltpu.sync_copy(val.at[pl.ds(0, SLICE)], out1.at[nsl])


@functools.partial(
    pl.kernel,
    out_type=[jax.ShapeDtypeStruct((NPAD,), f32),
              jax.ShapeDtypeStruct((NPAD,), f32),
              jax.ShapeDtypeStruct((NPAD,), f32),
              jax.ShapeDtypeStruct((NPAD,), f32)],
    mesh=_mesh,
    compiler_params=pltpu.CompilerParams(needs_layout_passes=False),
    scratch_types=[
        pltpu.VMEM((CH,), i32),
        pltpu.VMEM((CH,), f32),
        pltpu.VMEM((SLICE,), f32),
        pltpu.VMEM((SLICE,), f32),
        pltpu.VMEM((SLICE,), f32),
        pltpu.VMEM((SLICE,), f32),
        pltpu.VMEM((SLICE,), f32),
        pltpu.VMEM_SHARED((ACCN,), f32),
        pltpu.VMEM_SHARED((NPAD,), f32),
    ],
)
def _pass1_kernel(dp0, dp1, x_hbm, src_hbm, dst_hbm, zeros_hbm,
                  out0, out1, dinv_out, y_out,
                  eidx, eval_, nb0, nb1, xb, ybuf, dinvbuf, acc_sh, tab_sh):
  c, s = _ids()
  nsl = pl.ds(s * SLICE, SLICE)
  pltpu.sync_copy(dp0.at[nsl], nb0)
  pltpu.sync_copy(dp1.at[nsl], nb1)
  pltpu.sync_copy(x_hbm.at[nsl], xb)

  @pl.loop(0, NVEC)
  def _(i):
    v = pl.ds(i * L, L)
    deg = nb0[v] + nb1[v] + 1.0
    dinv = _rsqrt_vec(deg)
    dinvbuf[v] = dinv
    ybuf[v] = dinv * xb[v]

  pltpu.sync_copy(ybuf, tab_sh.at[nsl])
  pltpu.sync_copy(zeros_hbm, nb0)
  pltpu.sync_copy(nb0, acc_sh.at[nsl])

  @pl.when(s == 0)
  def _():
    pltpu.sync_copy(nb0.at[pl.ds(0, 8)], acc_sh.at[pl.ds(NPAD, 8)])

  @pl.when(c == 0)
  def _():
    pltpu.sync_copy(dinvbuf, dinv_out.at[nsl])
    pltpu.sync_copy(ybuf, y_out.at[nsl])

  plsc.subcore_barrier()
  wid = c * NS + s

  @pl.loop(0, NCH)
  def _(k):
    base = wid * EPW + k * CH
    pltpu.sync_copy(src_hbm.at[pl.ds(base, CH)], eidx)
    pltpu.sync_copy(tab_sh.at[eidx], eval_)
    pltpu.sync_copy(dst_hbm.at[pl.ds(base, CH)], eidx)
    pltpu.sync_copy(eval_, acc_sh.at[eidx], add=True)

  plsc.subcore_barrier()
  pltpu.sync_copy(acc_sh.at[nsl], nb0)

  @pl.when(c == 0)
  def _():
    pltpu.sync_copy(nb0, out0.at[nsl])

  @pl.when(c == 1)
  def _():
    pltpu.sync_copy(nb0, out1.at[nsl])


@functools.partial(
    pl.kernel,
    out_type=[jax.ShapeDtypeStruct((NPAD,), f32),
              jax.ShapeDtypeStruct((NPAD,), f32),
              jax.ShapeDtypeStruct((NPAD,), f32),
              jax.ShapeDtypeStruct((NPAD,), f32),
              jax.ShapeDtypeStruct((NPAD,), f32),
              jax.ShapeDtypeStruct((NPAD,), f32)],
    mesh=_mesh,
    compiler_params=pltpu.CompilerParams(needs_layout_passes=False),
    scratch_types=[
        pltpu.VMEM((CH,), i32),
        pltpu.VMEM((CH,), i32),
        pltpu.VMEM((CH,), f32),
        pltpu.VMEM((SLICE,), f32),
        pltpu.VMEM((SLICE,), f32),
        pltpu.VMEM((SLICE,), f32),
        pltpu.VMEM((SLICE,), f32),
        pltpu.VMEM((SLICE,), f32),
        pltpu.VMEM((SLICE,), f32),
        pltpu.VMEM_SHARED((ACCN,), f32),
        pltpu.VMEM_SHARED((ACCN,), f32),
        pltpu.VMEM_SHARED((NPAD,), f32),
        pltpu.VMEM_SHARED((NPAD,), f32),
    ],
)
def _pass2_kernel(bp0, bp1, y_hbm, dinv_hbm, src_hbm, dst_hbm, zeros_hbm,
                  outu0, outu1, outv0, outv1, y2u_out, y2v_out,
                  sidx, didx, eval_, nb0, nb1, yb, dvb, ub, vb,
                  accu_sh, accv_sh, tabu_sh, tabv_sh):
  c, s = _ids()
  nsl = pl.ds(s * SLICE, SLICE)
  pltpu.sync_copy(bp0.at[nsl], nb0)
  pltpu.sync_copy(bp1.at[nsl], nb1)
  pltpu.sync_copy(y_hbm.at[nsl], yb)
  pltpu.sync_copy(dinv_hbm.at[nsl], dvb)

  @pl.loop(0, NVEC)
  def _(i):
    v = pl.ds(i * L, L)
    dinv = dvb[v]
    a1 = dinv * (nb0[v] + nb1[v] + yb[v])
    ub[v] = jnp.maximum(a1, 0.0) * dinv
    vb[v] = jnp.maximum(-a1, 0.0) * dinv

  pltpu.sync_copy(ub, tabu_sh.at[nsl])
  pltpu.sync_copy(vb, tabv_sh.at[nsl])

  @pl.when(c == 0)
  def _():
    pltpu.sync_copy(ub, y2u_out.at[nsl])
    pltpu.sync_copy(vb, y2v_out.at[nsl])

  pltpu.sync_copy(zeros_hbm, nb0)
  pltpu.sync_copy(nb0, accu_sh.at[nsl])
  pltpu.sync_copy(nb0, accv_sh.at[nsl])

  @pl.when(s == 0)
  def _():
    pltpu.sync_copy(nb0.at[pl.ds(0, 8)], accu_sh.at[pl.ds(NPAD, 8)])
    pltpu.sync_copy(nb0.at[pl.ds(0, 8)], accv_sh.at[pl.ds(NPAD, 8)])

  plsc.subcore_barrier()
  wid = c * NS + s

  @pl.loop(0, NCH)
  def _(k):
    base = wid * EPW + k * CH
    pltpu.sync_copy(src_hbm.at[pl.ds(base, CH)], sidx)
    pltpu.sync_copy(dst_hbm.at[pl.ds(base, CH)], didx)
    pltpu.sync_copy(tabu_sh.at[sidx], eval_)
    pltpu.sync_copy(eval_, accu_sh.at[didx], add=True)
    pltpu.sync_copy(tabv_sh.at[sidx], eval_)
    pltpu.sync_copy(eval_, accv_sh.at[didx], add=True)

  plsc.subcore_barrier()
  pltpu.sync_copy(accu_sh.at[nsl], nb0)
  pltpu.sync_copy(accv_sh.at[nsl], nb1)

  @pl.when(c == 0)
  def _():
    pltpu.sync_copy(nb0, outu0.at[nsl])
    pltpu.sync_copy(nb1, outv0.at[nsl])

  @pl.when(c == 1)
  def _():
    pltpu.sync_copy(nb0, outu1.at[nsl])
    pltpu.sync_copy(nb1, outv1.at[nsl])


@functools.partial(
    pl.kernel,
    out_type=[jax.ShapeDtypeStruct((NPAD,), f32),
              jax.ShapeDtypeStruct((NPAD,), f32),
              jax.ShapeDtypeStruct((NPAD,), f32)],
    mesh=_mesh,
    compiler_params=pltpu.CompilerParams(needs_layout_passes=False),
    scratch_types=[
        pltpu.VMEM((CH,), i32),
        pltpu.VMEM((CH,), f32),
        pltpu.VMEM((SLICE,), f32),
        pltpu.VMEM((SLICE,), f32),
        pltpu.VMEM((SLICE,), f32),
        pltpu.VMEM((SLICE,), f32),
        pltpu.VMEM((SLICE,), f32),
        pltpu.VMEM((SLICE,), f32),
        pltpu.VMEM((SLICE,), f32),
        pltpu.VMEM((H,), f32),
        pltpu.VMEM((H,), f32),
        pltpu.VMEM((H,), f32),
        pltpu.VMEM((H,), f32),
        pltpu.VMEM_SHARED((ACCN,), f32),
        pltpu.VMEM_SHARED((NPAD,), f32),
    ],
)
def _pass3_kernel(cpu0, cpu1, cpv0, cpv1, y2u_hbm, y2v_hbm, dinv_hbm,
                  m0_hbm, m1_hbm, b2_hbm, w_hbm, src_hbm, dst_hbm, zeros_hbm,
                  out0, out1, y3_out,
                  eidx, eval_, u0b, u1b, v0b, v1b, yub, yvb, dvb,
                  m0v, m1v, b2v, wv, acc_sh, tab_sh):
  c, s = _ids()
  nsl = pl.ds(s * SLICE, SLICE)
  pltpu.sync_copy(cpu0.at[nsl], u0b)
  pltpu.sync_copy(cpu1.at[nsl], u1b)
  pltpu.sync_copy(cpv0.at[nsl], v0b)
  pltpu.sync_copy(cpv1.at[nsl], v1b)
  pltpu.sync_copy(y2u_hbm.at[nsl], yub)
  pltpu.sync_copy(y2v_hbm.at[nsl], yvb)
  pltpu.sync_copy(dinv_hbm.at[nsl], dvb)
  pltpu.sync_copy(m0_hbm, m0v)
  pltpu.sync_copy(m1_hbm, m1v)
  pltpu.sync_copy(b2_hbm, b2v)
  pltpu.sync_copy(w_hbm, wv)

  def _scalars(ref):
    vecs = [ref[pl.ds(b * L, L)] for b in range(H // L)]
    return [vecs[j // L][j % L] for j in range(H)]

  m0s = _scalars(m0v)
  m1s = _scalars(m1v)
  b2s = _scalars(b2v)
  ws = _scalars(wv)

  @pl.loop(0, NVEC)
  def _(i):
    v = pl.ds(i * L, L)
    dinv = dvb[v]
    tu = dinv * (u0b[v] + u1b[v] + yub[v])
    tv = dinv * (v0b[v] + v1b[v] + yvb[v])
    acc = jnp.zeros((L,), f32)
    for j in range(H):
      pre = tu * m0s[j] + tv * m1s[j] + b2s[j]
      acc = acc + jnp.maximum(pre, 0.0) * ws[j]
    yub[v] = dinv * acc

  pltpu.sync_copy(yub, tab_sh.at[nsl])

  @pl.when(c == 0)
  def _():
    pltpu.sync_copy(yub, y3_out.at[nsl])

  pltpu.sync_copy(zeros_hbm, dvb)
  pltpu.sync_copy(dvb, acc_sh.at[nsl])

  @pl.when(s == 0)
  def _():
    pltpu.sync_copy(dvb.at[pl.ds(0, 8)], acc_sh.at[pl.ds(NPAD, 8)])

  plsc.subcore_barrier()
  wid = c * NS + s

  @pl.loop(0, NCH)
  def _(k):
    base = wid * EPW + k * CH
    pltpu.sync_copy(src_hbm.at[pl.ds(base, CH)], eidx)
    pltpu.sync_copy(tab_sh.at[eidx], eval_)
    pltpu.sync_copy(dst_hbm.at[pl.ds(base, CH)], eidx)
    pltpu.sync_copy(eval_, acc_sh.at[eidx], add=True)

  plsc.subcore_barrier()
  pltpu.sync_copy(acc_sh.at[nsl], dvb)

  @pl.when(c == 0)
  def _():
    pltpu.sync_copy(dvb, out0.at[nsl])

  @pl.when(c == 1)
  def _():
    pltpu.sync_copy(dvb, out1.at[nsl])


@functools.partial(
    pl.kernel,
    out_type=[jax.ShapeDtypeStruct((G,), f32),
              jax.ShapeDtypeStruct((G,), f32),
              jax.ShapeDtypeStruct((G,), f32),
              jax.ShapeDtypeStruct((G,), f32)],
    mesh=_mesh,
    compiler_params=pltpu.CompilerParams(needs_layout_passes=False),
    scratch_types=[
        pltpu.VMEM((SLICE,), i32),
        pltpu.VMEM((SLICE,), f32),
        pltpu.VMEM((SLICE,), f32),
        pltpu.VMEM((SLICE,), f32),
        pltpu.VMEM((SLICE,), f32),
        pltpu.VMEM((SLICE,), f32),
        pltpu.VMEM_SHARED((GACC,), f32),
        pltpu.VMEM_SHARED((GACC,), f32),
    ],
)
def _pool_kernel(dp0, dp1, y3_hbm, dinv_hbm, batch_hbm, ones_hbm, zeros_hbm,
                 gs0, gs1, gc0, gc1,
                 bidx, sbuf, nb0, nb1, y3b, dvb, gsum_sh, gcnt_sh):
  c, s = _ids()
  nsl = pl.ds(s * SLICE, SLICE)

  @pl.when(s == 0)
  def _():
    pltpu.sync_copy(zeros_hbm.at[pl.ds(0, GACC)], sbuf.at[pl.ds(0, GACC)])
    pltpu.sync_copy(sbuf.at[pl.ds(0, GACC)], gsum_sh)
    pltpu.sync_copy(sbuf.at[pl.ds(0, GACC)], gcnt_sh)

  pltpu.sync_copy(dp0.at[nsl], nb0)
  pltpu.sync_copy(dp1.at[nsl], nb1)
  pltpu.sync_copy(y3_hbm.at[nsl], y3b)
  pltpu.sync_copy(dinv_hbm.at[nsl], dvb)
  pltpu.sync_copy(batch_hbm.at[nsl], bidx)

  @pl.loop(0, NVEC)
  def _(i):
    v = pl.ds(i * L, L)
    sbuf[v] = dvb[v] * (nb0[v] + nb1[v] + y3b[v])

  plsc.subcore_barrier()
  pltpu.sync_copy(sbuf, gsum_sh.at[bidx], add=True)
  pltpu.sync_copy(ones_hbm, sbuf)
  pltpu.sync_copy(sbuf, gcnt_sh.at[bidx], add=True)
  plsc.subcore_barrier()

  @pl.when(s == 0)
  def _():
    pltpu.sync_copy(gsum_sh.at[pl.ds(0, G)], nb0.at[pl.ds(0, G)])
    pltpu.sync_copy(gcnt_sh.at[pl.ds(0, G)], nb1.at[pl.ds(0, G)])

    @pl.when(c == 0)
    def _():
      pltpu.sync_copy(nb0.at[pl.ds(0, G)], gs0)
      pltpu.sync_copy(nb1.at[pl.ds(0, G)], gc0)

    @pl.when(c == 1)
    def _():
      pltpu.sync_copy(nb0.at[pl.ds(0, G)], gs1)
      pltpu.sync_copy(nb1.at[pl.ds(0, G)], gc1)


@functools.partial(
    pl.kernel,
    out_type=jax.ShapeDtypeStruct((G,), f32),
    mesh=_mesh,
    compiler_params=pltpu.CompilerParams(needs_layout_passes=False),
    scratch_types=[
        pltpu.VMEM((L,), f32),
        pltpu.VMEM((L,), f32),
        pltpu.VMEM((L,), f32),
        pltpu.VMEM((L,), f32),
    ],
)
def _final_kernel(gs0, gs1, gc0, gc1, out, b0, b1, b2b, b3b):
  c, s = _ids()
  wid = c * NS + s
  sl = pl.ds(wid * L, L)
  pltpu.sync_copy(gs0.at[sl], b0)
  pltpu.sync_copy(gs1.at[sl], b1)
  pltpu.sync_copy(gc0.at[sl], b2b)
  pltpu.sync_copy(gc1.at[sl], b3b)
  res = (b0[...] + b1[...]) / jnp.maximum(b2b[...] + b3b[...], 1.0)
  b0[...] = res
  pltpu.sync_copy(b0, out.at[sl])


_DBG_SC_STAGES = {"deg", "p1", "p2", "p3", "pool", "fin"}
_DBG_RETURN = ""


def kernel(x, edge_index, batch, W1, b1, W2, b2, W3, b3, Wl, bl):
  x_pad = jnp.pad(x[:, 0], (0, NPAD - N))
  src = jnp.pad(edge_index[0], (0, EPAD - E))
  dst = jnp.pad(edge_index[1], (0, EPAD - E), constant_values=DUMP)
  batch_pad = jnp.pad(batch, (0, NPAD - N), constant_values=G)
  zeros1 = jnp.zeros((SLICE,), f32)
  ones_n = jnp.ones((SLICE,), f32)
  ones_e = jnp.ones((CH,), f32)

  w1 = W1[0]
  p = jnp.maximum(w1, 0.0)
  q = jnp.maximum(-w1, 0.0)
  M = jnp.stack([p, q]) @ W2
  w3l = (W3 @ Wl)[:, 0]
  const = (b3 @ Wl + bl)[0]

  znpad = jnp.zeros((NPAD,), f32)

  def _jagg(tab):
    acc = jnp.zeros((ACCN,), f32).at[dst].add(tab[src])
    return acc[:NPAD]

  if "deg" in _DBG_SC_STAGES:
    dg0, dg1 = _deg_kernel(dst, zeros1, ones_e)
  else:
    dg0 = jnp.zeros((ACCN,), f32).at[dst].add(1.0)[:NPAD]
    dg1 = znpad
  if "p1" in _DBG_SC_STAGES:
    bp0, bp1, dinv, y = _pass1_kernel(dg0, dg1, x_pad, src, dst, zeros1)
  else:
    deg = dg0 + dg1 + 1.0
    dinv = jax.lax.rsqrt(jnp.maximum(deg, 1.0))
    y = dinv * x_pad
    bp0, bp1 = _jagg(y), znpad
  if "p2" in _DBG_SC_STAGES:
    cu0, cu1, cv0, cv1, y2u, y2v = _pass2_kernel(bp0, bp1, y, dinv, src, dst,
                                                 zeros1)
  else:
    a1 = dinv * (bp0 + bp1 + y)
    y2u = jnp.maximum(a1, 0.0) * dinv
    y2v = jnp.maximum(-a1, 0.0) * dinv
    cu0, cu1 = _jagg(y2u), znpad
    cv0, cv1 = _jagg(y2v), znpad
  if "p3" in _DBG_SC_STAGES:
    dp0, dp1, y3 = _pass3_kernel(cu0, cu1, cv0, cv1, y2u, y2v, dinv,
                                 M[0], M[1], b2, w3l, src, dst, zeros1)
  else:
    t2 = jnp.stack([dinv * (cu0 + cu1 + y2u), dinv * (cv0 + cv1 + y2v)], 1)
    h2 = jax.nn.relu(t2 @ M + b2)
    y3 = dinv * (h2 @ w3l)
    dp0, dp1 = _jagg(y3), znpad
  if "pool" in _DBG_SC_STAGES:
    gs0, gs1, gc0, gc1 = _pool_kernel(dp0, dp1, y3, dinv, batch_pad,
                                      ones_n, zeros1)
  else:
    sv = dinv * (dp0 + dp1 + y3)
    gs0 = jnp.zeros((GACC,), f32).at[batch_pad].add(sv)[:G]
    gc0 = jnp.zeros((GACC,), f32).at[batch_pad].add(1.0)[:G]
    gs1 = jnp.zeros((G,), f32)
    gc1 = jnp.zeros((G,), f32)
  if "fin" in _DBG_SC_STAGES:
    pooled = _final_kernel(gs0, gs1, gc0, gc1)
  else:
    pooled = (gs0 + gs1) / jnp.maximum(gc0 + gc1, 1.0)
  if _DBG_RETURN == "deg":
    return jnp.stack([dg0, dg1], 0)
  return pooled[:, None] + const

# --- scband reference (transcript-rebuilt; emitter-appended) ---
"""Pipeline reference for scband-gnn-28673201668265 (READ-ONLY COPY).

The authoritative reference and input builder live on the scoring server;
editing this copy changes nothing except your own understanding.
"""

import jax, jax.numpy as jnp
import numpy as np

N = 50000
E = 800000
H = 64
G = 512

def setup_inputs(seed: int = 0) -> dict:
    key = jax.random.key(seed)
    ks = jax.random.split(key, 12)
    x = jax.random.normal(ks[0], (N, 1), dtype=jnp.float32)
    edge_index = jax.random.randint(ks[1], (2, E), 0, N, dtype=jnp.int32)
    batch = jnp.sort(jax.random.randint(ks[2], (N,), 0, G, dtype=jnp.int32))
    W1 = jax.random.normal(ks[3], (1, H), dtype=jnp.float32) * 0.1
    b1 = jnp.zeros((H,), dtype=jnp.float32)
    W2 = jax.random.normal(ks[4], (H, H), dtype=jnp.float32) * 0.1
    b2 = jnp.zeros((H,), dtype=jnp.float32)
    W3 = jax.random.normal(ks[5], (H, H), dtype=jnp.float32) * 0.1
    b3 = jnp.zeros((H,), dtype=jnp.float32)
    Wl = jax.random.normal(ks[6], (H, 1), dtype=jnp.float32) * 0.1
    bl = jnp.zeros((1,), dtype=jnp.float32)
    return {"x": x, "edge_index": edge_index, "batch": batch,
            "W1": W1, "b1": b1, "W2": W2, "b2": b2, "W3": W3, "b3": b3,
            "Wl": Wl, "bl": bl}

def gcn_conv(x, edge_index, W, b):
    # GCNConv: x' = D^{-1/2} (A + I) D^{-1/2} X W + b  (self-loops added)
    n = x.shape[0]
    loop = jnp.arange(n, dtype=edge_index.dtype)
    src = jnp.concatenate([edge_index[0], loop])
    dst = jnp.concatenate([edge_index[1], loop])
    deg = jnp.zeros((n,), x.dtype).at[dst].add(1.0)
    dinv = jax.lax.rsqrt(jnp.maximum(deg, 1.0))
    norm = dinv[src] * dinv[dst]
    xw = x @ W
    msg = xw[src] * norm[:, None]
    out = jnp.zeros((n, W.shape[1]), x.dtype).at[dst].add(msg)
    return out + b

def reference(x, edge_index, batch, W1, b1, W2, b2, W3, b3, Wl, bl):
    h = jax.nn.relu(gcn_conv(x, edge_index, W1, b1))
    h = jax.nn.relu(gcn_conv(h, edge_index, W2, b2))
    h = gcn_conv(h, edge_index, W3, b3)
    sums = jax.ops.segment_sum(h, batch, num_segments=G)
    cnt = jax.ops.segment_sum(jnp.ones((h.shape[0], 1), h.dtype), batch, num_segments=G)
    pooled = sums / jnp.maximum(cnt, 1.0)
    # F.dropout with training=False is identity (module run in eval mode)
    return pooled @ Wl + bl

if __name__ == "__main__":
    import jax
    _d = setup_inputs()
    print(jax.jit(kernel)(*tuple(_d.values())))

</pallas_src>

<mosaic_0001>
#map = affine_map<(d0, d1) -> (0)>
module attributes {stable_mosaic.version = 14 : i64} {
  func.func @_deg_kernel(%arg0: i32, %arg1: i32, %arg2: memref<802816xi32, #tpu.memory_space<hbm>>, %arg3: memref<3136xf32, #tpu.memory_space<hbm>>, %arg4: memref<6272xf32, #tpu.memory_space<hbm>>, %arg5: memref<50176xf32, #tpu.memory_space<hbm>>, %arg6: memref<50176xf32, #tpu.memory_space<hbm>>, %arg7: memref<6272xi32, #tpu.memory_space<vmem>>, %arg8: memref<6272xf32, #tpu.memory_space<vmem>>, %arg9: memref<128xi32, #tpu.memory_space<vmem>>, %arg10: memref<128xf32, #tpu.memory_space<vmem>>, %arg11: memref<50184xf32, #tpu.memory_space<vmem_shared>>) attributes {dimension_semantics = [#tpu.dimension_semantics<core_parallel>, #tpu.dimension_semantics<subcore_parallel>], iteration_bounds = array<i64: 2, 16>, scalar_prefetch = 0 : i64, scratch_operands = 5 : i64, tpu.core_type = #tpu.core_type<sc_vector_subcore>, window_params = [{transform_indices = #map}, {transform_indices = #map}, {transform_indices = #map}, {transform_indices = #map}, {transform_indices = #map}]} {
    %mul3A = arith.constant 3136 : i32
    %mul3A_0 = arith.muli %arg1, %mul3A : i32
    "tpu.region"() ({
      %run_scoped3A = tpu.sem_alloc : memref<!tpu.dma_semaphore, #tpu.memory_space<semaphore_mem>>
      %dma_start3A = arith.constant 0 : i32
      %dma_start3A_20 = tpu.memref_slice %arg8[%dma_start3A] : memref<6272xf32, #tpu.memory_space<vmem>> -> memref<3136xf32, #tpu.memory_space<vmem>>
      %dma_start3A_21 = arith.constant 0 : i32
      %dma_start3A_22 = tpu.memref_slice %arg8[%dma_start3A_21] : memref<6272xf32, #tpu.memory_space<vmem>> -> memref<3136xf32, #tpu.memory_space<vmem>>
      tpu.enqueue_dma source(%arg3 : memref<3136xf32, #tpu.memory_space<hbm>>) target(%dma_start3A_22 : memref<3136xf32, #tpu.memory_space<vmem>>) target_semaphore(%run_scoped3A : memref<!tpu.dma_semaphore, #tpu.memory_space<semaphore_mem>>)
      %dma_wait3A = arith.constant 0 : i32
      %dma_wait3A_23 = tpu.memref_slice %arg8[%dma_wait3A] : memref<6272xf32, #tpu.memory_space<vmem>> -> memref<3136xf32, #tpu.memory_space<vmem>>
      %dma_wait3A_24 = arith.constant 0 : i32
      %dma_wait3A_25 = tpu.memref_slice %arg8[%dma_wait3A_24] : memref<6272xf32, #tpu.memory_space<vmem>> -> memref<3136xf32, #tpu.memory_space<vmem>>
      tpu.wait_dma2 semaphore(%run_scoped3A : memref<!tpu.dma_semaphore, #tpu.memory_space<semaphore_mem>>) src(%arg3 : memref<3136xf32, #tpu.memory_space<hbm>>) dst(%dma_wait3A_25 : memref<3136xf32, #tpu.memory_space<vmem>>)
      tpu.yield
    }) : () -> ()
    "tpu.region"() ({
      %run_scoped3A = tpu.sem_alloc : memref<!tpu.dma_semaphore, #tpu.memory_space<semaphore_mem>>
      %dma_start3A = arith.constant 0 : i32
      %dma_start3A_20 = tpu.memref_slice %arg8[%dma_start3A] : memref<6272xf32, #tpu.memory_space<vmem>> -> memref<3136xf32, #tpu.memory_space<vmem>>
      %dma_start3A_21 = tpu.memref_slice %arg11[%mul3A_0] : memref<50184xf32, #tpu.memory_space<vmem_shared>> -> memref<3136xf32, #tpu.memory_space<vmem_shared>>
      %dma_start3A_22 = tpu.memref_slice %arg11[%mul3A_0] : memref<50184xf32, #tpu.memory_space<vmem_shared>> -> memref<3136xf32, #tpu.memory_space<vmem_shared>>
      %dma_start3A_23 = arith.constant 0 : i32
      %dma_start3A_24 = tpu.memref_slice %arg8[%dma_start3A_23] : memref<6272xf32, #tpu.memory_space<vmem>> -> memref<3136xf32, #tpu.memory_space<vmem>>
      tpu.enqueue_dma source(%dma_start3A_24 : memref<3136xf32, #tpu.memory_space<vmem>>) target(%dma_start3A_22 : memref<3136xf32, #tpu.memory_space<vmem_shared>>) target_semaphore(%run_scoped3A : memref<!tpu.dma_semaphore, #tpu.memory_space<semaphore_mem>>)
      %dma_wait3A = arith.constant 0 : i32
      %dma_wait3A_25 = tpu.memref_slice %arg8[%dma_wait3A] : memref<6272xf32, #tpu.memory_space<vmem>> -> memref<3136xf32, #tpu.memory_space<vmem>>
      %dma_wait3A_26 = tpu.memref_slice %arg11[%mul3A_0] : memref<50184xf32, #tpu.memory_space<vmem_shared>> -> memref<3136xf32, #tpu.memory_space<vmem_shared>>
      %dma_wait3A_27 = tpu.memref_slice %arg11[%mul3A_0] : memref<50184xf32, #tpu.memory_space<vmem_shared>> -> memref<3136xf32, #tpu.memory_space<vmem_shared>>
      %dma_wait3A_28 = arith.constant 0 : i32
      %dma_wait3A_29 = tpu.memref_slice %arg8[%dma_wait3A_28] : memref<6272xf32, #tpu.memory_space<vmem>> -> memref<3136xf32, #tpu.memory_space<vmem>>
      tpu.wait_dma2 semaphore(%run_scoped3A : memref<!tpu.dma_semaphore, #tpu.memory_space<semaphore_mem>>) src(%dma_wait3A_29 : memref<3136xf32, #tpu.memory_space<vmem>>) dst(%dma_wait3A_27 : memref<3136xf32, #tpu.memory_space<vmem_shared>>)
      tpu.yield
    }) : () -> ()
    %eq3A = arith.constant 0 : i32
    %eq3A_1 = arith.cmpi eq, %arg1, %eq3A : i32
    %convert_element_type3A = arith.extui %eq3A_1 : i1 to i32
    %cond3A = arith.constant 0 : i32
    %cond3A_2 = arith.cmpi ne, %convert_element_type3A, %cond3A : i32
    scf.if %cond3A_2 {
      "tpu.region"() ({
        %run_scoped3A = tpu.sem_alloc : memref<!tpu.dma_semaphore, #tpu.memory_space<semaphore_mem>>
        %dma_start3A = arith.constant 0 : i32
        %dma_start3A_20 = tpu.memref_slice %arg8[%dma_start3A] : memref<6272xf32, #tpu.memory_space<vmem>> -> memref<8xf32, #tpu.memory_space<vmem>>
        %dma_start3A_21 = arith.constant 50176 : i32
        %dma_start3A_22 = tpu.memref_slice %arg11[%dma_start3A_21] : memref<50184xf32, #tpu.memory_space<vmem_shared>> -> memref<8xf32, #tpu.memory_space<vmem_shared>>
        %dma_start3A_23 = arith.constant 50176 : i32
        %dma_start3A_24 = tpu.memref_slice %arg11[%dma_start3A_23] : memref<50184xf32, #tpu.memory_space<vmem_shared>> -> memref<8xf32, #tpu.memory_space<vmem_shared>>
        %dma_start3A_25 = arith.constant 0 : i32
        %dma_start3A_26 = tpu.memref_slice %arg8[%dma_start3A_25] : memref<6272xf32, #tpu.memory_space<vmem>> -> memref<8xf32, #tpu.memory_space<vmem>>
        tpu.enqueue_dma source(%dma_start3A_26 : memref<8xf32, #tpu.memory_space<vmem>>) target(%dma_start3A_24 : memref<8xf32, #tpu.memory_space<vmem_shared>>) target_semaphore(%run_scoped3A : memref<!tpu.dma_semaphore, #tpu.memory_space<semaphore_mem>>)
        %dma_wait3A = arith.constant 0 : i32
        %dma_wait3A_27 = tpu.memref_slice %arg8[%dma_wait3A] : memref<6272xf32, #tpu.memory_space<vmem>> -> memref<8xf32, #tpu.memory_space<vmem>>
        %dma_wait3A_28 = arith.constant 50176 : i32
        %dma_wait3A_29 = tpu.memref_slice %arg11[%dma_wait3A_28] : memref<50184xf32, #tpu.memory_space<vmem_shared>> -> memref<8xf32, #tpu.memory_space<vmem_shared>>
        %dma_wait3A_30 = arith.constant 50176 : i32
        %dma_wait3A_31 = tpu.memref_slice %arg11[%dma_wait3A_30] : memref<50184xf32, #tpu.memory_space<vmem_shared>> -> memref<8xf32, #tpu.memory_space<vmem_shared>>
        %dma_wait3A_32 = arith.constant 0 : i32
        %dma_wait3A_33 = tpu.memref_slice %arg8[%dma_wait3A_32] : memref<6272xf32, #tpu.memory_space<vmem>> -> memref<8xf32, #tpu.memory_space<vmem>>
        tpu.wait_dma2 semaphore(%run_scoped3A : memref<!tpu.dma_semaphore, #tpu.memory_space<semaphore_mem>>) src(%dma_wait3A_33 : memref<8xf32, #tpu.memory_space<vmem>>) dst(%dma_wait3A_31 : memref<8xf32, #tpu.memory_space<vmem_shared>>)
        tpu.yield
      }) : () -> ()
    } else {
    }
    "tpu.region"() ({
      %run_scoped3A = tpu.sem_alloc : memref<!tpu.dma_semaphore, #tpu.memory_space<semaphore_mem>>
      %dma_start3A = arith.constant 0 : i32
      %dma_start3A_20 = tpu.memref_slice %arg4[%dma_start3A] : memref<6272xf32, #tpu.memory_space<hbm>> -> memref<128xf32, #tpu.memory_space<hbm>>
      %dma_start3A_21 = arith.constant 0 : i32
      %dma_start3A_22 = tpu.memref_slice %arg4[%dma_start3A_21] : memref<6272xf32, #tpu.memory_space<hbm>> -> memref<128xf32, #tpu.memory_space<hbm>>
      tpu.enqueue_dma source(%dma_start3A_22 : memref<128xf32, #tpu.memory_space<hbm>>) target(%arg10 : memref<128xf32, #tpu.memory_space<vmem>>) target_semaphore(%run_scoped3A : memref<!tpu.dma_semaphore, #tpu.memory_space<semaphore_mem>>)
      %dma_wait3A = arith.constant 0 : i32
      %dma_wait3A_23 = tpu.memref_slice %arg4[%dma_wait3A] : memref<6272xf32, #tpu.memory_space<hbm>> -> memref<128xf32, #tpu.memory_space<hbm>>
      %dma_wait3A_24 = arith.constant 0 : i32
      %dma_wait3A_25 = tpu.memref_slice %arg4[%dma_wait3A_24] : memref<6272xf32, #tpu.memory_space<hbm>> -> memref<128xf32, #tpu.memory_space<hbm>>
      tpu.wait_dma2 semaphore(%run_scoped3A : memref<!tpu.dma_semaphore, #tpu.memory_space<semaphore_mem>>) src(%dma_wait3A_25 : memref<128xf32, #tpu.memory_space<hbm>>) dst(%arg10 : memref<128xf32, #tpu.memory_space<vmem>>)
      tpu.yield
    }) : () -> ()
    %barrier3A = arith.constant 0 : index
    tpu.barrier barrier_id(%barrier3A)
    %mul3A_3 = arith.constant 16 : i32
    %mul3A_4 = arith.muli %arg0, %mul3A_3 : i32
    %add3A = arith.addi %mul3A_4, %arg1 : i32
    %scan3A = arith.constant 0 : i32
    %scan3A_5 = arith.constant 196 : i32
    %scan3A_6 = arith.addi %scan3A, %scan3A_5 : i32
    %scan3A_7 = arith.constant 1 : i32
    scf.for %scan3A_20 = %scan3A to %scan3A_6 step %scan3A_7  : i32 {
      %mul3A_21 = arith.constant 1 : i32
      %mul3A_22 = arith.muli %scan3A_20, %mul3A_21 : i32
      %add3A_23 = arith.constant 0 : i32
      %add3A_24 = arith.addi %add3A_23, %mul3A_22 : i32
      %mul3A_25 = arith.constant 25088 : i32
      %mul3A_26 = arith.muli %add3A, %mul3A_25 : i32
      %mul3A_27 = arith.constant 128 : i32
      %mul3A_28 = arith.muli %add3A_24, %mul3A_27 : i32
      %add3A_29 = arith.addi %mul3A_26, %mul3A_28 : i32
      "tpu.region"() ({
        %run_scoped3A = tpu.sem_alloc : memref<!tpu.dma_semaphore, #tpu.memory_space<semaphore_mem>>
        %dma_start3A = tpu.memref_slice %arg2[%add3A_29] : memref<802816xi32, #tpu.memory_space<hbm>> -> memref<128xi32, #tpu.memory_space<hbm>>
        %dma_start3A_30 = tpu.memref_slice %arg2[%add3A_29] : memref<802816xi32, #tpu.memory_space<hbm>> -> memref<128xi32, #tpu.memory_space<hbm>>
        tpu.enqueue_dma source(%dma_start3A_30 : memref<128xi32, #tpu.memory_space<hbm>>) target(%arg9 : memref<128xi32, #tpu.memory_space<vmem>>) target_semaphore(%run_scoped3A : memref<!tpu.dma_semaphore, #tpu.memory_space<semaphore_mem>>)
        %dma_wait3A = tpu.memref_slice %arg2[%add3A_29] : memref<802816xi32, #tpu.memory_space<hbm>> -> memref<128xi32, #tpu.memory_space<hbm>>
        %dma_wait3A_31 = tpu.memref_slice %arg2[%add3A_29] : memref<802816xi32, #tpu.memory_space<hbm>> -> memref<128xi32, #tpu.memory_space<hbm>>
        tpu.wait_dma2 semaphore(%run_scoped3A : memref<!tpu.dma_semaphore, #tpu.memory_space<semaphore_mem>>) src(%dma_wait3A_31 : memref<128xi32, #tpu.memory_space<hbm>>) dst(%arg9 : memref<128xi32, #tpu.memory_space<vmem>>)
        tpu.yield
      }) : () -> ()
      "tpu.region"() ({
        %run_scoped3A = tpu.sem_alloc : memref<!tpu.dma_semaphore, #tpu.memory_space<semaphore_mem>>
        %dma_start3A = arith.constant 0 : i32
        %dma_start3A_30 = tpu.memref_slice %arg11[%dma_start3A] : memref<50184xf32, #tpu.memory_space<vmem_shared>> -> memref<50184xf32, #tpu.memory_space<vmem_shared>>
        tpu.enqueue_indirect_dma source(%arg10 : memref<128xf32, #tpu.memory_space<vmem>>) target(%dma_start3A_30 : memref<50184xf32, #tpu.memory_space<vmem_shared>>) offsets(%arg9 : memref<128xi32, #tpu.memory_space<vmem>>) semaphore(%run_scoped3A : memref<!tpu.dma_semaphore, #tpu.memory_space<semaphore_mem>>) {add = true}
        %dma_wait3A = arith.constant 0 : i32
        %dma_wait3A_31 = tpu.memref_slice %arg11[%dma_wait3A] : memref<50184xf32, #tpu.memory_space<vmem_shared>> -> memref<50184xf32, #tpu.memory_space<vmem_shared>>
        tpu.wait_indirect_dma semaphore(%run_scoped3A : memref<!tpu.dma_semaphore, #tpu.memory_space<semaphore_mem>>) src(%arg10 : memref<128xf32, #tpu.memory_space<vmem>>) dst(%dma_wait3A_31 : memref<50184xf32, #tpu.memory_space<vmem_shared>>)
        tpu.yield
      }) : () -> ()
    }
    %scan3A_8 = arith.constant 196 : i32
    %barrier3A_9 = arith.constant 0 : index
    tpu.barrier barrier_id(%barrier3A_9)
    "tpu.region"() ({
      %run_scoped3A = tpu.sem_alloc : memref<!tpu.dma_semaphore, #tpu.memory_space<semaphore_mem>>
      %dma_start3A = arith.constant 0 : i32
      %dma_start3A_20 = tpu.memref_slice %arg8[%dma_start3A] : memref<6272xf32, #tpu.memory_space<vmem>> -> memref<3136xf32, #tpu.memory_space<vmem>>
      %dma_start3A_21 = tpu.memref_slice %arg11[%mul3A_0] : memref<50184xf32, #tpu.memory_space<vmem_shared>> -> memref<3136xf32, #tpu.memory_space<vmem_shared>>
      %dma_start3A_22 = arith.constant 0 : i32
      %dma_start3A_23 = tpu.memref_slice %arg8[%dma_start3A_22] : memref<6272xf32, #tpu.memory_space<vmem>> -> memref<3136xf32, #tpu.memory_space<vmem>>
      %dma_start3A_24 = tpu.memref_slice %arg11[%mul3A_0] : memref<50184xf32, #tpu.memory_space<vmem_shared>> -> memref<3136xf32, #tpu.memory_space<vmem_shared>>
      tpu.enqueue_dma source(%dma_start3A_24 : memref<3136xf32, #tpu.memory_space<vmem_shared>>) target(%dma_start3A_23 : memref<3136xf32, #tpu.memory_space<vmem>>) target_semaphore(%run_scoped3A : memref<!tpu.dma_semaphore, #tpu.memory_space<semaphore_mem>>)
      %dma_wait3A = arith.constant 0 : i32
      %dma_wait3A_25 = tpu.memref_slice %arg8[%dma_wait3A] : memref<6272xf32, #tpu.memory_space<vmem>> -> memref<3136xf32, #tpu.memory_space<vmem>>
      %dma_wait3A_26 = tpu.memref_slice %arg11[%mul3A_0] : memref<50184xf32, #tpu.memory_space<vmem_shared>> -> memref<3136xf32, #tpu.memory_space<vmem_shared>>
      %dma_wait3A_27 = arith.constant 0 : i32
      %dma_wait3A_28 = tpu.memref_slice %arg8[%dma_wait3A_27] : memref<6272xf32, #tpu.memory_space<vmem>> -> memref<3136xf32, #tpu.memory_space<vmem>>
      %dma_wait3A_29 = tpu.memref_slice %arg11[%mul3A_0] : memref<50184xf32, #tpu.memory_space<vmem_shared>> -> memref<3136xf32, #tpu.memory_space<vmem_shared>>
      tpu.wait_dma2 semaphore(%run_scoped3A : memref<!tpu.dma_semaphore, #tpu.memory_space<semaphore_mem>>) src(%dma_wait3A_29 : memref<3136xf32, #tpu.memory_space<vmem_shared>>) dst(%dma_wait3A_28 : memref<3136xf32, #tpu.memory_space<vmem>>)
      tpu.yield
    }) : () -> ()
    %eq3A_10 = arith.constant 0 : i32
    %eq3A_11 = arith.cmpi eq, %arg0, %eq3A_10 : i32
    %convert_element_type3A_12 = arith.extui %eq3A_11 : i1 to i32
    %cond3A_13 = arith.constant 0 : i32
    %cond3A_14 = arith.cmpi ne, %convert_element_type3A_12, %cond3A_13 : i32
    scf.if %cond3A_14 {
      "tpu.region"() ({
        %run_scoped3A = tpu.sem_alloc : memref<!tpu.dma_semaphore, #tpu.memory_space<semaphore_mem>>
        %dma_start3A = arith.constant 0 : i32
        %dma_start3A_20 = tpu.memref_slice %arg8[%dma_start3A] : memref<6272xf32, #tpu.memory_space<vmem>> -> memref<3136xf32, #tpu.memory_space<vmem>>
        %dma_start3A_21 = tpu.memref_slice %arg5[%mul3A_0] : memref<50176xf32, #tpu.memory_space<hbm>> -> memref<3136xf32, #tpu.memory_space<hbm>>
        %dma_start3A_22 = tpu.memref_slice %arg5[%mul3A_0] : memref<50176xf32, #tpu.memory_space<hbm>> -> memref<3136xf32, #tpu.memory_space<hbm>>
        %dma_start3A_23 = arith.constant 0 : i32
        %dma_start3A_24 = tpu.memref_slice %arg8[%dma_start3A_23] : memref<6272xf32, #tpu.memory_space<vmem>> -> memref<3136xf32, #tpu.memory_space<vmem>>
        tpu.enqueue_dma source(%dma_start3A_24 : memref<3136xf32, #tpu.memory_space<vmem>>) target(%dma_start3A_22 : memref<3136xf32, #tpu.memory_space<hbm>>) target_semaphore(%run_scoped3A : memref<!tpu.dma_semaphore, #tpu.memory_space<semaphore_mem>>)
        %dma_wait3A = arith.constant 0 : i32
        %dma_wait3A_25 = tpu.memref_slice %arg8[%dma_wait3A] : memref<6272xf32, #tpu.memory_space<vmem>> -> memref<3136xf32, #tpu.memory_space<vmem>>
        %dma_wait3A_26 = tpu.memref_slice %arg5[%mul3A_0] : memref<50176xf32, #tpu.memory_space<hbm>> -> memref<3136xf32, #tpu.memory_space<hbm>>
        %dma_wait3A_27 = tpu.memref_slice %arg5[%mul3A_0] : memref<50176xf32, #tpu.memory_space<hbm>> -> memref<3136xf32, #tpu.memory_space<hbm>>
        %dma_wait3A_28 = arith.constant 0 : i32
        %dma_wait3A_29 = tpu.memref_slice %arg8[%dma_wait3A_28] : memref<6272xf32, #tpu.memory_space<vmem>> -> memref<3136xf32, #tpu.memory_space<vmem>>
        tpu.wait_dma2 semaphore(%run_scoped3A : memref<!tpu.dma_semaphore, #tpu.memory_space<semaphore_mem>>) src(%dma_wait3A_29 : memref<3136xf32, #tpu.memory_space<vmem>>) dst(%dma_wait3A_27 : memref<3136xf32, #tpu.memory_space<hbm>>)
        tpu.yield
      }) : () -> ()
    } else {
    }
    %eq3A_15 = arith.constant 1 : i32
    %eq3A_16 = arith.cmpi eq, %arg0, %eq3A_15 : i32
    %convert_element_type3A_17 = arith.extui %eq3A_16 : i1 to i32
    %cond3A_18 = arith.constant 0 : i32
    %cond3A_19 = arith.cmpi ne, %convert_element_type3A_17, %cond3A_18 : i32
    scf.if %cond3A_19 {
      "tpu.region"() ({
        %run_scoped3A = tpu.sem_alloc : memref<!tpu.dma_semaphore, #tpu.memory_space<semaphore_mem>>
        %dma_start3A = arith.constant 0 : i32
        %dma_start3A_20 = tpu.memref_slice %arg8[%dma_start3A] : memref<6272xf32, #tpu.memory_space<vmem>> -> memref<3136xf32, #tpu.memory_space<vmem>>
        %dma_start3A_21 = tpu.memref_slice %arg6[%mul3A_0] : memref<50176xf32, #tpu.memory_space<hbm>> -> memref<3136xf32, #tpu.memory_space<hbm>>
        %dma_start3A_22 = tpu.memref_slice %arg6[%mul3A_0] : memref<50176xf32, #tpu.memory_space<hbm>> -> memref<3136xf32, #tpu.memory_space<hbm>>
        %dma_start3A_23 = arith.constant 0 : i32
        %dma_start3A_24 = tpu.memref_slice %arg8[%dma_start3A_23] : memref<6272xf32, #tpu.memory_space<vmem>> -> memref<3136xf32, #tpu.memory_space<vmem>>
        tpu.enqueue_dma source(%dma_start3A_24 : memref<3136xf32, #tpu.memory_space<vmem>>) target(%dma_start3A_22 : memref<3136xf32, #tpu.memory_space<hbm>>) target_semaphore(%run_scoped3A : memref<!tpu.dma_semaphore, #tpu.memory_space<semaphore_mem>>)
        %dma_wait3A = arith.constant 0 : i32
        %dma_wait3A_25 = tpu.memref_slice %arg8[%dma_wait3A] : memref<6272xf32, #tpu.memory_space<vmem>> -> memref<3136xf32, #tpu.memory_space<vmem>>
        %dma_wait3A_26 = tpu.memref_slice %arg6[%mul3A_0] : memref<50176xf32, #tpu.memory_space<hbm>> -> memref<3136xf32, #tpu.memory_space<hbm>>
        %dma_wait3A_27 = tpu.memref_slice %arg6[%mul3A_0] : memref<50176xf32, #tpu.memory_space<hbm>> -> memref<3136xf32, #tpu.memory_space<hbm>>
        %dma_wait3A_28 = arith.constant 0 : i32
        %dma_wait3A_29 = tpu.memref_slice %arg8[%dma_wait3A_28] : memref<6272xf32, #tpu.memory_space<vmem>> -> memref<3136xf32, #tpu.memory_space<vmem>>
        tpu.wait_dma2 semaphore(%run_scoped3A : memref<!tpu.dma_semaphore, #tpu.memory_space<semaphore_mem>>) src(%dma_wait3A_29 : memref<3136xf32, #tpu.memory_space<vmem>>) dst(%dma_wait3A_27 : memref<3136xf32, #tpu.memory_space<hbm>>)
        tpu.yield
      }) : () -> ()
    } else {
    }
    return
  }
}

#map = affine_map<(d0, d1) -> (0)>
module attributes {stable_mosaic.version = 14 : i64} {
  func.func @_pass2_kernel(%arg0: i32, %arg1: i32, %arg2: memref<50176xf32, #tpu.memory_space<hbm>>, %arg3: memref<50176xf32, #tpu.memory_space<hbm>>, %arg4: memref<50176xf32, #tpu.memory_space<hbm>>, %arg5: memref<50176xf32, #tpu.memory_space<hbm>>, %arg6: memref<802816xi32, #tpu.memory_space<hbm>>, %arg7: memref<802816xi32, #tpu.memory_space<hbm>>, %arg8: memref<3136xf32, #tpu.memory_space<hbm>>, %arg9: memref<50176xf32, #tpu.memory_space<hbm>>, %arg10: memref<50176xf32, #tpu.memory_space<hbm>>, %arg11: memref<50176xf32, #tpu.memory_space<hbm>>, %arg12: memref<50176xf32, #tpu.memory_space<hbm>>, %arg13: memref<50176xf32, #tpu.memory_space<hbm>>, %arg14: memref<50176xf32, #tpu.memory_space<hbm>>, %arg15: memref<6272xi32, #tpu.memory_space<vmem>>, %arg16: memref<6272xi32, #tpu.memory_space<vmem>>, %arg17: memref<6272xf32, #tpu.memory_space<vmem>>, %arg18: memref<3136xf32, #tpu.memory_space<vmem>>, %arg19: memref<3136xf32, #tpu.memory_space<vmem>>, %arg20: memref<3136xf32, #tpu.memory_space<vmem>>, %arg21: memref<3136xf32, #tpu.memory_space<vmem>>, %arg22: memref<3136xf32, #tpu.memory_space<vmem>>, %arg23: memref<3136xf32, #tpu.memory_space<vmem>>, %arg24: memref<50184xf32, #tpu.memory_space<vmem_shared>>, %arg25: memref<50184xf32, #tpu.memory_space<vmem_shared>>, %arg26: memref<50176xf32, #tpu.memory_space<vmem_shared>>, %arg27: memref<50176xf32, #tpu.memory_space<vmem_shared>>) attributes {dimension_semantics = [#tpu.dimension_semantics<core_parallel>, #tpu.dimension_semantics<subcore_parallel>], iteration_bounds = array<i64: 2, 16>, scalar_prefetch = 0 : i64, scratch_operands = 13 : i64, tpu.core_type = #tpu.core_type<sc_vector_subcore>, window_params = [{transform_indices = #map}, {transform_indices = #map}, {transform_indices = #map}, {transform_indices = #map}, {transform_indices = #map}, {transform_indices = #map}, {transform_indices = #map}, {transform_indices = #map}, {transform_indices = #map}, {transform_indices = #map}, {transform_indices = #map}, {transform_indices = #map}, {transform_indices = #map}]} {
    %mul3A = arith.constant 3136 : i32
    %mul3A_0 = arith.muli %arg1, %mul3A : i32
    "tpu.region"() ({
      %run_scoped3A = tpu.sem_alloc : memref<!tpu.dma_semaphore, #tpu.memory_space<semaphore_mem>>
      %dma_start3A = tpu.memref_slice %arg2[%mul3A_0] : memref<50176xf32, #tpu.memory_space<hbm>> -> memref<3136xf32, #tpu.memory_space<hbm>>
      %dma_start3A_30 = tpu.memref_slice %arg2[%mul3A_0] : memref<50176xf32, #tpu.memory_space<hbm>> -> memref<3136xf32, #tpu.memory_space<hbm>>
      tpu.enqueue_dma source(%dma_start3A_30 : memref<3136xf32, #tpu.memory_space<hbm>>) target(%arg18 : memref<3136xf32, #tpu.memory_space<vmem>>) target_semaphore(%run_scoped3A : memref<!tpu.dma_semaphore, #tpu.memory_space<semaphore_mem>>)
      %dma_wait3A = tpu.memref_slice %arg2[%mul3A_0] : memref<50176xf32, #tpu.memory_space<hbm>> -> memref<3136xf32, #tpu.memory_space<hbm>>
      %dma_wait3A_31 = tpu.memref_slice %arg2[%mul3A_0] : memref<50176xf32, #tpu.memory_space<hbm>> -> memref<3136xf32, #tpu.memory_space<hbm>>
      tpu.wait_dma2 semaphore(%run_scoped3A : memref<!tpu.dma_semaphore, #tpu.memory_space<semaphore_mem>>) src(%dma_wait3A_31 : memref<3136xf32, #tpu.memory_space<hbm>>) dst(%arg18 : memref<3136xf32, #tpu.memory_space<vmem>>)
      tpu.yield
    }) : () -> ()
    "tpu.region"() ({
      %run_scoped3A = tpu.sem_alloc : memref<!tpu.dma_semaphore, #tpu.memory_space<semaphore_mem>>
      %dma_start3A = tpu.memref_slice %arg3[%mul3A_0] : memref<50176xf32, #tpu.memory_space<hbm>> -> memref<3136xf32, #tpu.memory_space<hbm>>
      %dma_start3A_30 = tpu.memref_slice %arg3[%mul3A_0] : memref<50176xf32, #tpu.memory_space<hbm>> -> memref<3136xf32, #tpu.memory_space<hbm>>
      tpu.enqueue_dma source(%dma_start3A_30 : memref<3136xf32, #tpu.memory_space<hbm>>) target(%arg19 : memref<3136xf32, #tpu.memory_space<vmem>>) target_semaphore(%run_scoped3A : memref<!tpu.dma_semaphore, #tpu.memory_space<semaphore_mem>>)
      %dma_wait3A = tpu.memref_slice %arg3[%mul3A_0] : memref<50176xf32, #tpu.memory_space<hbm>> -> memref<3136xf32, #tpu.memory_space<hbm>>
      %dma_wait3A_31 = tpu.memref_slice %arg3[%mul3A_0] : memref<50176xf32, #tpu.memory_space<hbm>> -> memref<3136xf32, #tpu.memory_space<hbm>>
      tpu.wait_dma2 semaphore(%run_scoped3A : memref<!tpu.dma_semaphore, #tpu.memory_space<semaphore_mem>>) src(%dma_wait3A_31 : memref<3136xf32, #tpu.memory_space<hbm>>) dst(%arg19 : memref<3136xf32, #tpu.memory_space<vmem>>)
      tpu.yield
    }) : () -> ()
    "tpu.region"() ({
      %run_scoped3A = tpu.sem_alloc : memref<!tpu.dma_semaphore, #tpu.memory_space<semaphore_mem>>
      %dma_start3A = tpu.memref_slice %arg4[%mul3A_0] : memref<50176xf32, #tpu.memory_space<hbm>> -> memref<3136xf32, #tpu.memory_space<hbm>>
      %dma_start3A_30 = tpu.memref_slice %arg4[%mul3A_0] : memref<50176xf32, #tpu.memory_space<hbm>> -> memref<3136xf32, #tpu.memory_space<hbm>>
      tpu.enqueue_dma source(%dma_start3A_30 : memref<3136xf32, #tpu.memory_space<hbm>>) target(%arg20 : memref<3136xf32, #tpu.memory_space<vmem>>) target_semaphore(%run_scoped3A : memref<!tpu.dma_semaphore, #tpu.memory_space<semaphore_mem>>)
      %dma_wait3A = tpu.memref_slice %arg4[%mul3A_0] : memref<50176xf32, #tpu.memory_space<hbm>> -> memref<3136xf32, #tpu.memory_space<hbm>>
      %dma_wait3A_31 = tpu.memref_slice %arg4[%mul3A_0] : memref<50176xf32, #tpu.memory_space<hbm>> -> memref<3136xf32, #tpu.memory_space<hbm>>
      tpu.wait_dma2 semaphore(%run_scoped3A : memref<!tpu.dma_semaphore, #tpu.memory_space<semaphore_mem>>) src(%dma_wait3A_31 : memref<3136xf32, #tpu.memory_space<hbm>>) dst(%arg20 : memref<3136xf32, #tpu.memory_space<vmem>>)
      tpu.yield
    }) : () -> ()
    "tpu.region"() ({
      %run_scoped3A = tpu.sem_alloc : memref<!tpu.dma_semaphore, #tpu.memory_space<semaphore_mem>>
      %dma_start3A = tpu.memref_slice %arg5[%mul3A_0] : memref<50176xf32, #tpu.memory_space<hbm>> -> memref<3136xf32, #tpu.memory_space<hbm>>
      %dma_start3A_30 = tpu.memref_slice %arg5[%mul3A_0] : memref<50176xf32, #tpu.memory_space<hbm>> -> memref<3136xf32, #tpu.memory_space<hbm>>
      tpu.enqueue_dma source(%dma_start3A_30 : memref<3136xf32, #tpu.memory_space<hbm>>) target(%arg21 : memref<3136xf32, #tpu.memory_space<vmem>>) target_semaphore(%run_scoped3A : memref<!tpu.dma_semaphore, #tpu.memory_space<semaphore_mem>>)
      %dma_wait3A = tpu.memref_slice %arg5[%mul3A_0] : memref<50176xf32, #tpu.memory_space<hbm>> -> memref<3136xf32, #tpu.memory_space<hbm>>
      %dma_wait3A_31 = tpu.memref_slice %arg5[%mul3A_0] : memref<50176xf32, #tpu.memory_space<hbm>> -> memref<3136xf32, #tpu.memory_space<hbm>>
      tpu.wait_dma2 semaphore(%run_scoped3A : memref<!tpu.dma_semaphore, #tpu.memory_space<semaphore_mem>>) src(%dma_wait3A_31 : memref<3136xf32, #tpu.memory_space<hbm>>) dst(%arg21 : memref<3136xf32, #tpu.memory_space<vmem>>)
      tpu.yield
    }) : () -> ()
    %scan3A = arith.constant 0 : i32
    %scan3A_1 = arith.constant 196 : i32
    %scan3A_2 = arith.addi %scan3A, %scan3A_1 : i32
    %scan3A_3 = arith.constant 1 : i32
    scf.for %scan3A_30 = %scan3A to %scan3A_2 step %scan3A_3  : i32 {
      %mul3A_31 = arith.constant 1 : i32
      %mul3A_32 = arith.muli %scan3A_30, %mul3A_31 : i32
      %add3A_33 = arith.constant 0 : i32
      %add3A_34 = arith.addi %add3A_33, %mul3A_32 : i32
      %mul3A_35 = arith.constant 16 : i32
      %mul3A_36 = arith.muli %add3A_34, %mul3A_35 : i32
      %get3A = arith.index_cast %mul3A_36 : i32 to index
      %get3A_37 = tpu.vector_load %arg21[%get3A] {strides = array<i32>} : memref<3136xf32, #tpu.memory_space<vmem>>, vector<16xf32>,
      %get3A_38 = arith.index_cast %mul3A_36 : i32 to index
      %get3A_39 = tpu.vector_load %arg18[%get3A_38] {strides = array<i32>} : memref<3136xf32, #tpu.memory_space<vmem>>, vector<16xf32>,
      %get3A_40 = arith.index_cast %mul3A_36 : i32 to index
      %get3A_41 = tpu.vector_load %arg19[%get3A_40] {strides = array<i32>} : memref<3136xf32, #tpu.memory_space<vmem>>, vector<16xf32>,
      %add3A_42 = arith.addf %get3A_39, %get3A_41 : vector<16xf32>
      %get3A_43 = arith.index_cast %mul3A_36 : i32 to index
      %get3A_44 = tpu.vector_load %arg20[%get3A_43] {strides = array<i32>} : memref<3136xf32, #tpu.memory_space<vmem>>, vector<16xf32>,
      %add3A_45 = arith.addf %add3A_42, %get3A_44 : vector<16xf32>
      %mul3A_46 = arith.mulf %get3A_37, %add3A_45 : vector<16xf32>
      %max3A = arith.constant 0.000000e+00 : f32
      %max3A_47 = vector.broadcast %max3A : f32 to vector<16xf32>
      %max3A_48 = arith.maximumf %mul3A_46, %max3A_47 : vector<16xf32>
      %mul3A_49 = arith.mulf %max3A_48, %get3A_37 : vector<16xf32>
      %swap3A = arith.index_cast %mul3A_36 : i32 to index
      %swap3A_50 = tpu.vector_load %arg22[%swap3A] {strides = array<i32>} : memref<3136xf32, #tpu.memory_space<vmem>>, vector<16xf32>,
      tpu.vector_store %arg22[%swap3A], %mul3A_49 {strides = array<i32>} : memref<3136xf32, #tpu.memory_space<vmem>>, vector<16xf32>,
      %neg3A = arith.constant 0.000000e+00 : f32
      %neg3A_51 = vector.broadcast %neg3A : f32 to vector<16xf32>
      %neg3A_52 = arith.subf %neg3A_51, %mul3A_46 : vector<16xf32>
      %max3A_53 = arith.constant 0.000000e+00 : f32
      %max3A_54 = vector.broadcast %max3A_53 : f32 to vector<16xf32>
      %max3A_55 = arith.maximumf %neg3A_52, %max3A_54 : vector<16xf32>
      %mul3A_56 = arith.mulf %max3A_55, %get3A_37 : vector<16xf32>
      %swap3A_57 = arith.index_cast %mul3A_36 : i32 to index
      %swap3A_58 = tpu.vector_load %arg23[%swap3A_57] {strides = array<i32>} : memref<3136xf32, #tpu.memory_space<vmem>>, vector<16xf32>,
      tpu.vector_store %arg23[%swap3A_57], %mul3A_56 {strides = array<i32>} : memref<3136xf32, #tpu.memory_space<vmem>>, vector<16xf32>,
    }
    %scan3A_4 = arith.constant 196 : i32
    "tpu.region"() ({
      %run_scoped3A = tpu.sem_alloc : memref<!tpu.dma_semaphore, #tpu.memory_space<semaphore_mem>>
      %dma_start3A = tpu.memref_slice %arg26[%mul3A_0] : memref<50176xf32, #tpu.memory_space<vmem_shared>> -> memref<3136xf32, #tpu.memory_space<vmem_shared>>
      %dma_start3A_30 = tpu.memref_slice %arg26[%mul3A_0] : memref<50176xf32, #tpu.memory_space<vmem_shared>> -> memref<3136xf32, #tpu.memory_space<vmem_shared>>
      tpu.enqueue_dma source(%arg22 : memref<3136xf32, #tpu.memory_space<vmem>>) target(%dma_start3A_30 : memref<3136xf32, #tpu.memory_space<vmem_shared>>) target_semaphore(%run_scoped3A : memref<!tpu.dma_semaphore, #tpu.memory_space<semaphore_mem>>)
      %dma_wait3A = tpu.memref_slice %arg26[%mul3A_0] : memref<50176xf32, #tpu.memory_space<vmem_shared>> -> memref<3136xf32, #tpu.memory_space<vmem_shared>>
      %dma_wait3A_31 = tpu.memref_slice %arg26[%mul3A_0] : memref<50176xf32, #tpu.memory_space<vmem_shared>> -> memref<3136xf32, #tpu.memory_space<vmem_shared>>
      tpu.wait_dma2 semaphore(%run_scoped3A : memref<!tpu.dma_semaphore, #tpu.memory_space<semaphore_mem>>) src(%arg22 : memref<3136xf32, #tpu.memory_space<vmem>>) dst(%dma_wait3A_31 : memref<3136xf32, #tpu.memory_space<vmem_shared>>)
      tpu.yield
    }) : () -> ()
    "tpu.region"() ({
      %run_scoped3A = tpu.sem_alloc : memref<!tpu.dma_semaphore, #tpu.memory_space<semaphore_mem>>
      %dma_start3A = tpu.memref_slice %arg27[%mul3A_0] : memref<50176xf32, #tpu.memory_space<vmem_shared>> -> memref<3136xf32, #tpu.memory_space<vmem_shared>>
      %dma_start3A_30 = tpu.memref_slice %arg27[%mul3A_0] : memref<50176xf32, #tpu.memory_space<vmem_shared>> -> memref<3136xf32, #tpu.memory_space<vmem_shared>>
      tpu.enqueue_dma source(%arg23 : memref<3136xf32, #tpu.memory_space<vmem>>) target(%dma_start3A_30 : memref<3136xf32, #tpu.memory_space<vmem_shared>>) target_semaphore(%run_scoped3A : memref<!tpu.dma_semaphore, #tpu.memory_space<semaphore_mem>>)
      %dma_wait3A = tpu.memref_slice %arg27[%mul3A_0] : memref<50176xf32, #tpu.memory_space<vmem_shared>> -> memref<3136xf32, #tpu.memory_space<vmem_shared>>
      %dma_wait3A_31 = tpu.memref_slice %arg27[%mul3A_0] : memref<50176xf32, #tpu.memory_space<vmem_shared>> -> memref<3136xf32, #tpu.memory_space<vmem_shared>>
      tpu.wait_dma2 semaphore(%run_scoped3A : memref<!tpu.dma_semaphore, #tpu.memory_space<semaphore_mem>>) src(%arg23 : memref<3136xf32, #tpu.memory_space<vmem>>) dst(%dma_wait3A_31 : memref<3136xf32, #tpu.memory_space<vmem_shared>>)
      tpu.yield
    }) : () -> ()
    %eq3A = arith.constant 0 : i32
    %eq3A_5 = arith.cmpi eq, %arg0, %eq3A : i32
    %convert_element_type3A = arith.extui %eq3A_5 : i1 to i32
    %cond3A = arith.constant 0 : i32
    %cond3A_6 = arith.cmpi ne, %convert_element_type3A, %cond3A : i32
    scf.if %cond3A_6 {
      "tpu.region"() ({
        %run_scoped3A = tpu.sem_alloc : memref<!tpu.dma_semaphore, #tpu.memory_space<semaphore_mem>>
        %dma_start3A = tpu.memref_slice %arg13[%mul3A_0] : memref<50176xf32, #tpu.memory_space<hbm>> -> memref<3136xf32, #tpu.memory_space<hbm>>
        %dma_start3A_30 = tpu.memref_slice %arg13[%mul3A_0] : memref<50176xf32, #tpu.memory_space<hbm>> -> memref<3136xf32, #tpu.memory_space<hbm>>
        tpu.enqueue_dma source(%arg22 : memref<3136xf32, #tpu.memory_space<vmem>>) target(%dma_start3A_30 : memref<3136xf32, #tpu.memory_space<hbm>>) target_semaphore(%run_scoped3A : memref<!tpu.dma_semaphore, #tpu.memory_space<semaphore_mem>>)
        %dma_wait3A = tpu.memref_slice %arg13[%mul3A_0] : memref<50176xf32, #tpu.memory_space<hbm>> -> memref<3136xf32, #tpu.memory_space<hbm>>
        %dma_wait3A_31 = tpu.memref_slice %arg13[%mul3A_0] : memref<50176xf32, #tpu.memory_space<hbm>> -> memref<3136xf32, #tpu.memory_space<hbm>>
        tpu.wait_dma2 semaphore(%run_scoped3A : memref<!tpu.dma_semaphore, #tpu.memory_space<semaphore_mem>>) src(%arg22 : memref<3136xf32, #tpu.memory_space<vmem>>) dst(%dma_wait3A_31 : memref<3136xf32, #tpu.memory_space<hbm>>)
        tpu.yield
      }) : () -> ()
      "tpu.region"() ({
        %run_scoped3A = tpu.sem_alloc : memref<!tpu.dma_semaphore, #tpu.memory_space<semaphore_mem>>
        %dma_start3A = tpu.memref_slice %arg14[%mul3A_0] : memref<50176xf32, #tpu.memory_space<hbm>> -> memref<3136xf32, #tpu.memory_space<hbm>>
        %dma_start3A_30 = tpu.memref_slice %arg14[%mul3A_0] : memref<50176xf32, #tpu.memory_space<hbm>> -> memref<3136xf32, #tpu.memory_space<hbm>>
        tpu.enqueue_dma source(%arg23 : memref<3136xf32, #tpu.memory_space<vmem>>) target(%dma_start3A_30 : memref<3136xf32, #tpu.memory_space<hbm>>) target_semaphore(%run_scoped3A : memref<!tpu.dma_semaphore, #tpu.memory_space<semaphore_mem>>)
        %dma_wait3A = tpu.memref_slice %arg14[%mul3A_0] : memref<50176xf32, #tpu.memory_space<hbm>> -> memref<3136xf32, #tpu.memory_space<hbm>>
        %dma_wait3A_31 = tpu.memref_slice %arg14[%mul3A_0] : memref<50176xf32, #tpu.memory_space<hbm>> -> memref<3136xf32, #tpu.memory_space<hbm>>
        tpu.wait_dma2 semaphore(%run_scoped3A : memref<!tpu.dma_semaphore, #tpu.memory_space<semaphore_mem>>) src(%arg23 : memref<3136xf32, #tpu.memory_space<vmem>>) dst(%dma_wait3A_31 : memref<3136xf32, #tpu.memory_space<hbm>>)
        tpu.yield
      }) : () -> ()
    } else {
    }
    "tpu.region"() ({
      %run_scoped3A = tpu.sem_alloc : memref<!tpu.dma_semaphore, #tpu.memory_space<semaphore_mem>>
      tpu.enqueue_dma source(%arg8 : memref<3136xf32, #tpu.memory_space<hbm>>) target(%arg18 : memref<3136xf32, #tpu.memory_space<vmem>>) target_semaphore(%run_scoped3A : memref<!tpu.dma_semaphore, #tpu.memory_space<semaphore_mem>>)
      tpu.wait_dma2 semaphore(%run_scoped3A : memref<!tpu.dma_semaphore, #tpu.memory_space<semaphore_mem>>) src(%arg8 : memref<3136xf32, #tpu.memory_space<hbm>>) dst(%arg18 : memref<3136xf32, #tpu.memory_space<vmem>>)
      tpu.yield
    }) : () -> ()
    "tpu.region"() ({
      %run_scoped3A = tpu.sem_alloc : memref<!tpu.dma_semaphore, #tpu.memory_space<semaphore_mem>>
      %dma_start3A = tpu.memref_slice %arg24[%mul3A_0] : memref<50184xf32, #tpu.memory_space<vmem_shared>> -> memref<3136xf32, #tpu.memory_space<vmem_shared>>
      %dma_start3A_30 = tpu.memref_slice %arg24[%mul3A_0] : memref<50184xf32, #tpu.memory_space<vmem_shared>> -> memref<3136xf32, #tpu.memory_space<vmem_shared>>
      tpu.enqueue_dma source(%arg18 : memref<3136xf32, #tpu.memory_space<vmem>>) target(%dma_start3A_30 : memref<3136xf32, #tpu.memory_space<vmem_shared>>) target_semaphore(%run_scoped3A : memref<!tpu.dma_semaphore, #tpu.memory_space<semaphore_mem>>)
      %dma_wait3A = tpu.memref_slice %arg24[%mul3A_0] : memref<50184xf32, #tpu.memory_space<vmem_shared>> -> memref<3136xf32, #tpu.memory_space<vmem_shared>>
      %dma_wait3A_31 = tpu.memref_slice %arg24[%mul3A_0] : memref<50184xf32, #tpu.memory_space<vmem_shared>> -> memref<3136xf32, #tpu.memory_space<vmem_shared>>
      tpu.wait_dma2 semaphore(%run_scoped3A : memref<!tpu.dma_semaphore, #tpu.memory_space<semaphore_mem>>) src(%arg18 : memref<3136xf32, #tpu.memory_space<vmem>>) dst(%dma_wait3A_31 : memref<3136xf32, #tpu.memory_space<vmem_shared>>)
      tpu.yield
    }) : () -> ()
    "tpu.region"() ({
      %run_scoped3A = tpu.sem_alloc : memref<!tpu.dma_semaphore, #tpu.memory_space<semaphore_mem>>
      %dma_start3A = tpu.memref_slice %arg25[%mul3A_0] : memref<50184xf32, #tpu.memory_space<vmem_shared>> -> memref<3136xf32, #tpu.memory_space<vmem_shared>>
      %dma_start3A_30 = tpu.memref_slice %arg25[%mul3A_0] : memref<50184xf32, #tpu.memory_space<vmem_shared>> -> memref<3136xf32, #tpu.memory_space<vmem_shared>>
      tpu.enqueue_dma source(%arg18 : memref<3136xf32, #tpu.memory_space<vmem>>) target(%dma_start3A_30 : memref<3136xf32, #tpu.memory_space<vmem_shared>>) target_semaphore(%run_scoped3A : memref<!tpu.dma_semaphore, #tpu.memory_space<semaphore_mem>>)
      %dma_wait3A = tpu.memref_slice %arg25[%mul3A_0] : memref<50184xf32, #tpu.memory_space<vmem_shared>> -> memref<3136xf32, #tpu.memory_space<vmem_shared>>
      %dma_wait3A_31 = tpu.memref_slice %arg25[%mul3A_0] : memref<50184xf32, #tpu.memory_space<vmem_shared>> -> memref<3136xf32, #tpu.memory_space<vmem_shared>>
      tpu.wait_dma2 semaphore(%run_scoped3A : memref<!tpu.dma_semaphore, #tpu.memory_space<semaphore_mem>>) src(%arg18 : memref<3136xf32, #tpu.memory_space<vmem>>) dst(%dma_wait3A_31 : memref<3136xf32, #tpu.memory_space<vmem_shared>>)
      tpu.yield
    }) : () -> ()
    %eq3A_7 = arith.constant 0 : i32
    %eq3A_8 = arith.cmpi eq, %arg1, %eq3A_7 : i32
    %convert_element_type3A_9 = arith.extui %eq3A_8 : i1 to i32
    %cond3A_10 = arith.constant 0 : i32
    %cond3A_11 = arith.cmpi ne, %convert_element_type3A_9, %cond3A_10 : i32
    scf.if %cond3A_11 {
      "tpu.region"() ({
        %run_scoped3A = tpu.sem_alloc : memref<!tpu.dma_semaphore, #tpu.memory_space<semaphore_mem>>
        %dma_start3A = arith.constant 0 : i32
        %dma_start3A_30 = tpu.memref_slice %arg18[%dma_start3A] : memref<3136xf32, #tpu.memory_space<vmem>> -> memref<8xf32, #tpu.memory_space<vmem>>
        %dma_start3A_31 = arith.constant 50176 : i32
        %dma_start3A_32 = tpu.memref_slice %arg24[%dma_start3A_31] : memref<50184xf32, #tpu.memory_space<vmem_shared>> -> memref<8xf32, #tpu.memory_space<vmem_shared>>
        %dma_start3A_33 = arith.constant 50176 : i32
        %dma_start3A_34 = tpu.memref_slice %arg24[%dma_start3A_33] : memref<50184xf32, #tpu.memory_space<vmem_shared>> -> memref<8xf32, #tpu.memory_space<vmem_shared>>
        %dma_start3A_35 = arith.constant 0 : i32
        %dma_start3A_36 = tpu.memref_slice %arg18[%dma_start3A_35] : memref<3136xf32, #tpu.memory_space<vmem>> -> memref<8xf32, #tpu.memory_space<vmem>>
        tpu.enqueue_dma source(%dma_start3A_36 : memref<8xf32, #tpu.memory_space<vmem>>) target(%dma_start3A_34 : memref<8xf32, #tpu.memory_space<vmem_shared>>) target_semaphore(%run_scoped3A : memref<!tpu.dma_semaphore, #tpu.memory_space<semaphore_mem>>)
        %dma_wait3A = arith.constant 0 : i32
        %dma_wait3A_37 = tpu.memref_slice %arg18[%dma_wait3A] : memref<3136xf32, #tpu.memory_space<vmem>> -> memref<8xf32, #tpu.memory_space<vmem>>
        %dma_wait3A_38 = arith.constant 50176 : i32
        %dma_wait3A_39 = tpu.memref_slice %arg24[%dma_wait3A_38] : memref<50184xf32, #tpu.memory_space<vmem_shared>> -> memref<8xf32, #tpu.memory_space<vmem_shared>>
        %dma_wait3A_40 = arith.constant 50176 : i32
        %dma_wait3A_41 = tpu.memref_slice %arg24[%dma_wait3A_40] : memref<50184xf32, #tpu.memory_space<vmem_shared>> -> memref<8xf32, #tpu.memory_space<vmem_shared>>
        %dma_wait3A_42 = arith.constant 0 : i32
        %dma_wait3A_43 = tpu.memref_slice %arg18[%dma_wait3A_42] : memref<3136xf32, #tpu.memory_space<vmem>> -> memref<8xf32, #tpu.memory_space<vmem>>
        tpu.wait_dma2 semaphore(%run_scoped3A : memref<!tpu.dma_semaphore, #tpu.memory_space<semaphore_mem>>) src(%dma_wait3A_43 : memref<8xf32, #tpu.memory_space<vmem>>) dst(%dma_wait3A_41 : memref<8xf32, #tpu.memory_space<vmem_shared>>)
        tpu.yield
      }) : () -> ()
      "tpu.region"() ({
        %run_scoped3A = tpu.sem_alloc : memref<!tpu.dma_semaphore, #tpu.memory_space<semaphore_mem>>
        %dma_start3A = arith.constant 0 : i32
        %dma_start3A_30 = tpu.memref_slice %arg18[%dma_start3A] : memref<3136xf32, #tpu.memory_space<vmem>> -> memref<8xf32, #tpu.memory_space<vmem>>
        %dma_start3A_31 = arith.constant 50176 : i32
        %dma_start3A_32 = tpu.memref_slice %arg25[%dma_start3A_31] : memref<50184xf32, #tpu.memory_space<vmem_shared>> -> memref<8xf32, #tpu.memory_space<vmem_shared>>
        %dma_start3A_33 = arith.constant 50176 : i32
        %dma_start3A_34 = tpu.memref_slice %arg25[%dma_start3A_33] : memref<50184xf32, #tpu.memory_space<vmem_shared>> -> memref<8xf32, #tpu.memory_space<vmem_shared>>
        %dma_start3A_35 = arith.constant 0 : i32
        %dma_start3A_36 = tpu.memref_slice %arg18[%dma_start3A_35] : memref<3136xf32, #tpu.memory_space<vmem>> -> memref<8xf32, #tpu.memory_space<vmem>>
        tpu.enqueue_dma source(%dma_start3A_36 : memref<8xf32, #tpu.memory_space<vmem>>) target(%dma_start3A_34 : memref<8xf32, #tpu.memory_space<vmem_shared>>) target_semaphore(%run_scoped3A : memref<!tpu.dma_semaphore, #tpu.memory_space<semaphore_mem>>)
        %dma_wait3A = arith.constant 0 : i32
        %dma_wait3A_37 = tpu.memref_slice %arg18[%dma_wait3A] : memref<3136xf32, #tpu.memory_space<vmem>> -> memref<8xf32, #tpu.memory_space<vmem>>
        %dma_wait3A_38 = arith.constant 50176 : i32
        %dma_wait3A_39 = tpu.memref_slice %arg25[%dma_wait3A_38] : memref<50184xf32, #tpu.memory_space<vmem_shared>> -> memref<8xf32, #tpu.memory_space<vmem_shared>>
        %dma_wait3A_40 = arith.constant 50176 : i32
        %dma_wait3A_41 = tpu.memref_slice %arg25[%dma_wait3A_40] : memref<50184xf32, #tpu.memory_space<vmem_shared>> -> memref<8xf32, #tpu.memory_space<vmem_shared>>
        %dma_wait3A_42 = arith.constant 0 : i32
        %dma_wait3A_43 = tpu.memref_slice %arg18[%dma_wait3A_42] : memref<3136xf32, #tpu.memory_space<vmem>> -> memref<8xf32, #tpu.memory_space<vmem>>
        tpu.wait_dma2 semaphore(%run_scoped3A : memref<!tpu.dma_semaphore, #tpu.memory_space<semaphore_mem>>) src(%dma_wait3A_43 : memref<8xf32, #tpu.memory_space<vmem>>) dst(%dma_wait3A_41 : memref<8xf32, #tpu.memory_space<vmem_shared>>)
        tpu.yield
      }) : () -> ()
    } else {
    }
    %barrier3A = arith.constant 0 : index
    tpu.barrier barrier_id(%barrier3A)
    %mul3A_12 = arith.constant 16 : i32
    %mul3A_13 = arith.muli %arg0, %mul3A_12 : i32
    %add3A = arith.addi %mul3A_13, %arg1 : i32
    %scan3A_14 = arith.constant 0 : i32
    %scan3A_15 = arith.constant 4 : i32
    %scan3A_16 = arith.addi %scan3A_14, %scan3A_15 : i32
    %scan3A_17 = arith.constant 1 : i32
    scf.for %scan3A_30 = %scan3A_14 to %scan3A_16 step %scan3A_17  : i32 {
      %mul3A_31 = arith.constant 1 : i32
      %mul3A_32 = arith.muli %scan3A_30, %mul3A_31 : i32
      %add3A_33 = arith.constant 0 : i32
      %add3A_34 = arith.addi %add3A_33, %mul3A_32 : i32
      %mul3A_35 = arith.constant 25088 : i32
      %mul3A_36 = arith.muli %add3A, %mul3A_35 : i32
      %mul3A_37 = arith.constant 6272 : i32
      %mul3A_38 = arith.muli %add3A_34, %mul3A_37 : i32
      %add3A_39 = arith.addi %mul3A_36, %mul3A_38 : i32
      "tpu.region"() ({
        %run_scoped3A = tpu.sem_alloc : memref<!tpu.dma_semaphore, #tpu.memory_space<semaphore_mem>>
        %dma_start3A = tpu.memref_slice %arg6[%add3A_39] : memref<802816xi32, #tpu.memory_space<hbm>> -> memref<6272xi32, #tpu.memory_space<hbm>>
        %dma_start3A_40 = tpu.memref_slice %arg6[%add3A_39] : memref<802816xi32, #tpu.memory_space<hbm>> -> memref<6272xi32, #tpu.memory_space<hbm>>
        tpu.enqueue_dma source(%dma_start3A_40 : memref<6272xi32, #tpu.memory_space<hbm>>) target(%arg15 : memref<6272xi32, #tpu.memory_space<vmem>>) target_semaphore(%run_scoped3A : memref<!tpu.dma_semaphore, #tpu.memory_space<semaphore_mem>>)
        %dma_wait3A = tpu.memref_slice %arg6[%add3A_39] : memref<802816xi32, #tpu.memory_space<hbm>> -> memref<6272xi32, #tpu.memory_space<hbm>>
        %dma_wait3A_41 = tpu.memref_slice %arg6[%add3A_39] : memref<802816xi32, #tpu.memory_space<hbm>> -> memref<6272xi32, #tpu.memory_space<hbm>>
        tpu.wait_dma2 semaphore(%run_scoped3A : memref<!tpu.dma_semaphore, #tpu.memory_space<semaphore_mem>>) src(%dma_wait3A_41 : memref<6272xi32, #tpu.memory_space<hbm>>) dst(%arg15 : memref<6272xi32, #tpu.memory_space<vmem>>)
        tpu.yield
      }) : () -> ()
      "tpu.region"() ({
        %run_scoped3A = tpu.sem_alloc : memref<!tpu.dma_semaphore, #tpu.memory_space<semaphore_mem>>
        %dma_start3A = tpu.memref_slice %arg7[%add3A_39] : memref<802816xi32, #tpu.memory_space<hbm>> -> memref<6272xi32, #tpu.memory_space<hbm>>
        %dma_start3A_40 = tpu.memref_slice %arg7[%add3A_39] : memref<802816xi32, #tpu.memory_space<hbm>> -> memref<6272xi32, #tpu.memory_space<hbm>>
        tpu.enqueue_dma source(%dma_start3A_40 : memref<6272xi32, #tpu.memory_space<hbm>>) target(%arg16 : memref<6272xi32, #tpu.memory_space<vmem>>) target_semaphore(%run_scoped3A : memref<!tpu.dma_semaphore, #tpu.memory_space<semaphore_mem>>)
        %dma_wait3A = tpu.memref_slice %arg7[%add3A_39] : memref<802816xi32, #tpu.memory_space<hbm>> -> memref<6272xi32, #tpu.memory_space<hbm>>
        %dma_wait3A_41 = tpu.memref_slice %arg7[%add3A_39] : memref<802816xi32, #tpu.memory_space<hbm>> -> memref<6272xi32, #tpu.memory_space<hbm>>
        tpu.wait_dma2 semaphore(%run_scoped3A : memref<!tpu.dma_semaphore, #tpu.memory_space<semaphore_mem>>) src(%dma_wait3A_41 : memref<6272xi32, #tpu.memory_space<hbm>>) dst(%arg16 : memref<6272xi32, #tpu.memory_space<vmem>>)
        tpu.yield
      }) : () -> ()
      "tpu.region"() ({
        %run_scoped3A = tpu.sem_alloc : memref<!tpu.dma_semaphore, #tpu.memory_space<semaphore_mem>>
        %dma_start3A = arith.constant 0 : i32
        %dma_start3A_40 = tpu.memref_slice %arg26[%dma_start3A] : memref<50176xf32, #tpu.memory_space<vmem_shared>> -> memref<50176xf32, #tpu.memory_space<vmem_shared>>
        tpu.enqueue_indirect_dma source(%dma_start3A_40 : memref<50176xf32, #tpu.memory_space<vmem_shared>>) target(%arg17 : memref<6272xf32, #tpu.memory_space<vmem>>) offsets(%arg15 : memref<6272xi32, #tpu.memory_space<vmem>>) semaphore(%run_scoped3A : memref<!tpu.dma_semaphore, #tpu.memory_space<semaphore_mem>>)
        %dma_wait3A = arith.constant 0 : i32
        %dma_wait3A_41 = tpu.memref_slice %arg26[%dma_wait3A] : memref<50176xf32, #tpu.memory_space<vmem_shared>> -> memref<50176xf32, #tpu.memory_space<vmem_shared>>
        tpu.wait_indirect_dma semaphore(%run_scoped3A : memref<!tpu.dma_semaphore, #tpu.memory_space<semaphore_mem>>) src(%dma_wait3A_41 : memref<50176xf32, #tpu.memory_space<vmem_shared>>) dst(%arg17 : memref<6272xf32, #tpu.memory_space<vmem>>)
        tpu.yield
      }) : () -> ()
      "tpu.region"() ({
        %run_scoped3A = tpu.sem_alloc : memref<!tpu.dma_semaphore, #tpu.memory_space<semaphore_mem>>
        %dma_start3A = arith.constant 0 : i32
        %dma_start3A_40 = tpu.memref_slice %arg24[%dma_start3A] : memref<50184xf32, #tpu.memory_space<vmem_shared>> -> memref<50184xf32, #tpu.memory_space<vmem_shared>>
        tpu.enqueue_indirect_dma source(%arg17 : memref<6272xf32, #tpu.memory_space<vmem>>) target(%dma_start3A_40 : memref<50184xf32, #tpu.memory_space<vmem_shared>>) offsets(%arg16 : memref<6272xi32, #tpu.memory_space<vmem>>) semaphore(%run_scoped3A : memref<!tpu.dma_semaphore, #tpu.memory_space<semaphore_mem>>) {add = true}
        %dma_wait3A = arith.constant 0 : i32
        %dma_wait3A_41 = tpu.memref_slice %arg24[%dma_wait3A] : memref<50184xf32, #tpu.memory_space<vmem_shared>> -> memref<50184xf32, #tpu.memory_space<vmem_shared>>
        tpu.wait_indirect_dma semaphore(%run_scoped3A : memref<!tpu.dma_semaphore, #tpu.memory_space<semaphore_mem>>) src(%arg17 : memref<6272xf32, #tpu.memory_space<vmem>>) dst(%dma_wait3A_41 : memref<50184xf32, #tpu.memory_space<vmem_shared>>)
        tpu.yield
      }) : () -> ()
      "tpu.region"() ({
        %run_scoped3A = tpu.sem_alloc : memref<!tpu.dma_semaphore, #tpu.memory_space<semaphore_mem>>
        %dma_start3A = arith.constant 0 : i32
        %dma_start3A_40 = tpu.memref_slice %arg27[%dma_start3A] : memref<50176xf32, #tpu.memory_space<vmem_shared>> -> memref<50176xf32, #tpu.memory_space<vmem_shared>>
        tpu.enqueue_indirect_dma source(%dma_start3A_40 : memref<50176xf32, #tpu.memory_space<vmem_shared>>) target(%arg17 : memref<6272xf32, #tpu.memory_space<vmem>>) offsets(%arg15 : memref<6272xi32, #tpu.memory_space<vmem>>) semaphore(%run_scoped3A : memref<!tpu.dma_semaphore, #tpu.memory_space<semaphore_mem>>)
        %dma_wait3A = arith.constant 0 : i32
        %dma_wait3A_41 = tpu.memref_slice %arg27[%dma_wait3A] : memref<50176xf32, #tpu.memory_space<vmem_shared>> -> memref<50176xf32, #tpu.memory_space<vmem_shared>>
        tpu.wait_indirect_dma semaphore(%run_scoped3A : memref<!tpu.dma_semaphore, #tpu.memory_space<semaphore_mem>>) src(%dma_wait3A_41 : memref<50176xf32, #tpu.memory_space<vmem_shared>>) dst(%arg17 : memref<6272xf32, #tpu.memory_space<vmem>>)
        tpu.yield
      }) : () -> ()
      "tpu.region"() ({
        %run_scoped3A = tpu.sem_alloc : memref<!tpu.dma_semaphore, #tpu.memory_space<semaphore_mem>>
        %dma_start3A = arith.constant 0 : i32
        %dma_start3A_40 = tpu.memref_slice %arg25[%dma_start3A] : memref<50184xf32, #tpu.memory_space<vmem_shared>> -> memref<50184xf32, #tpu.memory_space<vmem_shared>>
        tpu.enqueue_indirect_dma source(%arg17 : memref<6272xf32, #tpu.memory_space<vmem>>) target(%dma_start3A_40 : memref<50184xf32, #tpu.memory_space<vmem_shared>>) offsets(%arg16 : memref<6272xi32, #tpu.memory_space<vmem>>) semaphore(%run_scoped3A : memref<!tpu.dma_semaphore, #tpu.memory_space<semaphore_mem>>) {add = true}
        %dma_wait3A = arith.constant 0 : i32
        %dma_wait3A_41 = tpu.memref_slice %arg25[%dma_wait3A] : memref<50184xf32, #tpu.memory_space<vmem_shared>> -> memref<50184xf32, #tpu.memory_space<vmem_shared>>
        tpu.wait_indirect_dma semaphore(%run_scoped3A : memref<!tpu.dma_semaphore, #tpu.memory_space<semaphore_mem>>) src(%arg17 : memref<6272xf32, #tpu.memory_space<vmem>>) dst(%dma_wait3A_41 : memref<50184xf32, #tpu.memory_space<vmem_shared>>)
        tpu.yield
      }) : () -> ()
    }
    %scan3A_18 = arith.constant 4 : i32
    %barrier3A_19 = arith.constant 0 : index
    tpu.barrier barrier_id(%barrier3A_19)
    "tpu.region"() ({
      %run_scoped3A = tpu.sem_alloc : memref<!tpu.dma_semaphore, #tpu.memory_space<semaphore_mem>>
      %dma_start3A = tpu.memref_slice %arg24[%mul3A_0] : memref<50184xf32, #tpu.memory_space<vmem_shared>> -> memref<3136xf32, #tpu.memory_space<vmem_shared>>
      %dma_start3A_30 = tpu.memref_slice %arg24[%mul3A_0] : memref<50184xf32, #tpu.memory_space<vmem_shared>> -> memref<3136xf32, #tpu.memory_space<vmem_shared>>
      tpu.enqueue_dma source(%dma_start3A_30 : memref<3136xf32, #tpu.memory_space<vmem_shared>>) target(%arg18 : memref<3136xf32, #tpu.memory_space<vmem>>) target_semaphore(%run_scoped3A : memref<!tpu.dma_semaphore, #tpu.memory_space<semaphore_mem>>)
      %dma_wait3A = tpu.memref_slice %arg24[%mul3A_0] : memref<50184xf32, #tpu.memory_space<vmem_shared>> -> memref<3136xf32, #tpu.memory_space<vmem_shared>>
      %dma_wait3A_31 = tpu.memref_slice %arg24[%mul3A_0] : memref<50184xf32, #tpu.memory_space<vmem_shared>> -> memref<3136xf32, #tpu.memory_space<vmem_shared>>
      tpu.wait_dma2 semaphore(%run_scoped3A : memref<!tpu.dma_semaphore, #tpu.memory_space<semaphore_mem>>) src(%dma_wait3A_31 : memref<3136xf32, #tpu.memory_space<vmem_shared>>) dst(%arg18 : memref<3136xf32, #tpu.memory_space<vmem>>)
      tpu.yield
    }) : () -> ()
    "tpu.region"() ({
      %run_scoped3A = tpu.sem_alloc : memref<!tpu.dma_semaphore, #tpu.memory_space<semaphore_mem>>
      %dma_start3A = tpu.memref_slice %arg25[%mul3A_0] : memref<50184xf32, #tpu.memory_space<vmem_shared>> -> memref<3136xf32, #tpu.memory_space<vmem_shared>>
      %dma_start3A_30 = tpu.memref_slice %arg25[%mul3A_0] : memref<50184xf32, #tpu.memory_space<vmem_shared>> -> memref<3136xf32, #tpu.memory_space<vmem_shared>>
      tpu.enqueue_dma source(%dma_start3A_30 : memref<3136xf32, #tpu.memory_space<vmem_shared>>) target(%arg19 : memref<3136xf32, #tpu.memory_space<vmem>>) target_semaphore(%run_scoped3A : memref<!tpu.dma_semaphore, #tpu.memory_space<semaphore_mem>>)
      %dma_wait3A = tpu.memref_slice %arg25[%mul3A_0] : memref<50184xf32, #tpu.memory_space<vmem_shared>> -> memref<3136xf32, #tpu.memory_space<vmem_shared>>
      %dma_wait3A_31 = tpu.memref_slice %arg25[%mul3A_0] : memref<50184xf32, #tpu.memory_space<vmem_shared>> -> memref<3136xf32, #tpu.memory_space<vmem_shared>>
      tpu.wait_dma2 semaphore(%run_scoped3A : memref<!tpu.dma_semaphore, #tpu.memory_space<semaphore_mem>>) src(%dma_wait3A_31 : memref<3136xf32, #tpu.memory_space<vmem_shared>>) dst(%arg19 : memref<3136xf32, #tpu.memory_space<vmem>>)
      tpu.yield
    }) : () -> ()
    %eq3A_20 = arith.constant 0 : i32
    %eq3A_21 = arith.cmpi eq, %arg0, %eq3A_20 : i32
    %convert_element_type3A_22 = arith.extui %eq3A_21 : i1 to i32
    %cond3A_23 = arith.constant 0 : i32
    %cond3A_24 = arith.cmpi ne, %convert_element_type3A_22, %cond3A_23 : i32
    scf.if %cond3A_24 {
      "tpu.region"() ({
        %run_scoped3A = tpu.sem_alloc : memref<!tpu.dma_semaphore, #tpu.memory_space<semaphore_mem>>
        %dma_start3A = tpu.memref_slice %arg9[%mul3A_0] : memref<50176xf32, #tpu.memory_space<hbm>> -> memref<3136xf32, #tpu.memory_space<hbm>>
        %dma_start3A_30 = tpu.memref_slice %arg9[%mul3A_0] : memref<50176xf32, #tpu.memory_space<hbm>> -> memref<3136xf32, #tpu.memory_space<hbm>>
        tpu.enqueue_dma source(%arg18 : memref<3136xf32, #tpu.memory_space<vmem>>) target(%dma_start3A_30 : memref<3136xf32, #tpu.memory_space<hbm>>) target_semaphore(%run_scoped3A : memref<!tpu.dma_semaphore, #tpu.memory_space<semaphore_mem>>)
        %dma_wait3A = tpu.memref_slice %arg9[%mul3A_0] : memref<50176xf32, #tpu.memory_space<hbm>> -> memref<3136xf32, #tpu.memory_space<hbm>>
        %dma_wait3A_31 = tpu.memref_slice %arg9[%mul3A_0] : memref<50176xf32, #tpu.memory_space<hbm>> -> memref<3136xf32, #tpu.memory_space<hbm>>
        tpu.wait_dma2 semaphore(%run_scoped3A : memref<!tpu.dma_semaphore, #tpu.memory_space<semaphore_mem>>) src(%arg18 : memref<3136xf32, #tpu.memory_space<vmem>>) dst(%dma_wait3A_31 : memref<3136xf32, #tpu.memory_space<hbm>>)
        tpu.yield
      }) : () -> ()
      "tpu.region"() ({
        %run_scoped3A = tpu.sem_alloc : memref<!tpu.dma_semaphore, #tpu.memory_space<semaphore_mem>>
        %dma_start3A = tpu.memref_slice %arg11[%mul3A_0] : memref<50176xf32, #tpu.memory_space<hbm>> -> memref<3136xf32, #tpu.memory_space<hbm>>
        %dma_start3A_30 = tpu.memref_slice %arg11[%mul3A_0] : memref<50176xf32, #tpu.memory_space<hbm>> -> memref<3136xf32, #tpu.memory_space<hbm>>
        tpu.enqueue_dma source(%arg19 : memref<3136xf32, #tpu.memory_space<vmem>>) target(%dma_start3A_30 : memref<3136xf32, #tpu.memory_space<hbm>>) target_semaphore(%run_scoped3A : memref<!tpu.dma_semaphore, #tpu.memory_space<semaphore_mem>>)
        %dma_wait3A = tpu.memref_slice %arg11[%mul3A_0] : memref<50176xf32, #tpu.memory_space<hbm>> -> memref<3136xf32, #tpu.memory_space<hbm>>
        %dma_wait3A_31 = tpu.memref_slice %arg11[%mul3A_0] : memref<50176xf32, #tpu.memory_space<hbm>> -> memref<3136xf32, #tpu.memory_space<hbm>>
        tpu.wait_dma2 semaphore(%run_scoped3A : memref<!tpu.dma_semaphore, #tpu.memory_space<semaphore_mem>>) src(%arg19 : memref<3136xf32, #tpu.memory_space<vmem>>) dst(%dma_wait3A_31 : memref<3136xf32, #tpu.memory_space<hbm>>)
        tpu.yield
      }) : () -> ()
    } else {
    }
    %eq3A_25 = arith.constant 1 : i32
    %eq3A_26 = arith.cmpi eq, %arg0, %eq3A_25 : i32
    %convert_element_type3A_27 = arith.extui %eq3A_26 : i1 to i32
    %cond3A_28 = arith.constant 0 : i32
    %cond3A_29 = arith.cmpi ne, %convert_element_type3A_27, %cond3A_28 : i32
    scf.if %cond3A_29 {
      "tpu.region"() ({
        %run_scoped3A = tpu.sem_alloc : memref<!tpu.dma_semaphore, #tpu.memory_space<semaphore_mem>>
        %dma_start3A = tpu.memref_slice %arg10[%mul3A_0] : memref<50176xf32, #tpu.memory_space<hbm>> -> memref<3136xf32, #tpu.memory_space<hbm>>
        %dma_start3A_30 = tpu.memref_slice %arg10[%mul3A_0] : memref<50176xf32, #tpu.memory_space<hbm>> -> memref<3136xf32, #tpu.memory_space<hbm>>
        tpu.enqueue_dma source(%arg18 : memref<3136xf32, #tpu.memory_space<vmem>>) target(%dma_start3A_30 : memref<3136xf32, #tpu.memory_space<hbm>>) target_semaphore(%run_scoped3A : memref<!tpu.dma_semaphore, #tpu.memory_space<semaphore_mem>>)
        %dma_wait3A = tpu.memref_slice %arg10[%mul3A_0] : memref<50176xf32, #tpu.memory_space<hbm>> -> memref<3136xf32, #tpu.memory_space<hbm>>
        %dma_wait3A_31 = tpu.memref_slice %arg10[%mul3A_0] : memref<50176xf32, #tpu.memory_space<hbm>> -> memref<3136xf32, #tpu.memory_space<hbm>>
        tpu.wait_dma2 semaphore(%run_scoped3A : memref<!tpu.dma_semaphore, #tpu.memory_space<semaphore_mem>>) src(%arg18 : memref<3136xf32, #tpu.memory_space<vmem>>) dst(%dma_wait3A_31 : memref<3136xf32, #tpu.memory_space<hbm>>)
        tpu.yield
      }) : () -> ()
      "tpu.region"() ({
        %run_scoped3A = tpu.sem_alloc : memref<!tpu.dma_semaphore, #tpu.memory_space<semaphore_mem>>
        %dma_start3A = tpu.memref_slice %arg12[%mul3A_0] : memref<50176xf32, #tpu.memory_space<hbm>> -> memref<3136xf32, #tpu.memory_space<hbm>>
        %dma_start3A_30 = tpu.memref_slice %arg12[%mul3A_0] : memref<50176xf32, #tpu.memory_space<hbm>> -> memref<3136xf32, #tpu.memory_space<hbm>>
        tpu.enqueue_dma source(%arg19 : memref<3136xf32, #tpu.memory_space<vmem>>) target(%dma_start3A_30 : memref<3136xf32, #tpu.memory_space<hbm>>) target_semaphore(%run_scoped3A : memref<!tpu.dma_semaphore, #tpu.memory_space<semaphore_mem>>)
        %dma_wait3A = tpu.memref_slice %arg12[%mul3A_0] : memref<50176xf32, #tpu.memory_space<hbm>> -> memref<3136xf32, #tpu.memory_space<hbm>>
        %dma_wait3A_31 = tpu.memref_slice %arg12[%mul3A_0] : memref<50176xf32, #tpu.memory_space<hbm>> -> memref<3136xf32, #tpu.memory_space<hbm>>
        tpu.wait_dma2 semaphore(%run_scoped3A : memref<!tpu.dma_semaphore, #tpu.memory_space<semaphore_mem>>) src(%arg19 : memref<3136xf32, #tpu.memory_space<vmem>>) dst(%dma_wait3A_31 : memref<3136xf32, #tpu.memory_space<hbm>>)
        tpu.yield
      }) : () -> ()
    } else {
    }
    return
  }
}

#map = affine_map<(d0, d1) -> (0)>
module attributes {stable_mosaic.version = 14 : i64} {
  func.func @_pass1_kernel(%arg0: i32, %arg1: i32, %arg2: memref<50176xf32, #tpu.memory_space<hbm>>, %arg3: memref<50176xf32, #tpu.memory_space<hbm>>, %arg4: memref<50176xf32, #tpu.memory_space<hbm>>, %arg5: memref<802816xi32, #tpu.memory_space<hbm>>, %arg6: memref<802816xi32, #tpu.memory_space<hbm>>, %arg7: memref<3136xf32, #tpu.memory_space<hbm>>, %arg8: memref<50176xf32, #tpu.memory_space<hbm>>, %arg9: memref<50176xf32, #tpu.memory_space<hbm>>, %arg10: memref<50176xf32, #tpu.memory_space<hbm>>, %arg11: memref<50176xf32, #tpu.memory_space<hbm>>, %arg12: memref<6272xi32, #tpu.memory_space<vmem>>, %arg13: memref<6272xf32, #tpu.memory_space<vmem>>, %arg14: memref<3136xf32, #tpu.memory_space<vmem>>, %arg15: memref<3136xf32, #tpu.memory_space<vmem>>, %arg16: memref<3136xf32, #tpu.memory_space<vmem>>, %arg17: memref<3136xf32, #tpu.memory_space<vmem>>, %arg18: memref<3136xf32, #tpu.memory_space<vmem>>, %arg19: memref<50184xf32, #tpu.memory_space<vmem_shared>>, %arg20: memref<50176xf32, #tpu.memory_space<vmem_shared>>) attributes {dimension_semantics = [#tpu.dimension_semantics<core_parallel>, #tpu.dimension_semantics<subcore_parallel>], iteration_bounds = array<i64: 2, 16>, scalar_prefetch = 0 : i64, scratch_operands = 9 : i64, tpu.core_type = #tpu.core_type<sc_vector_subcore>, window_params = [{transform_indices = #map}, {transform_indices = #map}, {transform_indices = #map}, {transform_indices = #map}, {transform_indices = #map}, {transform_indices = #map}, {transform_indices = #map}, {transform_indices = #map}, {transform_indices = #map}, {transform_indices = #map}]} {
    %mul3A = arith.constant 3136 : i32
    %mul3A_0 = arith.muli %arg1, %mul3A : i32
    "tpu.region"() ({
      %run_scoped3A = tpu.sem_alloc : memref<!tpu.dma_semaphore, #tpu.memory_space<semaphore_mem>>
      %dma_start3A = tpu.memref_slice %arg2[%mul3A_0] : memref<50176xf32, #tpu.memory_space<hbm>> -> memref<3136xf32, #tpu.memory_space<hbm>>
      %dma_start3A_30 = tpu.memref_slice %arg2[%mul3A_0] : memref<50176xf32, #tpu.memory_space<hbm>> -> memref<3136xf32, #tpu.memory_space<hbm>>
      tpu.enqueue_dma source(%dma_start3A_30 : memref<3136xf32, #tpu.memory_space<hbm>>) target(%arg14 : memref<3136xf32, #tpu.memory_space<vmem>>) target_semaphore(%run_scoped3A : memref<!tpu.dma_semaphore, #tpu.memory_space<semaphore_mem>>)
      %dma_wait3A = tpu.memref_slice %arg2[%mul3A_0] : memref<50176xf32, #tpu.memory_space<hbm>> -> memref<3136xf32, #tpu.memory_space<hbm>>
      %dma_wait3A_31 = tpu.memref_slice %arg2[%mul3A_0] : memref<50176xf32, #tpu.memory_space<hbm>> -> memref<3136xf32, #tpu.memory_space<hbm>>
      tpu.wait_dma2 semaphore(%run_scoped3A : memref<!tpu.dma_semaphore, #tpu.memory_space<semaphore_mem>>) src(%dma_wait3A_31 : memref<3136xf32, #tpu.memory_space<hbm>>) dst(%arg14 : memref<3136xf32, #tpu.memory_space<vmem>>)
      tpu.yield
    }) : () -> ()
    "tpu.region"() ({
      %run_scoped3A = tpu.sem_alloc : memref<!tpu.dma_semaphore, #tpu.memory_space<semaphore_mem>>
      %dma_start3A = tpu.memref_slice %arg3[%mul3A_0] : memref<50176xf32, #tpu.memory_space<hbm>> -> memref<3136xf32, #tpu.memory_space<hbm>>
      %dma_start3A_30 = tpu.memref_slice %arg3[%mul3A_0] : memref<50176xf32, #tpu.memory_space<hbm>> -> memref<3136xf32, #tpu.memory_space<hbm>>
      tpu.enqueue_dma source(%dma_start3A_30 : memref<3136xf32, #tpu.memory_space<hbm>>) target(%arg15 : memref<3136xf32, #tpu.memory_space<vmem>>) target_semaphore(%run_scoped3A : memref<!tpu.dma_semaphore, #tpu.memory_space<semaphore_mem>>)
      %dma_wait3A = tpu.memref_slice %arg3[%mul3A_0] : memref<50176xf32, #tpu.memory_space<hbm>> -> memref<3136xf32, #tpu.memory_space<hbm>>
      %dma_wait3A_31 = tpu.memref_slice %arg3[%mul3A_0] : memref<50176xf32, #tpu.memory_space<hbm>> -> memref<3136xf32, #tpu.memory_space<hbm>>
      tpu.wait_dma2 semaphore(%run_scoped3A : memref<!tpu.dma_semaphore, #tpu.memory_space<semaphore_mem>>) src(%dma_wait3A_31 : memref<3136xf32, #tpu.memory_space<hbm>>) dst(%arg15 : memref<3136xf32, #tpu.memory_space<vmem>>)
      tpu.yield
    }) : () -> ()
    "tpu.region"() ({
      %run_scoped3A = tpu.sem_alloc : memref<!tpu.dma_semaphore, #tpu.memory_space<semaphore_mem>>
      %dma_start3A = tpu.memref_slice %arg4[%mul3A_0] : memref<50176xf32, #tpu.memory_space<hbm>> -> memref<3136xf32, #tpu.memory_space<hbm>>
      %dma_start3A_30 = tpu.memref_slice %arg4[%mul3A_0] : memref<50176xf32, #tpu.memory_space<hbm>> -> memref<3136xf32, #tpu.memory_space<hbm>>
      tpu.enqueue_dma source(%dma_start3A_30 : memref<3136xf32, #tpu.memory_space<hbm>>) target(%arg16 : memref<3136xf32, #tpu.memory_space<vmem>>) target_semaphore(%run_scoped3A : memref<!tpu.dma_semaphore, #tpu.memory_space<semaphore_mem>>)
      %dma_wait3A = tpu.memref_slice %arg4[%mul3A_0] : memref<50176xf32, #tpu.memory_space<hbm>> -> memref<3136xf32, #tpu.memory_space<hbm>>
      %dma_wait3A_31 = tpu.memref_slice %arg4[%mul3A_0] : memref<50176xf32, #tpu.memory_space<hbm>> -> memref<3136xf32, #tpu.memory_space<hbm>>
      tpu.wait_dma2 semaphore(%run_scoped3A : memref<!tpu.dma_semaphore, #tpu.memory_space<semaphore_mem>>) src(%dma_wait3A_31 : memref<3136xf32, #tpu.memory_space<hbm>>) dst(%arg16 : memref<3136xf32, #tpu.memory_space<vmem>>)
      tpu.yield
    }) : () -> ()
    %scan3A = arith.constant 0 : i32
    %scan3A_1 = arith.constant 196 : i32
    %scan3A_2 = arith.addi %scan3A, %scan3A_1 : i32
    %scan3A_3 = arith.constant 1 : i32
    scf.for %scan3A_30 = %scan3A to %scan3A_2 step %scan3A_3  : i32 {
      %mul3A_31 = arith.constant 1 : i32
      %mul3A_32 = arith.muli %scan3A_30, %mul3A_31 : i32
      %add3A_33 = arith.constant 0 : i32
      %add3A_34 = arith.addi %add3A_33, %mul3A_32 : i32
      %mul3A_35 = arith.constant 16 : i32
      %mul3A_36 = arith.muli %add3A_34, %mul3A_35 : i32
      %get3A = arith.index_cast %mul3A_36 : i32 to index
      %get3A_37 = tpu.vector_load %arg14[%get3A] {strides = array<i32>} : memref<3136xf32, #tpu.memory_space<vmem>>, vector<16xf32>,
      %get3A_38 = arith.index_cast %mul3A_36 : i32 to index
      %get3A_39 = tpu.vector_load %arg15[%get3A_38] {strides = array<i32>} : memref<3136xf32, #tpu.memory_space<vmem>>, vector<16xf32>,
      %add3A_40 = arith.addf %get3A_37, %get3A_39 : vector<16xf32>
      %add3A_41 = arith.constant 1.000000e+00 : f32
      %add3A_42 = vector.broadcast %add3A_41 : f32 to vector<16xf32>
      %add3A_43 = arith.addf %add3A_40, %add3A_42 : vector<16xf32>
      %bitcast3A = vector.bitcast %add3A_43 : vector<16xf32> to vector<16xi32>
      %broadcast_in_dim3A = arith.constant 1597463007 : i32
      %broadcast_in_dim3A_44 = vector.broadcast %broadcast_in_dim3A : i32 to vector<16xi32>
      %broadcast_in_dim3A_45 = arith.constant 1 : i32
      %broadcast_in_dim3A_46 = vector.broadcast %broadcast_in_dim3A_45 : i32 to vector<16xi32>
      %shift_right_logical3A = arith.shrui %bitcast3A, %broadcast_in_dim3A_46 : vector<16xi32>
      %sub3A = arith.subi %broadcast_in_dim3A_44, %shift_right_logical3A : vector<16xi32>
      %bitcast3A_47 = vector.bitcast %sub3A : vector<16xi32> to vector<16xf32>
      %mul3A_48 = arith.constant 5.000000e-01 : f32
      %mul3A_49 = vector.broadcast %mul3A_48 : f32 to vector<16xf32>
      %mul3A_50 = arith.mulf %mul3A_49, %add3A_43 : vector<16xf32>
      %mul3A_51 = arith.mulf %mul3A_50, %bitcast3A_47 : vector<16xf32>
      %mul3A_52 = arith.mulf %mul3A_51, %bitcast3A_47 : vector<16xf32>
      %sub3A_53 = arith.constant 1.500000e+00 : f32
      %sub3A_54 = vector.broadcast %sub3A_53 : f32 to vector<16xf32>
      %sub3A_55 = arith.subf %sub3A_54, %mul3A_52 : vector<16xf32>
      %mul3A_56 = arith.mulf %bitcast3A_47, %sub3A_55 : vector<16xf32>
      %mul3A_57 = arith.constant 5.000000e-01 : f32
      %mul3A_58 = vector.broadcast %mul3A_57 : f32 to vector<16xf32>
      %mul3A_59 = arith.mulf %mul3A_58, %add3A_43 : vector<16xf32>
      %mul3A_60 = arith.mulf %mul3A_59, %mul3A_56 : vector<16xf32>
      %mul3A_61 = arith.mulf %mul3A_60, %mul3A_56 : vector<16xf32>
      %sub3A_62 = arith.constant 1.500000e+00 : f32
      %sub3A_63 = vector.broadcast %sub3A_62 : f32 to vector<16xf32>
      %sub3A_64 = arith.subf %sub3A_63, %mul3A_61 : vector<16xf32>
      %mul3A_65 = arith.mulf %mul3A_56, %sub3A_64 : vector<16xf32>
      %mul3A_66 = arith.constant 5.000000e-01 : f32
      %mul3A_67 = vector.broadcast %mul3A_66 : f32 to vector<16xf32>
      %mul3A_68 = arith.mulf %mul3A_67, %add3A_43 : vector<16xf32>
      %mul3A_69 = arith.mulf %mul3A_68, %mul3A_65 : vector<16xf32>
      %mul3A_70 = arith.mulf %mul3A_69, %mul3A_65 : vector<16xf32>
      %sub3A_71 = arith.constant 1.500000e+00 : f32
      %sub3A_72 = vector.broadcast %sub3A_71 : f32 to vector<16xf32>
      %sub3A_73 = arith.subf %sub3A_72, %mul3A_70 : vector<16xf32>
      %mul3A_74 = arith.mulf %mul3A_65, %sub3A_73 : vector<16xf32>
      %swap3A = arith.index_cast %mul3A_36 : i32 to index
      %swap3A_75 = tpu.vector_load %arg18[%swap3A] {strides = array<i32>} : memref<3136xf32, #tpu.memory_space<vmem>>, vector<16xf32>,
      tpu.vector_store %arg18[%swap3A], %mul3A_74 {strides = array<i32>} : memref<3136xf32, #tpu.memory_space<vmem>>, vector<16xf32>,
      %get3A_76 = arith.index_cast %mul3A_36 : i32 to index
      %get3A_77 = tpu.vector_load %arg16[%get3A_76] {strides = array<i32>} : memref<3136xf32, #tpu.memory_space<vmem>>, vector<16xf32>,
      %mul3A_78 = arith.mulf %mul3A_74, %get3A_77 : vector<16xf32>
      %swap3A_79 = arith.index_cast %mul3A_36 : i32 to index
      %swap3A_80 = tpu.vector_load %arg17[%swap3A_79] {strides = array<i32>} : memref<3136xf32, #tpu.memory_space<vmem>>, vector<16xf32>,
      tpu.vector_store %arg17[%swap3A_79], %mul3A_78 {strides = array<i32>} : memref<3136xf32, #tpu.memory_space<vmem>>, vector<16xf32>,
    }
    %scan3A_4 = arith.constant 196 : i32
    "tpu.region"() ({
      %run_scoped3A = tpu.sem_alloc : memref<!tpu.dma_semaphore, #tpu.memory_space<semaphore_mem>>
      %dma_start3A = tpu.memref_slice %arg20[%mul3A_0] : memref<50176xf32, #tpu.memory_space<vmem_shared>> -> memref<3136xf32, #tpu.memory_space<vmem_shared>>
      %dma_start3A_30 = tpu.memref_slice %arg20[%mul3A_0] : memref<50176xf32, #tpu.memory_space<vmem_shared>> -> memref<3136xf32, #tpu.memory_space<vmem_shared>>
      tpu.enqueue_dma source(%arg17 : memref<3136xf32, #tpu.memory_space<vmem>>) target(%dma_start3A_30 : memref<3136xf32, #tpu.memory_space<vmem_shared>>) target_semaphore(%run_scoped3A : memref<!tpu.dma_semaphore, #tpu.memory_space<semaphore_mem>>)
      %dma_wait3A = tpu.memref_slice %arg20[%mul3A_0] : memref<50176xf32, #tpu.memory_space<vmem_shared>> -> memref<3136xf32, #tpu.memory_space<vmem_shared>>
      %dma_wait3A_31 = tpu.memref_slice %arg20[%mul3A_0] : memref<50176xf32, #tpu.memory_space<vmem_shared>> -> memref<3136xf32, #tpu.memory_space<vmem_shared>>
      tpu.wait_dma2 semaphore(%run_scoped3A : memref<!tpu.dma_semaphore, #tpu.memory_space<semaphore_mem>>) src(%arg17 : memref<3136xf32, #tpu.memory_space<vmem>>) dst(%dma_wait3A_31 : memref<3136xf32, #tpu.memory_space<vmem_shared>>)
      tpu.yield
    }) : () -> ()
    "tpu.region"() ({
      %run_scoped3A = tpu.sem_alloc : memref<!tpu.dma_semaphore, #tpu.memory_space<semaphore_mem>>
      tpu.enqueue_dma source(%arg7 : memref<3136xf32, #tpu.memory_space<hbm>>) target(%arg14 : memref<3136xf32, #tpu.memory_space<vmem>>) target_semaphore(%run_scoped3A : memref<!tpu.dma_semaphore, #tpu.memory_space<semaphore_mem>>)
      tpu.wait_dma2 semaphore(%run_scoped3A : memref<!tpu.dma_semaphore, #tpu.memory_space<semaphore_mem>>) src(%arg7 : memref<3136xf32, #tpu.memory_space<hbm>>) dst(%arg14 : memref<3136xf32, #tpu.memory_space<vmem>>)
      tpu.yield
    }) : () -> ()
    "tpu.region"() ({
      %run_scoped3A = tpu.sem_alloc : memref<!tpu.dma_semaphore, #tpu.memory_space<semaphore_mem>>
      %dma_start3A = tpu.memref_slice %arg19[%mul3A_0] : memref<50184xf32, #tpu.memory_space<vmem_shared>> -> memref<3136xf32, #tpu.memory_space<vmem_shared>>
      %dma_start3A_30 = tpu.memref_slice %arg19[%mul3A_0] : memref<50184xf32, #tpu.memory_space<vmem_shared>> -> memref<3136xf32, #tpu.memory_space<vmem_shared>>
      tpu.enqueue_dma source(%arg14 : memref<3136xf32, #tpu.memory_space<vmem>>) target(%dma_start3A_30 : memref<3136xf32, #tpu.memory_space<vmem_shared>>) target_semaphore(%run_scoped3A : memref<!tpu.dma_semaphore, #tpu.memory_space<semaphore_mem>>)
      %dma_wait3A = tpu.memref_slice %arg19[%mul3A_0] : memref<50184xf32, #tpu.memory_space<vmem_shared>> -> memref<3136xf32, #tpu.memory_space<vmem_shared>>
      %dma_wait3A_31 = tpu.memref_slice %arg19[%mul3A_0] : memref<50184xf32, #tpu.memory_space<vmem_shared>> -> memref<3136xf32, #tpu.memory_space<vmem_shared>>
      tpu.wait_dma2 semaphore(%run_scoped3A : memref<!tpu.dma_semaphore, #tpu.memory_space<semaphore_mem>>) src(%arg14 : memref<3136xf32, #tpu.memory_space<vmem>>) dst(%dma_wait3A_31 : memref<3136xf32, #tpu.memory_space<vmem_shared>>)
      tpu.yield
    }) : () -> ()
    %eq3A = arith.constant 0 : i32
    %eq3A_5 = arith.cmpi eq, %arg1, %eq3A : i32
    %convert_element_type3A = arith.extui %eq3A_5 : i1 to i32
    %cond3A = arith.constant 0 : i32
    %cond3A_6 = arith.cmpi ne, %convert_element_type3A, %cond3A : i32
    scf.if %cond3A_6 {
      "tpu.region"() ({
        %run_scoped3A = tpu.sem_alloc : memref<!tpu.dma_semaphore, #tpu.memory_space<semaphore_mem>>
        %dma_start3A = arith.constant 0 : i32
        %dma_start3A_30 = tpu.memref_slice %arg14[%dma_start3A] : memref<3136xf32, #tpu.memory_space<vmem>> -> memref<8xf32, #tpu.memory_space<vmem>>
        %dma_start3A_31 = arith.constant 50176 : i32
        %dma_start3A_32 = tpu.memref_slice %arg19[%dma_start3A_31] : memref<50184xf32, #tpu.memory_space<vmem_shared>> -> memref<8xf32, #tpu.memory_space<vmem_shared>>
        %dma_start3A_33 = arith.constant 50176 : i32
        %dma_start3A_34 = tpu.memref_slice %arg19[%dma_start3A_33] : memref<50184xf32, #tpu.memory_space<vmem_shared>> -> memref<8xf32, #tpu.memory_space<vmem_shared>>
        %dma_start3A_35 = arith.constant 0 : i32
        %dma_start3A_36 = tpu.memref_slice %arg14[%dma_start3A_35] : memref<3136xf32, #tpu.memory_space<vmem>> -> memref<8xf32, #tpu.memory_space<vmem>>
        tpu.enqueue_dma source(%dma_start3A_36 : memref<8xf32, #tpu.memory_space<vmem>>) target(%dma_start3A_34 : memref<8xf32, #tpu.memory_space<vmem_shared>>) target_semaphore(%run_scoped3A : memref<!tpu.dma_semaphore, #tpu.memory_space<semaphore_mem>>)
        %dma_wait3A = arith.constant 0 : i32
        %dma_wait3A_37 = tpu.memref_slice %arg14[%dma_wait3A] : memref<3136xf32, #tpu.memory_space<vmem>> -> memref<8xf32, #tpu.memory_space<vmem>>
        %dma_wait3A_38 = arith.constant 50176 : i32
        %dma_wait3A_39 = tpu.memref_slice %arg19[%dma_wait3A_38] : memref<50184xf32, #tpu.memory_space<vmem_shared>> -> memref<8xf32, #tpu.memory_space<vmem_shared>>
        %dma_wait3A_40 = arith.constant 50176 : i32
        %dma_wait3A_41 = tpu.memref_slice %arg19[%dma_wait3A_40] : memref<50184xf32, #tpu.memory_space<vmem_shared>> -> memref<8xf32, #tpu.memory_space<vmem_shared>>
        %dma_wait3A_42 = arith.constant 0 : i32
        %dma_wait3A_43 = tpu.memref_slice %arg14[%dma_wait3A_42] : memref<3136xf32, #tpu.memory_space<vmem>> -> memref<8xf32, #tpu.memory_space<vmem>>
        tpu.wait_dma2 semaphore(%run_scoped3A : memref<!tpu.dma_semaphore, #tpu.memory_space<semaphore_mem>>) src(%dma_wait3A_43 : memref<8xf32, #tpu.memory_space<vmem>>) dst(%dma_wait3A_41 : memref<8xf32, #tpu.memory_space<vmem_shared>>)
        tpu.yield
      }) : () -> ()
    } else {
    }
    %eq3A_7 = arith.constant 0 : i32
    %eq3A_8 = arith.cmpi eq, %arg0, %eq3A_7 : i32
    %convert_element_type3A_9 = arith.extui %eq3A_8 : i1 to i32
    %cond3A_10 = arith.constant 0 : i32
    %cond3A_11 = arith.cmpi ne, %convert_element_type3A_9, %cond3A_10 : i32
    scf.if %cond3A_11 {
      "tpu.region"() ({
        %run_scoped3A = tpu.sem_alloc : memref<!tpu.dma_semaphore, #tpu.memory_space<semaphore_mem>>
        %dma_start3A = tpu.memref_slice %arg10[%mul3A_0] : memref<50176xf32, #tpu.memory_space<hbm>> -> memref<3136xf32, #tpu.memory_space<hbm>>
        %dma_start3A_30 = tpu.memref_slice %arg10[%mul3A_0] : memref<50176xf32, #tpu.memory_space<hbm>> -> memref<3136xf32, #tpu.memory_space<hbm>>
        tpu.enqueue_dma source(%arg18 : memref<3136xf32, #tpu.memory_space<vmem>>) target(%dma_start3A_30 : memref<3136xf32, #tpu.memory_space<hbm>>) target_semaphore(%run_scoped3A : memref<!tpu.dma_semaphore, #tpu.memory_space<semaphore_mem>>)
        %dma_wait3A = tpu.memref_slice %arg10[%mul3A_0] : memref<50176xf32, #tpu.memory_space<hbm>> -> memref<3136xf32, #tpu.memory_space<hbm>>
        %dma_wait3A_31 = tpu.memref_slice %arg10[%mul3A_0] : memref<50176xf32, #tpu.memory_space<hbm>> -> memref<3136xf32, #tpu.memory_space<hbm>>
        tpu.wait_dma2 semaphore(%run_scoped3A : memref<!tpu.dma_semaphore, #tpu.memory_space<semaphore_mem>>) src(%arg18 : memref<3136xf32, #tpu.memory_space<vmem>>) dst(%dma_wait3A_31 : memref<3136xf32, #tpu.memory_space<hbm>>)
        tpu.yield
      }) : () -> ()
      "tpu.region"() ({
        %run_scoped3A = tpu.sem_alloc : memref<!tpu.dma_semaphore, #tpu.memory_space<semaphore_mem>>
        %dma_start3A = tpu.memref_slice %arg11[%mul3A_0] : memref<50176xf32, #tpu.memory_space<hbm>> -> memref<3136xf32, #tpu.memory_space<hbm>>
        %dma_start3A_30 = tpu.memref_slice %arg11[%mul3A_0] : memref<50176xf32, #tpu.memory_space<hbm>> -> memref<3136xf32, #tpu.memory_space<hbm>>
        tpu.enqueue_dma source(%arg17 : memref<3136xf32, #tpu.memory_space<vmem>>) target(%dma_start3A_30 : memref<3136xf32, #tpu.memory_space<hbm>>) target_semaphore(%run_scoped3A : memref<!tpu.dma_semaphore, #tpu.memory_space<semaphore_mem>>)
        %dma_wait3A = tpu.memref_slice %arg11[%mul3A_0] : memref<50176xf32, #tpu.memory_space<hbm>> -> memref<3136xf32, #tpu.memory_space<hbm>>
        %dma_wait3A_31 = tpu.memref_slice %arg11[%mul3A_0] : memref<50176xf32, #tpu.memory_space<hbm>> -> memref<3136xf32, #tpu.memory_space<hbm>>
        tpu.wait_dma2 semaphore(%run_scoped3A : memref<!tpu.dma_semaphore, #tpu.memory_space<semaphore_mem>>) src(%arg17 : memref<3136xf32, #tpu.memory_space<vmem>>) dst(%dma_wait3A_31 : memref<3136xf32, #tpu.memory_space<hbm>>)
        tpu.yield
      }) : () -> ()
    } else {
    }
    %barrier3A = arith.constant 0 : index
    tpu.barrier barrier_id(%barrier3A)
    %mul3A_12 = arith.constant 16 : i32
    %mul3A_13 = arith.muli %arg0, %mul3A_12 : i32
    %add3A = arith.addi %mul3A_13, %arg1 : i32
    %scan3A_14 = arith.constant 0 : i32
    %scan3A_15 = arith.constant 4 : i32
    %scan3A_16 = arith.addi %scan3A_14, %scan3A_15 : i32
    %scan3A_17 = arith.constant 1 : i32
    scf.for %scan3A_30 = %scan3A_14 to %scan3A_16 step %scan3A_17  : i32 {
      %mul3A_31 = arith.constant 1 : i32
      %mul3A_32 = arith.muli %scan3A_30, %mul3A_31 : i32
      %add3A_33 = arith.constant 0 : i32
      %add3A_34 = arith.addi %add3A_33, %mul3A_32 : i32
      %mul3A_35 = arith.constant 25088 : i32
      %mul3A_36 = arith.muli %add3A, %mul3A_35 : i32
      %mul3A_37 = arith.constant 6272 : i32
      %mul3A_38 = arith.muli %add3A_34, %mul3A_37 : i32
      %add3A_39 = arith.addi %mul3A_36, %mul3A_38 : i32
      "tpu.region"() ({
        %run_scoped3A = tpu.sem_alloc : memref<!tpu.dma_semaphore, #tpu.memory_space<semaphore_mem>>
        %dma_start3A = tpu.memref_slice %arg5[%add3A_39] : memref<802816xi32, #tpu.memory_space<hbm>> -> memref<6272xi32, #tpu.memory_space<hbm>>
        %dma_start3A_40 = tpu.memref_slice %arg5[%add3A_39] : memref<802816xi32, #tpu.memory_space<hbm>> -> memref<6272xi32, #tpu.memory_space<hbm>>
        tpu.enqueue_dma source(%dma_start3A_40 : memref<6272xi32, #tpu.memory_space<hbm>>) target(%arg12 : memref<6272xi32, #tpu.memory_space<vmem>>) target_semaphore(%run_scoped3A : memref<!tpu.dma_semaphore, #tpu.memory_space<semaphore_mem>>)
        %dma_wait3A = tpu.memref_slice %arg5[%add3A_39] : memref<802816xi32, #tpu.memory_space<hbm>> -> memref<6272xi32, #tpu.memory_space<hbm>>
        %dma_wait3A_41 = tpu.memref_slice %arg5[%add3A_39] : memref<802816xi32, #tpu.memory_space<hbm>> -> memref<6272xi32, #tpu.memory_space<hbm>>
        tpu.wait_dma2 semaphore(%run_scoped3A : memref<!tpu.dma_semaphore, #tpu.memory_space<semaphore_mem>>) src(%dma_wait3A_41 : memref<6272xi32, #tpu.memory_space<hbm>>) dst(%arg12 : memref<6272xi32, #tpu.memory_space<vmem>>)
        tpu.yield
      }) : () -> ()
      "tpu.region"() ({
        %run_scoped3A = tpu.sem_alloc : memref<!tpu.dma_semaphore, #tpu.memory_space<semaphore_mem>>
        %dma_start3A = arith.constant 0 : i32
        %dma_start3A_40 = tpu.memref_slice %arg20[%dma_start3A] : memref<50176xf32, #tpu.memory_space<vmem_shared>> -> memref<50176xf32, #tpu.memory_space<vmem_shared>>
        tpu.enqueue_indirect_dma source(%dma_start3A_40 : memref<50176xf32, #tpu.memory_space<vmem_shared>>) target(%arg13 : memref<6272xf32, #tpu.memory_space<vmem>>) offsets(%arg12 : memref<6272xi32, #tpu.memory_space<vmem>>) semaphore(%run_scoped3A : memref<!tpu.dma_semaphore, #tpu.memory_space<semaphore_mem>>)
        %dma_wait3A = arith.constant 0 : i32
        %dma_wait3A_41 = tpu.memref_slice %arg20[%dma_wait3A] : memref<50176xf32, #tpu.memory_space<vmem_shared>> -> memref<50176xf32, #tpu.memory_space<vmem_shared>>
        tpu.wait_indirect_dma semaphore(%run_scoped3A : memref<!tpu.dma_semaphore, #tpu.memory_space<semaphore_mem>>) src(%dma_wait3A_41 : memref<50176xf32, #tpu.memory_space<vmem_shared>>) dst(%arg13 : memref<6272xf32, #tpu.memory_space<vmem>>)
        tpu.yield
      }) : () -> ()
      "tpu.region"() ({
        %run_scoped3A = tpu.sem_alloc : memref<!tpu.dma_semaphore, #tpu.memory_space<semaphore_mem>>
        %dma_start3A = tpu.memref_slice %arg6[%add3A_39] : memref<802816xi32, #tpu.memory_space<hbm>> -> memref<6272xi32, #tpu.memory_space<hbm>>
        %dma_start3A_40 = tpu.memref_slice %arg6[%add3A_39] : memref<802816xi32, #tpu.memory_space<hbm>> -> memref<6272xi32, #tpu.memory_space<hbm>>
        tpu.enqueue_dma source(%dma_start3A_40 : memref<6272xi32, #tpu.memory_space<hbm>>) target(%arg12 : memref<6272xi32, #tpu.memory_space<vmem>>) target_semaphore(%run_scoped3A : memref<!tpu.dma_semaphore, #tpu.memory_space<semaphore_mem>>)
        %dma_wait3A = tpu.memref_slice %arg6[%add3A_39] : memref<802816xi32, #tpu.memory_space<hbm>> -> memref<6272xi32, #tpu.memory_space<hbm>>
        %dma_wait3A_41 = tpu.memref_slice %arg6[%add3A_39] : memref<802816xi32, #tpu.memory_space<hbm>> -> memref<6272xi32, #tpu.memory_space<hbm>>
        tpu.wait_dma2 semaphore(%run_scoped3A : memref<!tpu.dma_semaphore, #tpu.memory_space<semaphore_mem>>) src(%dma_wait3A_41 : memref<6272xi32, #tpu.memory_space<hbm>>) dst(%arg12 : memref<6272xi32, #tpu.memory_space<vmem>>)
        tpu.yield
      }) : () -> ()
      "tpu.region"() ({
        %run_scoped3A = tpu.sem_alloc : memref<!tpu.dma_semaphore, #tpu.memory_space<semaphore_mem>>
        %dma_start3A = arith.constant 0 : i32
        %dma_start3A_40 = tpu.memref_slice %arg19[%dma_start3A] : memref<50184xf32, #tpu.memory_space<vmem_shared>> -> memref<50184xf32, #tpu.memory_space<vmem_shared>>
        tpu.enqueue_indirect_dma source(%arg13 : memref<6272xf32, #tpu.memory_space<vmem>>) target(%dma_start3A_40 : memref<50184xf32, #tpu.memory_space<vmem_shared>>) offsets(%arg12 : memref<6272xi32, #tpu.memory_space<vmem>>) semaphore(%run_scoped3A : memref<!tpu.dma_semaphore, #tpu.memory_space<semaphore_mem>>) {add = true}
        %dma_wait3A = arith.constant 0 : i32
        %dma_wait3A_41 = tpu.memref_slice %arg19[%dma_wait3A] : memref<50184xf32, #tpu.memory_space<vmem_shared>> -> memref<50184xf32, #tpu.memory_space<vmem_shared>>
        tpu.wait_indirect_dma semaphore(%run_scoped3A : memref<!tpu.dma_semaphore, #tpu.memory_space<semaphore_mem>>) src(%arg13 : memref<6272xf32, #tpu.memory_space<vmem>>) dst(%dma_wait3A_41 : memref<50184xf32, #tpu.memory_space<vmem_shared>>)
        tpu.yield
      }) : () -> ()
    }
    %scan3A_18 = arith.constant 4 : i32
    %barrier3A_19 = arith.constant 0 : index
    tpu.barrier barrier_id(%barrier3A_19)
    "tpu.region"() ({
      %run_scoped3A = tpu.sem_alloc : memref<!tpu.dma_semaphore, #tpu.memory_space<semaphore_mem>>
      %dma_start3A = tpu.memref_slice %arg19[%mul3A_0] : memref<50184xf32, #tpu.memory_space<vmem_shared>> -> memref<3136xf32, #tpu.memory_space<vmem_shared>>
      %dma_start3A_30 = tpu.memref_slice %arg19[%mul3A_0] : memref<50184xf32, #tpu.memory_space<vmem_shared>> -> memref<3136xf32, #tpu.memory_space<vmem_shared>>
      tpu.enqueue_dma source(%dma_start3A_30 : memref<3136xf32, #tpu.memory_space<vmem_shared>>) target(%arg14 : memref<3136xf32, #tpu.memory_space<vmem>>) target_semaphore(%run_scoped3A : memref<!tpu.dma_semaphore, #tpu.memory_space<semaphore_mem>>)
      %dma_wait3A = tpu.memref_slice %arg19[%mul3A_0] : memref<50184xf32, #tpu.memory_space<vmem_shared>> -> memref<3136xf32, #tpu.memory_space<vmem_shared>>
      %dma_wait3A_31 = tpu.memref_slice %arg19[%mul3A_0] : memref<50184xf32, #tpu.memory_space<vmem_shared>> -> memref<3136xf32, #tpu.memory_space<vmem_shared>>
      tpu.wait_dma2 semaphore(%run_scoped3A : memref<!tpu.dma_semaphore, #tpu.memory_space<semaphore_mem>>) src(%dma_wait3A_31 : memref<3136xf32, #tpu.memory_space<vmem_shared>>) dst(%arg14 : memref<3136xf32, #tpu.memory_space<vmem>>)
      tpu.yield
    }) : () -> ()
    %eq3A_20 = arith.constant 0 : i32
    %eq3A_21 = arith.cmpi eq, %arg0, %eq3A_20 : i32
    %convert_element_type3A_22 = arith.extui %eq3A_21 : i1 to i32
    %cond3A_23 = arith.constant 0 : i32
    %cond3A_24 = arith.cmpi ne, %convert_element_type3A_22, %cond3A_23 : i32
    scf.if %cond3A_24 {
      "tpu.region"() ({
        %run_scoped3A = tpu.sem_alloc : memref<!tpu.dma_semaphore, #tpu.memory_space<semaphore_mem>>
        %dma_start3A = tpu.memref_slice %arg8[%mul3A_0] : memref<50176xf32, #tpu.memory_space<hbm>> -> memref<3136xf32, #tpu.memory_space<hbm>>
        %dma_start3A_30 = tpu.memref_slice %arg8[%mul3A_0] : memref<50176xf32, #tpu.memory_space<hbm>> -> memref<3136xf32, #tpu.memory_space<hbm>>
        tpu.enqueue_dma source(%arg14 : memref<3136xf32, #tpu.memory_space<vmem>>) target(%dma_start3A_30 : memref<3136xf32, #tpu.memory_space<hbm>>) target_semaphore(%run_scoped3A : memref<!tpu.dma_semaphore, #tpu.memory_space<semaphore_mem>>)
        %dma_wait3A = tpu.memref_slice %arg8[%mul3A_0] : memref<50176xf32, #tpu.memory_space<hbm>> -> memref<3136xf32, #tpu.memory_space<hbm>>
        %dma_wait3A_31 = tpu.memref_slice %arg8[%mul3A_0] : memref<50176xf32, #tpu.memory_space<hbm>> -> memref<3136xf32, #tpu.memory_space<hbm>>
        tpu.wait_dma2 semaphore(%run_scoped3A : memref<!tpu.dma_semaphore, #tpu.memory_space<semaphore_mem>>) src(%arg14 : memref<3136xf32, #tpu.memory_space<vmem>>) dst(%dma_wait3A_31 : memref<3136xf32, #tpu.memory_space<hbm>>)
        tpu.yield
      }) : () -> ()
    } else {
    }
    %eq3A_25 = arith.constant 1 : i32
    %eq3A_26 = arith.cmpi eq, %arg0, %eq3A_25 : i32
    %convert_element_type3A_27 = arith.extui %eq3A_26 : i1 to i32
    %cond3A_28 = arith.constant 0 : i32
    %cond3A_29 = arith.cmpi ne, %convert_element_type3A_27, %cond3A_28 : i32
    scf.if %cond3A_29 {
      "tpu.region"() ({
        %run_scoped3A = tpu.sem_alloc : memref<!tpu.dma_semaphore, #tpu.memory_space<semaphore_mem>>
        %dma_start3A = tpu.memref_slice %arg9[%mul3A_0] : memref<50176xf32, #tpu.memory_space<hbm>> -> memref<3136xf32, #tpu.memory_space<hbm>>
        %dma_start3A_30 = tpu.memref_slice %arg9[%mul3A_0] : memref<50176xf32, #tpu.memory_space<hbm>> -> memref<3136xf32, #tpu.memory_space<hbm>>
        tpu.enqueue_dma source(%arg14 : memref<3136xf32, #tpu.memory_space<vmem>>) target(%dma_start3A_30 : memref<3136xf32, #tpu.memory_space<hbm>>) target_semaphore(%run_scoped3A : memref<!tpu.dma_semaphore, #tpu.memory_space<semaphore_mem>>)
        %dma_wait3A = tpu.memref_slice %arg9[%mul3A_0] : memref<50176xf32, #tpu.memory_space<hbm>> -> memref<3136xf32, #tpu.memory_space<hbm>>
        %dma_wait3A_31 = tpu.memref_slice %arg9[%mul3A_0] : memref<50176xf32, #tpu.memory_space<hbm>> -> memref<3136xf32, #tpu.memory_space<hbm>>
        tpu.wait_dma2 semaphore(%run_scoped3A : memref<!tpu.dma_semaphore, #tpu.memory_space<semaphore_mem>>) src(%arg14 : memref<3136xf32, #tpu.memory_space<vmem>>) dst(%dma_wait3A_31 : memref<3136xf32, #tpu.memory_space<hbm>>)
        tpu.yield
      }) : () -> ()
    } else {
    }
    return
  }
}

#map = affine_map<(d0, d1) -> (0)>
module attributes {stable_mosaic.version = 14 : i64} {
  func.func @_pass3_kernel(%arg0: i32, %arg1: i32, %arg2: memref<50176xf32, #tpu.memory_space<hbm>>, %arg3: memref<50176xf32, #tpu.memory_space<hbm>>, %arg4: memref<50176xf32, #tpu.memory_space<hbm>>, %arg5: memref<50176xf32, #tpu.memory_space<hbm>>, %arg6: memref<50176xf32, #tpu.memory_space<hbm>>, %arg7: memref<50176xf32, #tpu.memory_space<hbm>>, %arg8: memref<50176xf32, #tpu.memory_space<hbm>>, %arg9: memref<64xf32, #tpu.memory_space<hbm>>, %arg10: memref<64xf32, #tpu.memory_space<hbm>>, %arg11: memref<64xf32, #tpu.memory_space<hbm>>, %arg12: memref<64xf32, #tpu.memory_space<hbm>>, %arg13: memref<802816xi32, #tpu.memory_space<hbm>>, %arg14: memref<802816xi32, #tpu.memory_space<hbm>>, %arg15: memref<3136xf32, #tpu.memory_space<hbm>>, %arg16: memref<50176xf32, #tpu.memory_space<hbm>>, %arg17: memref<50176xf32, #tpu.memory_space<hbm>>, %arg18: memref<50176xf32, #tpu.memory_space<hbm>>, %arg19: memref<6272xi32, #tpu.memory_space<vmem>>, %arg20: memref<6272xf32, #tpu.memory_space<vmem>>, %arg21: memref<3136xf32, #tpu.memory_space<vmem>>, %arg22: memref<3136xf32, #tpu.memory_space<vmem>>, %arg23: memref<3136xf32, #tpu.memory_space<vmem>>, %arg24: memref<3136xf32, #tpu.memory_space<vmem>>, %arg25: memref<3136xf32, #tpu.memory_space<vmem>>, %arg26: memref<3136xf32, #tpu.memory_space<vmem>>, %arg27: memref<3136xf32, #tpu.memory_space<vmem>>, %arg28: memref<64xf32, #tpu.memory_space<vmem>>, %arg29: memref<64xf32, #tpu.memory_space<vmem>>, %arg30: memref<64xf32, #tpu.memory_space<vmem>>, %arg31: memref<64xf32, #tpu.memory_space<vmem>>, %arg32: memref<50184xf32, #tpu.memory_space<vmem_shared>>, %arg33: memref<50176xf32, #tpu.memory_space<vmem_shared>>) attributes {dimension_semantics = [#tpu.dimension_semantics<core_parallel>, #tpu.dimension_semantics<subcore_parallel>], iteration_bounds = array<i64: 2, 16>, scalar_prefetch = 0 : i64, scratch_operands = 15 : i64, tpu.core_type = #tpu.core_type<sc_vector_subcore>, window_params = [{transform_indices = #map}, {transform_indices = #map}, {transform_indices = #map}, {transform_indices = #map}, {transform_indices = #map}, {transform_indices = #map}, {transform_indices = #map}, {transform_indices = #map}, {transform_indices = #map}, {transform_indices = #map}, {transform_indices = #map}, {transform_indices = #map}, {transform_indices = #map}, {transform_indices = #map}, {transform_indices = #map}, {transform_indices = #map}, {transform_indices = #map}]} {
    %mul3A = arith.constant 3136 : i32
    %mul3A_0 = arith.muli %arg1, %mul3A : i32
    "tpu.region"() ({
      %run_scoped3A = tpu.sem_alloc : memref<!tpu.dma_semaphore, #tpu.memory_space<semaphore_mem>>
      %dma_start3A = tpu.memref_slice %arg2[%mul3A_0] : memref<50176xf32, #tpu.memory_space<hbm>> -> memref<3136xf32, #tpu.memory_space<hbm>>
      %dma_start3A_571 = tpu.memref_slice %arg2[%mul3A_0] : memref<50176xf32, #tpu.memory_space<hbm>> -> memref<3136xf32, #tpu.memory_space<hbm>>
      tpu.enqueue_dma source(%dma_start3A_571 : memref<3136xf32, #tpu.memory_space<hbm>>) target(%arg21 : memref<3136xf32, #tpu.memory_space<vmem>>) target_semaphore(%run_scoped3A : memref<!tpu.dma_semaphore, #tpu.memory_space<semaphore_mem>>)
      %dma_wait3A = tpu.memref_slice %arg2[%mul3A_0] : memref<50176xf32, #tpu.memory_space<hbm>> -> memref<3136xf32, #tpu.memory_space<hbm>>
      %dma_wait3A_572 = tpu.memref_slice %arg2[%mul3A_0] : memref<50176xf32, #tpu.memory_space<hbm>> -> memref<3136xf32, #tpu.memory_space<hbm>>
      tpu.wait_dma2 semaphore(%run_scoped3A : memref<!tpu.dma_semaphore, #tpu.memory_space<semaphore_mem>>) src(%dma_wait3A_572 : memref<3136xf32, #tpu.memory_space<hbm>>) dst(%arg21 : memref<3136xf32, #tpu.memory_space<vmem>>)
      tpu.yield
    }) : () -> ()
    "tpu.region"() ({
      %run_scoped3A = tpu.sem_alloc : memref<!tpu.dma_semaphore, #tpu.memory_space<semaphore_mem>>
      %dma_start3A = tpu.memref_slice %arg3[%mul3A_0] : memref<50176xf32, #tpu.memory_space<hbm>> -> memref<3136xf32, #tpu.memory_space<hbm>>
      %dma_start3A_571 = tpu.memref_slice %arg3[%mul3A_0] : memref<50176xf32, #tpu.memory_space<hbm>> -> memref<3136xf32, #tpu.memory_space<hbm>>
      tpu.enqueue_dma source(%dma_start3A_571 : memref<3136xf32, #tpu.memory_space<hbm>>) target(%arg22 : memref<3136xf32, #tpu.memory_space<vmem>>) target_semaphore(%run_scoped3A : memref<!tpu.dma_semaphore, #tpu.memory_space<semaphore_mem>>)
      %dma_wait3A = tpu.memref_slice %arg3[%mul3A_0] : memref<50176xf32, #tpu.memory_space<hbm>> -> memref<3136xf32, #tpu.memory_space<hbm>>
      %dma_wait3A_572 = tpu.memref_slice %arg3[%mul3A_0] : memref<50176xf32, #tpu.memory_space<hbm>> -> memref<3136xf32, #tpu.memory_space<hbm>>
      tpu.wait_dma2 semaphore(%run_scoped3A : memref<!tpu.dma_semaphore, #tpu.memory_space<semaphore_mem>>) src(%dma_wait3A_572 : memref<3136xf32, #tpu.memory_space<hbm>>) dst(%arg22 : memref<3136xf32, #tpu.memory_space<vmem>>)
      tpu.yield
    }) : () -> ()
    "tpu.region"() ({
      %run_scoped3A = tpu.sem_alloc : memref<!tpu.dma_semaphore, #tpu.memory_space<semaphore_mem>>
      %dma_start3A = tpu.memref_slice %arg4[%mul3A_0] : memref<50176xf32, #tpu.memory_space<hbm>> -> memref<3136xf32, #tpu.memory_space<hbm>>
      %dma_start3A_571 = tpu.memref_slice %arg4[%mul3A_0] : memref<50176xf32, #tpu.memory_space<hbm>> -> memref<3136xf32, #tpu.memory_space<hbm>>
      tpu.enqueue_dma source(%dma_start3A_571 : memref<3136xf32, #tpu.memory_space<hbm>>) target(%arg23 : memref<3136xf32, #tpu.memory_space<vmem>>) target_semaphore(%run_scoped3A : memref<!tpu.dma_semaphore, #tpu.memory_space<semaphore_mem>>)
      %dma_wait3A = tpu.memref_slice %arg4[%mul3A_0] : memref<50176xf32, #tpu.memory_space<hbm>> -> memref<3136xf32, #tpu.memory_space<hbm>>
      %dma_wait3A_572 = tpu.memref_slice %arg4[%mul3A_0] : memref<50176xf32, #tpu.memory_space<hbm>> -> memref<3136xf32, #tpu.memory_space<hbm>>
      tpu.wait_dma2 semaphore(%run_scoped3A : memref<!tpu.dma_semaphore, #tpu.memory_space<semaphore_mem>>) src(%dma_wait3A_572 : memref<3136xf32, #tpu.memory_space<hbm>>) dst(%arg23 : memref<3136xf32, #tpu.memory_space<vmem>>)
      tpu.yield
    }) : () -> ()
    "tpu.region"() ({
      %run_scoped3A = tpu.sem_alloc : memref<!tpu.dma_semaphore, #tpu.memory_space<semaphore_mem>>
      %dma_start3A = tpu.memref_slice %arg5[%mul3A_0] : memref<50176xf32, #tpu.memory_space<hbm>> -> memref<3136xf32, #tpu.memory_space<hbm>>
      %dma_start3A_571 = tpu.memref_slice %arg5[%mul3A_0] : memref<50176xf32, #tpu.memory_space<hbm>> -> memref<3136xf32, #tpu.memory_space<hbm>>
      tpu.enqueue_dma source(%dma_start3A_571 : memref<3136xf32, #tpu.memory_space<hbm>>) target(%arg24 : memref<3136xf32, #tpu.memory_space<vmem>>) target_semaphore(%run_scoped3A : memref<!tpu.dma_semaphore, #tpu.memory_space<semaphore_mem>>)
      %dma_wait3A = tpu.memref_slice %arg5[%mul3A_0] : memref<50176xf32, #tpu.memory_space<hbm>> -> memref<3136xf32, #tpu.memory_space<hbm>>
      %dma_wait3A_572 = tpu.memref_slice %arg5[%mul3A_0] : memref<50176xf32, #tpu.memory_space<hbm>> -> memref<3136xf32, #tpu.memory_space<hbm>>
      tpu.wait_dma2 semaphore(%run_scoped3A : memref<!tpu.dma_semaphore, #tpu.memory_space<semaphore_mem>>) src(%dma_wait3A_572 : memref<3136xf32, #tpu.memory_space<hbm>>) dst(%arg24 : memref<3136xf32, #tpu.memory_space<vmem>>)
      tpu.yield
    }) : () -> ()
    "tpu.region"() ({
      %run_scoped3A = tpu.sem_alloc : memref<!tpu.dma_semaphore, #tpu.memory_space<semaphore_mem>>
      %dma_start3A = tpu.memref_slice %arg6[%mul3A_0] : memref<50176xf32, #tpu.memory_space<hbm>> -> memref<3136xf32, #tpu.memory_space<hbm>>
      %dma_start3A_571 = tpu.memref_slice %arg6[%mul3A_0] : memref<50176xf32, #tpu.memory_space<hbm>> -> memref<3136xf32, #tpu.memory_space<hbm>>
      tpu.enqueue_dma source(%dma_start3A_571 : memref<3136xf32, #tpu.memory_space<hbm>>) target(%arg25 : memref<3136xf32, #tpu.memory_space<vmem>>) target_semaphore(%run_scoped3A : memref<!tpu.dma_semaphore, #tpu.memory_space<semaphore_mem>>)
      %dma_wait3A = tpu.memref_slice %arg6[%mul3A_0] : memref<50176xf32, #tpu.memory_space<hbm>> -> memref<3136xf32, #tpu.memory_space<hbm>>
      %dma_wait3A_572 = tpu.memref_slice %arg6[%mul3A_0] : memref<50176xf32, #tpu.memory_space<hbm>> -> memref<3136xf32, #tpu.memory_space<hbm>>
      tpu.wait_dma2 semaphore(%run_scoped3A : memref<!tpu.dma_semaphore, #tpu.memory_space<semaphore_mem>>) src(%dma_wait3A_572 : memref<3136xf32, #tpu.memory_space<hbm>>) dst(%arg25 : memref<3136xf32, #tpu.memory_space<vmem>>)
      tpu.yield
    }) : () -> ()
    "tpu.region"() ({
      %run_scoped3A = tpu.sem_alloc : memref<!tpu.dma_semaphore, #tpu.memory_space<semaphore_mem>>
      %dma_start3A = tpu.memref_slice %arg7[%mul3A_0] : memref<50176xf32, #tpu.memory_space<hbm>> -> memref<3136xf32, #tpu.memory_space<hbm>>
      %dma_start3A_571 = tpu.memref_slice %arg7[%mul3A_0] : memref<50176xf32, #tpu.memory_space<hbm>> -> memref<3136xf32, #tpu.memory_space<hbm>>
      tpu.enqueue_dma source(%dma_start3A_571 : memref<3136xf32, #tpu.memory_space<hbm>>) target(%arg26 : memref<3136xf32, #tpu.memory_space<vmem>>) target_semaphore(%run_scoped3A : memref<!tpu.dma_semaphore, #tpu.memory_space<semaphore_mem>>)
      %dma_wait3A = tpu.memref_slice %arg7[%mul3A_0] : memref<50176xf32, #tpu.memory_space<hbm>> -> memref<3136xf32, #tpu.memory_space<hbm>>
      %dma_wait3A_572 = tpu.memref_slice %arg7[%mul3A_0] : memref<50176xf32, #tpu.memory_space<hbm>> -> memref<3136xf32, #tpu.memory_space<hbm>>
      tpu.wait_dma2 semaphore(%run_scoped3A : memref<!tpu.dma_semaphore, #tpu.memory_space<semaphore_mem>>) src(%dma_wait3A_572 : memref<3136xf32, #tpu.memory_space<hbm>>) dst(%arg26 : memref<3136xf32, #tpu.memory_space<vmem>>)
      tpu.yield
    }) : () -> ()
    "tpu.region"() ({
      %run_scoped3A = tpu.sem_alloc : memref<!tpu.dma_semaphore, #tpu.memory_space<semaphore_mem>>
      %dma_start3A = tpu.memref_slice %arg8[%mul3A_0] : memref<50176xf32, #tpu.memory_space<hbm>> -> memref<3136xf32, #tpu.memory_space<hbm>>
      %dma_start3A_571 = tpu.memref_slice %arg8[%mul3A_0] : memref<50176xf32, #tpu.memory_space<hbm>> -> memref<3136xf32, #tpu.memory_space<hbm>>
      tpu.enqueue_dma source(%dma_start3A_571 : memref<3136xf32, #tpu.memory_space<hbm>>) target(%arg27 : memref<3136xf32, #tpu.memory_space<vmem>>) target_semaphore(%run_scoped3A : memref<!tpu.dma_semaphore, #tpu.memory_space<semaphore_mem>>)
      %dma_wait3A = tpu.memref_slice %arg8[%mul3A_0] : memref<50176xf32, #tpu.memory_space<hbm>> -> memref<3136xf32, #tpu.memory_space<hbm>>
      %dma_wait3A_572 = tpu.memref_slice %arg8[%mul3A_0] : memref<50176xf32, #tpu.memory_space<hbm>> -> memref<3136xf32, #tpu.memory_space<hbm>>
      tpu.wait_dma2 semaphore(%run_scoped3A : memref<!tpu.dma_semaphore, #tpu.memory_space<semaphore_mem>>) src(%dma_wait3A_572 : memref<3136xf32, #tpu.memory_space<hbm>>) dst(%arg27 : memref<3136xf32, #tpu.memory_space<vmem>>)
      tpu.yield
    }) : () -> ()
    "tpu.region"() ({
      %run_scoped3A = tpu.sem_alloc : memref<!tpu.dma_semaphore, #tpu.memory_space<semaphore_mem>>
      tpu.enqueue_dma source(%arg9 : memref<64xf32, #tpu.memory_space<hbm>>) target(%arg28 : memref<64xf32, #tpu.memory_space<vmem>>) target_semaphore(%run_scoped3A : memref<!tpu.dma_semaphore, #tpu.memory_space<semaphore_mem>>)
      tpu.wait_dma2 semaphore(%run_scoped3A : memref<!tpu.dma_semaphore, #tpu.memory_space<semaphore_mem>>) src(%arg9 : memref<64xf32, #tpu.memory_space<hbm>>) dst(%arg28 : memref<64xf32, #tpu.memory_space<vmem>>)
      tpu.yield
    }) : () -> ()
    "tpu.region"() ({
      %run_scoped3A = tpu.sem_alloc : memref<!tpu.dma_semaphore, #tpu.memory_space<semaphore_mem>>
      tpu.enqueue_dma source(%arg10 : memref<64xf32, #tpu.memory_space<hbm>>) target(%arg29 : memref<64xf32, #tpu.memory_space<vmem>>) target_semaphore(%run_scoped3A : memref<!tpu.dma_semaphore, #tpu.memory_space<semaphore_mem>>)
      tpu.wait_dma2 semaphore(%run_scoped3A : memref<!tpu.dma_semaphore, #tpu.memory_space<semaphore_mem>>) src(%arg10 : memref<64xf32, #tpu.memory_space<hbm>>) dst(%arg29 : memref<64xf32, #tpu.memory_space<vmem>>)
      tpu.yield
    }) : () -> ()
    "tpu.region"() ({
      %run_scoped3A = tpu.sem_alloc : memref<!tpu.dma_semaphore, #tpu.memory_space<semaphore_mem>>
      tpu.enqueue_dma source(%arg11 : memref<64xf32, #tpu.memory_space<hbm>>) target(%arg30 : memref<64xf32, #tpu.memory_space<vmem>>) target_semaphore(%run_scoped3A : memref<!tpu.dma_semaphore, #tpu.memory_space<semaphore_mem>>)
      tpu.wait_dma2 semaphore(%run_scoped3A : memref<!tpu.dma_semaphore, #tpu.memory_space<semaphore_mem>>) src(%arg11 : memref<64xf32, #tpu.memory_space<hbm>>) dst(%arg30 : memref<64xf32, #tpu.memory_space<vmem>>)
      tpu.yield
    }) : () -> ()
    "tpu.region"() ({
      %run_scoped3A = tpu.sem_alloc : memref<!tpu.dma_semaphore, #tpu.memory_space<semaphore_mem>>
      tpu.enqueue_dma source(%arg12 : memref<64xf32, #tpu.memory_space<hbm>>) target(%arg31 : memref<64xf32, #tpu.memory_space<vmem>>) target_semaphore(%run_scoped3A : memref<!tpu.dma_semaphore, #tpu.memory_space<semaphore_mem>>)
      tpu.wait_dma2 semaphore(%run_scoped3A : memref<!tpu.dma_semaphore, #tpu.memory_space<semaphore_mem>>) src(%arg12 : memref<64xf32, #tpu.memory_space<hbm>>) dst(%arg31 : memref<64xf32, #tpu.memory_space<vmem>>)
      tpu.yield
    }) : () -> ()
    %get3A = arith.constant 0 : index
    %get3A_1 = tpu.vector_load %arg28[%get3A] {strides = array<i32>} : memref<64xf32, #tpu.memory_space<vmem>>, vector<16xf32>,
    %get3A_2 = arith.constant 16 : index
    %get3A_3 = tpu.vector_load %arg28[%get3A_2] {strides = array<i32>} : memref<64xf32, #tpu.memory_space<vmem>>, vector<16xf32>,
    %get3A_4 = arith.constant 32 : index
    %get3A_5 = tpu.vector_load %arg28[%get3A_4] {strides = array<i32>} : memref<64xf32, #tpu.memory_space<vmem>>, vector<16xf32>,
    %get3A_6 = arith.constant 48 : index
    %get3A_7 = tpu.vector_load %arg28[%get3A_6] {strides = array<i32>} : memref<64xf32, #tpu.memory_space<vmem>>, vector<16xf32>,
    %slice3A = vector.extract_strided_slice %get3A_1 {offsets = [0], sizes = [1], strides = [1]} : vector<16xf32> to vector<1xf32>
    %squeeze3A = vector.extract %slice3A[0] : f32 from vector<1xf32>
    %slice3A_8 = vector.extract_strided_slice %get3A_1 {offsets = [1], sizes = [1], strides = [1]} : vector<16xf32> to vector<1xf32>
    %squeeze3A_9 = vector.extract %slice3A_8[0] : f32 from vector<1xf32>
    %slice3A_10 = vector.extract_strided_slice %get3A_1 {offsets = [2], sizes = [1], strides = [1]} : vector<16xf32> to vector<1xf32>
    %squeeze3A_11 = vector.extract %slice3A_10[0] : f32 from vector<1xf32>
    %slice3A_12 = vector.extract_strided_slice %get3A_1 {offsets = [3], sizes = [1], strides = [1]} : vector<16xf32> to vector<1xf32>
    %squeeze3A_13 = vector.extract %slice3A_12[0] : f32 from vector<1xf32>
    %slice3A_14 = vector.extract_strided_slice %get3A_1 {offsets = [4], sizes = [1], strides = [1]} : vector<16xf32> to vector<1xf32>
    %squeeze3A_15 = vector.extract %slice3A_14[0] : f32 from vector<1xf32>
    %slice3A_16 = vector.extract_strided_slice %get3A_1 {offsets = [5], sizes = [1], strides = [1]} : vector<16xf32> to vector<1xf32>
    %squeeze3A_17 = vector.extract %slice3A_16[0] : f32 from vector<1xf32>
    %slice3A_18 = vector.extract_strided_slice %get3A_1 {offsets = [6], sizes = [1], strides = [1]} : vector<16xf32> to vector<1xf32>
    %squeeze3A_19 = vector.extract %slice3A_18[0] : f32 from vector<1xf32>
    %slice3A_20 = vector.extract_strided_slice %get3A_1 {offsets = [7], sizes = [1], strides = [1]} : vector<16xf32> to vector<1xf32>
    %squeeze3A_21 = vector.extract %slice3A_20[0] : f32 from vector<1xf32>
    %slice3A_22 = vector.extract_strided_slice %get3A_1 {offsets = [8], sizes = [1], strides = [1]} : vector<16xf32> to vector<1xf32>
    %squeeze3A_23 = vector.extract %slice3A_22[0] : f32 from vector<1xf32>
    %slice3A_24 = vector.extract_strided_slice %get3A_1 {offsets = [9], sizes = [1], strides = [1]} : vector<16xf32> to vector<1xf32>
    %squeeze3A_25 = vector.extract %slice3A_24[0] : f32 from vector<1xf32>
    %slice3A_26 = vector.extract_strided_slice %get3A_1 {offsets = [10], sizes = [1], strides = [1]} : vector<16xf32> to vector<1xf32>
    %squeeze3A_27 = vector.extract %slice3A_26[0] : f32 from vector<1xf32>
    %slice3A_28 = vector.extract_strided_slice %get3A_1 {offsets = [11], sizes = [1], strides = [1]} : vector<16xf32> to vector<1xf32>
    %squeeze3A_29 = vector.extract %slice3A_28[0] : f32 from vector<1xf32>
    %slice3A_30 = vector.extract_strided_slice %get3A_1 {offsets = [12], sizes = [1], strides = [1]} : vector<16xf32> to vector<1xf32>
    %squeeze3A_31 = vector.extract %slice3A_30[0] : f32 from vector<1xf32>
    %slice3A_32 = vector.extract_strided_slice %get3A_1 {offsets = [13], sizes = [1], strides = [1]} : vector<16xf32> to vector<1xf32>
    %squeeze3A_33 = vector.extract %slice3A_32[0] : f32 from vector<1xf32>
    %slice3A_34 = vector.extract_strided_slice %get3A_1 {offsets = [14], sizes = [1], strides = [1]} : vector<16xf32> to vector<1xf32>
    %squeeze3A_35 = vector.extract %slice3A_34[0] : f32 from vector<1xf32>
    %slice3A_36 = vector.extract_strided_slice %get3A_1 {offsets = [15], sizes = [1], strides = [1]} : vector<16xf32> to vector<1xf32>
    %squeeze3A_37 = vector.extract %slice3A_36[0] : f32 from vector<1xf32>
    %slice3A_38 = vector.extract_strided_slice %get3A_3 {offsets = [0], sizes = [1], strides = [1]} : vector<16xf32> to vector<1xf32>
    %squeeze3A_39 = vector.extract %slice3A_38[0] : f32 from vector<1xf32>
    %slice3A_40 = vector.extract_strided_slice %get3A_3 {offsets = [1], sizes = [1], strides = [1]} : vector<16xf32> to vector<1xf32>
    %squeeze3A_41 = vector.extract %slice3A_40[0] : f32 from vector<1xf32>
    %slice3A_42 = vector.extract_strided_slice %get3A_3 {offsets = [2], sizes = [1], strides = [1]} : vector<16xf32> to vector<1xf32>
    %squeeze3A_43 = vector.extract %slice3A_42[0] : f32 from vector<1xf32>
    %slice3A_44 = vector.extract_strided_slice %get3A_3 {offsets = [3], sizes = [1], strides = [1]} : vector<16xf32> to vector<1xf32>
    %squeeze3A_45 = vector.extract %slice3A_44[0] : f32 from vector<1xf32>
    %slice3A_46 = vector.extract_strided_slice %get3A_3 {offsets = [4], sizes = [1], strides = [1]} : vector<16xf32> to vector<1xf32>
    %squeeze3A_47 = vector.extract %slice3A_46[0] : f32 from vector<1xf32>
    %slice3A_48 = vector.extract_strided_slice %get3A_3 {offsets = [5], sizes = [1], strides = [1]} : vector<16xf32> to vector<1xf32>
    %squeeze3A_49 = vector.extract %slice3A_48[0] : f32 from vector<1xf32>
    %slice3A_50 = vector.extract_strided_slice %get3A_3 {offsets = [6], sizes = [1], strides = [1]} : vector<16xf32> to vector<1xf32>
    %squeeze3A_51 = vector.extract %slice3A_50[0] : f32 from vector<1xf32>
    %slice3A_52 = vector.extract_strided_slice %get3A_3 {offsets = [7], sizes = [1], strides = [1]} : vector<16xf32> to vector<1xf32>
    %squeeze3A_53 = vector.extract %slice3A_52[0] : f32 from vector<1xf32>
    %slice3A_54 = vector.extract_strided_slice %get3A_3 {offsets = [8], sizes = [1], strides = [1]} : vector<16xf32> to vector<1xf32>
    %squeeze3A_55 = vector.extract %slice3A_54[0] : f32 from vector<1xf32>
    %slice3A_56 = vector.extract_strided_slice %get3A_3 {offsets = [9], sizes = [1], strides = [1]} : vector<16xf32> to vector<1xf32>
    %squeeze3A_57 = vector.extract %slice3A_56[0] : f32 from vector<1xf32>
    %slice3A_58 = vector.extract_strided_slice %get3A_3 {offsets = [10], sizes = [1], strides = [1]} : vector<16xf32> to vector<1xf32>
    %squeeze3A_59 = vector.extract %slice3A_58[0] : f32 from vector<1xf32>
    %slice3A_60 = vector.extract_strided_slice %get3A_3 {offsets = [11], sizes = [1], strides = [1]} : vector<16xf32> to vector<1xf32>
    %squeeze3A_61 = vector.extract %slice3A_60[0] : f32 from vector<1xf32>
    %slice3A_62 = vector.extract_strided_slice %get3A_3 {offsets = [12], sizes = [1], strides = [1]} : vector<16xf32> to vector<1xf32>
    %squeeze3A_63 = vector.extract %slice3A_62[0] : f32 from vector<1xf32>
    %slice3A_64 = vector.extract_strided_slice %get3A_3 {offsets = [13], sizes = [1], strides = [1]} : vector<16xf32> to vector<1xf32>
    %squeeze3A_65 = vector.extract %slice3A_64[0] : f32 from vector<1xf32>
    %slice3A_66 = vector.extract_strided_slice %get3A_3 {offsets = [14], sizes = [1], strides = [1]} : vector<16xf32> to vector<1xf32>
    %squeeze3A_67 = vector.extract %slice3A_66[0] : f32 from vector<1xf32>
    %slice3A_68 = vector.extract_strided_slice %get3A_3 {offsets = [15], sizes = [1], strides = [1]} : vector<16xf32> to vector<1xf32>
    %squeeze3A_69 = vector.extract %slice3A_68[0] : f32 from vector<1xf32>
    %slice3A_70 = vector.extract_strided_slice %get3A_5 {offsets = [0], sizes = [1], strides = [1]} : vector<16xf32> to vector<1xf32>
    %squeeze3A_71 = vector.extract %slice3A_70[0] : f32 from vector<1xf32>
    %slice3A_72 = vector.extract_strided_slice %get3A_5 {offsets = [1], sizes = [1], strides = [1]} : vector<16xf32> to vector<1xf32>
    %squeeze3A_73 = vector.extract %slice3A_72[0] : f32 from vector<1xf32>
    %slice3A_74 = vector.extract_strided_slice %get3A_5 {offsets = [2], sizes = [1], strides = [1]} : vector<16xf32> to vector<1xf32>
    %squeeze3A_75 = vector.extract %slice3A_74[0] : f32 from vector<1xf32>
    %slice3A_76 = vector.extract_strided_slice %get3A_5 {offsets = [3], sizes = [1], strides = [1]} : vector<16xf32> to vector<1xf32>
    %squeeze3A_77 = vector.extract %slice3A_76[0] : f32 from vector<1xf32>
    %slice3A_78 = vector.extract_strided_slice %get3A_5 {offsets = [4], sizes = [1], strides = [1]} : vector<16xf32> to vector<1xf32>
    %squeeze3A_79 = vector.extract %slice3A_78[0] : f32 from vector<1xf32>
    %slice3A_80 = vector.extract_strided_slice %get3A_5 {offsets = [5], sizes = [1], strides = [1]} : vector<16xf32> to vector<1xf32>
    %squeeze3A_81 = vector.extract %slice3A_80[0] : f32 from vector<1xf32>
    %slice3A_82 = vector.extract_strided_slice %get3A_5 {offsets = [6], sizes = [1], strides = [1]} : vector<16xf32> to vector<1xf32>
    %squeeze3A_83 = vector.extract %slice3A_82[0] : f32 from vector<1xf32>
    %slice3A_84 = vector.extract_strided_slice %get3A_5 {offsets = [7], sizes = [1], strides = [1]} : vector<16xf32> to vector<1xf32>
    %squeeze3A_85 = vector.extract %slice3A_84[0] : f32 from vector<1xf32>
    %slice3A_86 = vector.extract_strided_slice %get3A_5 {offsets = [8], sizes = [1], strides = [1]} : vector<16xf32> to vector<1xf32>
    %squeeze3A_87 = vector.extract %slice3A_86[0] : f32 from vector<1xf32>
    %slice3A_88 = vector.extract_strided_slice %get3A_5 {offsets = [9], sizes = [1], strides = [1]} : vector<16xf32> to vector<1xf32>
    %squeeze3A_89 = vector.extract %slice3A_88[0] : f32 from vector<1xf32>
    %slice3A_90 = vector.extract_strided_slice %get3A_5 {offsets = [10], sizes = [1], strides = [1]} : vector<16xf32> to vector<1xf32>
    %squeeze3A_91 = vector.extract %slice3A_90[0] : f32 from vector<1xf32>
    %slice3A_92 = vector.extract_strided_slice %get3A_5 {offsets = [11], sizes = [1], strides = [1]} : vector<16xf32> to vector<1xf32>
    %squeeze3A_93 = vector.extract %slice3A_92[0] : f32 from vector<1xf32>
    %slice3A_94 = vector.extract_strided_slice %get3A_5 {offsets = [12], sizes = [1], strides = [1]} : vector<16xf32> to vector<1xf32>
    %squeeze3A_95 = vector.extract %slice3A_94[0] : f32 from vector<1xf32>
    %slice3A_96 = vector.extract_strided_slice %get3A_5 {offsets = [13], sizes = [1], strides = [1]} : vector<16xf32> to vector<1xf32>
    %squeeze3A_97 = vector.extract %slice3A_96[0] : f32 from vector<1xf32>
    %slice3A_98 = vector.extract_strided_slice %get3A_5 {offsets = [14], sizes = [1], strides = [1]} : vector<16xf32> to vector<1xf32>
    %squeeze3A_99 = vector.extract %slice3A_98[0] : f32 from vector<1xf32>
    %slice3A_100 = vector.extract_strided_slice %get3A_5 {offsets = [15], sizes = [1], strides = [1]} : vector<16xf32> to vector<1xf32>
    %squeeze3A_101 = vector.extract %slice3A_100[0] : f32 from vector<1xf32>
    %slice3A_102 = vector.extract_strided_slice %get3A_7 {offsets = [0], sizes = [1], strides = [1]} : vector<16xf32> to vector<1xf32>
    %squeeze3A_103 = vector.extract %slice3A_102[0] : f32 from vector<1xf32>
    %slice3A_104 = vector.extract_strided_slice %get3A_7 {offsets = [1], sizes = [1], strides = [1]} : vector<16xf32> to vector<1xf32>
    %squeeze3A_105 = vector.extract %slice3A_104[0] : f32 from vector<1xf32>
    %slice3A_106 = vector.extract_strided_slice %get3A_7 {offsets = [2], sizes = [1], strides = [1]} : vector<16xf32> to vector<1xf32>
    %squeeze3A_107 = vector.extract %slice3A_106[0] : f32 from vector<1xf32>
    %slice3A_108 = vector.extract_strided_slice %get3A_7 {offsets = [3], sizes = [1], strides = [1]} : vector<16xf32> to vector<1xf32>
    %squeeze3A_109 = vector.extract %slice3A_108[0] : f32 from vector<1xf32>
    %slice3A_110 = vector.extract_strided_slice %get3A_7 {offsets = [4], sizes = [1], strides = [1]} : vector<16xf32> to vector<1xf32>
    %squeeze3A_111 = vector.extract %slice3A_110[0] : f32 from vector<1xf32>
    %slice3A_112 = vector.extract_strided_slice %get3A_7 {offsets = [5], sizes = [1], strides = [1]} : vector<16xf32> to vector<1xf32>
    %squeeze3A_113 = vector.extract %slice3A_112[0] : f32 from vector<1xf32>
    %slice3A_114 = vector.extract_strided_slice %get3A_7 {offsets = [6], sizes = [1], strides = [1]} : vector<16xf32> to vector<1xf32>
    %squeeze3A_115 = vector.extract %slice3A_114[0] : f32 from vector<1xf32>
    %slice3A_116 = vector.extract_strided_slice %get3A_7 {offsets = [7], sizes = [1], strides = [1]} : vector<16xf32> to vector<1xf32>
    %squeeze3A_117 = vector.extract %slice3A_116[0] : f32 from vector<1xf32>
    %slice3A_118 = vector.extract_strided_slice %get3A_7 {offsets = [8], sizes = [1], strides = [1]} : vector<16xf32> to vector<1xf32>
    %squeeze3A_119 = vector.extract %slice3A_118[0] : f32 from vector<1xf32>
    %slice3A_120 = vector.extract_strided_slice %get3A_7 {offsets = [9], sizes = [1], strides = [1]} : vector<16xf32> to vector<1xf32>
    %squeeze3A_121 = vector.extract %slice3A_120[0] : f32 from vector<1xf32>
    %slice3A_122 = vector.extract_strided_slice %get3A_7 {offsets = [10], sizes = [1], strides = [1]} : vector<16xf32> to vector<1xf32>
    %squeeze3A_123 = vector.extract %slice3A_122[0] : f32 from vector<1xf32>
    %slice3A_124 = vector.extract_strided_slice %get3A_7 {offsets = [11], sizes = [1], strides = [1]} : vector<16xf32> to vector<1xf32>
    %squeeze3A_125 = vector.extract %slice3A_124[0] : f32 from vector<1xf32>
    %slice3A_126 = vector.extract_strided_slice %get3A_7 {offsets = [12], sizes = [1], strides = [1]} : vector<16xf32> to vector<1xf32>
    %squeeze3A_127 = vector.extract %slice3A_126[0] : f32 from vector<1xf32>
    %slice3A_128 = vector.extract_strided_slice %get3A_7 {offsets = [13], sizes = [1], strides = [1]} : vector<16xf32> to vector<1xf32>
    %squeeze3A_129 = vector.extract %slice3A_128[0] : f32 from vector<1xf32>
    %slice3A_130 = vector.extract_strided_slice %get3A_7 {offsets = [14], sizes = [1], strides = [1]} : vector<16xf32> to vector<1xf32>
    %squeeze3A_131 = vector.extract %slice3A_130[0] : f32 from vector<1xf32>
    %slice3A_132 = vector.extract_strided_slice %get3A_7 {offsets = [15], sizes = [1], strides = [1]} : vector<16xf32> to vector<1xf32>
    %squeeze3A_133 = vector.extract %slice3A_132[0] : f32 from vector<1xf32>
    %get3A_134 = arith.constant 0 : index
    %get3A_135 = tpu.vector_load %arg29[%get3A_134] {strides = array<i32>} : memref<64xf32, #tpu.memory_space<vmem>>, vector<16xf32>,
    %get3A_136 = arith.constant 16 : index
    %get3A_137 = tpu.vector_load %arg29[%get3A_136] {strides = array<i32>} : memref<64xf32, #tpu.memory_space<vmem>>, vector<16xf32>,
    %get3A_138 = arith.constant 32 : index
    %get3A_139 = tpu.vector_load %arg29[%get3A_138] {strides = array<i32>} : memref<64xf32, #tpu.memory_space<vmem>>, vector<16xf32>,
    %get3A_140 = arith.constant 48 : index
    %get3A_141 = tpu.vector_load %arg29[%get3A_140] {strides = array<i32>} : memref<64xf32, #tpu.memory_space<vmem>>, vector<16xf32>,
    %slice3A_142 = vector.extract_strided_slice %get3A_135 {offsets = [0], sizes = [1], strides = [1]} : vector<16xf32> to vector<1xf32>
    %squeeze3A_143 = vector.extract %slice3A_142[0] : f32 from vector<1xf32>
    %slice3A_144 = vector.extract_strided_slice %get3A_135 {offsets = [1], sizes = [1], strides = [1]} : vector<16xf32> to vector<1xf32>
    %squeeze3A_145 = vector.extract %slice3A_144[0] : f32 from vector<1xf32>
    %slice3A_146 = vector.extract_strided_slice %get3A_135 {offsets = [2], sizes = [1], strides = [1]} : vector<16xf32> to vector<1xf32>
    %squeeze3A_147 = vector.extract %slice3A_146[0] : f32 from vector<1xf32>
    %slice3A_148 = vector.extract_strided_slice %get3A_135 {offsets = [3], sizes = [1], strides = [1]} : vector<16xf32> to vector<1xf32>
    %squeeze3A_149 = vector.extract %slice3A_148[0] : f32 from vector<1xf32>
    %slice3A_150 = vector.extract_strided_slice %get3A_135 {offsets = [4], sizes = [1], strides = [1]} : vector<16xf32> to vector<1xf32>
    %squeeze3A_151 = vector.extract %slice3A_150[0] : f32 from vector<1xf32>
    %slice3A_152 = vector.extract_strided_slice %get3A_135 {offsets = [5], sizes = [1], strides = [1]} : vector<16xf32> to vector<1xf32>
    %squeeze3A_153 = vector.extract %slice3A_152[0] : f32 from vector<1xf32>
    %slice3A_154 = vector.extract_strided_slice %get3A_135 {offsets = [6], sizes = [1], strides = [1]} : vector<16xf32> to vector<1xf32>
    %squeeze3A_155 = vector.extract %slice3A_154[0] : f32 from vector<1xf32>
    %slice3A_156 = vector.extract_strided_slice %get3A_135 {offsets = [7], sizes = [1], strides = [1]} : vector<16xf32> to vector<1xf32>
    %squeeze3A_157 = vector.extract %slice3A_156[0] : f32 from vector<1xf32>
    %slice3A_158 = vector.extract_strided_slice %get3A_135 {offsets = [8], sizes = [1], strides = [1]} : vector<16xf32> to vector<1xf32>
    %squeeze3A_159 = vector.extract %slice3A_158[0] : f32 from vector<1xf32>
    %slice3A_160 = vector.extract_strided_slice %get3A_135 {offsets = [9], sizes = [1], strides = [1]} : vector<16xf32> to vector<1xf32>
    %squeeze3A_161 = vector.extract %slice3A_160[0] : f32 from vector<1xf32>
    %slice3A_162 = vector.extract_strided_slice %get3A_135 {offsets = [10], sizes = [1], strides = [1]} : vector<16xf32> to vector<1xf32>
    %squeeze3A_163 = vector.extract %slice3A_162[0] : f32 from vector<1xf32>
    %slice3A_164 = vector.extract_strided_slice %get3A_135 {offsets = [11], sizes = [1], strides = [1]} : vector<16xf32> to vector<1xf32>
    %squeeze3A_165 = vector.extract %slice3A_164[0] : f32 from vector<1xf32>
    %slice3A_166 = vector.extract_strided_slice %get3A_135 {offsets = [12], sizes = [1], strides = [1]} : vector<16xf32> to vector<1xf32>
    %squeeze3A_167 = vector.extract %slice3A_166[0] : f32 from vector<1xf32>
    %slice3A_168 = vector.extract_strided_slice %get3A_135 {offsets = [13], sizes = [1], strides = [1]} : vector<16xf32> to vector<1xf32>
    %squeeze3A_169 = vector.extract %slice3A_168[0] : f32 from vector<1xf32>
    %slice3A_170 = vector.extract_strided_slice %get3A_135 {offsets = [14], sizes = [1], strides = [1]} : vector<16xf32> to vector<1xf32>
    %squeeze3A_171 = vector.extract %slice3A_170[0] : f32 from vector<1xf32>
    %slice3A_172 = vector.extract_strided_slice %get3A_135 {offsets = [15], sizes = [1], strides = [1]} : vector<16xf32> to vector<1xf32>
    %squeeze3A_173 = vector.extract %slice3A_172[0] : f32 from vector<1xf32>
    %slice3A_174 = vector.extract_strided_slice %get3A_137 {offsets = [0], sizes = [1], strides = [1]} : vector<16xf32> to vector<1xf32>
    %squeeze3A_175 = vector.extract %slice3A_174[0] : f32 from vector<1xf32>
    %slice3A_176 = vector.extract_strided_slice %get3A_137 {offsets = [1], sizes = [1], strides = [1]} : vector<16xf32> to vector<1xf32>
    %squeeze3A_177 = vector.extract %slice3A_176[0] : f32 from vector<1xf32>
    %slice3A_178 = vector.extract_strided_slice %get3A_137 {offsets = [2], sizes = [1], strides = [1]} : vector<16xf32> to vector<1xf32>
    %squeeze3A_179 = vector.extract %slice3A_178[0] : f32 from vector<1xf32>
    %slice3A_180 = vector.extract_strided_slice %get3A_137 {offsets = [3], sizes = [1], strides = [1]} : vector<16xf32> to vector<1xf32>
    %squeeze3A_181 = vector.extract %slice3A_180[0] : f32 from vector<1xf32>
    %slice3A_182 = vector.extract_strided_slice %get3A_137 {offsets = [4], sizes = [1], strides = [1]} : vector<16xf32> to vector<1xf32>
    %squeeze3A_183 = vector.extract %slice3A_182[0] : f32 from vector<1xf32>
    %slice3A_184 = vector.extract_strided_slice %get3A_137 {offsets = [5], sizes = [1], strides = [1]} : vector<16xf32> to vector<1xf32>
    %squeeze3A_185 = vector.extract %slice3A_184[0] : f32 from vector<1xf32>
    %slice3A_186 = vector.extract_strided_slice %get3A_137 {offsets = [6], sizes = [1], strides = [1]} : vector<16xf32> to vector<1xf32>
    %squeeze3A_187 = vector.extract %slice3A_186[0] : f32 from vector<1xf32>
    %slice3A_188 = vector.extract_strided_slice %get3A_137 {offsets = [7], sizes = [1], strides = [1]} : vector<16xf32> to vector<1xf32>
    %squeeze3A_189 = vector.extract %slice3A_188[0] : f32 from vector<1xf32>
    %slice3A_190 = vector.extract_strided_slice %get3A_137 {offsets = [8], sizes = [1], strides = [1]} : vector<16xf32> to vector<1xf32>
    %squeeze3A_191 = vector.extract %slice3A_190[0] : f32 from vector<1xf32>
    %slice3A_192 = vector.extract_strided_slice %get3A_137 {offsets = [9], sizes = [1], strides = [1]} : vector<16xf32> to vector<1xf32>
    %squeeze3A_193 = vector.extract %slice3A_192[0] : f32 from vector<1xf32>
    %slice3A_194 = vector.extract_strided_slice %get3A_137 {offsets = [10], sizes = [1], strides = [1]} : vector<16xf32> to vector<1xf32>
    %squeeze3A_195 = vector.extract %slice3A_194[0] : f32 from vector<1xf32>
    %slice3A_196 = vector.extract_strided_slice %get3A_137 {offsets = [11], sizes = [1], strides = [1]} : vector<16xf32> to vector<1xf32>
    %squeeze3A_197 = vector.extract %slice3A_196[0] : f32 from vector<1xf32>
    %slice3A_198 = vector.extract_strided_slice %get3A_137 {offsets = [12], sizes = [1], strides = [1]} : vector<16xf32> to vector<1xf32>
    %squeeze3A_199 = vector.extract %slice3A_198[0] : f32 from vector<1xf32>
    %slice3A_200 = vector.extract_strided_slice %get3A_137 {offsets = [13], sizes = [1], strides = [1]} : vector<16xf32> to vector<1xf32>
    %squeeze3A_201 = vector.extract %slice3A_200[0] : f32 from vector<1xf32>
    %slice3A_202 = vector.extract_strided_slice %get3A_137 {offsets = [14], sizes = [1], strides = [1]} : vector<16xf32> to vector<1xf32>
    %squeeze3A_203 = vector.extract %slice3A_202[0] : f32 from vector<1xf32>
    %slice3A_204 = vector.extract_strided_slice %get3A_137 {offsets = [15], sizes = [1], strides = [1]} : vector<16xf32> to vector<1xf32>
    %squeeze3A_205 = vector.extract %slice3A_204[0] : f32 from vector<1xf32>
    %slice3A_206 = vector.extract_strided_slice %get3A_139 {offsets = [0], sizes = [1], strides = [1]} : vector<16xf32> to vector<1xf32>
    %squeeze3A_207 = vector.extract %slice3A_206[0] : f32 from vector<1xf32>
    %slice3A_208 = vector.extract_strided_slice %get3A_139 {offsets = [1], sizes = [1], strides = [1]} : vector<16xf32> to vector<1xf32>
    %squeeze3A_209 = vector.extract %slice3A_208[0] : f32 from vector<1xf32>
    %slice3A_210 = vector.extract_strided_slice %get3A_139 {offsets = [2], sizes = [1], strides = [1]} : vector<16xf32> to vector<1xf32>
    %squeeze3A_211 = vector.extract %slice3A_210[0] : f32 from vector<1xf32>
    %slice3A_212 = vector.extract_strided_slice %get3A_139 {offsets = [3], sizes = [1], strides = [1]} : vector<16xf32> to vector<1xf32>
    %squeeze3A_213 = vector.extract %slice3A_212[0] : f32 from vector<1xf32>
    %slice3A_214 = vector.extract_strided_slice %get3A_139 {offsets = [4], sizes = [1], strides = [1]} : vector<16xf32> to vector<1xf32>
    %squeeze3A_215 = vector.extract %slice3A_214[0] : f32 from vector<1xf32>
    %slice3A_216 = vector.extract_strided_slice %get3A_139 {offsets = [5], sizes = [1], strides = [1]} : vector<16xf32> to vector<1xf32>
    %squeeze3A_217 = vector.extract %slice3A_216[0] : f32 from vector<1xf32>
    %slice3A_218 = vector.extract_strided_slice %get3A_139 {offsets = [6], sizes = [1], strides = [1]} : vector<16xf32> to vector<1xf32>
    %squeeze3A_219 = vector.extract %slice3A_218[0] : f32 from vector<1xf32>
    %slice3A_220 = vector.extract_strided_slice %get3A_139 {offsets = [7], sizes = [1], strides = [1]} : vector<16xf32> to vector<1xf32>
    %squeeze3A_221 = vector.extract %slice3A_220[0] : f32 from vector<1xf32>
    %slice3A_222 = vector.extract_strided_slice %get3A_139 {offsets = [8], sizes = [1], strides = [1]} : vector<16xf32> to vector<1xf32>
    %squeeze3A_223 = vector.extract %slice3A_222[0] : f32 from vector<1xf32>
    %slice3A_224 = vector.extract_strided_slice %get3A_139 {offsets = [9], sizes = [1], strides = [1]} : vector<16xf32> to vector<1xf32>
    %squeeze3A_225 = vector.extract %slice3A_224[0] : f32 from vector<1xf32>
    %slice3A_226 = vector.extract_strided_slice %get3A_139 {offsets = [10], sizes = [1], strides = [1]} : vector<16xf32> to vector<1xf32>
    %squeeze3A_227 = vector.extract %slice3A_226[0] : f32 from vector<1xf32>
    %slice3A_228 = vector.extract_strided_slice %get3A_139 {offsets = [11], sizes = [1], strides = [1]} : vector<16xf32> to vector<1xf32>
    %squeeze3A_229 = vector.extract %slice3A_228[0] : f32 from vector<1xf32>
    %slice3A_230 = vector.extract_strided_slice %get3A_139 {offsets = [12], sizes = [1], strides = [1]} : vector<16xf32> to vector<1xf32>
    %squeeze3A_231 = vector.extract %slice3A_230[0] : f32 from vector<1xf32>
    %slice3A_232 = vector.extract_strided_slice %get3A_139 {offsets = [13], sizes = [1], strides = [1]} : vector<16xf32> to vector<1xf32>
    %squeeze3A_233 = vector.extract %slice3A_232[0] : f32 from vector<1xf32>
    %slice3A_234 = vector.extract_strided_slice %get3A_139 {offsets = [14], sizes = [1], strides = [1]} : vector<16xf32> to vector<1xf32>
    %squeeze3A_235 = vector.extract %slice3A_234[0] : f32 from vector<1xf32>
    %slice3A_236 = vector.extract_strided_slice %get3A_139 {offsets = [15], sizes = [1], strides = [1]} : vector<16xf32> to vector<1xf32>
    %squeeze3A_237 = vector.extract %slice3A_236[0] : f32 from vector<1xf32>
    %slice3A_238 = vector.extract_strided_slice %get3A_141 {offsets = [0], sizes = [1], strides = [1]} : vector<16xf32> to vector<1xf32>
    %squeeze3A_239 = vector.extract %slice3A_238[0] : f32 from vector<1xf32>
    %slice3A_240 = vector.extract_strided_slice %get3A_141 {offsets = [1], sizes = [1], strides = [1]} : vector<16xf32> to vector<1xf32>
    %squeeze3A_241 = vector.extract %slice3A_240[0] : f32 from vector<1xf32>
    %slice3A_242 = vector.extract_strided_slice %get3A_141 {offsets = [2], sizes = [1], strides = [1]} : vector<16xf32> to vector<1xf32>
    %squeeze3A_243 = vector.extract %slice3A_242[0] : f32 from vector<1xf32>
    %slice3A_244 = vector.extract_strided_slice %get3A_141 {offsets = [3], sizes = [1], strides = [1]} : vector<16xf32> to vector<1xf32>
    %squeeze3A_245 = vector.extract %slice3A_244[0] : f32 from vector<1xf32>
    %slice3A_246 = vector.extract_strided_slice %get3A_141 {offsets = [4], sizes = [1], strides = [1]} : vector<16xf32> to vector<1xf32>
    %squeeze3A_247 = vector.extract %slice3A_246[0] : f32 from vector<1xf32>
    %slice3A_248 = vector.extract_strided_slice %get3A_141 {offsets = [5], sizes = [1], strides = [1]} : vector<16xf32> to vector<1xf32>
    %squeeze3A_249 = vector.extract %slice3A_248[0] : f32 from vector<1xf32>
    %slice3A_250 = vector.extract_strided_slice %get3A_141 {offsets = [6], sizes = [1], strides = [1]} : vector<16xf32> to vector<1xf32>
    %squeeze3A_251 = vector.extract %slice3A_250[0] : f32 from vector<1xf32>
    %slice3A_252 = vector.extract_strided_slice %get3A_141 {offsets = [7], sizes = [1], strides = [1]} : vector<16xf32> to vector<1xf32>
    %squeeze3A_253 = vector.extract %slice3A_252[0] : f32 from vector<1xf32>
    %slice3A_254 = vector.extract_strided_slice %get3A_141 {offsets = [8], sizes = [1], strides = [1]} : vector<16xf32> to vector<1xf32>
    %squeeze3A_255 = vector.extract %slice3A_254[0] : f32 from vector<1xf32>
    %slice3A_256 = vector.extract_strided_slice %get3A_141 {offsets = [9], sizes = [1], strides = [1]} : vector<16xf32> to vector<1xf32>
    %squeeze3A_257 = vector.extract %slice3A_256[0] : f32 from vector<1xf32>
    %slice3A_258 = vector.extract_strided_slice %get3A_141 {offsets = [10], sizes = [1], strides = [1]} : vector<16xf32> to vector<1xf32>
    %squeeze3A_259 = vector.extract %slice3A_258[0] : f32 from vector<1xf32>
    %slice3A_260 = vector.extract_strided_slice %get3A_141 {offsets = [11], sizes = [1], strides = [1]} : vector<16xf32> to vector<1xf32>
    %squeeze3A_261 = vector.extract %slice3A_260[0] : f32 from vector<1xf32>
    %slice3A_262 = vector.extract_strided_slice %get3A_141 {offsets = [12], sizes = [1], strides = [1]} : vector<16xf32> to vector<1xf32>
    %squeeze3A_263 = vector.extract %slice3A_262[0] : f32 from vector<1xf32>
    %slice3A_264 = vector.extract_strided_slice %get3A_141 {offsets = [13], sizes = [1], strides = [1]} : vector<16xf32> to vector<1xf32>
    %squeeze3A_265 = vector.extract %slice3A_264[0] : f32 from vector<1xf32>
    %slice3A_266 = vector.extract_strided_slice %get3A_141 {offsets = [14], sizes = [1], strides = [1]} : vector<16xf32> to vector<1xf32>
    %squeeze3A_267 = vector.extract %slice3A_266[0] : f32 from vector<1xf32>
    %slice3A_268 = vector.extract_strided_slice %get3A_141 {offsets = [15], sizes = [1], strides = [1]} : vector<16xf32> to vector<1xf32>
    %squeeze3A_269 = vector.extract %slice3A_268[0] : f32 from vector<1xf32>
    %get3A_270 = arith.constant 0 : index
    %get3A_271 = tpu.vector_load %arg30[%get3A_270] {strides = array<i32>} : memref<64xf32, #tpu.memory_space<vmem>>, vector<16xf32>,
    %get3A_272 = arith.constant 16 : index
    %get3A_273 = tpu.vector_load %arg30[%get3A_272] {strides = array<i32>} : memref<64xf32, #tpu.memory_space<vmem>>, vector<16xf32>,
    %get3A_274 = arith.constant 32 : index
    %get3A_275 = tpu.vector_load %arg30[%get3A_274] {strides = array<i32>} : memref<64xf32, #tpu.memory_space<vmem>>, vector<16xf32>,
    %get3A_276 = arith.constant 48 : index
    %get3A_277 = tpu.vector_load %arg30[%get3A_276] {strides = array<i32>} : memref<64xf32, #tpu.memory_space<vmem>>, vector<16xf32>,
    %slice3A_278 = vector.extract_strided_slice %get3A_271 {offsets = [0], sizes = [1], strides = [1]} : vector<16xf32> to vector<1xf32>
    %squeeze3A_279 = vector.extract %slice3A_278[0] : f32 from vector<1xf32>
    %slice3A_280 = vector.extract_strided_slice %get3A_271 {offsets = [1], sizes = [1], strides = [1]} : vector<16xf32> to vector<1xf32>
    %squeeze3A_281 = vector.extract %slice3A_280[0] : f32 from vector<1xf32>
    %slice3A_282 = vector.extract_strided_slice %get3A_271 {offsets = [2], sizes = [1], strides = [1]} : vector<16xf32> to vector<1xf32>
    %squeeze3A_283 = vector.extract %slice3A_282[0] : f32 from vector<1xf32>
    %slice3A_284 = vector.extract_strided_slice %get3A_271 {offsets = [3], sizes = [1], strides = [1]} : vector<16xf32> to vector<1xf32>
    %squeeze3A_285 = vector.extract %slice3A_284[0] : f32 from vector<1xf32>
    %slice3A_286 = vector.extract_strided_slice %get3A_271 {offsets = [4], sizes = [1], strides = [1]} : vector<16xf32> to vector<1xf32>
    %squeeze3A_287 = vector.extract %slice3A_286[0] : f32 from vector<1xf32>
    %slice3A_288 = vector.extract_strided_slice %get3A_271 {offsets = [5], sizes = [1], strides = [1]} : vector<16xf32> to vector<1xf32>
    %squeeze3A_289 = vector.extract %slice3A_288[0] : f32 from vector<1xf32>
    %slice3A_290 = vector.extract_strided_slice %get3A_271 {offsets = [6], sizes = [1], strides = [1]} : vector<16xf32> to vector<1xf32>
    %squeeze3A_291 = vector.extract %slice3A_290[0] : f32 from vector<1xf32>
    %slice3A_292 = vector.extract_strided_slice %get3A_271 {offsets = [7], sizes = [1], strides = [1]} : vector<16xf32> to vector<1xf32>
    %squeeze3A_293 = vector.extract %slice3A_292[0] : f32 from vector<1xf32>
    %slice3A_294 = vector.extract_strided_slice %get3A_271 {offsets = [8], sizes = [1], strides = [1]} : vector<16xf32> to vector<1xf32>
    %squeeze3A_295 = vector.extract %slice3A_294[0] : f32 from vector<1xf32>
    %slice3A_296 = vector.extract_strided_slice %get3A_271 {offsets = [9], sizes = [1], strides = [1]} : vector<16xf32> to vector<1xf32>
    %squeeze3A_297 = vector.extract %slice3A_296[0] : f32 from vector<1xf32>
    %slice3A_298 = vector.extract_strided_slice %get3A_271 {offsets = [10], sizes = [1], strides = [1]} : vector<16xf32> to vector<1xf32>
    %squeeze3A_299 = vector.extract %slice3A_298[0] : f32 from vector<1xf32>
    %slice3A_300 = vector.extract_strided_slice %get3A_271 {offsets = [11], sizes = [1], strides = [1]} : vector<16xf32> to vector<1xf32>
    %squeeze3A_301 = vector.extract %slice3A_300[0] : f32 from vector<1xf32>
    %slice3A_302 = vector.extract_strided_slice %get3A_271 {offsets = [12], sizes = [1], strides = [1]} : vector<16xf32> to vector<1xf32>
    %squeeze3A_303 = vector.extract %slice3A_302[0] : f32 from vector<1xf32>
    %slice3A_304 = vector.extract_strided_slice %get3A_271 {offsets = [13], sizes = [1], strides = [1]} : vector<16xf32> to vector<1xf32>
    %squeeze3A_305 = vector.extract %slice3A_304[0] : f32 from vector<1xf32>
    %slice3A_306 = vector.extract_strided_slice %get3A_271 {offsets = [14], sizes = [1], strides = [1]} : vector<16xf32> to vector<1xf32>
    %squeeze3A_307 = vector.extract %slice3A_306[0] : f32 from vector<1xf32>
    %slice3A_308 = vector.extract_strided_slice %get3A_271 {offsets = [15], sizes = [1], strides = [1]} : vector<16xf32> to vector<1xf32>
    %squeeze3A_309 = vector.extract %slice3A_308[0] : f32 from vector<1xf32>
    %slice3A_310 = vector.extract_strided_slice %get3A_273 {offsets = [0], sizes = [1], strides = [1]} : vector<16xf32> to vector<1xf32>
    %squeeze3A_311 = vector.extract %slice3A_310[0] : f32 from vector<1xf32>
    %slice3A_312 = vector.extract_strided_slice %get3A_273 {offsets = [1], sizes = [1], strides = [1]} : vector<16xf32> to vector<1xf32>
    %squeeze3A_313 = vector.extract %slice3A_312[0] : f32 from vector<1xf32>
    %slice3A_314 = vector.extract_strided_slice %get3A_273 {offsets = [2], sizes = [1], strides = [1]} : vector<16xf32> to vector<1xf32>
    %squeeze3A_315 = vector.extract %slice3A_314[0] : f32 from vector<1xf32>
    %slice3A_316 = vector.extract_strided_slice %get3A_273 {offsets = [3], sizes = [1], strides = [1]} : vector<16xf32> to vector<1xf32>
    %squeeze3A_317 = vector.extract %slice3A_316[0] : f32 from vector<1xf32>
    %slice3A_318 = vector.extract_strided_slice %get3A_273 {offsets = [4], sizes = [1], strides = [1]} : vector<16xf32> to vector<1xf32>
    %squeeze3A_319 = vector.extract %slice3A_318[0] : f32 from vector<1xf32>
    %slice3A_320 = vector.extract_strided_slice %get3A_273 {offsets = [5], sizes = [1], strides = [1]} : vector<16xf32> to vector<1xf32>
    %squeeze3A_321 = vector.extract %slice3A_320[0] : f32 from vector<1xf32>
    %slice3A_322 = vector.extract_strided_slice %get3A_273 {offsets = [6], sizes = [1], strides = [1]} : vector<16xf32> to vector<1xf32>
    %squeeze3A_323 = vector.extract %slice3A_322[0] : f32 from vector<1xf32>
    %slice3A_324 = vector.extract_strided_slice %get3A_273 {offsets = [7], sizes = [1], strides = [1]} : vector<16xf32> to vector<1xf32>
    %squeeze3A_325 = vector.extract %slice3A_324[0] : f32 from vector<1xf32>
    %slice3A_326 = vector.extract_strided_slice %get3A_273 {offsets = [8], sizes = [1], strides = [1]} : vector<16xf32> to vector<1xf32>
    %squeeze3A_327 = vector.extract %slice3A_326[0] : f32 from vector<1xf32>
    %slice3A_328 = vector.extract_strided_slice %get3A_273 {offsets = [9], sizes = [1], strides = [1]} : vector<16xf32> to vector<1xf32>
    %squeeze3A_329 = vector.extract %slice3A_328[0] : f32 from vector<1xf32>
    %slice3A_330 = vector.extract_strided_slice %get3A_273 {offsets = [10], sizes = [1], strides = [1]} : vector<16xf32> to vector<1xf32>
    %squeeze3A_331 = vector.extract %slice3A_330[0] : f32 from vector<1xf32>
    %slice3A_332 = vector.extract_strided_slice %get3A_273 {offsets = [11], sizes = [1], strides = [1]} : vector<16xf32> to vector<1xf32>
    %squeeze3A_333 = vector.extract %slice3A_332[0] : f32 from vector<1xf32>
    %slice3A_334 = vector.extract_strided_slice %get3A_273 {offsets = [12], sizes = [1], strides = [1]} : vector<16xf32> to vector<1xf32>
    %squeeze3A_335 = vector.extract %slice3A_334[0] : f32 from vector<1xf32>
    %slice3A_336 = vector.extract_strided_slice %get3A_273 {offsets = [13], sizes = [1], strides = [1]} : vector<16xf32> to vector<1xf32>
    %squeeze3A_337 = vector.extract %slice3A_336[0] : f32 from vector<1xf32>
    %slice3A_338 = vector.extract_strided_slice %get3A_273 {offsets = [14], sizes = [1], strides = [1]} : vector<16xf32> to vector<1xf32>
    %squeeze3A_339 = vector.extract %slice3A_338[0] : f32 from vector<1xf32>
    %slice3A_340 = vector.extract_strided_slice %get3A_273 {offsets = [15], sizes = [1], strides = [1]} : vector<16xf32> to vector<1xf32>
    %squeeze3A_341 = vector.extract %slice3A_340[0] : f32 from vector<1xf32>
    %slice3A_342 = vector.extract_strided_slice %get3A_275 {offsets = [0], sizes = [1], strides = [1]} : vector<16xf32> to vector<1xf32>
    %squeeze3A_343 = vector.extract %slice3A_342[0] : f32 from vector<1xf32>
    %slice3A_344 = vector.extract_strided_slice %get3A_275 {offsets = [1], sizes = [1], strides = [1]} : vector<16xf32> to vector<1xf32>
    %squeeze3A_345 = vector.extract %slice3A_344[0] : f32 from vector<1xf32>
    %slice3A_346 = vector.extract_strided_slice %get3A_275 {offsets = [2], sizes = [1], strides = [1]} : vector<16xf32> to vector<1xf32>
    %squeeze3A_347 = vector.extract %slice3A_346[0] : f32 from vector<1xf32>
    %slice3A_348 = vector.extract_strided_slice %get3A_275 {offsets = [3], sizes = [1], strides = [1]} : vector<16xf32> to vector<1xf32>
    %squeeze3A_349 = vector.extract %slice3A_348[0] : f32 from vector<1xf32>
    %slice3A_350 = vector.extract_strided_slice %get3A_275 {offsets = [4], sizes = [1], strides = [1]} : vector<16xf32> to vector<1xf32>
    %squeeze3A_351 = vector.extract %slice3A_350[0] : f32 from vector<1xf32>
    %slice3A_352 = vector.extract_strided_slice %get3A_275 {offsets = [5], sizes = [1], strides = [1]} : vector<16xf32> to vector<1xf32>
    %squeeze3A_353 = vector.extract %slice3A_352[0] : f32 from vector<1xf32>
    %slice3A_354 = vector.extract_strided_slice %get3A_275 {offsets = [6], sizes = [1], strides = [1]} : vector<16xf32> to vector<1xf32>
    %squeeze3A_355 = vector.extract %slice3A_354[0] : f32 from vector<1xf32>
    %slice3A_356 = vector.extract_strided_slice %get3A_275 {offsets = [7], sizes = [1], strides = [1]} : vector<16xf32> to vector<1xf32>
    %squeeze3A_357 = vector.extract %slice3A_356[0] : f32 from vector<1xf32>
    %slice3A_358 = vector.extract_strided_slice %get3A_275 {offsets = [8], sizes = [1], strides = [1]} : vector<16xf32> to vector<1xf32>
    %squeeze3A_359 = vector.extract %slice3A_358[0] : f32 from vector<1xf32>
    %slice3A_360 = vector.extract_strided_slice %get3A_275 {offsets = [9], sizes = [1], strides = [1]} : vector<16xf32> to vector<1xf32>
    %squeeze3A_361 = vector.extract %slice3A_360[0] : f32 from vector<1xf32>
    %slice3A_362 = vector.extract_strided_slice %get3A_275 {offsets = [10], sizes = [1], strides = [1]} : vector<16xf32> to vector<1xf32>
    %squeeze3A_363 = vector.extract %slice3A_362[0] : f32 from vector<1xf32>
    %slice3A_364 = vector.extract_strided_slice %get3A_275 {offsets = [11], sizes = [1], strides = [1]} : vector<16xf32> to vector<1xf32>
    %squeeze3A_365 = vector.extract %slice3A_364[0] : f32 from vector<1xf32>
    %slice3A_366 = vector.extract_strided_slice %get3A_275 {offsets = [12], sizes = [1], strides = [1]} : vector<16xf32> to vector<1xf32>
    %squeeze3A_367 = vector.extract %slice3A_366[0] : f32 from vector<1xf32>
    %slice3A_368 = vector.extract_strided_slice %get3A_275 {offsets = [13], sizes = [1], strides = [1]} : vector<16xf32> to vector<1xf32>
    %squeeze3A_369 = vector.extract %slice3A_368[0] : f32 from vector<1xf32>
    %slice3A_370 = vector.extract_strided_slice %get3A_275 {offsets = [14], sizes = [1], strides = [1]} : vector<16xf32> to vector<1xf32>
    %squeeze3A_371 = vector.extract %slice3A_370[0] : f32 from vector<1xf32>
    %slice3A_372 = vector.extract_strided_slice %get3A_275 {offsets = [15], sizes = [1], strides = [1]} : vector<16xf32> to vector<1xf32>
    %squeeze3A_373 = vector.extract %slice3A_372[0] : f32 from vector<1xf32>
    %slice3A_374 = vector.extract_strided_slice %get3A_277 {offsets = [0], sizes = [1], strides = [1]} : vector<16xf32> to vector<1xf32>
    %squeeze3A_375 = vector.extract %slice3A_374[0] : f32 from vector<1xf32>
    %slice3A_376 = vector.extract_strided_slice %get3A_277 {offsets = [1], sizes = [1], strides = [1]} : vector<16xf32> to vector<1xf32>
    %squeeze3A_377 = vector.extract %slice3A_376[0] : f32 from vector<1xf32>
    %slice3A_378 = vector.extract_strided_slice %get3A_277 {offsets = [2], sizes = [1], strides = [1]} : vector<16xf32> to vector<1xf32>
    %squeeze3A_379 = vector.extract %slice3A_378[0] : f32 from vector<1xf32>
    %slice3A_380 = vector.extract_strided_slice %get3A_277 {offsets = [3], sizes = [1], strides = [1]} : vector<16xf32> to vector<1xf32>
    %squeeze3A_381 = vector.extract %slice3A_380[0] : f32 from vector<1xf32>
    %slice3A_382 = vector.extract_strided_slice %get3A_277 {offsets = [4], sizes = [1], strides = [1]} : vector<16xf32> to vector<1xf32>
    %squeeze3A_383 = vector.extract %slice3A_382[0] : f32 from vector<1xf32>
    %slice3A_384 = vector.extract_strided_slice %get3A_277 {offsets = [5], sizes = [1], strides = [1]} : vector<16xf32> to vector<1xf32>
    %squeeze3A_385 = vector.extract %slice3A_384[0] : f32 from vector<1xf32>
    %slice3A_386 = vector.extract_strided_slice %get3A_277 {offsets = [6], sizes = [1], strides = [1]} : vector<16xf32> to vector<1xf32>
    %squeeze3A_387 = vector.extract %slice3A_386[0] : f32 from vector<1xf32>
    %slice3A_388 = vector.extract_strided_slice %get3A_277 {offsets = [7], sizes = [1], strides = [1]} : vector<16xf32> to vector<1xf32>
    %squeeze3A_389 = vector.extract %slice3A_388[0] : f32 from vector<1xf32>
    %slice3A_390 = vector.extract_strided_slice %get3A_277 {offsets = [8], sizes = [1], strides = [1]} : vector<16xf32> to vector<1xf32>
    %squeeze3A_391 = vector.extract %slice3A_390[0] : f32 from vector<1xf32>
    %slice3A_392 = vector.extract_strided_slice %get3A_277 {offsets = [9], sizes = [1], strides = [1]} : vector<16xf32> to vector<1xf32>
    %squeeze3A_393 = vector.extract %slice3A_392[0] : f32 from vector<1xf32>
    %slice3A_394 = vector.extract_strided_slice %get3A_277 {offsets = [10], sizes = [1], strides = [1]} : vector<16xf32> to vector<1xf32>
    %squeeze3A_395 = vector.extract %slice3A_394[0] : f32 from vector<1xf32>
    %slice3A_396 = vector.extract_strided_slice %get3A_277 {offsets = [11], sizes = [1], strides = [1]} : vector<16xf32> to vector<1xf32>
    %squeeze3A_397 = vector.extract %slice3A_396[0] : f32 from vector<1xf32>
    %slice3A_398 = vector.extract_strided_slice %get3A_277 {offsets = [12], sizes = [1], strides = [1]} : vector<16xf32> to vector<1xf32>
    %squeeze3A_399 = vector.extract %slice3A_398[0] : f32 from vector<1xf32>
    %slice3A_400 = vector.extract_strided_slice %get3A_277 {offsets = [13], sizes = [1], strides = [1]} : vector<16xf32> to vector<1xf32>
    %squeeze3A_401 = vector.extract %slice3A_400[0] : f32 from vector<1xf32>
    %slice3A_402 = vector.extract_strided_slice %get3A_277 {offsets = [14], sizes = [1], strides = [1]} : vector<16xf32> to vector<1xf32>
    %squeeze3A_403 = vector.extract %slice3A_402[0] : f32 from vector<1xf32>
    %slice3A_404 = vector.extract_strided_slice %get3A_277 {offsets = [15], sizes = [1], strides = [1]} : vector<16xf32> to vector<1xf32>
    %squeeze3A_405 = vector.extract %slice3A_404[0] : f32 from vector<1xf32>
    %get3A_406 = arith.constant 0 : index
    %get3A_407 = tpu.vector_load %arg31[%get3A_406] {strides = array<i32>} : memref<64xf32, #tpu.memory_space<vmem>>, vector<16xf32>,
    %get3A_408 = arith.constant 16 : index
    %get3A_409 = tpu.vector_load %arg31[%get3A_408] {strides = array<i32>} : memref<64xf32, #tpu.memory_space<vmem>>, vector<16xf32>,
    %get3A_410 = arith.constant 32 : index
    %get3A_411 = tpu.vector_load %arg31[%get3A_410] {strides = array<i32>} : memref<64xf32, #tpu.memory_space<vmem>>, vector<16xf32>,
    %get3A_412 = arith.constant 48 : index
    %get3A_413 = tpu.vector_load %arg31[%get3A_412] {strides = array<i32>} : memref<64xf32, #tpu.memory_space<vmem>>, vector<16xf32>,
    %slice3A_414 = vector.extract_strided_slice %get3A_407 {offsets = [0], sizes = [1], strides = [1]} : vector<16xf32> to vector<1xf32>
    %squeeze3A_415 = vector.extract %slice3A_414[0] : f32 from vector<1xf32>
    %slice3A_416 = vector.extract_strided_slice %get3A_407 {offsets = [1], sizes = [1], strides = [1]} : vector<16xf32> to vector<1xf32>
    %squeeze3A_417 = vector.extract %slice3A_416[0] : f32 from vector<1xf32>
    %slice3A_418 = vector.extract_strided_slice %get3A_407 {offsets = [2], sizes = [1], strides = [1]} : vector<16xf32> to vector<1xf32>
    %squeeze3A_419 = vector.extract %slice3A_418[0] : f32 from vector<1xf32>
    %slice3A_420 = vector.extract_strided_slice %get3A_407 {offsets = [3], sizes = [1], strides = [1]} : vector<16xf32> to vector<1xf32>
    %squeeze3A_421 = vector.extract %slice3A_420[0] : f32 from vector<1xf32>
    %slice3A_422 = vector.extract_strided_slice %get3A_407 {offsets = [4], sizes = [1], strides = [1]} : vector<16xf32> to vector<1xf32>
    %squeeze3A_423 = vector.extract %slice3A_422[0] : f32 from vector<1xf32>
    %slice3A_424 = vector.extract_strided_slice %get3A_407 {offsets = [5], sizes = [1], strides = [1]} : vector<16xf32> to vector<1xf32>
    %squeeze3A_425 = vector.extract %slice3A_424[0] : f32 from vector<1xf32>
    %slice3A_426 = vector.extract_strided_slice %get3A_407 {offsets = [6], sizes = [1], strides = [1]} : vector<16xf32> to vector<1xf32>
    %squeeze3A_427 = vector.extract %slice3A_426[0] : f32 from vector<1xf32>
    %slice3A_428 = vector.extract_strided_slice %get3A_407 {offsets = [7], sizes = [1], strides = [1]} : vector<16xf32> to vector<1xf32>
    %squeeze3A_429 = vector.extract %slice3A_428[0] : f32 from vector<1xf32>
    %slice3A_430 = vector.extract_strided_slice %get3A_407 {offsets = [8], sizes = [1], strides = [1]} : vector<16xf32> to vector<1xf32>
    %squeeze3A_431 = vector.extract %slice3A_430[0] : f32 from vector<1xf32>
    %slice3A_432 = vector.extract_strided_slice %get3A_407 {offsets = [9], sizes = [1], strides = [1]} : vector<16xf32> to vector<1xf32>
    %squeeze3A_433 = vector.extract %slice3A_432[0] : f32 from vector<1xf32>
    %slice3A_434 = vector.extract_strided_slice %get3A_407 {offsets = [10], sizes = [1], strides = [1]} : vector<16xf32> to vector<1xf32>
    %squeeze3A_435 = vector.extract %slice3A_434[0] : f32 from vector<1xf32>
    %slice3A_436 = vector.extract_strided_slice %get3A_407 {offsets = [11], sizes = [1], strides = [1]} : vector<16xf32> to vector<1xf32>
    %squeeze3A_437 = vector.extract %slice3A_436[0] : f32 from vector<1xf32>
    %slice3A_438 = vector.extract_strided_slice %get3A_407 {offsets = [12], sizes = [1], strides = [1]} : vector<16xf32> to vector<1xf32>
    %squeeze3A_439 = vector.extract %slice3A_438[0] : f32 from vector<1xf32>
    %slice3A_440 = vector.extract_strided_slice %get3A_407 {offsets = [13], sizes = [1], strides = [1]} : vector<16xf32> to vector<1xf32>
    %squeeze3A_441 = vector.extract %slice3A_440[0] : f32 from vector<1xf32>
    %slice3A_442 = vector.extract_strided_slice %get3A_407 {offsets = [14], sizes = [1], strides = [1]} : vector<16xf32> to vector<1xf32>
    %squeeze3A_443 = vector.extract %slice3A_442[0] : f32 from vector<1xf32>
    %slice3A_444 = vector.extract_strided_slice %get3A_407 {offsets = [15], sizes = [1], strides = [1]} : vector<16xf32> to vector<1xf32>
    %squeeze3A_445 = vector.extract %slice3A_444[0] : f32 from vector<1xf32>
    %slice3A_446 = vector.extract_strided_slice %get3A_409 {offsets = [0], sizes = [1], strides = [1]} : vector<16xf32> to vector<1xf32>
    %squeeze3A_447 = vector.extract %slice3A_446[0] : f32 from vector<1xf32>
    %slice3A_448 = vector.extract_strided_slice %get3A_409 {offsets = [1], sizes = [1], strides = [1]} : vector<16xf32> to vector<1xf32>
    %squeeze3A_449 = vector.extract %slice3A_448[0] : f32 from vector<1xf32>
    %slice3A_450 = vector.extract_strided_slice %get3A_409 {offsets = [2], sizes = [1], strides = [1]} : vector<16xf32> to vector<1xf32>
    %squeeze3A_451 = vector.extract %slice3A_450[0] : f32 from vector<1xf32>
    %slice3A_452 = vector.extract_strided_slice %get3A_409 {offsets = [3], sizes = [1], strides = [1]} : vector<16xf32> to vector<1xf32>
    %squeeze3A_453 = vector.extract %slice3A_452[0] : f32 from vector<1xf32>
    %slice3A_454 = vector.extract_strided_slice %get3A_409 {offsets = [4], sizes = [1], strides = [1]} : vector<16xf32> to vector<1xf32>
    %squeeze3A_455 = vector.extract %slice3A_454[0] : f32 from vector<1xf32>
    %slice3A_456 = vector.extract_strided_slice %get3A_409 {offsets = [5], sizes = [1], strides = [1]} : vector<16xf32> to vector<1xf32>
    %squeeze3A_457 = vector.extract %slice3A_456[0] : f32 from vector<1xf32>
    %slice3A_458 = vector.extract_strided_slice %get3A_409 {offsets = [6], sizes = [1], strides = [1]} : vector<16xf32> to vector<1xf32>
    %squeeze3A_459 = vector.extract %slice3A_458[0] : f32 from vector<1xf32>
    %slice3A_460 = vector.extract_strided_slice %get3A_409 {offsets = [7], sizes = [1], strides = [1]} : vector<16xf32> to vector<1xf32>
    %squeeze3A_461 = vector.extract %slice3A_460[0] : f32 from vector<1xf32>
    %slice3A_462 = vector.extract_strided_slice %get3A_409 {offsets = [8], sizes = [1], strides = [1]} : vector<16xf32> to vector<1xf32>
    %squeeze3A_463 = vector.extract %slice3A_462[0] : f32 from vector<1xf32>
    %slice3A_464 = vector.extract_strided_slice %get3A_409 {offsets = [9], sizes = [1], strides = [1]} : vector<16xf32> to vector<1xf32>
    %squeeze3A_465 = vector.extract %slice3A_464[0] : f32 from vector<1xf32>
    %slice3A_466 = vector.extract_strided_slice %get3A_409 {offsets = [10], sizes = [1], strides = [1]} : vector<16xf32> to vector<1xf32>
    %squeeze3A_467 = vector.extract %slice3A_466[0] : f32 from vector<1xf32>
    %slice3A_468 = vector.extract_strided_slice %get3A_409 {offsets = [11], sizes = [1], strides = [1]} : vector<16xf32> to vector<1xf32>
    %squeeze3A_469 = vector.extract %slice3A_468[0] : f32 from vector<1xf32>
    %slice3A_470 = vector.extract_strided_slice %get3A_409 {offsets = [12], sizes = [1], strides = [1]} : vector<16xf32> to vector<1xf32>
    %squeeze3A_471 = vector.extract %slice3A_470[0] : f32 from vector<1xf32>
    %slice3A_472 = vector.extract_strided_slice %get3A_409 {offsets = [13], sizes = [1], strides = [1]} : vector<16xf32> to vector<1xf32>
    %squeeze3A_473 = vector.extract %slice3A_472[0] : f32 from vector<1xf32>
    %slice3A_474 = vector.extract_strided_slice %get3A_409 {offsets = [14], sizes = [1], strides = [1]} : vector<16xf32> to vector<1xf32>
    %squeeze3A_475 = vector.extract %slice3A_474[0] : f32 from vector<1xf32>
    %slice3A_476 = vector.extract_strided_slice %get3A_409 {offsets = [15], sizes = [1], strides = [1]} : vector<16xf32> to vector<1xf32>
    %squeeze3A_477 = vector.extract %slice3A_476[0] : f32 from vector<1xf32>
    %slice3A_478 = vector.extract_strided_slice %get3A_411 {offsets = [0], sizes = [1], strides = [1]} : vector<16xf32> to vector<1xf32>
    %squeeze3A_479 = vector.extract %slice3A_478[0] : f32 from vector<1xf32>
    %slice3A_480 = vector.extract_strided_slice %get3A_411 {offsets = [1], sizes = [1], strides = [1]} : vector<16xf32> to vector<1xf32>
    %squeeze3A_481 = vector.extract %slice3A_480[0] : f32 from vector<1xf32>
    %slice3A_482 = vector.extract_strided_slice %get3A_411 {offsets = [2], sizes = [1], strides = [1]} : vector<16xf32> to vector<1xf32>
    %squeeze3A_483 = vector.extract %slice3A_482[0] : f32 from vector<1xf32>
    %slice3A_484 = vector.extract_strided_slice %get3A_411 {offsets = [3], sizes = [1], strides = [1]} : vector<16xf32> to vector<1xf32>
    %squeeze3A_485 = vector.extract %slice3A_484[0] : f32 from vector<1xf32>
    %slice3A_486 = vector.extract_strided_slice %get3A_411 {offsets = [4], sizes = [1], strides = [1]} : vector<16xf32> to vector<1xf32>
    %squeeze3A_487 = vector.extract %slice3A_486[0] : f32 from vector<1xf32>
    %slice3A_488 = vector.extract_strided_slice %get3A_411 {offsets = [5], sizes = [1], strides = [1]} : vector<16xf32> to vector<1xf32>
    %squeeze3A_489 = vector.extract %slice3A_488[0] : f32 from vector<1xf32>
    %slice3A_490 = vector.extract_strided_slice %get3A_411 {offsets = [6], sizes = [1], strides = [1]} : vector<16xf32> to vector<1xf32>
    %squeeze3A_491 = vector.extract %slice3A_490[0] : f32 from vector<1xf32>
    %slice3A_492 = vector.extract_strided_slice %get3A_411 {offsets = [7], sizes = [1], strides = [1]} : vector<16xf32> to vector<1xf32>
    %squeeze3A_493 = vector.extract %slice3A_492[0] : f32 from vector<1xf32>
    %slice3A_494 = vector.extract_strided_slice %get3A_411 {offsets = [8], sizes = [1], strides = [1]} : vector<16xf32> to vector<1xf32>
    %squeeze3A_495 = vector.extract %slice3A_494[0] : f32 from vector<1xf32>
    %slice3A_496 = vector.extract_strided_slice %get3A_411 {offsets = [9], sizes = [1], strides = [1]} : vector<16xf32> to vector<1xf32>
    %squeeze3A_497 = vector.extract %slice3A_496[0] : f32 from vector<1xf32>
    %slice3A_498 = vector.extract_strided_slice %get3A_411 {offsets = [10], sizes = [1], strides = [1]} : vector<16xf32> to vector<1xf32>
    %squeeze3A_499 = vector.extract %slice3A_498[0] : f32 from vector<1xf32>
    %slice3A_500 = vector.extract_strided_slice %get3A_411 {offsets = [11], sizes = [1], strides = [1]} : vector<16xf32> to vector<1xf32>
    %squeeze3A_501 = vector.extract %slice3A_500[0] : f32 from vector<1xf32>
    %slice3A_502 = vector.extract_strided_slice %get3A_411 {offsets = [12], sizes = [1], strides = [1]} : vector<16xf32> to vector<1xf32>
    %squeeze3A_503 = vector.extract %slice3A_502[0] : f32 from vector<1xf32>
    %slice3A_504 = vector.extract_strided_slice %get3A_411 {offsets = [13], sizes = [1], strides = [1]} : vector<16xf32> to vector<1xf32>
    %squeeze3A_505 = vector.extract %slice3A_504[0] : f32 from vector<1xf32>
    %slice3A_506 = vector.extract_strided_slice %get3A_411 {offsets = [14], sizes = [1], strides = [1]} : vector<16xf32> to vector<1xf32>
    %squeeze3A_507 = vector.extract %slice3A_506[0] : f32 from vector<1xf32>
    %slice3A_508 = vector.extract_strided_slice %get3A_411 {offsets = [15], sizes = [1], strides = [1]} : vector<16xf32> to vector<1xf32>
    %squeeze3A_509 = vector.extract %slice3A_508[0] : f32 from vector<1xf32>
    %slice3A_510 = vector.extract_strided_slice %get3A_413 {offsets = [0], sizes = [1], strides = [1]} : vector<16xf32> to vector<1xf32>
    %squeeze3A_511 = vector.extract %slice3A_510[0] : f32 from vector<1xf32>
    %slice3A_512 = vector.extract_strided_slice %get3A_413 {offsets = [1], sizes = [1], strides = [1]} : vector<16xf32> to vector<1xf32>
    %squeeze3A_513 = vector.extract %slice3A_512[0] : f32 from vector<1xf32>
    %slice3A_514 = vector.extract_strided_slice %get3A_413 {offsets = [2], sizes = [1], strides = [1]} : vector<16xf32> to vector<1xf32>
    %squeeze3A_515 = vector.extract %slice3A_514[0] : f32 from vector<1xf32>
    %slice3A_516 = vector.extract_strided_slice %get3A_413 {offsets = [3], sizes = [1], strides = [1]} : vector<16xf32> to vector<1xf32>
    %squeeze3A_517 = vector.extract %slice3A_516[0] : f32 from vector<1xf32>
    %slice3A_518 = vector.extract_strided_slice %get3A_413 {offsets = [4], sizes = [1], strides = [1]} : vector<16xf32> to vector<1xf32>
    %squeeze3A_519 = vector.extract %slice3A_518[0] : f32 from vector<1xf32>
    %slice3A_520 = vector.extract_strided_slice %get3A_413 {offsets = [5], sizes = [1], strides = [1]} : vector<16xf32> to vector<1xf32>
    %squeeze3A_521 = vector.extract %slice3A_520[0] : f32 from vector<1xf32>
    %slice3A_522 = vector.extract_strided_slice %get3A_413 {offsets = [6], sizes = [1], strides = [1]} : vector<16xf32> to vector<1xf32>
    %squeeze3A_523 = vector.extract %slice3A_522[0] : f32 from vector<1xf32>
    %slice3A_524 = vector.extract_strided_slice %get3A_413 {offsets = [7], sizes = [1], strides = [1]} : vector<16xf32> to vector<1xf32>
    %squeeze3A_525 = vector.extract %slice3A_524[0] : f32 from vector<1xf32>
    %slice3A_526 = vector.extract_strided_slice %get3A_413 {offsets = [8], sizes = [1], strides = [1]} : vector<16xf32> to vector<1xf32>
    %squeeze3A_527 = vector.extract %slice3A_526[0] : f32 from vector<1xf32>
    %slice3A_528 = vector.extract_strided_slice %get3A_413 {offsets = [9], sizes = [1], strides = [1]} : vector<16xf32> to vector<1xf32>
    %squeeze3A_529 = vector.extract %slice3A_528[0] : f32 from vector<1xf32>
    %slice3A_530 = vector.extract_strided_slice %get3A_413 {offsets = [10], sizes = [1], strides = [1]} : vector<16xf32> to vector<1xf32>
    %squeeze3A_531 = vector.extract %slice3A_530[0] : f32 from vector<1xf32>
    %slice3A_532 = vector.extract_strided_slice %get3A_413 {offsets = [11], sizes = [1], strides = [1]} : vector<16xf32> to vector<1xf32>
    %squeeze3A_533 = vector.extract %slice3A_532[0] : f32 from vector<1xf32>
    %slice3A_534 = vector.extract_strided_slice %get3A_413 {offsets = [12], sizes = [1], strides = [1]} : vector<16xf32> to vector<1xf32>
    %squeeze3A_535 = vector.extract %slice3A_534[0] : f32 from vector<1xf32>
    %slice3A_536 = vector.extract_strided_slice %get3A_413 {offsets = [13], sizes = [1], strides = [1]} : vector<16xf32> to vector<1xf32>
    %squeeze3A_537 = vector.extract %slice3A_536[0] : f32 from vector<1xf32>
    %slice3A_538 = vector.extract_strided_slice %get3A_413 {offsets = [14], sizes = [1], strides = [1]} : vector<16xf32> to vector<1xf32>
    %squeeze3A_539 = vector.extract %slice3A_538[0] : f32 from vector<1xf32>
    %slice3A_540 = vector.extract_strided_slice %get3A_413 {offsets = [15], sizes = [1], strides = [1]} : vector<16xf32> to vector<1xf32>
    %squeeze3A_541 = vector.extract %slice3A_540[0] : f32 from vector<1xf32>
    %scan3A = arith.constant 0 : i32
    %scan3A_542 = arith.constant 196 : i32
    %scan3A_543 = arith.addi %scan3A, %scan3A_542 : i32
    %scan3A_544 = arith.constant 1 : i32
    scf.for %scan3A_571 = %scan3A to %scan3A_543 step %scan3A_544  : i32 {
      %mul3A_572 = arith.constant 1 : i32
      %mul3A_573 = arith.muli %scan3A_571, %mul3A_572 : i32
      %add3A_574 = arith.constant 0 : i32
      %add3A_575 = arith.addi %add3A_574, %mul3A_573 : i32
      %mul3A_576 = arith.constant 16 : i32
      %mul3A_577 = arith.muli %add3A_575, %mul3A_576 : i32
      %get3A_578 = arith.index_cast %mul3A_577 : i32 to index
      %get3A_579 = tpu.vector_load %arg27[%get3A_578] {strides = array<i32>} : memref<3136xf32, #tpu.memory_space<vmem>>, vector<16xf32>,
      %get3A_580 = arith.index_cast %mul3A_577 : i32 to index
      %get3A_581 = tpu.vector_load %arg21[%get3A_580] {strides = array<i32>} : memref<3136xf32, #tpu.memory_space<vmem>>, vector<16xf32>,
      %get3A_582 = arith.index_cast %mul3A_577 : i32 to index
      %get3A_583 = tpu.vector_load %arg22[%get3A_582] {strides = array<i32>} : memref<3136xf32, #tpu.memory_space<vmem>>, vector<16xf32>,
      %add3A_584 = arith.addf %get3A_581, %get3A_583 : vector<16xf32>
      %get3A_585 = arith.index_cast %mul3A_577 : i32 to index
      %get3A_586 = tpu.vector_load %arg25[%get3A_585] {strides = array<i32>} : memref<3136xf32, #tpu.memory_space<vmem>>, vector<16xf32>,
      %add3A_587 = arith.addf %add3A_584, %get3A_586 : vector<16xf32>
      %mul3A_588 = arith.mulf %get3A_579, %add3A_587 : vector<16xf32>
      %get3A_589 = arith.index_cast %mul3A_577 : i32 to index
      %get3A_590 = tpu.vector_load %arg23[%get3A_589] {strides = array<i32>} : memref<3136xf32, #tpu.memory_space<vmem>>, vector<16xf32>,
      %get3A_591 = arith.index_cast %mul3A_577 : i32 to index
      %get3A_592 = tpu.vector_load %arg24[%get3A_591] {strides = array<i32>} : memref<3136xf32, #tpu.memory_space<vmem>>, vector<16xf32>,
      %add3A_593 = arith.addf %get3A_590, %get3A_592 : vector<16xf32>
      %get3A_594 = arith.index_cast %mul3A_577 : i32 to index
      %get3A_595 = tpu.vector_load %arg26[%get3A_594] {strides = array<i32>} : memref<3136xf32, #tpu.memory_space<vmem>>, vector<16xf32>,
      %add3A_596 = arith.addf %add3A_593, %get3A_595 : vector<16xf32>
      %mul3A_597 = arith.mulf %get3A_579, %add3A_596 : vector<16xf32>
      %broadcast_in_dim3A = arith.constant 0.000000e+00 : f32
      %broadcast_in_dim3A_598 = vector.broadcast %broadcast_in_dim3A : f32 to vector<16xf32>
      %mul3A_599 = vector.broadcast %squeeze3A : f32 to vector<16xf32>
      %mul3A_600 = arith.mulf %mul3A_588, %mul3A_599 : vector<16xf32>
      %mul3A_601 = vector.broadcast %squeeze3A_143 : f32 to vector<16xf32>
      %mul3A_602 = arith.mulf %mul3A_597, %mul3A_601 : vector<16xf32>
      %add3A_603 = arith.addf %mul3A_600, %mul3A_602 : vector<16xf32>
      %add3A_604 = vector.broadcast %squeeze3A_279 : f32 to vector<16xf32>
      %add3A_605 = arith.addf %add3A_603, %add3A_604 : vector<16xf32>
      %max3A = arith.constant 0.000000e+00 : f32
      %max3A_606 = vector.broadcast %max3A : f32 to vector<16xf32>
      %max3A_607 = arith.maximumf %add3A_605, %max3A_606 : vector<16xf32>
      %mul3A_608 = vector.broadcast %squeeze3A_415 : f32 to vector<16xf32>
      %mul3A_609 = arith.mulf %max3A_607, %mul3A_608 : vector<16xf32>
      %add3A_610 = arith.addf %broadcast_in_dim3A_598, %mul3A_609 : vector<16xf32>
      %mul3A_611 = vector.broadcast %squeeze3A_9 : f32 to vector<16xf32>
      %mul3A_612 = arith.mulf %mul3A_588, %mul3A_611 : vector<16xf32>
      %mul3A_613 = vector.broadcast %squeeze3A_145 : f32 to vector<16xf32>
      %mul3A_614 = arith.mulf %mul3A_597, %mul3A_613 : vector<16xf32>
      %add3A_615 = arith.addf %mul3A_612, %mul3A_614 : vector<16xf32>
      %add3A_616 = vector.broadcast %squeeze3A_281 : f32 to vector<16xf32>
      %add3A_617 = arith.addf %add3A_615, %add3A_616 : vector<16xf32>
      %max3A_618 = arith.constant 0.000000e+00 : f32
      %max3A_619 = vector.broadcast %max3A_618 : f32 to vector<16xf32>
      %max3A_620 = arith.maximumf %add3A_617, %max3A_619 : vector<16xf32>
      %mul3A_621 = vector.broadcast %squeeze3A_417 : f32 to vector<16xf32>
      %mul3A_622 = arith.mulf %max3A_620, %mul3A_621 : vector<16xf32>
      %add3A_623 = arith.addf %add3A_610, %mul3A_622 : vector<16xf32>
      %mul3A_624 = vector.broadcast %squeeze3A_11 : f32 to vector<16xf32>
      %mul3A_625 = arith.mulf %mul3A_588, %mul3A_624 : vector<16xf32>
      %mul3A_626 = vector.broadcast %squeeze3A_147 : f32 to vector<16xf32>
      %mul3A_627 = arith.mulf %mul3A_597, %mul3A_626 : vector<16xf32>
      %add3A_628 = arith.addf %mul3A_625, %mul3A_627 : vector<16xf32>
      %add3A_629 = vector.broadcast %squeeze3A_283 : f32 to vector<16xf32>
      %add3A_630 = arith.addf %add3A_628, %add3A_629 : vector<16xf32>
      %max3A_631 = arith.constant 0.000000e+00 : f32
      %max3A_632 = vector.broadcast %max3A_631 : f32 to vector<16xf32>
      %max3A_633 = arith.maximumf %add3A_630, %max3A_632 : vector<16xf32>
      %mul3A_634 = vector.broadcast %squeeze3A_419 : f32 to vector<16xf32>
      %mul3A_635 = arith.mulf %max3A_633, %mul3A_634 : vector<16xf32>
      %add3A_636 = arith.addf %add3A_623, %mul3A_635 : vector<16xf32>
      %mul3A_637 = vector.broadcast %squeeze3A_13 : f32 to vector<16xf32>
      %mul3A_638 = arith.mulf %mul3A_588, %mul3A_637 : vector<16xf32>
      %mul3A_639 = vector.broadcast %squeeze3A_149 : f32 to vector<16xf32>
      %mul3A_640 = arith.mulf %mul3A_597, %mul3A_639 : vector<16xf32>
      %add3A_641 = arith.addf %mul3A_638, %mul3A_640 : vector<16xf32>
      %add3A_642 = vector.broadcast %squeeze3A_285 : f32 to vector<16xf32>
      %add3A_643 = arith.addf %add3A_641, %add3A_642 : vector<16xf32>
      %max3A_644 = arith.constant 0.000000e+00 : f32
      %max3A_645 = vector.broadcast %max3A_644 : f32 to vector<16xf32>
      %max3A_646 = arith.maximumf %add3A_643, %max3A_645 : vector<16xf32>
      %mul3A_647 = vector.broadcast %squeeze3A_421 : f32 to vector<16xf32>
      %mul3A_648 = arith.mulf %max3A_646, %mul3A_647 : vector<16xf32>
      %add3A_649 = arith.addf %add3A_636, %mul3A_648 : vector<16xf32>
      %mul3A_650 = vector.broadcast %squeeze3A_15 : f32 to vector<16xf32>
      %mul3A_651 = arith.mulf %mul3A_588, %mul3A_650 : vector<16xf32>
      %mul3A_652 = vector.broadcast %squeeze3A_151 : f32 to vector<16xf32>
      %mul3A_653 = arith.mulf %mul3A_597, %mul3A_652 : vector<16xf32>
      %add3A_654 = arith.addf %mul3A_651, %mul3A_653 : vector<16xf32>
      %add3A_655 = vector.broadcast %squeeze3A_287 : f32 to vector<16xf32>
      %add3A_656 = arith.addf %add3A_654, %add3A_655 : vector<16xf32>
      %max3A_657 = arith.constant 0.000000e+00 : f32
      %max3A_658 = vector.broadcast %max3A_657 : f32 to vector<16xf32>
      %max3A_659 = arith.maximumf %add3A_656, %max3A_658 : vector<16xf32>
      %mul3A_660 = vector.broadcast %squeeze3A_423 : f32 to vector<16xf32>
      %mul3A_661 = arith.mulf %max3A_659, %mul3A_660 : vector<16xf32>
      %add3A_662 = arith.addf %add3A_649, %mul3A_661 : vector<16xf32>
      %mul3A_663 = vector.broadcast %squeeze3A_17 : f32 to vector<16xf32>
      %mul3A_664 = arith.mulf %mul3A_588, %mul3A_663 : vector<16xf32>
      %mul3A_665 = vector.broadcast %squeeze3A_153 : f32 to vector<16xf32>
      %mul3A_666 = arith.mulf %mul3A_597, %mul3A_665 : vector<16xf32>
      %add3A_667 = arith.addf %mul3A_664, %mul3A_666 : vector<16xf32>
      %add3A_668 = vector.broadcast %squeeze3A_289 : f32 to vector<16xf32>
      %add3A_669 = arith.addf %add3A_667, %add3A_668 : vector<16xf32>
      %max3A_670 = arith.constant 0.000000e+00 : f32
      %max3A_671 = vector.broadcast %max3A_670 : f32 to vector<16xf32>
      %max3A_672 = arith.maximumf %add3A_669, %max3A_671 : vector<16xf32>
      %mul3A_673 = vector.broadcast %squeeze3A_425 : f32 to vector<16xf32>
      %mul3A_674 = arith.mulf %max3A_672, %mul3A_673 : vector<16xf32>
      %add3A_675 = arith.addf %add3A_662, %mul3A_674 : vector<16xf32>
      %mul3A_676 = vector.broadcast %squeeze3A_19 : f32 to vector<16xf32>
      %mul3A_677 = arith.mulf %mul3A_588, %mul3A_676 : vector<16xf32>
      %mul3A_678 = vector.broadcast %squeeze3A_155 : f32 to vector<16xf32>
      %mul3A_679 = arith.mulf %mul3A_597, %mul3A_678 : vector<16xf32>
      %add3A_680 = arith.addf %mul3A_677, %mul3A_679 : vector<16xf32>
      %add3A_681 = vector.broadcast %squeeze3A_291 : f32 to vector<16xf32>
      %add3A_682 = arith.addf %add3A_680, %add3A_681 : vector<16xf32>
      %max3A_683 = arith.constant 0.000000e+00 : f32
      %max3A_684 = vector.broadcast %max3A_683 : f32 to vector<16xf32>
      %max3A_685 = arith.maximumf %add3A_682, %max3A_684 : vector<16xf32>
      %mul3A_686 = vector.broadcast %squeeze3A_427 : f32 to vector<16xf32>
      %mul3A_687 = arith.mulf %max3A_685, %mul3A_686 : vector<16xf32>
      %add3A_688 = arith.addf %add3A_675, %mul3A_687 : vector<16xf32>
      %mul3A_689 = vector.broadcast %squeeze3A_21 : f32 to vector<16xf32>
      %mul3A_690 = arith.mulf %mul3A_588, %mul3A_689 : vector<16xf32>
      %mul3A_691 = vector.broadcast %squeeze3A_157 : f32 to vector<16xf32>
      %mul3A_692 = arith.mulf %mul3A_597, %mul3A_691 : vector<16xf32>
      %add3A_693 = arith.addf %mul3A_690, %mul3A_692 : vector<16xf32>
      %add3A_694 = vector.broadcast %squeeze3A_293 : f32 to vector<16xf32>
      %add3A_695 = arith.addf %add3A_693, %add3A_694 : vector<16xf32>
      %max3A_696 = arith.constant 0.000000e+00 : f32
      %max3A_697 = vector.broadcast %max3A_696 : f32 to vector<16xf32>
      %max3A_698 = arith.maximumf %add3A_695, %max3A_697 : vector<16xf32>
      %mul3A_699 = vector.broadcast %squeeze3A_429 : f32 to vector<16xf32>
      %mul3A_700 = arith.mulf %max3A_698, %mul3A_699 : vector<16xf32>
      %add3A_701 = arith.addf %add3A_688, %mul3A_700 : vector<16xf32>
      %mul3A_702 = vector.broadcast %squeeze3A_23 : f32 to vector<16xf32>
      %mul3A_703 = arith.mulf %mul3A_588, %mul3A_702 : vector<16xf32>
      %mul3A_704 = vector.broadcast %squeeze3A_159 : f32 to vector<16xf32>
      %mul3A_705 = arith.mulf %mul3A_597, %mul3A_704 : vector<16xf32>
      %add3A_706 = arith.addf %mul3A_703, %mul3A_705 : vector<16xf32>
      %add3A_707 = vector.broadcast %squeeze3A_295 : f32 to vector<16xf32>
      %add3A_708 = arith.addf %add3A_706, %add3A_707 : vector<16xf32>
      %max3A_709 = arith.constant 0.000000e+00 : f32
      %max3A_710 = vector.broadcast %max3A_709 : f32 to vector<16xf32>
      %max3A_711 = arith.maximumf %add3A_708, %max3A_710 : vector<16xf32>
      %mul3A_712 = vector.broadcast %squeeze3A_431 : f32 to vector<16xf32>
      %mul3A_713 = arith.mulf %max3A_711, %mul3A_712 : vector<16xf32>
      %add3A_714 = arith.addf %add3A_701, %mul3A_713 : vector<16xf32>
      %mul3A_715 = vector.broadcast %squeeze3A_25 : f32 to vector<16xf32>
      %mul3A_716 = arith.mulf %mul3A_588, %mul3A_715 : vector<16xf32>
      %mul3A_717 = vector.broadcast %squeeze3A_161 : f32 to vector<16xf32>
      %mul3A_718 = arith.mulf %mul3A_597, %mul3A_717 : vector<16xf32>
      %add3A_719 = arith.addf %mul3A_716, %mul3A_718 : vector<16xf32>
      %add3A_720 = vector.broadcast %squeeze3A_297 : f32 to vector<16xf32>
      %add3A_721 = arith.addf %add3A_719, %add3A_720 : vector<16xf32>
      %max3A_722 = arith.constant 0.000000e+00 : f32
      %max3A_723 = vector.broadcast %max3A_722 : f32 to vector<16xf32>
      %max3A_724 = arith.maximumf %add3A_721, %max3A_723 : vector<16xf32>
      %mul3A_725 = vector.broadcast %squeeze3A_433 : f32 to vector<16xf32>
      %mul3A_726 = arith.mulf %max3A_724, %mul3A_725 : vector<16xf32>
      %add3A_727 = arith.addf %add3A_714, %mul3A_726 : vector<16xf32>
      %mul3A_728 = vector.broadcast %squeeze3A_27 : f32 to vector<16xf32>
      %mul3A_729 = arith.mulf %mul3A_588, %mul3A_728 : vector<16xf32>
      %mul3A_730 = vector.broadcast %squeeze3A_163 : f32 to vector<16xf32>
      %mul3A_731 = arith.mulf %mul3A_597, %mul3A_730 : vector<16xf32>
      %add3A_732 = arith.addf %mul3A_729, %mul3A_731 : vector<16xf32>
      %add3A_733 = vector.broadcast %squeeze3A_299 : f32 to vector<16xf32>
      %add3A_734 = arith.addf %add3A_732, %add3A_733 : vector<16xf32>
      %max3A_735 = arith.constant 0.000000e+00 : f32
      %max3A_736 = vector.broadcast %max3A_735 : f32 to vector<16xf32>
      %max3A_737 = arith.maximumf %add3A_734, %max3A_736 : vector<16xf32>
      %mul3A_738 = vector.broadcast %squeeze3A_435 : f32 to vector<16xf32>
      %mul3A_739 = arith.mulf %max3A_737, %mul3A_738 : vector<16xf32>
      %add3A_740 = arith.addf %add3A_727, %mul3A_739 : vector<16xf32>
      %mul3A_741 = vector.broadcast %squeeze3A_29 : f32 to vector<16xf32>
      %mul3A_742 = arith.mulf %mul3A_588, %mul3A_741 : vector<16xf32>
      %mul3A_743 = vector.broadcast %squeeze3A_165 : f32 to vector<16xf32>
      %mul3A_744 = arith.mulf %mul3A_597, %mul3A_743 : vector<16xf32>
      %add3A_745 = arith.addf %mul3A_742, %mul3A_744 : vector<16xf32>
      %add3A_746 = vector.broadcast %squeeze3A_301 : f32 to vector<16xf32>
      %add3A_747 = arith.addf %add3A_745, %add3A_746 : vector<16xf32>
      %max3A_748 = arith.constant 0.000000e+00 : f32
      %max3A_749 = vector.broadcast %max3A_748 : f32 to vector<16xf32>
      %max3A_750 = arith.maximumf %add3A_747, %max3A_749 : vector<16xf32>
      %mul3A_751 = vector.broadcast %squeeze3A_437 : f32 to vector<16xf32>
      %mul3A_752 = arith.mulf %max3A_750, %mul3A_751 : vector<16xf32>
      %add3A_753 = arith.addf %add3A_740, %mul3A_752 : vector<16xf32>
      %mul3A_754 = vector.broadcast %squeeze3A_31 : f32 to vector<16xf32>
      %mul3A_755 = arith.mulf %mul3A_588, %mul3A_754 : vector<16xf32>
      %mul3A_756 = vector.broadcast %squeeze3A_167 : f32 to vector<16xf32>
      %mul3A_757 = arith.mulf %mul3A_597, %mul3A_756 : vector<16xf32>
      %add3A_758 = arith.addf %mul3A_755, %mul3A_757 : vector<16xf32>
      %add3A_759 = vector.broadcast %squeeze3A_303 : f32 to vector<16xf32>
      %add3A_760 = arith.addf %add3A_758, %add3A_759 : vector<16xf32>
      %max3A_761 = arith.constant 0.000000e+00 : f32
      %max3A_762 = vector.broadcast %max3A_761 : f32 to vector<16xf32>
      %max3A_763 = arith.maximumf %add3A_760, %max3A_762 : vector<16xf32>
      %mul3A_764 = vector.broadcast %squeeze3A_439 : f32 to vector<16xf32>
      %mul3A_765 = arith.mulf %max3A_763, %mul3A_764 : vector<16xf32>
      %add3A_766 = arith.addf %add3A_753, %mul3A_765 : vector<16xf32>
      %mul3A_767 = vector.broadcast %squeeze3A_33 : f32 to vector<16xf32>
      %mul3A_768 = arith.mulf %mul3A_588, %mul3A_767 : vector<16xf32>
      %mul3A_769 = vector.broadcast %squeeze3A_169 : f32 to vector<16xf32>
      %mul3A_770 = arith.mulf %mul3A_597, %mul3A_769 : vector<16xf32>
      %add3A_771 = arith.addf %mul3A_768, %mul3A_770 : vector<16xf32>
      %add3A_772 = vector.broadcast %squeeze3A_305 : f32 to vector<16xf32>
      %add3A_773 = arith.addf %add3A_771, %add3A_772 : vector<16xf32>
      %max3A_774 = arith.constant 0.000000e+00 : f32
      %max3A_775 = vector.broadcast %max3A_774 : f32 to vector<16xf32>
      %max3A_776 = arith.maximumf %add3A_773, %max3A_775 : vector<16xf32>
      %mul3A_777 = vector.broadcast %squeeze3A_441 : f32 to vector<16xf32>
      %mul3A_778 = arith.mulf %max3A_776, %mul3A_777 : vector<16xf32>
      %add3A_779 = arith.addf %add3A_766, %mul3A_778 : vector<16xf32>
      %mul3A_780 = vector.broadcast %squeeze3A_35 : f32 to vector<16xf32>
      %mul3A_781 = arith.mulf %mul3A_588, %mul3A_780 : vector<16xf32>
      %mul3A_782 = vector.broadcast %squeeze3A_171 : f32 to vector<16xf32>
      %mul3A_783 = arith.mulf %mul3A_597, %mul3A_782 : vector<16xf32>
      %add3A_784 = arith.addf %mul3A_781, %mul3A_783 : vector<16xf32>
      %add3A_785 = vector.broadcast %squeeze3A_307 : f32 to vector<16xf32>
      %add3A_786 = arith.addf %add3A_784, %add3A_785 : vector<16xf32>
      %max3A_787 = arith.constant 0.000000e+00 : f32
      %max3A_788 = vector.broadcast %max3A_787 : f32 to vector<16xf32>
      %max3A_789 = arith.maximumf %add3A_786, %max3A_788 : vector<16xf32>
      %mul3A_790 = vector.broadcast %squeeze3A_443 : f32 to vector<16xf32>
      %mul3A_791 = arith.mulf %max3A_789, %mul3A_790 : vector<16xf32>
      %add3A_792 = arith.addf %add3A_779, %mul3A_791 : vector<16xf32>
      %mul3A_793 = vector.broadcast %squeeze3A_37 : f32 to vector<16xf32>
      %mul3A_794 = arith.mulf %mul3A_588, %mul3A_793 : vector<16xf32>
      %mul3A_795 = vector.broadcast %squeeze3A_173 : f32 to vector<16xf32>
      %mul3A_796 = arith.mulf %mul3A_597, %mul3A_795 : vector<16xf32>
      %add3A_797 = arith.addf %mul3A_794, %mul3A_796 : vector<16xf32>
      %add3A_798 = vector.broadcast %squeeze3A_309 : f32 to vector<16xf32>
      %add3A_799 = arith.addf %add3A_797, %add3A_798 : vector<16xf32>
      %max3A_800 = arith.constant 0.000000e+00 : f32
      %max3A_801 = vector.broadcast %max3A_800 : f32 to vector<16xf32>
      %max3A_802 = arith.maximumf %add3A_799, %max3A_801 : vector<16xf32>
      %mul3A_803 = vector.broadcast %squeeze3A_445 : f32 to vector<16xf32>
      %mul3A_804 = arith.mulf %max3A_802, %mul3A_803 : vector<16xf32>
      %add3A_805 = arith.addf %add3A_792, %mul3A_804 : vector<16xf32>
      %mul3A_806 = vector.broadcast %squeeze3A_39 : f32 to vector<16xf32>
      %mul3A_807 = arith.mulf %mul3A_588, %mul3A_806 : vector<16xf32>
      %mul3A_808 = vector.broadcast %squeeze3A_175 : f32 to vector<16xf32>
      %mul3A_809 = arith.mulf %mul3A_597, %mul3A_808 : vector<16xf32>
      %add3A_810 = arith.addf %mul3A_807, %mul3A_809 : vector<16xf32>
      %add3A_811 = vector.broadcast %squeeze3A_311 : f32 to vector<16xf32>
      %add3A_812 = arith.addf %add3A_810, %add3A_811 : vector<16xf32>
      %max3A_813 = arith.constant 0.000000e+00 : f32
      %max3A_814 = vector.broadcast %max3A_813 : f32 to vector<16xf32>
      %max3A_815 = arith.maximumf %add3A_812, %max3A_814 : vector<16xf32>
      %mul3A_816 = vector.broadcast %squeeze3A_447 : f32 to vector<16xf32>
      %mul3A_817 = arith.mulf %max3A_815, %mul3A_816 : vector<16xf32>
      %add3A_818 = arith.addf %add3A_805, %mul3A_817 : vector<16xf32>
      %mul3A_819 = vector.broadcast %squeeze3A_41 : f32 to vector<16xf32>
      %mul3A_820 = arith.mulf %mul3A_588, %mul3A_819 : vector<16xf32>
      %mul3A_821 = vector.broadcast %squeeze3A_177 : f32 to vector<16xf32>
      %mul3A_822 = arith.mulf %mul3A_597, %mul3A_821 : vector<16xf32>
      %add3A_823 = arith.addf %mul3A_820, %mul3A_822 : vector<16xf32>
      %add3A_824 = vector.broadcast %squeeze3A_313 : f32 to vector<16xf32>
      %add3A_825 = arith.addf %add3A_823, %add3A_824 : vector<16xf32>
      %max3A_826 = arith.constant 0.000000e+00 : f32
      %max3A_827 = vector.broadcast %max3A_826 : f32 to vector<16xf32>
      %max3A_828 = arith.maximumf %add3A_825, %max3A_827 : vector<16xf32>
      %mul3A_829 = vector.broadcast %squeeze3A_449 : f32 to vector<16xf32>
      %mul3A_830 = arith.mulf %max3A_828, %mul3A_829 : vector<16xf32>
      %add3A_831 = arith.addf %add3A_818, %mul3A_830 : vector<16xf32>
      %mul3A_832 = vector.broadcast %squeeze3A_43 : f32 to vector<16xf32>
      %mul3A_833 = arith.mulf %mul3A_588, %mul3A_832 : vector<16xf32>
      %mul3A_834 = vector.broadcast %squeeze3A_179 : f32 to vector<16xf32>
      %mul3A_835 = arith.mulf %mul3A_597, %mul3A_834 : vector<16xf32>
      %add3A_836 = arith.addf %mul3A_833, %mul3A_835 : vector<16xf32>
      %add3A_837 = vector.broadcast %squeeze3A_315 : f32 to vector<16xf32>
      %add3A_838 = arith.addf %add3A_836, %add3A_837 : vector<16xf32>
      %max3A_839 = arith.constant 0.000000e+00 : f32
      %max3A_840 = vector.broadcast %max3A_839 : f32 to vector<16xf32>
      %max3A_841 = arith.maximumf %add3A_838, %max3A_840 : vector<16xf32>
      %mul3A_842 = vector.broadcast %squeeze3A_451 : f32 to vector<16xf32>
      %mul3A_843 = arith.mulf %max3A_841, %mul3A_842 : vector<16xf32>
      %add3A_844 = arith.addf %add3A_831, %mul3A_843 : vector<16xf32>
      %mul3A_845 = vector.broadcast %squeeze3A_45 : f32 to vector<16xf32>
      %mul3A_846 = arith.mulf %mul3A_588, %mul3A_845 : vector<16xf32>
      %mul3A_847 = vector.broadcast %squeeze3A_181 : f32 to vector<16xf32>
      %mul3A_848 = arith.mulf %mul3A_597, %mul3A_847 : vector<16xf32>
      %add3A_849 = arith.addf %mul3A_846, %mul3A_848 : vector<16xf32>
      %add3A_850 = vector.broadcast %squeeze3A_317 : f32 to vector<16xf32>
      %add3A_851 = arith.addf %add3A_849, %add3A_850 : vector<16xf32>
      %max3A_852 = arith.constant 0.000000e+00 : f32
      %max3A_853 = vector.broadcast %max3A_852 : f32 to vector<16xf32>
      %max3A_854 = arith.maximumf %add3A_851, %max3A_853 : vector<16xf32>
      %mul3A_855 = vector.broadcast %squeeze3A_453 : f32 to vector<16xf32>
      %mul3A_856 = arith.mulf %max3A_854, %mul3A_855 : vector<16xf32>
      %add3A_857 = arith.addf %add3A_844, %mul3A_856 : vector<16xf32>
      %mul3A_858 = vector.broadcast %squeeze3A_47 : f32 to vector<16xf32>
      %mul3A_859 = arith.mulf %mul3A_588, %mul3A_858 : vector<16xf32>
      %mul3A_860 = vector.broadcast %squeeze3A_183 : f32 to vector<16xf32>
      %mul3A_861 = arith.mulf %mul3A_597, %mul3A_860 : vector<16xf32>
      %add3A_862 = arith.addf %mul3A_859, %mul3A_861 : vector<16xf32>
      %add3A_863 = vector.broadcast %squeeze3A_319 : f32 to vector<16xf32>
      %add3A_864 = arith.addf %add3A_862, %add3A_863 : vector<16xf32>
      %max3A_865 = arith.constant 0.000000e+00 : f32
      %max3A_866 = vector.broadcast %max3A_865 : f32 to vector<16xf32>
      %max3A_867 = arith.maximumf %add3A_864, %max3A_866 : vector<16xf32>
      %mul3A_868 = vector.broadcast %squeeze3A_455 : f32 to vector<16xf32>
      %mul3A_869 = arith.mulf %max3A_867, %mul3A_868 : vector<16xf32>
      %add3A_870 = arith.addf %add3A_857, %mul3A_869 : vector<16xf32>
      %mul3A_871 = vector.broadcast %squeeze3A_49 : f32 to vector<16xf32>
      %mul3A_872 = arith.mulf %mul3A_588, %mul3A_871 : vector<16xf32>
      %mul3A_873 = vector.broadcast %squeeze3A_185 : f32 to vector<16xf32>
      %mul3A_874 = arith.mulf %mul3A_597, %mul3A_873 : vector<16xf32>
      %add3A_875 = arith.addf %mul3A_872, %mul3A_874 : vector<16xf32>
      %add3A_876 = vector.broadcast %squeeze3A_321 : f32 to vector<16xf32>
      %add3A_877 = arith.addf %add3A_875, %add3A_876 : vector<16xf32>
      %max3A_878 = arith.constant 0.000000e+00 : f32
      %max3A_879 = vector.broadcast %max3A_878 : f32 to vector<16xf32>
      %max3A_880 = arith.maximumf %add3A_877, %max3A_879 : vector<16xf32>
      %mul3A_881 = vector.broadcast %squeeze3A_457 : f32 to vector<16xf32>
      %mul3A_882 = arith.mulf %max3A_880, %mul3A_881 : vector<16xf32>
      %add3A_883 = arith.addf %add3A_870, %mul3A_882 : vector<16xf32>
      %mul3A_884 = vector.broadcast %squeeze3A_51 : f32 to vector<16xf32>
      %mul3A_885 = arith.mulf %mul3A_588, %mul3A_884 : vector<16xf32>
      %mul3A_886 = vector.broadcast %squeeze3A_187 : f32 to vector<16xf32>
      %mul3A_887 = arith.mulf %mul3A_597, %mul3A_886 : vector<16xf32>
      %add3A_888 = arith.addf %mul3A_885, %mul3A_887 : vector<16xf32>
      %add3A_889 = vector.broadcast %squeeze3A_323 : f32 to vector<16xf32>
      %add3A_890 = arith.addf %add3A_888, %add3A_889 : vector<16xf32>
      %max3A_891 = arith.constant 0.000000e+00 : f32
      %max3A_892 = vector.broadcast %max3A_891 : f32 to vector<16xf32>
      %max3A_893 = arith.maximumf %add3A_890, %max3A_892 : vector<16xf32>
      %mul3A_894 = vector.broadcast %squeeze3A_459 : f32 to vector<16xf32>
      %mul3A_895 = arith.mulf %max3A_893, %mul3A_894 : vector<16xf32>
      %add3A_896 = arith.addf %add3A_883, %mul3A_895 : vector<16xf32>
      %mul3A_897 = vector.broadcast %squeeze3A_53 : f32 to vector<16xf32>
      %mul3A_898 = arith.mulf %mul3A_588, %mul3A_897 : vector<16xf32>
      %mul3A_899 = vector.broadcast %squeeze3A_189 : f32 to vector<16xf32>
      %mul3A_900 = arith.mulf %mul3A_597, %mul3A_899 : vector<16xf32>
      %add3A_901 = arith.addf %mul3A_898, %mul3A_900 : vector<16xf32>
      %add3A_902 = vector.broadcast %squeeze3A_325 : f32 to vector<16xf32>
      %add3A_903 = arith.addf %add3A_901, %add3A_902 : vector<16xf32>
      %max3A_904 = arith.constant 0.000000e+00 : f32
      %max3A_905 = vector.broadcast %max3A_904 : f32 to vector<16xf32>
      %max3A_906 = arith.maximumf %add3A_903, %max3A_905 : vector<16xf32>
      %mul3A_907 = vector.broadcast %squeeze3A_461 : f32 to vector<16xf32>
      %mul3A_908 = arith.mulf %max3A_906, %mul3A_907 : vector<16xf32>
      %add3A_909 = arith.addf %add3A_896, %mul3A_908 : vector<16xf32>
      %mul3A_910 = vector.broadcast %squeeze3A_55 : f32 to vector<16xf32>
      %mul3A_911 = arith.mulf %mul3A_588, %mul3A_910 : vector<16xf32>
      %mul3A_912 = vector.broadcast %squeeze3A_191 : f32 to vector<16xf32>
      %mul3A_913 = arith.mulf %mul3A_597, %mul3A_912 : vector<16xf32>
      %add3A_914 = arith.addf %mul3A_911, %mul3A_913 : vector<16xf32>
      %add3A_915 = vector.broadcast %squeeze3A_327 : f32 to vector<16xf32>
      %add3A_916 = arith.addf %add3A_914, %add3A_915 : vector<16xf32>
      %max3A_917 = arith.constant 0.000000e+00 : f32
      %max3A_918 = vector.broadcast %max3A_917 : f32 to vector<16xf32>
      %max3A_919 = arith.maximumf %add3A_916, %max3A_918 : vector<16xf32>
      %mul3A_920 = vector.broadcast %squeeze3A_463 : f32 to vector<16xf32>
      %mul3A_921 = arith.mulf %max3A_919, %mul3A_920 : vector<16xf32>
      %add3A_922 = arith.addf %add3A_909, %mul3A_921 : vector<16xf32>
      %mul3A_923 = vector.broadcast %squeeze3A_57 : f32 to vector<16xf32>
      %mul3A_924 = arith.mulf %mul3A_588, %mul3A_923 : vector<16xf32>
      %mul3A_925 = vector.broadcast %squeeze3A_193 : f32 to vector<16xf32>
      %mul3A_926 = arith.mulf %mul3A_597, %mul3A_925 : vector<16xf32>
      %add3A_927 = arith.addf %mul3A_924, %mul3A_926 : vector<16xf32>
      %add3A_928 = vector.broadcast %squeeze3A_329 : f32 to vector<16xf32>
      %add3A_929 = arith.addf %add3A_927, %add3A_928 : vector<16xf32>
      %max3A_930 = arith.constant 0.000000e+00 : f32
      %max3A_931 = vector.broadcast %max3A_930 : f32 to vector<16xf32>
      %max3A_932 = arith.maximumf %add3A_929, %max3A_931 : vector<16xf32>
      %mul3A_933 = vector.broadcast %squeeze3A_465 : f32 to vector<16xf32>
      %mul3A_934 = arith.mulf %max3A_932, %mul3A_933 : vector<16xf32>
      %add3A_935 = arith.addf %add3A_922, %mul3A_934 : vector<16xf32>
      %mul3A_936 = vector.broadcast %squeeze3A_59 : f32 to vector<16xf32>
      %mul3A_937 = arith.mulf %mul3A_588, %mul3A_936 : vector<16xf32>
      %mul3A_938 = vector.broadcast %squeeze3A_195 : f32 to vector<16xf32>
      %mul3A_939 = arith.mulf %mul3A_597, %mul3A_938 : vector<16xf32>
      %add3A_940 = arith.addf %mul3A_937, %mul3A_939 : vector<16xf32>
      %add3A_941 = vector.broadcast %squeeze3A_331 : f32 to vector<16xf32>
      %add3A_942 = arith.addf %add3A_940, %add3A_941 : vector<16xf32>
      %max3A_943 = arith.constant 0.000000e+00 : f32
      %max3A_944 = vector.broadcast %max3A_943 : f32 to vector<16xf32>
      %max3A_945 = arith.maximumf %add3A_942, %max3A_944 : vector<16xf32>
      %mul3A_946 = vector.broadcast %squeeze3A_467 : f32 to vector<16xf32>
      %mul3A_947 = arith.mulf %max3A_945, %mul3A_946 : vector<16xf32>
      %add3A_948 = arith.addf %add3A_935, %mul3A_947 : vector<16xf32>
      %mul3A_949 = vector.broadcast %squeeze3A_61 : f32 to vector<16xf32>
      %mul3A_950 = arith.mulf %mul3A_588, %mul3A_949 : vector<16xf32>
      %mul3A_951 = vector.broadcast %squeeze3A_197 : f32 to vector<16xf32>
      %mul3A_952 = arith.mulf %mul3A_597, %mul3A_951 : vector<16xf32>
      %add3A_953 = arith.addf %mul3A_950, %mul3A_952 : vector<16xf32>
      %add3A_954 = vector.broadcast %squeeze3A_333 : f32 to vector<16xf32>
      %add3A_955 = arith.addf %add3A_953, %add3A_954 : vector<16xf32>
      %max3A_956 = arith.constant 0.000000e+00 : f32
      %max3A_957 = vector.broadcast %max3A_956 : f32 to vector<16xf32>
      %max3A_958 = arith.maximumf %add3A_955, %max3A_957 : vector<16xf32>
      %mul3A_959 = vector.broadcast %squeeze3A_469 : f32 to vector<16xf32>
      %mul3A_960 = arith.mulf %max3A_958, %mul3A_959 : vector<16xf32>
      %add3A_961 = arith.addf %add3A_948, %mul3A_960 : vector<16xf32>
      %mul3A_962 = vector.broadcast %squeeze3A_63 : f32 to vector<16xf32>
      %mul3A_963 = arith.mulf %mul3A_588, %mul3A_962 : vector<16xf32>
      %mul3A_964 = vector.broadcast %squeeze3A_199 : f32 to vector<16xf32>
      %mul3A_965 = arith.mulf %mul3A_597, %mul3A_964 : vector<16xf32>
      %add3A_966 = arith.addf %mul3A_963, %mul3A_965 : vector<16xf32>
      %add3A_967 = vector.broadcast %squeeze3A_335 : f32 to vector<16xf32>
      %add3A_968 = arith.addf %add3A_966, %add3A_967 : vector<16xf32>
      %max3A_969 = arith.constant 0.000000e+00 : f32
      %max3A_970 = vector.broadcast %max3A_969 : f32 to vector<16xf32>
      %max3A_971 = arith.maximumf %add3A_968, %max3A_970 : vector<16xf32>
      %mul3A_972 = vector.broadcast %squeeze3A_471 : f32 to vector<16xf32>
      %mul3A_973 = arith.mulf %max3A_971, %mul3A_972 : vector<16xf32>
      %add3A_974 = arith.addf %add3A_961, %mul3A_973 : vector<16xf32>
      %mul3A_975 = vector.broadcast %squeeze3A_65 : f32 to vector<16xf32>
      %mul3A_976 = arith.mulf %mul3A_588, %mul3A_975 : vector<16xf32>
      %mul3A_977 = vector.broadcast %squeeze3A_201 : f32 to vector<16xf32>
      %mul3A_978 = arith.mulf %mul3A_597, %mul3A_977 : vector<16xf32>
      %add3A_979 = arith.addf %mul3A_976, %mul3A_978 : vector<16xf32>
      %add3A_980 = vector.broadcast %squeeze3A_337 : f32 to vector<16xf32>
      %add3A_981 = arith.addf %add3A_979, %add3A_980 : vector<16xf32>
      %max3A_982 = arith.constant 0.000000e+00 : f32
      %max3A_983 = vector.broadcast %max3A_982 : f32 to vector<16xf32>
      %max3A_984 = arith.maximumf %add3A_981, %max3A_983 : vector<16xf32>
      %mul3A_985 = vector.broadcast %squeeze3A_473 : f32 to vector<16xf32>
      %mul3A_986 = arith.mulf %max3A_984, %mul3A_985 : vector<16xf32>
      %add3A_987 = arith.addf %add3A_974, %mul3A_986 : vector<16xf32>
      %mul3A_988 = vector.broadcast %squeeze3A_67 : f32 to vector<16xf32>
      %mul3A_989 = arith.mulf %mul3A_588, %mul3A_988 : vector<16xf32>
      %mul3A_990 = vector.broadcast %squeeze3A_203 : f32 to vector<16xf32>
      %mul3A_991 = arith.mulf %mul3A_597, %mul3A_990 : vector<16xf32>
      %add3A_992 = arith.addf %mul3A_989, %mul3A_991 : vector<16xf32>
      %add3A_993 = vector.broadcast %squeeze3A_339 : f32 to vector<16xf32>
      %add3A_994 = arith.addf %add3A_992, %add3A_993 : vector<16xf32>
      %max3A_995 = arith.constant 0.000000e+00 : f32
      %max3A_996 = vector.broadcast %max3A_995 : f32 to vector<16xf32>
      %max3A_997 = arith.maximumf %add3A_994, %max3A_996 : vector<16xf32>
      %mul3A_998 = vector.broadcast %squeeze3A_475 : f32 to vector<16xf32>
      %mul3A_999 = arith.mulf %max3A_997, %mul3A_998 : vector<16xf32>
      %add3A_1000 = arith.addf %add3A_987, %mul3A_999 : vector<16xf32>
      %mul3A_1001 = vector.broadcast %squeeze3A_69 : f32 to vector<16xf32>
      %mul3A_1002 = arith.mulf %mul3A_588, %mul3A_1001 : vector<16xf32>
      %mul3A_1003 = vector.broadcast %squeeze3A_205 : f32 to vector<16xf32>
      %mul3A_1004 = arith.mulf %mul3A_597, %mul3A_1003 : vector<16xf32>
      %add3A_1005 = arith.addf %mul3A_1002, %mul3A_1004 : vector<16xf32>
      %add3A_1006 = vector.broadcast %squeeze3A_341 : f32 to vector<16xf32>
      %add3A_1007 = arith.addf %add3A_1005, %add3A_1006 : vector<16xf32>
      %max3A_1008 = arith.constant 0.000000e+00 : f32
      %max3A_1009 = vector.broadcast %max3A_1008 : f32 to vector<16xf32>
      %max3A_1010 = arith.maximumf %add3A_1007, %max3A_1009 : vector<16xf32>
      %mul3A_1011 = vector.broadcast %squeeze3A_477 : f32 to vector<16xf32>
      %mul3A_1012 = arith.mulf %max3A_1010, %mul3A_1011 : vector<16xf32>
      %add3A_1013 = arith.addf %add3A_1000, %mul3A_1012 : vector<16xf32>
      %mul3A_1014 = vector.broadcast %squeeze3A_71 : f32 to vector<16xf32>
      %mul3A_1015 = arith.mulf %mul3A_588, %mul3A_1014 : vector<16xf32>
      %mul3A_1016 = vector.broadcast %squeeze3A_207 : f32 to vector<16xf32>
      %mul3A_1017 = arith.mulf %mul3A_597, %mul3A_1016 : vector<16xf32>
      %add3A_1018 = arith.addf %mul3A_1015, %mul3A_1017 : vector<16xf32>
      %add3A_1019 = vector.broadcast %squeeze3A_343 : f32 to vector<16xf32>
      %add3A_1020 = arith.addf %add3A_1018, %add3A_1019 : vector<16xf32>
      %max3A_1021 = arith.constant 0.000000e+00 : f32
      %max3A_1022 = vector.broadcast %max3A_1021 : f32 to vector<16xf32>
      %max3A_1023 = arith.maximumf %add3A_1020, %max3A_1022 : vector<16xf32>
      %mul3A_1024 = vector.broadcast %squeeze3A_479 : f32 to vector<16xf32>
      %mul3A_1025 = arith.mulf %max3A_1023, %mul3A_1024 : vector<16xf32>
      %add3A_1026 = arith.addf %add3A_1013, %mul3A_1025 : vector<16xf32>
      %mul3A_1027 = vector.broadcast %squeeze3A_73 : f32 to vector<16xf32>
      %mul3A_1028 = arith.mulf %mul3A_588, %mul3A_1027 : vector<16xf32>
      %mul3A_1029 = vector.broadcast %squeeze3A_209 : f32 to vector<16xf32>
      %mul3A_1030 = arith.mulf %mul3A_597, %mul3A_1029 : vector<16xf32>
      %add3A_1031 = arith.addf %mul3A_1028, %mul3A_1030 : vector<16xf32>
      %add3A_1032 = vector.broadcast %squeeze3A_345 : f32 to vector<16xf32>
      %add3A_1033 = arith.addf %add3A_1031, %add3A_1032 : vector<16xf32>
      %max3A_1034 = arith.constant 0.000000e+00 : f32
      %max3A_1035 = vector.broadcast %max3A_1034 : f32 to vector<16xf32>
      %max3A_1036 = arith.maximumf %add3A_1033, %max3A_1035 : vector<16xf32>
      %mul3A_1037 = vector.broadcast %squeeze3A_481 : f32 to vector<16xf32>
      %mul3A_1038 = arith.mulf %max3A_1036, %mul3A_1037 : vector<16xf32>
      %add3A_1039 = arith.addf %add3A_1026, %mul3A_1038 : vector<16xf32>
      %mul3A_1040 = vector.broadcast %squeeze3A_75 : f32 to vector<16xf32>
      %mul3A_1041 = arith.mulf %mul3A_588, %mul3A_1040 : vector<16xf32>
      %mul3A_1042 = vector.broadcast %squeeze3A_211 : f32 to vector<16xf32>
      %mul3A_1043 = arith.mulf %mul3A_597, %mul3A_1042 : vector<16xf32>
      %add3A_1044 = arith.addf %mul3A_1041, %mul3A_1043 : vector<16xf32>
      %add3A_1045 = vector.broadcast %squeeze3A_347 : f32 to vector<16xf32>
      %add3A_1046 = arith.addf %add3A_1044, %add3A_1045 : vector<16xf32>
      %max3A_1047 = arith.constant 0.000000e+00 : f32
      %max3A_1048 = vector.broadcast %max3A_1047 : f32 to vector<16xf32>
      %max3A_1049 = arith.maximumf %add3A_1046, %max3A_1048 : vector<16xf32>
      %mul3A_1050 = vector.broadcast %squeeze3A_483 : f32 to vector<16xf32>
      %mul3A_1051 = arith.mulf %max3A_1049, %mul3A_1050 : vector<16xf32>
      %add3A_1052 = arith.addf %add3A_1039, %mul3A_1051 : vector<16xf32>
      %mul3A_1053 = vector.broadcast %squeeze3A_77 : f32 to vector<16xf32>
      %mul3A_1054 = arith.mulf %mul3A_588, %mul3A_1053 : vector<16xf32>
      %mul3A_1055 = vector.broadcast %squeeze3A_213 : f32 to vector<16xf32>
      %mul3A_1056 = arith.mulf %mul3A_597, %mul3A_1055 : vector<16xf32>
      %add3A_1057 = arith.addf %mul3A_1054, %mul3A_1056 : vector<16xf32>
      %add3A_1058 = vector.broadcast %squeeze3A_349 : f32 to vector<16xf32>
      %add3A_1059 = arith.addf %add3A_1057, %add3A_1058 : vector<16xf32>
      %max3A_1060 = arith.constant 0.000000e+00 : f32
      %max3A_1061 = vector.broadcast %max3A_1060 : f32 to vector<16xf32>
      %max3A_1062 = arith.maximumf %add3A_1059, %max3A_1061 : vector<16xf32>
      %mul3A_1063 = vector.broadcast %squeeze3A_485 : f32 to vector<16xf32>
      %mul3A_1064 = arith.mulf %max3A_1062, %mul3A_1063 : vector<16xf32>
      %add3A_1065 = arith.addf %add3A_1052, %mul3A_1064 : vector<16xf32>
      %mul3A_1066 = vector.broadcast %squeeze3A_79 : f32 to vector<16xf32>
      %mul3A_1067 = arith.mulf %mul3A_588, %mul3A_1066 : vector<16xf32>
      %mul3A_1068 = vector.broadcast %squeeze3A_215 : f32 to vector<16xf32>
      %mul3A_1069 = arith.mulf %mul3A_597, %mul3A_1068 : vector<16xf32>
      %add3A_1070 = arith.addf %mul3A_1067, %mul3A_1069 : vector<16xf32>
      %add3A_1071 = vector.broadcast %squeeze3A_351 : f32 to vector<16xf32>
      %add3A_1072 = arith.addf %add3A_1070, %add3A_1071 : vector<16xf32>
      %max3A_1073 = arith.constant 0.000000e+00 : f32
      %max3A_1074 = vector.broadcast %max3A_1073 : f32 to vector<16xf32>
      %max3A_1075 = arith.maximumf %add3A_1072, %max3A_1074 : vector<16xf32>
      %mul3A_1076 = vector.broadcast %squeeze3A_487 : f32 to vector<16xf32>
      %mul3A_1077 = arith.mulf %max3A_1075, %mul3A_1076 : vector<16xf32>
      %add3A_1078 = arith.addf %add3A_1065, %mul3A_1077 : vector<16xf32>
      %mul3A_1079 = vector.broadcast %squeeze3A_81 : f32 to vector<16xf32>
      %mul3A_1080 = arith.mulf %mul3A_588, %mul3A_1079 : vector<16xf32>
      %mul3A_1081 = vector.broadcast %squeeze3A_217 : f32 to vector<16xf32>
      %mul3A_1082 = arith.mulf %mul3A_597, %mul3A_1081 : vector<16xf32>
      %add3A_1083 = arith.addf %mul3A_1080, %mul3A_1082 : vector<16xf32>
      %add3A_1084 = vector.broadcast %squeeze3A_353 : f32 to vector<16xf32>
      %add3A_1085 = arith.addf %add3A_1083, %add3A_1084 : vector<16xf32>
      %max3A_1086 = arith.constant 0.000000e+00 : f32
      %max3A_1087 = vector.broadcast %max3A_1086 : f32 to vector<16xf32>
      %max3A_1088 = arith.maximumf %add3A_1085, %max3A_1087 : vector<16xf32>
      %mul3A_1089 = vector.broadcast %squeeze3A_489 : f32 to vector<16xf32>
      %mul3A_1090 = arith.mulf %max3A_1088, %mul3A_1089 : vector<16xf32>
      %add3A_1091 = arith.addf %add3A_1078, %mul3A_1090 : vector<16xf32>
      %mul3A_1092 = vector.broadcast %squeeze3A_83 : f32 to vector<16xf32>
      %mul3A_1093 = arith.mulf %mul3A_588, %mul3A_1092 : vector<16xf32>
      %mul3A_1094 = vector.broadcast %squeeze3A_219 : f32 to vector<16xf32>
      %mul3A_1095 = arith.mulf %mul3A_597, %mul3A_1094 : vector<16xf32>
      %add3A_1096 = arith.addf %mul3A_1093, %mul3A_1095 : vector<16xf32>
      %add3A_1097 = vector.broadcast %squeeze3A_355 : f32 to vector<16xf32>
      %add3A_1098 = arith.addf %add3A_1096, %add3A_1097 : vector<16xf32>
      %max3A_1099 = arith.constant 0.000000e+00 : f32
      %max3A_1100 = vector.broadcast %max3A_1099 : f32 to vector<16xf32>
      %max3A_1101 = arith.maximumf %add3A_1098, %max3A_1100 : vector<16xf32>
      %mul3A_1102 = vector.broadcast %squeeze3A_491 : f32 to vector<16xf32>
      %mul3A_1103 = arith.mulf %max3A_1101, %mul3A_1102 : vector<16xf32>
      %add3A_1104 = arith.addf %add3A_1091, %mul3A_1103 : vector<16xf32>
      %mul3A_1105 = vector.broadcast %squeeze3A_85 : f32 to vector<16xf32>
      %mul3A_1106 = arith.mulf %mul3A_588, %mul3A_1105 : vector<16xf32>
      %mul3A_1107 = vector.broadcast %squeeze3A_221 : f32 to vector<16xf32>
      %mul3A_1108 = arith.mulf %mul3A_597, %mul3A_1107 : vector<16xf32>
      %add3A_1109 = arith.addf %mul3A_1106, %mul3A_1108 : vector<16xf32>
      %add3A_1110 = vector.broadcast %squeeze3A_357 : f32 to vector<16xf32>
      %add3A_1111 = arith.addf %add3A_1109, %add3A_1110 : vector<16xf32>
      %max3A_1112 = arith.constant 0.000000e+00 : f32
      %max3A_1113 = vector.broadcast %max3A_1112 : f32 to vector<16xf32>
      %max3A_1114 = arith.maximumf %add3A_1111, %max3A_1113 : vector<16xf32>
      %mul3A_1115 = vector.broadcast %squeeze3A_493 : f32 to vector<16xf32>
      %mul3A_1116 = arith.mulf %max3A_1114, %mul3A_1115 : vector<16xf32>
      %add3A_1117 = arith.addf %add3A_1104, %mul3A_1116 : vector<16xf32>
      %mul3A_1118 = vector.broadcast %squeeze3A_87 : f32 to vector<16xf32>
      %mul3A_1119 = arith.mulf %mul3A_588, %mul3A_1118 : vector<16xf32>
      %mul3A_1120 = vector.broadcast %squeeze3A_223 : f32 to vector<16xf32>
      %mul3A_1121 = arith.mulf %mul3A_597, %mul3A_1120 : vector<16xf32>
      %add3A_1122 = arith.addf %mul3A_1119, %mul3A_1121 : vector<16xf32>
      %add3A_1123 = vector.broadcast %squeeze3A_359 : f32 to vector<16xf32>
      %add3A_1124 = arith.addf %add3A_1122, %add3A_1123 : vector<16xf32>
      %max3A_1125 = arith.constant 0.000000e+00 : f32
      %max3A_1126 = vector.broadcast %max3A_1125 : f32 to vector<16xf32>
      %max3A_1127 = arith.maximumf %add3A_1124, %max3A_1126 : vector<16xf32>
      %mul3A_1128 = vector.broadcast %squeeze3A_495 : f32 to vector<16xf32>
      %mul3A_1129 = arith.mulf %max3A_1127, %mul3A_1128 : vector<16xf32>
      %add3A_1130 = arith.addf %add3A_1117, %mul3A_1129 : vector<16xf32>
      %mul3A_1131 = vector.broadcast %squeeze3A_89 : f32 to vector<16xf32>
      %mul3A_1132 = arith.mulf %mul3A_588, %mul3A_1131 : vector<16xf32>
      %mul3A_1133 = vector.broadcast %squeeze3A_225 : f32 to vector<16xf32>
      %mul3A_1134 = arith.mulf %mul3A_597, %mul3A_1133 : vector<16xf32>
      %add3A_1135 = arith.addf %mul3A_1132, %mul3A_1134 : vector<16xf32>
      %add3A_1136 = vector.broadcast %squeeze3A_361 : f32 to vector<16xf32>
      %add3A_1137 = arith.addf %add3A_1135, %add3A_1136 : vector<16xf32>
      %max3A_1138 = arith.constant 0.000000e+00 : f32
      %max3A_1139 = vector.broadcast %max3A_1138 : f32 to vector<16xf32>
      %max3A_1140 = arith.maximumf %add3A_1137, %max3A_1139 : vector<16xf32>
      %mul3A_1141 = vector.broadcast %squeeze3A_497 : f32 to vector<16xf32>
      %mul3A_1142 = arith.mulf %max3A_1140, %mul3A_1141 : vector<16xf32>
      %add3A_1143 = arith.addf %add3A_1130, %mul3A_1142 : vector<16xf32>
      %mul3A_1144 = vector.broadcast %squeeze3A_91 : f32 to vector<16xf32>
      %mul3A_1145 = arith.mulf %mul3A_588, %mul3A_1144 : vector<16xf32>
      %mul3A_1146 = vector.broadcast %squeeze3A_227 : f32 to vector<16xf32>
      %mul3A_1147 = arith.mulf %mul3A_597, %mul3A_1146 : vector<16xf32>
      %add3A_1148 = arith.addf %mul3A_1145, %mul3A_1147 : vector<16xf32>
      %add3A_1149 = vector.broadcast %squeeze3A_363 : f32 to vector<16xf32>
      %add3A_1150 = arith.addf %add3A_1148, %add3A_1149 : vector<16xf32>
      %max3A_1151 = arith.constant 0.000000e+00 : f32
      %max3A_1152 = vector.broadcast %max3A_1151 : f32 to vector<16xf32>
      %max3A_1153 = arith.maximumf %add3A_1150, %max3A_1152 : vector<16xf32>
      %mul3A_1154 = vector.broadcast %squeeze3A_499 : f32 to vector<16xf32>
      %mul3A_1155 = arith.mulf %max3A_1153, %mul3A_1154 : vector<16xf32>
      %add3A_1156 = arith.addf %add3A_1143, %mul3A_1155 : vector<16xf32>
      %mul3A_1157 = vector.broadcast %squeeze3A_93 : f32 to vector<16xf32>
      %mul3A_1158 = arith.mulf %mul3A_588, %mul3A_1157 : vector<16xf32>
      %mul3A_1159 = vector.broadcast %squeeze3A_229 : f32 to vector<16xf32>
      %mul3A_1160 = arith.mulf %mul3A_597, %mul3A_1159 : vector<16xf32>
      %add3A_1161 = arith.addf %mul3A_1158, %mul3A_1160 : vector<16xf32>
      %add3A_1162 = vector.broadcast %squeeze3A_365 : f32 to vector<16xf32>
      %add3A_1163 = arith.addf %add3A_1161, %add3A_1162 : vector<16xf32>
      %max3A_1164 = arith.constant 0.000000e+00 : f32
      %max3A_1165 = vector.broadcast %max3A_1164 : f32 to vector<16xf32>
      %max3A_1166 = arith.maximumf %add3A_1163, %max3A_1165 : vector<16xf32>
      %mul3A_1167 = vector.broadcast %squeeze3A_501 : f32 to vector<16xf32>
      %mul3A_1168 = arith.mulf %max3A_1166, %mul3A_1167 : vector<16xf32>
      %add3A_1169 = arith.addf %add3A_1156, %mul3A_1168 : vector<16xf32>
      %mul3A_1170 = vector.broadcast %squeeze3A_95 : f32 to vector<16xf32>
      %mul3A_1171 = arith.mulf %mul3A_588, %mul3A_1170 : vector<16xf32>
      %mul3A_1172 = vector.broadcast %squeeze3A_231 : f32 to vector<16xf32>
      %mul3A_1173 = arith.mulf %mul3A_597, %mul3A_1172 : vector<16xf32>
      %add3A_1174 = arith.addf %mul3A_1171, %mul3A_1173 : vector<16xf32>
      %add3A_1175 = vector.broadcast %squeeze3A_367 : f32 to vector<16xf32>
      %add3A_1176 = arith.addf %add3A_1174, %add3A_1175 : vector<16xf32>
      %max3A_1177 = arith.constant 0.000000e+00 : f32
      %max3A_1178 = vector.broadcast %max3A_1177 : f32 to vector<16xf32>
      %max3A_1179 = arith.maximumf %add3A_1176, %max3A_1178 : vector<16xf32>
      %mul3A_1180 = vector.broadcast %squeeze3A_503 : f32 to vector<16xf32>
      %mul3A_1181 = arith.mulf %max3A_1179, %mul3A_1180 : vector<16xf32>
      %add3A_1182 = arith.addf %add3A_1169, %mul3A_1181 : vector<16xf32>
      %mul3A_1183 = vector.broadcast %squeeze3A_97 : f32 to vector<16xf32>
      %mul3A_1184 = arith.mulf %mul3A_588, %mul3A_1183 : vector<16xf32>
      %mul3A_1185 = vector.broadcast %squeeze3A_233 : f32 to vector<16xf32>
      %mul3A_1186 = arith.mulf %mul3A_597, %mul3A_1185 : vector<16xf32>
      %add3A_1187 = arith.addf %mul3A_1184, %mul3A_1186 : vector<16xf32>
      %add3A_1188 = vector.broadcast %squeeze3A_369 : f32 to vector<16xf32>
      %add3A_1189 = arith.addf %add3A_1187, %add3A_1188 : vector<16xf32>
      %max3A_1190 = arith.constant 0.000000e+00 : f32
      %max3A_1191 = vector.broadcast %max3A_1190 : f32 to vector<16xf32>
      %max3A_1192 = arith.maximumf %add3A_1189, %max3A_1191 : vector<16xf32>
      %mul3A_1193 = vector.broadcast %squeeze3A_505 : f32 to vector<16xf32>
      %mul3A_1194 = arith.mulf %max3A_1192, %mul3A_1193 : vector<16xf32>
      %add3A_1195 = arith.addf %add3A_1182, %mul3A_1194 : vector<16xf32>
      %mul3A_1196 = vector.broadcast %squeeze3A_99 : f32 to vector<16xf32>
      %mul3A_1197 = arith.mulf %mul3A_588, %mul3A_1196 : vector<16xf32>
      %mul3A_1198 = vector.broadcast %squeeze3A_235 : f32 to vector<16xf32>
      %mul3A_1199 = arith.mulf %mul3A_597, %mul3A_1198 : vector<16xf32>
      %add3A_1200 = arith.addf %mul3A_1197, %mul3A_1199 : vector<16xf32>
      %add3A_1201 = vector.broadcast %squeeze3A_371 : f32 to vector<16xf32>
      %add3A_1202 = arith.addf %add3A_1200, %add3A_1201 : vector<16xf32>
      %max3A_1203 = arith.constant 0.000000e+00 : f32
      %max3A_1204 = vector.broadcast %max3A_1203 : f32 to vector<16xf32>
      %max3A_1205 = arith.maximumf %add3A_1202, %max3A_1204 : vector<16xf32>
      %mul3A_1206 = vector.broadcast %squeeze3A_507 : f32 to vector<16xf32>
      %mul3A_1207 = arith.mulf %max3A_1205, %mul3A_1206 : vector<16xf32>
      %add3A_1208 = arith.addf %add3A_1195, %mul3A_1207 : vector<16xf32>
      %mul3A_1209 = vector.broadcast %squeeze3A_101 : f32 to vector<16xf32>
      %mul3A_1210 = arith.mulf %mul3A_588, %mul3A_1209 : vector<16xf32>
      %mul3A_1211 = vector.broadcast %squeeze3A_237 : f32 to vector<16xf32>
      %mul3A_1212 = arith.mulf %mul3A_597, %mul3A_1211 : vector<16xf32>
      %add3A_1213 = arith.addf %mul3A_1210, %mul3A_1212 : vector<16xf32>
      %add3A_1214 = vector.broadcast %squeeze3A_373 : f32 to vector<16xf32>
      %add3A_1215 = arith.addf %add3A_1213, %add3A_1214 : vector<16xf32>
      %max3A_1216 = arith.constant 0.000000e+00 : f32
      %max3A_1217 = vector.broadcast %max3A_1216 : f32 to vector<16xf32>
      %max3A_1218 = arith.maximumf %add3A_1215, %max3A_1217 : vector<16xf32>
      %mul3A_1219 = vector.broadcast %squeeze3A_509 : f32 to vector<16xf32>
      %mul3A_1220 = arith.mulf %max3A_1218, %mul3A_1219 : vector<16xf32>
      %add3A_1221 = arith.addf %add3A_1208, %mul3A_1220 : vector<16xf32>
      %mul3A_1222 = vector.broadcast %squeeze3A_103 : f32 to vector<16xf32>
      %mul3A_1223 = arith.mulf %mul3A_588, %mul3A_1222 : vector<16xf32>
      %mul3A_1224 = vector.broadcast %squeeze3A_239 : f32 to vector<16xf32>
      %mul3A_1225 = arith.mulf %mul3A_597, %mul3A_1224 : vector<16xf32>
      %add3A_1226 = arith.addf %mul3A_1223, %mul3A_1225 : vector<16xf32>
      %add3A_1227 = vector.broadcast %squeeze3A_375 : f32 to vector<16xf32>
      %add3A_1228 = arith.addf %add3A_1226, %add3A_1227 : vector<16xf32>
      %max3A_1229 = arith.constant 0.000000e+00 : f32
      %max3A_1230 = vector.broadcast %max3A_1229 : f32 to vector<16xf32>
      %max3A_1231 = arith.maximumf %add3A_1228, %max3A_1230 : vector<16xf32>
      %mul3A_1232 = vector.broadcast %squeeze3A_511 : f32 to vector<16xf32>
      %mul3A_1233 = arith.mulf %max3A_1231, %mul3A_1232 : vector<16xf32>
      %add3A_1234 = arith.addf %add3A_1221, %mul3A_1233 : vector<16xf32>
      %mul3A_1235 = vector.broadcast %squeeze3A_105 : f32 to vector<16xf32>
      %mul3A_1236 = arith.mulf %mul3A_588, %mul3A_1235 : vector<16xf32>
      %mul3A_1237 = vector.broadcast %squeeze3A_241 : f32 to vector<16xf32>
      %mul3A_1238 = arith.mulf %mul3A_597, %mul3A_1237 : vector<16xf32>
      %add3A_1239 = arith.addf %mul3A_1236, %mul3A_1238 : vector<16xf32>
      %add3A_1240 = vector.broadcast %squeeze3A_377 : f32 to vector<16xf32>
      %add3A_1241 = arith.addf %add3A_1239, %add3A_1240 : vector<16xf32>
      %max3A_1242 = arith.constant 0.000000e+00 : f32
      %max3A_1243 = vector.broadcast %max3A_1242 : f32 to vector<16xf32>
      %max3A_1244 = arith.maximumf %add3A_1241, %max3A_1243 : vector<16xf32>
      %mul3A_1245 = vector.broadcast %squeeze3A_513 : f32 to vector<16xf32>
      %mul3A_1246 = arith.mulf %max3A_1244, %mul3A_1245 : vector<16xf32>
      %add3A_1247 = arith.addf %add3A_1234, %mul3A_1246 : vector<16xf32>
      %mul3A_1248 = vector.broadcast %squeeze3A_107 : f32 to vector<16xf32>
      %mul3A_1249 = arith.mulf %mul3A_588, %mul3A_1248 : vector<16xf32>
      %mul3A_1250 = vector.broadcast %squeeze3A_243 : f32 to vector<16xf32>
      %mul3A_1251 = arith.mulf %mul3A_597, %mul3A_1250 : vector<16xf32>
      %add3A_1252 = arith.addf %mul3A_1249, %mul3A_1251 : vector<16xf32>
      %add3A_1253 = vector.broadcast %squeeze3A_379 : f32 to vector<16xf32>
      %add3A_1254 = arith.addf %add3A_1252, %add3A_1253 : vector<16xf32>
      %max3A_1255 = arith.constant 0.000000e+00 : f32
      %max3A_1256 = vector.broadcast %max3A_1255 : f32 to vector<16xf32>
      %max3A_1257 = arith.maximumf %add3A_1254, %max3A_1256 : vector<16xf32>
      %mul3A_1258 = vector.broadcast %squeeze3A_515 : f32 to vector<16xf32>
      %mul3A_1259 = arith.mulf %max3A_1257, %mul3A_1258 : vector<16xf32>
      %add3A_1260 = arith.addf %add3A_1247, %mul3A_1259 : vector<16xf32>
      %mul3A_1261 = vector.broadcast %squeeze3A_109 : f32 to vector<16xf32>
      %mul3A_1262 = arith.mulf %mul3A_588, %mul3A_1261 : vector<16xf32>
      %mul3A_1263 = vector.broadcast %squeeze3A_245 : f32 to vector<16xf32>
      %mul3A_1264 = arith.mulf %mul3A_597, %mul3A_1263 : vector<16xf32>
      %add3A_1265 = arith.addf %mul3A_1262, %mul3A_1264 : vector<16xf32>
      %add3A_1266 = vector.broadcast %squeeze3A_381 : f32 to vector<16xf32>
      %add3A_1267 = arith.addf %add3A_1265, %add3A_1266 : vector<16xf32>
      %max3A_1268 = arith.constant 0.000000e+00 : f32
      %max3A_1269 = vector.broadcast %max3A_1268 : f32 to vector<16xf32>
      %max3A_1270 = arith.maximumf %add3A_1267, %max3A_1269 : vector<16xf32>
      %mul3A_1271 = vector.broadcast %squeeze3A_517 : f32 to vector<16xf32>
      %mul3A_1272 = arith.mulf %max3A_1270, %mul3A_1271 : vector<16xf32>
      %add3A_1273 = arith.addf %add3A_1260, %mul3A_1272 : vector<16xf32>
      %mul3A_1274 = vector.broadcast %squeeze3A_111 : f32 to vector<16xf32>
      %mul3A_1275 = arith.mulf %mul3A_588, %mul3A_1274 : vector<16xf32>
      %mul3A_1276 = vector.broadcast %squeeze3A_247 : f32 to vector<16xf32>
      %mul3A_1277 = arith.mulf %mul3A_597, %mul3A_1276 : vector<16xf32>
      %add3A_1278 = arith.addf %mul3A_1275, %mul3A_1277 : vector<16xf32>
      %add3A_1279 = vector.broadcast %squeeze3A_383 : f32 to vector<16xf32>
      %add3A_1280 = arith.addf %add3A_1278, %add3A_1279 : vector<16xf32>
      %max3A_1281 = arith.constant 0.000000e+00 : f32
      %max3A_1282 = vector.broadcast %max3A_1281 : f32 to vector<16xf32>
      %max3A_1283 = arith.maximumf %add3A_1280, %max3A_1282 : vector<16xf32>
      %mul3A_1284 = vector.broadcast %squeeze3A_519 : f32 to vector<16xf32>
      %mul3A_1285 = arith.mulf %max3A_1283, %mul3A_1284 : vector<16xf32>
      %add3A_1286 = arith.addf %add3A_1273, %mul3A_1285 : vector<16xf32>
      %mul3A_1287 = vector.broadcast %squeeze3A_113 : f32 to vector<16xf32>
      %mul3A_1288 = arith.mulf %mul3A_588, %mul3A_1287 : vector<16xf32>
      %mul3A_1289 = vector.broadcast %squeeze3A_249 : f32 to vector<16xf32>
      %mul3A_1290 = arith.mulf %mul3A_597, %mul3A_1289 : vector<16xf32>
      %add3A_1291 = arith.addf %mul3A_1288, %mul3A_1290 : vector<16xf32>
      %add3A_1292 = vector.broadcast %squeeze3A_385 : f32 to vector<16xf32>
      %add3A_1293 = arith.addf %add3A_1291, %add3A_1292 : vector<16xf32>
      %max3A_1294 = arith.constant 0.000000e+00 : f32
      %max3A_1295 = vector.broadcast %max3A_1294 : f32 to vector<16xf32>
      %max3A_1296 = arith.maximumf %add3A_1293, %max3A_1295 : vector<16xf32>
      %mul3A_1297 = vector.broadcast %squeeze3A_521 : f32 to vector<16xf32>
      %mul3A_1298 = arith.mulf %max3A_1296, %mul3A_1297 : vector<16xf32>
      %add3A_1299 = arith.addf %add3A_1286, %mul3A_1298 : vector<16xf32>
      %mul3A_1300 = vector.broadcast %squeeze3A_115 : f32 to vector<16xf32>
      %mul3A_1301 = arith.mulf %mul3A_588, %mul3A_1300 : vector<16xf32>
      %mul3A_1302 = vector.broadcast %squeeze3A_251 : f32 to vector<16xf32>
      %mul3A_1303 = arith.mulf %mul3A_597, %mul3A_1302 : vector<16xf32>
      %add3A_1304 = arith.addf %mul3A_1301, %mul3A_1303 : vector<16xf32>
      %add3A_1305 = vector.broadcast %squeeze3A_387 : f32 to vector<16xf32>
      %add3A_1306 = arith.addf %add3A_1304, %add3A_1305 : vector<16xf32>
      %max3A_1307 = arith.constant 0.000000e+00 : f32
      %max3A_1308 = vector.broadcast %max3A_1307 : f32 to vector<16xf32>
      %max3A_1309 = arith.maximumf %add3A_1306, %max3A_1308 : vector<16xf32>
      %mul3A_1310 = vector.broadcast %squeeze3A_523 : f32 to vector<16xf32>
      %mul3A_1311 = arith.mulf %max3A_1309, %mul3A_1310 : vector<16xf32>
      %add3A_1312 = arith.addf %add3A_1299, %mul3A_1311 : vector<16xf32>
      %mul3A_1313 = vector.broadcast %squeeze3A_117 : f32 to vector<16xf32>
      %mul3A_1314 = arith.mulf %mul3A_588, %mul3A_1313 : vector<16xf32>
      %mul3A_1315 = vector.broadcast %squeeze3A_253 : f32 to vector<16xf32>
      %mul3A_1316 = arith.mulf %mul3A_597, %mul3A_1315 : vector<16xf32>
      %add3A_1317 = arith.addf %mul3A_1314, %mul3A_1316 : vector<16xf32>
      %add3A_1318 = vector.broadcast %squeeze3A_389 : f32 to vector<16xf32>
      %add3A_1319 = arith.addf %add3A_1317, %add3A_1318 : vector<16xf32>
      %max3A_1320 = arith.constant 0.000000e+00 : f32
      %max3A_1321 = vector.broadcast %max3A_1320 : f32 to vector<16xf32>
      %max3A_1322 = arith.maximumf %add3A_1319, %max3A_1321 : vector<16xf32>
      %mul3A_1323 = vector.broadcast %squeeze3A_525 : f32 to vector<16xf32>
      %mul3A_1324 = arith.mulf %max3A_1322, %mul3A_1323 : vector<16xf32>
      %add3A_1325 = arith.addf %add3A_1312, %mul3A_1324 : vector<16xf32>
      %mul3A_1326 = vector.broadcast %squeeze3A_119 : f32 to vector<16xf32>
      %mul3A_1327 = arith.mulf %mul3A_588, %mul3A_1326 : vector<16xf32>
      %mul3A_1328 = vector.broadcast %squeeze3A_255 : f32 to vector<16xf32>
      %mul3A_1329 = arith.mulf %mul3A_597, %mul3A_1328 : vector<16xf32>
      %add3A_1330 = arith.addf %mul3A_1327, %mul3A_1329 : vector<16xf32>
      %add3A_1331 = vector.broadcast %squeeze3A_391 : f32 to vector<16xf32>
      %add3A_1332 = arith.addf %add3A_1330, %add3A_1331 : vector<16xf32>
      %max3A_1333 = arith.constant 0.000000e+00 : f32
      %max3A_1334 = vector.broadcast %max3A_1333 : f32 to vector<16xf32>
      %max3A_1335 = arith.maximumf %add3A_1332, %max3A_1334 : vector<16xf32>
      %mul3A_1336 = vector.broadcast %squeeze3A_527 : f32 to vector<16xf32>
      %mul3A_1337 = arith.mulf %max3A_1335, %mul3A_1336 : vector<16xf32>
      %add3A_1338 = arith.addf %add3A_1325, %mul3A_1337 : vector<16xf32>
      %mul3A_1339 = vector.broadcast %squeeze3A_121 : f32 to vector<16xf32>
      %mul3A_1340 = arith.mulf %mul3A_588, %mul3A_1339 : vector<16xf32>
      %mul3A_1341 = vector.broadcast %squeeze3A_257 : f32 to vector<16xf32>
      %mul3A_1342 = arith.mulf %mul3A_597, %mul3A_1341 : vector<16xf32>
      %add3A_1343 = arith.addf %mul3A_1340, %mul3A_1342 : vector<16xf32>
      %add3A_1344 = vector.broadcast %squeeze3A_393 : f32 to vector<16xf32>
      %add3A_1345 = arith.addf %add3A_1343, %add3A_1344 : vector<16xf32>
      %max3A_1346 = arith.constant 0.000000e+00 : f32
      %max3A_1347 = vector.broadcast %max3A_1346 : f32 to vector<16xf32>
      %max3A_1348 = arith.maximumf %add3A_1345, %max3A_1347 : vector<16xf32>
      %mul3A_1349 = vector.broadcast %squeeze3A_529 : f32 to vector<16xf32>
      %mul3A_1350 = arith.mulf %max3A_1348, %mul3A_1349 : vector<16xf32>
      %add3A_1351 = arith.addf %add3A_1338, %mul3A_1350 : vector<16xf32>
      %mul3A_1352 = vector.broadcast %squeeze3A_123 : f32 to vector<16xf32>
      %mul3A_1353 = arith.mulf %mul3A_588, %mul3A_1352 : vector<16xf32>
      %mul3A_1354 = vector.broadcast %squeeze3A_259 : f32 to vector<16xf32>
      %mul3A_1355 = arith.mulf %mul3A_597, %mul3A_1354 : vector<16xf32>
      %add3A_1356 = arith.addf %mul3A_1353, %mul3A_1355 : vector<16xf32>
      %add3A_1357 = vector.broadcast %squeeze3A_395 : f32 to vector<16xf32>
      %add3A_1358 = arith.addf %add3A_1356, %add3A_1357 : vector<16xf32>
      %max3A_1359 = arith.constant 0.000000e+00 : f32
      %max3A_1360 = vector.broadcast %max3A_1359 : f32 to vector<16xf32>
      %max3A_1361 = arith.maximumf %add3A_1358, %max3A_1360 : vector<16xf32>
      %mul3A_1362 = vector.broadcast %squeeze3A_531 : f32 to vector<16xf32>
      %mul3A_1363 = arith.mulf %max3A_1361, %mul3A_1362 : vector<16xf32>
      %add3A_1364 = arith.addf %add3A_1351, %mul3A_1363 : vector<16xf32>
      %mul3A_1365 = vector.broadcast %squeeze3A_125 : f32 to vector<16xf32>
      %mul3A_1366 = arith.mulf %mul3A_588, %mul3A_1365 : vector<16xf32>
      %mul3A_1367 = vector.broadcast %squeeze3A_261 : f32 to vector<16xf32>
      %mul3A_1368 = arith.mulf %mul3A_597, %mul3A_1367 : vector<16xf32>
      %add3A_1369 = arith.addf %mul3A_1366, %mul3A_1368 : vector<16xf32>
      %add3A_1370 = vector.broadcast %squeeze3A_397 : f32 to vector<16xf32>
      %add3A_1371 = arith.addf %add3A_1369, %add3A_1370 : vector<16xf32>
      %max3A_1372 = arith.constant 0.000000e+00 : f32
      %max3A_1373 = vector.broadcast %max3A_1372 : f32 to vector<16xf32>
      %max3A_1374 = arith.maximumf %add3A_1371, %max3A_1373 : vector<16xf32>
      %mul3A_1375 = vector.broadcast %squeeze3A_533 : f32 to vector<16xf32>
      %mul3A_1376 = arith.mulf %max3A_1374, %mul3A_1375 : vector<16xf32>
      %add3A_1377 = arith.addf %add3A_1364, %mul3A_1376 : vector<16xf32>
      %mul3A_1378 = vector.broadcast %squeeze3A_127 : f32 to vector<16xf32>
      %mul3A_1379 = arith.mulf %mul3A_588, %mul3A_1378 : vector<16xf32>
      %mul3A_1380 = vector.broadcast %squeeze3A_263 : f32 to vector<16xf32>
      %mul3A_1381 = arith.mulf %mul3A_597, %mul3A_1380 : vector<16xf32>
      %add3A_1382 = arith.addf %mul3A_1379, %mul3A_1381 : vector<16xf32>
      %add3A_1383 = vector.broadcast %squeeze3A_399 : f32 to vector<16xf32>
      %add3A_1384 = arith.addf %add3A_1382, %add3A_1383 : vector<16xf32>
      %max3A_1385 = arith.constant 0.000000e+00 : f32
      %max3A_1386 = vector.broadcast %max3A_1385 : f32 to vector<16xf32>
      %max3A_1387 = arith.maximumf %add3A_1384, %max3A_1386 : vector<16xf32>
      %mul3A_1388 = vector.broadcast %squeeze3A_535 : f32 to vector<16xf32>
      %mul3A_1389 = arith.mulf %max3A_1387, %mul3A_1388 : vector<16xf32>
      %add3A_1390 = arith.addf %add3A_1377, %mul3A_1389 : vector<16xf32>
      %mul3A_1391 = vector.broadcast %squeeze3A_129 : f32 to vector<16xf32>
      %mul3A_1392 = arith.mulf %mul3A_588, %mul3A_1391 : vector<16xf32>
      %mul3A_1393 = vector.broadcast %squeeze3A_265 : f32 to vector<16xf32>
      %mul3A_1394 = arith.mulf %mul3A_597, %mul3A_1393 : vector<16xf32>
      %add3A_1395 = arith.addf %mul3A_1392, %mul3A_1394 : vector<16xf32>
      %add3A_1396 = vector.broadcast %squeeze3A_401 : f32 to vector<16xf32>
      %add3A_1397 = arith.addf %add3A_1395, %add3A_1396 : vector<16xf32>
      %max3A_1398 = arith.constant 0.000000e+00 : f32
      %max3A_1399 = vector.broadcast %max3A_1398 : f32 to vector<16xf32>
      %max3A_1400 = arith.maximumf %add3A_1397, %max3A_1399 : vector<16xf32>
      %mul3A_1401 = vector.broadcast %squeeze3A_537 : f32 to vector<16xf32>
      %mul3A_1402 = arith.mulf %max3A_1400, %mul3A_1401 : vector<16xf32>
      %add3A_1403 = arith.addf %add3A_1390, %mul3A_1402 : vector<16xf32>
      %mul3A_1404 = vector.broadcast %squeeze3A_131 : f32 to vector<16xf32>
      %mul3A_1405 = arith.mulf %mul3A_588, %mul3A_1404 : vector<16xf32>
      %mul3A_1406 = vector.broadcast %squeeze3A_267 : f32 to vector<16xf32>
      %mul3A_1407 = arith.mulf %mul3A_597, %mul3A_1406 : vector<16xf32>
      %add3A_1408 = arith.addf %mul3A_1405, %mul3A_1407 : vector<16xf32>
      %add3A_1409 = vector.broadcast %squeeze3A_403 : f32 to vector<16xf32>
      %add3A_1410 = arith.addf %add3A_1408, %add3A_1409 : vector<16xf32>
      %max3A_1411 = arith.constant 0.000000e+00 : f32
      %max3A_1412 = vector.broadcast %max3A_1411 : f32 to vector<16xf32>
      %max3A_1413 = arith.maximumf %add3A_1410, %max3A_1412 : vector<16xf32>
      %mul3A_1414 = vector.broadcast %squeeze3A_539 : f32 to vector<16xf32>
      %mul3A_1415 = arith.mulf %max3A_1413, %mul3A_1414 : vector<16xf32>
      %add3A_1416 = arith.addf %add3A_1403, %mul3A_1415 : vector<16xf32>
      %mul3A_1417 = vector.broadcast %squeeze3A_133 : f32 to vector<16xf32>
      %mul3A_1418 = arith.mulf %mul3A_588, %mul3A_1417 : vector<16xf32>
      %mul3A_1419 = vector.broadcast %squeeze3A_269 : f32 to vector<16xf32>
      %mul3A_1420 = arith.mulf %mul3A_597, %mul3A_1419 : vector<16xf32>
      %add3A_1421 = arith.addf %mul3A_1418, %mul3A_1420 : vector<16xf32>
      %add3A_1422 = vector.broadcast %squeeze3A_405 : f32 to vector<16xf32>
      %add3A_1423 = arith.addf %add3A_1421, %add3A_1422 : vector<16xf32>
      %max3A_1424 = arith.constant 0.000000e+00 : f32
      %max3A_1425 = vector.broadcast %max3A_1424 : f32 to vector<16xf32>
      %max3A_1426 = arith.maximumf %add3A_1423, %max3A_1425 : vector<16xf32>
      %mul3A_1427 = vector.broadcast %squeeze3A_541 : f32 to vector<16xf32>
      %mul3A_1428 = arith.mulf %max3A_1426, %mul3A_1427 : vector<16xf32>
      %add3A_1429 = arith.addf %add3A_1416, %mul3A_1428 : vector<16xf32>
      %mul3A_1430 = arith.mulf %get3A_579, %add3A_1429 : vector<16xf32>
      %swap3A = arith.index_cast %mul3A_577 : i32 to index
      %swap3A_1431 = tpu.vector_load %arg25[%swap3A] {strides = array<i32>} : memref<3136xf32, #tpu.memory_space<vmem>>, vector<16xf32>,
      tpu.vector_store %arg25[%swap3A], %mul3A_1430 {strides = array<i32>} : memref<3136xf32, #tpu.memory_space<vmem>>, vector<16xf32>,
    }
    %scan3A_545 = arith.constant 196 : i32
    "tpu.region"() ({
      %run_scoped3A = tpu.sem_alloc : memref<!tpu.dma_semaphore, #tpu.memory_space<semaphore_mem>>
      %dma_start3A = tpu.memref_slice %arg33[%mul3A_0] : memref<50176xf32, #tpu.memory_space<vmem_shared>> -> memref<3136xf32, #tpu.memory_space<vmem_shared>>
      %dma_start3A_571 = tpu.memref_slice %arg33[%mul3A_0] : memref<50176xf32, #tpu.memory_space<vmem_shared>> -> memref<3136xf32, #tpu.memory_space<vmem_shared>>
      tpu.enqueue_dma source(%arg25 : memref<3136xf32, #tpu.memory_space<vmem>>) target(%dma_start3A_571 : memref<3136xf32, #tpu.memory_space<vmem_shared>>) target_semaphore(%run_scoped3A : memref<!tpu.dma_semaphore, #tpu.memory_space<semaphore_mem>>)
      %dma_wait3A = tpu.memref_slice %arg33[%mul3A_0] : memref<50176xf32, #tpu.memory_space<vmem_shared>> -> memref<3136xf32, #tpu.memory_space<vmem_shared>>
      %dma_wait3A_572 = tpu.memref_slice %arg33[%mul3A_0] : memref<50176xf32, #tpu.memory_space<vmem_shared>> -> memref<3136xf32, #tpu.memory_space<vmem_shared>>
      tpu.wait_dma2 semaphore(%run_scoped3A : memref<!tpu.dma_semaphore, #tpu.memory_space<semaphore_mem>>) src(%arg25 : memref<3136xf32, #tpu.memory_space<vmem>>) dst(%dma_wait3A_572 : memref<3136xf32, #tpu.memory_space<vmem_shared>>)
      tpu.yield
    }) : () -> ()
    %eq3A = arith.constant 0 : i32
    %eq3A_546 = arith.cmpi eq, %arg0, %eq3A : i32
    %convert_element_type3A = arith.extui %eq3A_546 : i1 to i32
    %cond3A = arith.constant 0 : i32
    %cond3A_547 = arith.cmpi ne, %convert_element_type3A, %cond3A : i32
    scf.if %cond3A_547 {
      "tpu.region"() ({
        %run_scoped3A = tpu.sem_alloc : memref<!tpu.dma_semaphore, #tpu.memory_space<semaphore_mem>>
        %dma_start3A = tpu.memref_slice %arg18[%mul3A_0] : memref<50176xf32, #tpu.memory_space<hbm>> -> memref<3136xf32, #tpu.memory_space<hbm>>
        %dma_start3A_571 = tpu.memref_slice %arg18[%mul3A_0] : memref<50176xf32, #tpu.memory_space<hbm>> -> memref<3136xf32, #tpu.memory_space<hbm>>
        tpu.enqueue_dma source(%arg25 : memref<3136xf32, #tpu.memory_space<vmem>>) target(%dma_start3A_571 : memref<3136xf32, #tpu.memory_space<hbm>>) target_semaphore(%run_scoped3A : memref<!tpu.dma_semaphore, #tpu.memory_space<semaphore_mem>>)
        %dma_wait3A = tpu.memref_slice %arg18[%mul3A_0] : memref<50176xf32, #tpu.memory_space<hbm>> -> memref<3136xf32, #tpu.memory_space<hbm>>
        %dma_wait3A_572 = tpu.memref_slice %arg18[%mul3A_0] : memref<50176xf32, #tpu.memory_space<hbm>> -> memref<3136xf32, #tpu.memory_space<hbm>>
        tpu.wait_dma2 semaphore(%run_scoped3A : memref<!tpu.dma_semaphore, #tpu.memory_space<semaphore_mem>>) src(%arg25 : memref<3136xf32, #tpu.memory_space<vmem>>) dst(%dma_wait3A_572 : memref<3136xf32, #tpu.memory_space<hbm>>)
        tpu.yield
      }) : () -> ()
    } else {
    }
    "tpu.region"() ({
      %run_scoped3A = tpu.sem_alloc : memref<!tpu.dma_semaphore, #tpu.memory_space<semaphore_mem>>
      tpu.enqueue_dma source(%arg15 : memref<3136xf32, #tpu.memory_space<hbm>>) target(%arg27 : memref<3136xf32, #tpu.memory_space<vmem>>) target_semaphore(%run_scoped3A : memref<!tpu.dma_semaphore, #tpu.memory_space<semaphore_mem>>)
      tpu.wait_dma2 semaphore(%run_scoped3A : memref<!tpu.dma_semaphore, #tpu.memory_space<semaphore_mem>>) src(%arg15 : memref<3136xf32, #tpu.memory_space<hbm>>) dst(%arg27 : memref<3136xf32, #tpu.memory_space<vmem>>)
      tpu.yield
    }) : () -> ()
    "tpu.region"() ({
      %run_scoped3A = tpu.sem_alloc : memref<!tpu.dma_semaphore, #tpu.memory_space<semaphore_mem>>
      %dma_start3A = tpu.memref_slice %arg32[%mul3A_0] : memref<50184xf32, #tpu.memory_space<vmem_shared>> -> memref<3136xf32, #tpu.memory_space<vmem_shared>>
      %dma_start3A_571 = tpu.memref_slice %arg32[%mul3A_0] : memref<50184xf32, #tpu.memory_space<vmem_shared>> -> memref<3136xf32, #tpu.memory_space<vmem_shared>>
      tpu.enqueue_dma source(%arg27 : memref<3136xf32, #tpu.memory_space<vmem>>) target(%dma_start3A_571 : memref<3136xf32, #tpu.memory_space<vmem_shared>>) target_semaphore(%run_scoped3A : memref<!tpu.dma_semaphore, #tpu.memory_space<semaphore_mem>>)
      %dma_wait3A = tpu.memref_slice %arg32[%mul3A_0] : memref<50184xf32, #tpu.memory_space<vmem_shared>> -> memref<3136xf32, #tpu.memory_space<vmem_shared>>
      %dma_wait3A_572 = tpu.memref_slice %arg32[%mul3A_0] : memref<50184xf32, #tpu.memory_space<vmem_shared>> -> memref<3136xf32, #tpu.memory_space<vmem_shared>>
      tpu.wait_dma2 semaphore(%run_scoped3A : memref<!tpu.dma_semaphore, #tpu.memory_space<semaphore_mem>>) src(%arg27 : memref<3136xf32, #tpu.memory_space<vmem>>) dst(%dma_wait3A_572 : memref<3136xf32, #tpu.memory_space<vmem_shared>>)
      tpu.yield
    }) : () -> ()
    %eq3A_548 = arith.constant 0 : i32
    %eq3A_549 = arith.cmpi eq, %arg1, %eq3A_548 : i32
    %convert_element_type3A_550 = arith.extui %eq3A_549 : i1 to i32
    %cond3A_551 = arith.constant 0 : i32
    %cond3A_552 = arith.cmpi ne, %convert_element_type3A_550, %cond3A_551 : i32
    scf.if %cond3A_552 {
      "tpu.region"() ({
        %run_scoped3A = tpu.sem_alloc : memref<!tpu.dma_semaphore, #tpu.memory_space<semaphore_mem>>
        %dma_start3A = arith.constant 0 : i32
        %dma_start3A_571 = tpu.memref_slice %arg27[%dma_start3A] : memref<3136xf32, #tpu.memory_space<vmem>> -> memref<8xf32, #tpu.memory_space<vmem>>
        %dma_start3A_572 = arith.constant 50176 : i32
        %dma_start3A_573 = tpu.memref_slice %arg32[%dma_start3A_572] : memref<50184xf32, #tpu.memory_space<vmem_shared>> -> memref<8xf32, #tpu.memory_space<vmem_shared>>
        %dma_start3A_574 = arith.constant 50176 : i32
        %dma_start3A_575 = tpu.memref_slice %arg32[%dma_start3A_574] : memref<50184xf32, #tpu.memory_space<vmem_shared>> -> memref<8xf32, #tpu.memory_space<vmem_shared>>
        %dma_start3A_576 = arith.constant 0 : i32
        %dma_start3A_577 = tpu.memref_slice %arg27[%dma_start3A_576] : memref<3136xf32, #tpu.memory_space<vmem>> -> memref<8xf32, #tpu.memory_space<vmem>>
        tpu.enqueue_dma source(%dma_start3A_577 : memref<8xf32, #tpu.memory_space<vmem>>) target(%dma_start3A_575 : memref<8xf32, #tpu.memory_space<vmem_shared>>) target_semaphore(%run_scoped3A : memref<!tpu.dma_semaphore, #tpu.memory_space<semaphore_mem>>)
        %dma_wait3A = arith.constant 0 : i32
        %dma_wait3A_578 = tpu.memref_slice %arg27[%dma_wait3A] : memref<3136xf32, #tpu.memory_space<vmem>> -> memref<8xf32, #tpu.memory_space<vmem>>
        %dma_wait3A_579 = arith.constant 50176 : i32
        %dma_wait3A_580 = tpu.memref_slice %arg32[%dma_wait3A_579] : memref<50184xf32, #tpu.memory_space<vmem_shared>> -> memref<8xf32, #tpu.memory_space<vmem_shared>>
        %dma_wait3A_581 = arith.constant 50176 : i32
        %dma_wait3A_582 = tpu.memref_slice %arg32[%dma_wait3A_581] : memref<50184xf32, #tpu.memory_space<vmem_shared>> -> memref<8xf32, #tpu.memory_space<vmem_shared>>
        %dma_wait3A_583 = arith.constant 0 : i32
        %dma_wait3A_584 = tpu.memref_slice %arg27[%dma_wait3A_583] : memref<3136xf32, #tpu.memory_space<vmem>> -> memref<8xf32, #tpu.memory_space<vmem>>
        tpu.wait_dma2 semaphore(%run_scoped3A : memref<!tpu.dma_semaphore, #tpu.memory_space<semaphore_mem>>) src(%dma_wait3A_584 : memref<8xf32, #tpu.memory_space<vmem>>) dst(%dma_wait3A_582 : memref<8xf32, #tpu.memory_space<vmem_shared>>)
        tpu.yield
      }) : () -> ()
    } else {
    }
    %barrier3A = arith.constant 0 : index
    tpu.barrier barrier_id(%barrier3A)
    %mul3A_553 = arith.constant 16 : i32
    %mul3A_554 = arith.muli %arg0, %mul3A_553 : i32
    %add3A = arith.addi %mul3A_554, %arg1 : i32
    %scan3A_555 = arith.constant 0 : i32
    %scan3A_556 = arith.constant 4 : i32
    %scan3A_557 = arith.addi %scan3A_555, %scan3A_556 : i32
    %scan3A_558 = arith.constant 1 : i32
    scf.for %scan3A_571 = %scan3A_555 to %scan3A_557 step %scan3A_558  : i32 {
      %mul3A_572 = arith.constant 1 : i32
      %mul3A_573 = arith.muli %scan3A_571, %mul3A_572 : i32
      %add3A_574 = arith.constant 0 : i32
      %add3A_575 = arith.addi %add3A_574, %mul3A_573 : i32
      %mul3A_576 = arith.constant 25088 : i32
      %mul3A_577 = arith.muli %add3A, %mul3A_576 : i32
      %mul3A_578 = arith.constant 6272 : i32
      %mul3A_579 = arith.muli %add3A_575, %mul3A_578 : i32
      %add3A_580 = arith.addi %mul3A_577, %mul3A_579 : i32
      "tpu.region"() ({
        %run_scoped3A = tpu.sem_alloc : memref<!tpu.dma_semaphore, #tpu.memory_space<semaphore_mem>>
        %dma_start3A = tpu.memref_slice %arg13[%add3A_580] : memref<802816xi32, #tpu.memory_space<hbm>> -> memref<6272xi32, #tpu.memory_space<hbm>>
        %dma_start3A_581 = tpu.memref_slice %arg13[%add3A_580] : memref<802816xi32, #tpu.memory_space<hbm>> -> memref<6272xi32, #tpu.memory_space<hbm>>
        tpu.enqueue_dma source(%dma_start3A_581 : memref<6272xi32, #tpu.memory_space<hbm>>) target(%arg19 : memref<6272xi32, #tpu.memory_space<vmem>>) target_semaphore(%run_scoped3A : memref<!tpu.dma_semaphore, #tpu.memory_space<semaphore_mem>>)
        %dma_wait3A = tpu.memref_slice %arg13[%add3A_580] : memref<802816xi32, #tpu.memory_space<hbm>> -> memref<6272xi32, #tpu.memory_space<hbm>>
        %dma_wait3A_582 = tpu.memref_slice %arg13[%add3A_580] : memref<802816xi32, #tpu.memory_space<hbm>> -> memref<6272xi32, #tpu.memory_space<hbm>>
        tpu.wait_dma2 semaphore(%run_scoped3A : memref<!tpu.dma_semaphore, #tpu.memory_space<semaphore_mem>>) src(%dma_wait3A_582 : memref<6272xi32, #tpu.memory_space<hbm>>) dst(%arg19 : memref<6272xi32, #tpu.memory_space<vmem>>)
        tpu.yield
      }) : () -> ()
      "tpu.region"() ({
        %run_scoped3A = tpu.sem_alloc : memref<!tpu.dma_semaphore, #tpu.memory_space<semaphore_mem>>
        %dma_start3A = arith.constant 0 : i32
        %dma_start3A_581 = tpu.memref_slice %arg33[%dma_start3A] : memref<50176xf32, #tpu.memory_space<vmem_shared>> -> memref<50176xf32, #tpu.memory_space<vmem_shared>>
        tpu.enqueue_indirect_dma source(%dma_start3A_581 : memref<50176xf32, #tpu.memory_space<vmem_shared>>) target(%arg20 : memref<6272xf32, #tpu.memory_space<vmem>>) offsets(%arg19 : memref<6272xi32, #tpu.memory_space<vmem>>) semaphore(%run_scoped3A : memref<!tpu.dma_semaphore, #tpu.memory_space<semaphore_mem>>)
        %dma_wait3A = arith.constant 0 : i32
        %dma_wait3A_582 = tpu.memref_slice %arg33[%dma_wait3A] : memref<50176xf32, #tpu.memory_space<vmem_shared>> -> memref<50176xf32, #tpu.memory_space<vmem_shared>>
        tpu.wait_indirect_dma semaphore(%run_scoped3A : memref<!tpu.dma_semaphore, #tpu.memory_space<semaphore_mem>>) src(%dma_wait3A_582 : memref<50176xf32, #tpu.memory_space<vmem_shared>>) dst(%arg20 : memref<6272xf32, #tpu.memory_space<vmem>>)
        tpu.yield
      }) : () -> ()
      "tpu.region"() ({
        %run_scoped3A = tpu.sem_alloc : memref<!tpu.dma_semaphore, #tpu.memory_space<semaphore_mem>>
        %dma_start3A = tpu.memref_slice %arg14[%add3A_580] : memref<802816xi32, #tpu.memory_space<hbm>> -> memref<6272xi32, #tpu.memory_space<hbm>>
        %dma_start3A_581 = tpu.memref_slice %arg14[%add3A_580] : memref<802816xi32, #tpu.memory_space<hbm>> -> memref<6272xi32, #tpu.memory_space<hbm>>
        tpu.enqueue_dma source(%dma_start3A_581 : memref<6272xi32, #tpu.memory_space<hbm>>) target(%arg19 : memref<6272xi32, #tpu.memory_space<vmem>>) target_semaphore(%run_scoped3A : memref<!tpu.dma_semaphore, #tpu.memory_space<semaphore_mem>>)
        %dma_wait3A = tpu.memref_slice %arg14[%add3A_580] : memref<802816xi32, #tpu.memory_space<hbm>> -> memref<6272xi32, #tpu.memory_space<hbm>>
        %dma_wait3A_582 = tpu.memref_slice %arg14[%add3A_580] : memref<802816xi32, #tpu.memory_space<hbm>> -> memref<6272xi32, #tpu.memory_space<hbm>>
        tpu.wait_dma2 semaphore(%run_scoped3A : memref<!tpu.dma_semaphore, #tpu.memory_space<semaphore_mem>>) src(%dma_wait3A_582 : memref<6272xi32, #tpu.memory_space<hbm>>) dst(%arg19 : memref<6272xi32, #tpu.memory_space<vmem>>)
        tpu.yield
      }) : () -> ()
      "tpu.region"() ({
        %run_scoped3A = tpu.sem_alloc : memref<!tpu.dma_semaphore, #tpu.memory_space<semaphore_mem>>
        %dma_start3A = arith.constant 0 : i32
        %dma_start3A_581 = tpu.memref_slice %arg32[%dma_start3A] : memref<50184xf32, #tpu.memory_space<vmem_shared>> -> memref<50184xf32, #tpu.memory_space<vmem_shared>>
        tpu.enqueue_indirect_dma source(%arg20 : memref<6272xf32, #tpu.memory_space<vmem>>) target(%dma_start3A_581 : memref<50184xf32, #tpu.memory_space<vmem_shared>>) offsets(%arg19 : memref<6272xi32, #tpu.memory_space<vmem>>) semaphore(%run_scoped3A : memref<!tpu.dma_semaphore, #tpu.memory_space<semaphore_mem>>) {add = true}
        %dma_wait3A = arith.constant 0 : i32
        %dma_wait3A_582 = tpu.memref_slice %arg32[%dma_wait3A] : memref<50184xf32, #tpu.memory_space<vmem_shared>> -> memref<50184xf32, #tpu.memory_space<vmem_shared>>
        tpu.wait_indirect_dma semaphore(%run_scoped3A : memref<!tpu.dma_semaphore, #tpu.memory_space<semaphore_mem>>) src(%arg20 : memref<6272xf32, #tpu.memory_space<vmem>>) dst(%dma_wait3A_582 : memref<50184xf32, #tpu.memory_space<vmem_shared>>)
        tpu.yield
      }) : () -> ()
    }
    %scan3A_559 = arith.constant 4 : i32
    %barrier3A_560 = arith.constant 0 : index
    tpu.barrier barrier_id(%barrier3A_560)
    "tpu.region"() ({
      %run_scoped3A = tpu.sem_alloc : memref<!tpu.dma_semaphore, #tpu.memory_space<semaphore_mem>>
      %dma_start3A = tpu.memref_slice %arg32[%mul3A_0] : memref<50184xf32, #tpu.memory_space<vmem_shared>> -> memref<3136xf32, #tpu.memory_space<vmem_shared>>
      %dma_start3A_571 = tpu.memref_slice %arg32[%mul3A_0] : memref<50184xf32, #tpu.memory_space<vmem_shared>> -> memref<3136xf32, #tpu.memory_space<vmem_shared>>
      tpu.enqueue_dma source(%dma_start3A_571 : memref<3136xf32, #tpu.memory_space<vmem_shared>>) target(%arg27 : memref<3136xf32, #tpu.memory_space<vmem>>) target_semaphore(%run_scoped3A : memref<!tpu.dma_semaphore, #tpu.memory_space<semaphore_mem>>)
      %dma_wait3A = tpu.memref_slice %arg32[%mul3A_0] : memref<50184xf32, #tpu.memory_space<vmem_shared>> -> memref<3136xf32, #tpu.memory_space<vmem_shared>>
      %dma_wait3A_572 = tpu.memref_slice %arg32[%mul3A_0] : memref<50184xf32, #tpu.memory_space<vmem_shared>> -> memref<3136xf32, #tpu.memory_space<vmem_shared>>
      tpu.wait_dma2 semaphore(%run_scoped3A : memref<!tpu.dma_semaphore, #tpu.memory_space<semaphore_mem>>) src(%dma_wait3A_572 : memref<3136xf32, #tpu.memory_space<vmem_shared>>) dst(%arg27 : memref<3136xf32, #tpu.memory_space<vmem>>)
      tpu.yield
    }) : () -> ()
    %eq3A_561 = arith.constant 0 : i32
    %eq3A_562 = arith.cmpi eq, %arg0, %eq3A_561 : i32
    %convert_element_type3A_563 = arith.extui %eq3A_562 : i1 to i32
    %cond3A_564 = arith.constant 0 : i32
    %cond3A_565 = arith.cmpi ne, %convert_element_type3A_563, %cond3A_564 : i32
    scf.if %cond3A_565 {
      "tpu.region"() ({
        %run_scoped3A = tpu.sem_alloc : memref<!tpu.dma_semaphore, #tpu.memory_space<semaphore_mem>>
        %dma_start3A = tpu.memref_slice %arg16[%mul3A_0] : memref<50176xf32, #tpu.memory_space<hbm>> -> memref<3136xf32, #tpu.memory_space<hbm>>
        %dma_start3A_571 = tpu.memref_slice %arg16[%mul3A_0] : memref<50176xf32, #tpu.memory_space<hbm>> -> memref<3136xf32, #tpu.memory_space<hbm>>
        tpu.enqueue_dma source(%arg27 : memref<3136xf32, #tpu.memory_space<vmem>>) target(%dma_start3A_571 : memref<3136xf32, #tpu.memory_space<hbm>>) target_semaphore(%run_scoped3A : memref<!tpu.dma_semaphore, #tpu.memory_space<semaphore_mem>>)
        %dma_wait3A = tpu.memref_slice %arg16[%mul3A_0] : memref<50176xf32, #tpu.memory_space<hbm>> -> memref<3136xf32, #tpu.memory_space<hbm>>
        %dma_wait3A_572 = tpu.memref_slice %arg16[%mul3A_0] : memref<50176xf32, #tpu.memory_space<hbm>> -> memref<3136xf32, #tpu.memory_space<hbm>>
        tpu.wait_dma2 semaphore(%run_scoped3A : memref<!tpu.dma_semaphore, #tpu.memory_space<semaphore_mem>>) src(%arg27 : memref<3136xf32, #tpu.memory_space<vmem>>) dst(%dma_wait3A_572 : memref<3136xf32, #tpu.memory_space<hbm>>)
        tpu.yield
      }) : () -> ()
    } else {
    }
    %eq3A_566 = arith.constant 1 : i32
    %eq3A_567 = arith.cmpi eq, %arg0, %eq3A_566 : i32
    %convert_element_type3A_568 = arith.extui %eq3A_567 : i1 to i32
    %cond3A_569 = arith.constant 0 : i32
    %cond3A_570 = arith.cmpi ne, %convert_element_type3A_568, %cond3A_569 : i32
    scf.if %cond3A_570 {
      "tpu.region"() ({
        %run_scoped3A = tpu.sem_alloc : memref<!tpu.dma_semaphore, #tpu.memory_space<semaphore_mem>>
        %dma_start3A = tpu.memref_slice %arg17[%mul3A_0] : memref<50176xf32, #tpu.memory_space<hbm>> -> memref<3136xf32, #tpu.memory_space<hbm>>
        %dma_start3A_571 = tpu.memref_slice %arg17[%mul3A_0] : memref<50176xf32, #tpu.memory_space<hbm>> -> memref<3136xf32, #tpu.memory_space<hbm>>
        tpu.enqueue_dma source(%arg27 : memref<3136xf32, #tpu.memory_space<vmem>>) target(%dma_start3A_571 : memref<3136xf32, #tpu.memory_space<hbm>>) target_semaphore(%run_scoped3A : memref<!tpu.dma_semaphore, #tpu.memory_space<semaphore_mem>>)
        %dma_wait3A = tpu.memref_slice %arg17[%mul3A_0] : memref<50176xf32, #tpu.memory_space<hbm>> -> memref<3136xf32, #tpu.memory_space<hbm>>
        %dma_wait3A_572 = tpu.memref_slice %arg17[%mul3A_0] : memref<50176xf32, #tpu.memory_space<hbm>> -> memref<3136xf32, #tpu.memory_space<hbm>>
        tpu.wait_dma2 semaphore(%run_scoped3A : memref<!tpu.dma_semaphore, #tpu.memory_space<semaphore_mem>>) src(%arg27 : memref<3136xf32, #tpu.memory_space<vmem>>) dst(%dma_wait3A_572 : memref<3136xf32, #tpu.memory_space<hbm>>)
        tpu.yield
      }) : () -> ()
    } else {
    }
    return
  }
}

#map = affine_map<(d0, d1) -> (0)>
module attributes {stable_mosaic.version = 14 : i64} {
  func.func @_pool_kernel(%arg0: i32, %arg1: i32, %arg2: memref<50176xf32, #tpu.memory_space<hbm>>, %arg3: memref<50176xf32, #tpu.memory_space<hbm>>, %arg4: memref<50176xf32, #tpu.memory_space<hbm>>, %arg5: memref<50176xf32, #tpu.memory_space<hbm>>, %arg6: memref<50176xi32, #tpu.memory_space<hbm>>, %arg7: memref<3136xf32, #tpu.memory_space<hbm>>, %arg8: memref<3136xf32, #tpu.memory_space<hbm>>, %arg9: memref<512xf32, #tpu.memory_space<hbm>>, %arg10: memref<512xf32, #tpu.memory_space<hbm>>, %arg11: memref<512xf32, #tpu.memory_space<hbm>>, %arg12: memref<512xf32, #tpu.memory_space<hbm>>, %arg13: memref<3136xi32, #tpu.memory_space<vmem>>, %arg14: memref<3136xf32, #tpu.memory_space<vmem>>, %arg15: memref<3136xf32, #tpu.memory_space<vmem>>, %arg16: memref<3136xf32, #tpu.memory_space<vmem>>, %arg17: memref<3136xf32, #tpu.memory_space<vmem>>, %arg18: memref<3136xf32, #tpu.memory_space<vmem>>, %arg19: memref<528xf32, #tpu.memory_space<vmem_shared>>, %arg20: memref<528xf32, #tpu.memory_space<vmem_shared>>) attributes {dimension_semantics = [#tpu.dimension_semantics<core_parallel>, #tpu.dimension_semantics<subcore_parallel>], iteration_bounds = array<i64: 2, 16>, scalar_prefetch = 0 : i64, scratch_operands = 8 : i64, tpu.core_type = #tpu.core_type<sc_vector_subcore>, window_params = [{transform_indices = #map}, {transform_indices = #map}, {transform_indices = #map}, {transform_indices = #map}, {transform_indices = #map}, {transform_indices = #map}, {transform_indices = #map}, {transform_indices = #map}, {transform_indices = #map}, {transform_indices = #map}, {transform_indices = #map}]} {
    %mul3A = arith.constant 3136 : i32
    %mul3A_0 = arith.muli %arg1, %mul3A : i32
    %eq3A = arith.constant 0 : i32
    %eq3A_1 = arith.cmpi eq, %arg1, %eq3A : i32
    %convert_element_type3A = arith.extui %eq3A_1 : i1 to i32
    %cond3A = arith.constant 0 : i32
    %cond3A_2 = arith.cmpi ne, %convert_element_type3A, %cond3A : i32
    scf.if %cond3A_2 {
      "tpu.region"() ({
        %run_scoped3A = tpu.sem_alloc : memref<!tpu.dma_semaphore, #tpu.memory_space<semaphore_mem>>
        %dma_start3A = arith.constant 0 : i32
        %dma_start3A_13 = tpu.memref_slice %arg14[%dma_start3A] : memref<3136xf32, #tpu.memory_space<vmem>> -> memref<528xf32, #tpu.memory_space<vmem>>
        %dma_start3A_14 = arith.constant 0 : i32
        %dma_start3A_15 = tpu.memref_slice %arg8[%dma_start3A_14] : memref<3136xf32, #tpu.memory_space<hbm>> -> memref<528xf32, #tpu.memory_space<hbm>>
        %dma_start3A_16 = arith.constant 0 : i32
        %dma_start3A_17 = tpu.memref_slice %arg14[%dma_start3A_16] : memref<3136xf32, #tpu.memory_space<vmem>> -> memref<528xf32, #tpu.memory_space<vmem>>
        %dma_start3A_18 = arith.constant 0 : i32
        %dma_start3A_19 = tpu.memref_slice %arg8[%dma_start3A_18] : memref<3136xf32, #tpu.memory_space<hbm>> -> memref<528xf32, #tpu.memory_space<hbm>>
        tpu.enqueue_dma source(%dma_start3A_19 : memref<528xf32, #tpu.memory_space<hbm>>) target(%dma_start3A_17 : memref<528xf32, #tpu.memory_space<vmem>>) target_semaphore(%run_scoped3A : memref<!tpu.dma_semaphore, #tpu.memory_space<semaphore_mem>>)
        %dma_wait3A = arith.constant 0 : i32
        %dma_wait3A_20 = tpu.memref_slice %arg14[%dma_wait3A] : memref<3136xf32, #tpu.memory_space<vmem>> -> memref<528xf32, #tpu.memory_space<vmem>>
        %dma_wait3A_21 = arith.constant 0 : i32
        %dma_wait3A_22 = tpu.memref_slice %arg8[%dma_wait3A_21] : memref<3136xf32, #tpu.memory_space<hbm>> -> memref<528xf32, #tpu.memory_space<hbm>>
        %dma_wait3A_23 = arith.constant 0 : i32
        %dma_wait3A_24 = tpu.memref_slice %arg14[%dma_wait3A_23] : memref<3136xf32, #tpu.memory_space<vmem>> -> memref<528xf32, #tpu.memory_space<vmem>>
        %dma_wait3A_25 = arith.constant 0 : i32
        %dma_wait3A_26 = tpu.memref_slice %arg8[%dma_wait3A_25] : memref<3136xf32, #tpu.memory_space<hbm>> -> memref<528xf32, #tpu.memory_space<hbm>>
        tpu.wait_dma2 semaphore(%run_scoped3A : memref<!tpu.dma_semaphore, #tpu.memory_space<semaphore_mem>>) src(%dma_wait3A_26 : memref<528xf32, #tpu.memory_space<hbm>>) dst(%dma_wait3A_24 : memref<528xf32, #tpu.memory_space<vmem>>)
        tpu.yield
      }) : () -> ()
      "tpu.region"() ({
        %run_scoped3A = tpu.sem_alloc : memref<!tpu.dma_semaphore, #tpu.memory_space<semaphore_mem>>
        %dma_start3A = arith.constant 0 : i32
        %dma_start3A_13 = tpu.memref_slice %arg14[%dma_start3A] : memref<3136xf32, #tpu.memory_space<vmem>> -> memref<528xf32, #tpu.memory_space<vmem>>
        %dma_start3A_14 = arith.constant 0 : i32
        %dma_start3A_15 = tpu.memref_slice %arg14[%dma_start3A_14] : memref<3136xf32, #tpu.memory_space<vmem>> -> memref<528xf32, #tpu.memory_space<vmem>>
        tpu.enqueue_dma source(%dma_start3A_15 : memref<528xf32, #tpu.memory_space<vmem>>) target(%arg19 : memref<528xf32, #tpu.memory_space<vmem_shared>>) target_semaphore(%run_scoped3A : memref<!tpu.dma_semaphore, #tpu.memory_space<semaphore_mem>>)
        %dma_wait3A = arith.constant 0 : i32
        %dma_wait3A_16 = tpu.memref_slice %arg14[%dma_wait3A] : memref<3136xf32, #tpu.memory_space<vmem>> -> memref<528xf32, #tpu.memory_space<vmem>>
        %dma_wait3A_17 = arith.constant 0 : i32
        %dma_wait3A_18 = tpu.memref_slice %arg14[%dma_wait3A_17] : memref<3136xf32, #tpu.memory_space<vmem>> -> memref<528xf32, #tpu.memory_space<vmem>>
        tpu.wait_dma2 semaphore(%run_scoped3A : memref<!tpu.dma_semaphore, #tpu.memory_space<semaphore_mem>>) src(%dma_wait3A_18 : memref<528xf32, #tpu.memory_space<vmem>>) dst(%arg19 : memref<528xf32, #tpu.memory_space<vmem_shared>>)
        tpu.yield
      }) : () -> ()
      "tpu.region"() ({
        %run_scoped3A = tpu.sem_alloc : memref<!tpu.dma_semaphore, #tpu.memory_space<semaphore_mem>>
        %dma_start3A = arith.constant 0 : i32
        %dma_start3A_13 = tpu.memref_slice %arg14[%dma_start3A] : memref<3136xf32, #tpu.memory_space<vmem>> -> memref<528xf32, #tpu.memory_space<vmem>>
        %dma_start3A_14 = arith.constant 0 : i32
        %dma_start3A_15 = tpu.memref_slice %arg14[%dma_start3A_14] : memref<3136xf32, #tpu.memory_space<vmem>> -> memref<528xf32, #tpu.memory_space<vmem>>
        tpu.enqueue_dma source(%dma_start3A_15 : memref<528xf32, #tpu.memory_space<vmem>>) target(%arg20 : memref<528xf32, #tpu.memory_space<vmem_shared>>) target_semaphore(%run_scoped3A : memref<!tpu.dma_semaphore, #tpu.memory_space<semaphore_mem>>)
        %dma_wait3A = arith.constant 0 : i32
        %dma_wait3A_16 = tpu.memref_slice %arg14[%dma_wait3A] : memref<3136xf32, #tpu.memory_space<vmem>> -> memref<528xf32, #tpu.memory_space<vmem>>
        %dma_wait3A_17 = arith.constant 0 : i32
        %dma_wait3A_18 = tpu.memref_slice %arg14[%dma_wait3A_17] : memref<3136xf32, #tpu.memory_space<vmem>> -> memref<528xf32, #tpu.memory_space<vmem>>
        tpu.wait_dma2 semaphore(%run_scoped3A : memref<!tpu.dma_semaphore, #tpu.memory_space<semaphore_mem>>) src(%dma_wait3A_18 : memref<528xf32, #tpu.memory_space<vmem>>) dst(%arg20 : memref<528xf32, #tpu.memory_space<vmem_shared>>)
        tpu.yield
      }) : () -> ()
    } else {
    }
    "tpu.region"() ({
      %run_scoped3A = tpu.sem_alloc : memref<!tpu.dma_semaphore, #tpu.memory_space<semaphore_mem>>
      %dma_start3A = tpu.memref_slice %arg2[%mul3A_0] : memref<50176xf32, #tpu.memory_space<hbm>> -> memref<3136xf32, #tpu.memory_space<hbm>>
      %dma_start3A_13 = tpu.memref_slice %arg2[%mul3A_0] : memref<50176xf32, #tpu.memory_space<hbm>> -> memref<3136xf32, #tpu.memory_space<hbm>>
      tpu.enqueue_dma source(%dma_start3A_13 : memref<3136xf32, #tpu.memory_space<hbm>>) target(%arg15 : memref<3136xf32, #tpu.memory_space<vmem>>) target_semaphore(%run_scoped3A : memref<!tpu.dma_semaphore, #tpu.memory_space<semaphore_mem>>)
      %dma_wait3A = tpu.memref_slice %arg2[%mul3A_0] : memref<50176xf32, #tpu.memory_space<hbm>> -> memref<3136xf32, #tpu.memory_space<hbm>>
      %dma_wait3A_14 = tpu.memref_slice %arg2[%mul3A_0] : memref<50176xf32, #tpu.memory_space<hbm>> -> memref<3136xf32, #tpu.memory_space<hbm>>
      tpu.wait_dma2 semaphore(%run_scoped3A : memref<!tpu.dma_semaphore, #tpu.memory_space<semaphore_mem>>) src(%dma_wait3A_14 : memref<3136xf32, #tpu.memory_space<hbm>>) dst(%arg15 : memref<3136xf32, #tpu.memory_space<vmem>>)
      tpu.yield
    }) : () -> ()
    "tpu.region"() ({
      %run_scoped3A = tpu.sem_alloc : memref<!tpu.dma_semaphore, #tpu.memory_space<semaphore_mem>>
      %dma_start3A = tpu.memref_slice %arg3[%mul3A_0] : memref<50176xf32, #tpu.memory_space<hbm>> -> memref<3136xf32, #tpu.memory_space<hbm>>
      %dma_start3A_13 = tpu.memref_slice %arg3[%mul3A_0] : memref<50176xf32, #tpu.memory_space<hbm>> -> memref<3136xf32, #tpu.memory_space<hbm>>
      tpu.enqueue_dma source(%dma_start3A_13 : memref<3136xf32, #tpu.memory_space<hbm>>) target(%arg16 : memref<3136xf32, #tpu.memory_space<vmem>>) target_semaphore(%run_scoped3A : memref<!tpu.dma_semaphore, #tpu.memory_space<semaphore_mem>>)
      %dma_wait3A = tpu.memref_slice %arg3[%mul3A_0] : memref<50176xf32, #tpu.memory_space<hbm>> -> memref<3136xf32, #tpu.memory_space<hbm>>
      %dma_wait3A_14 = tpu.memref_slice %arg3[%mul3A_0] : memref<50176xf32, #tpu.memory_space<hbm>> -> memref<3136xf32, #tpu.memory_space<hbm>>
      tpu.wait_dma2 semaphore(%run_scoped3A : memref<!tpu.dma_semaphore, #tpu.memory_space<semaphore_mem>>) src(%dma_wait3A_14 : memref<3136xf32, #tpu.memory_space<hbm>>) dst(%arg16 : memref<3136xf32, #tpu.memory_space<vmem>>)
      tpu.yield
    }) : () -> ()
    "tpu.region"() ({
      %run_scoped3A = tpu.sem_alloc : memref<!tpu.dma_semaphore, #tpu.memory_space<semaphore_mem>>
      %dma_start3A = tpu.memref_slice %arg4[%mul3A_0] : memref<50176xf32, #tpu.memory_space<hbm>> -> memref<3136xf32, #tpu.memory_space<hbm>>
      %dma_start3A_13 = tpu.memref_slice %arg4[%mul3A_0] : memref<50176xf32, #tpu.memory_space<hbm>> -> memref<3136xf32, #tpu.memory_space<hbm>>
      tpu.enqueue_dma source(%dma_start3A_13 : memref<3136xf32, #tpu.memory_space<hbm>>) target(%arg17 : memref<3136xf32, #tpu.memory_space<vmem>>) target_semaphore(%run_scoped3A : memref<!tpu.dma_semaphore, #tpu.memory_space<semaphore_mem>>)
      %dma_wait3A = tpu.memref_slice %arg4[%mul3A_0] : memref<50176xf32, #tpu.memory_space<hbm>> -> memref<3136xf32, #tpu.memory_space<hbm>>
      %dma_wait3A_14 = tpu.memref_slice %arg4[%mul3A_0] : memref<50176xf32, #tpu.memory_space<hbm>> -> memref<3136xf32, #tpu.memory_space<hbm>>
      tpu.wait_dma2 semaphore(%run_scoped3A : memref<!tpu.dma_semaphore, #tpu.memory_space<semaphore_mem>>) src(%dma_wait3A_14 : memref<3136xf32, #tpu.memory_space<hbm>>) dst(%arg17 : memref<3136xf32, #tpu.memory_space<vmem>>)
      tpu.yield
    }) : () -> ()
    "tpu.region"() ({
      %run_scoped3A = tpu.sem_alloc : memref<!tpu.dma_semaphore, #tpu.memory_space<semaphore_mem>>
      %dma_start3A = tpu.memref_slice %arg5[%mul3A_0] : memref<50176xf32, #tpu.memory_space<hbm>> -> memref<3136xf32, #tpu.memory_space<hbm>>
      %dma_start3A_13 = tpu.memref_slice %arg5[%mul3A_0] : memref<50176xf32, #tpu.memory_space<hbm>> -> memref<3136xf32, #tpu.memory_space<hbm>>
      tpu.enqueue_dma source(%dma_start3A_13 : memref<3136xf32, #tpu.memory_space<hbm>>) target(%arg18 : memref<3136xf32, #tpu.memory_space<vmem>>) target_semaphore(%run_scoped3A : memref<!tpu.dma_semaphore, #tpu.memory_space<semaphore_mem>>)
      %dma_wait3A = tpu.memref_slice %arg5[%mul3A_0] : memref<50176xf32, #tpu.memory_space<hbm>> -> memref<3136xf32, #tpu.memory_space<hbm>>
      %dma_wait3A_14 = tpu.memref_slice %arg5[%mul3A_0] : memref<50176xf32, #tpu.memory_space<hbm>> -> memref<3136xf32, #tpu.memory_space<hbm>>
      tpu.wait_dma2 semaphore(%run_scoped3A : memref<!tpu.dma_semaphore, #tpu.memory_space<semaphore_mem>>) src(%dma_wait3A_14 : memref<3136xf32, #tpu.memory_space<hbm>>) dst(%arg18 : memref<3136xf32, #tpu.memory_space<vmem>>)
      tpu.yield
    }) : () -> ()
    "tpu.region"() ({
      %run_scoped3A = tpu.sem_alloc : memref<!tpu.dma_semaphore, #tpu.memory_space<semaphore_mem>>
      %dma_start3A = tpu.memref_slice %arg6[%mul3A_0] : memref<50176xi32, #tpu.memory_space<hbm>> -> memref<3136xi32, #tpu.memory_space<hbm>>
      %dma_start3A_13 = tpu.memref_slice %arg6[%mul3A_0] : memref<50176xi32, #tpu.memory_space<hbm>> -> memref<3136xi32, #tpu.memory_space<hbm>>
      tpu.enqueue_dma source(%dma_start3A_13 : memref<3136xi32, #tpu.memory_space<hbm>>) target(%arg13 : memref<3136xi32, #tpu.memory_space<vmem>>) target_semaphore(%run_scoped3A : memref<!tpu.dma_semaphore, #tpu.memory_space<semaphore_mem>>)
      %dma_wait3A = tpu.memref_slice %arg6[%mul3A_0] : memref<50176xi32, #tpu.memory_space<hbm>> -> memref<3136xi32, #tpu.memory_space<hbm>>
      %dma_wait3A_14 = tpu.memref_slice %arg6[%mul3A_0] : memref<50176xi32, #tpu.memory_space<hbm>> -> memref<3136xi32, #tpu.memory_space<hbm>>
      tpu.wait_dma2 semaphore(%run_scoped3A : memref<!tpu.dma_semaphore, #tpu.memory_space<semaphore_mem>>) src(%dma_wait3A_14 : memref<3136xi32, #tpu.memory_space<hbm>>) dst(%arg13 : memref<3136xi32, #tpu.memory_space<vmem>>)
      tpu.yield
    }) : () -> ()
    %scan3A = arith.constant 0 : i32
    %scan3A_3 = arith.constant 196 : i32
    %scan3A_4 = arith.addi %scan3A, %scan3A_3 : i32
    %scan3A_5 = arith.constant 1 : i32
    scf.for %scan3A_13 = %scan3A to %scan3A_4 step %scan3A_5  : i32 {
      %mul3A_14 = arith.constant 1 : i32
      %mul3A_15 = arith.muli %scan3A_13, %mul3A_14 : i32
      %add3A = arith.constant 0 : i32
      %add3A_16 = arith.addi %add3A, %mul3A_15 : i32
      %mul3A_17 = arith.constant 16 : i32
      %mul3A_18 = arith.muli %add3A_16, %mul3A_17 : i32
      %get3A = arith.index_cast %mul3A_18 : i32 to index
      %get3A_19 = tpu.vector_load %arg18[%get3A] {strides = array<i32>} : memref<3136xf32, #tpu.memory_space<vmem>>, vector<16xf32>,
      %get3A_20 = arith.index_cast %mul3A_18 : i32 to index
      %get3A_21 = tpu.vector_load %arg15[%get3A_20] {strides = array<i32>} : memref<3136xf32, #tpu.memory_space<vmem>>, vector<16xf32>,
      %get3A_22 = arith.index_cast %mul3A_18 : i32 to index
      %get3A_23 = tpu.vector_load %arg16[%get3A_22] {strides = array<i32>} : memref<3136xf32, #tpu.memory_space<vmem>>, vector<16xf32>,
      %add3A_24 = arith.addf %get3A_21, %get3A_23 : vector<16xf32>
      %get3A_25 = arith.index_cast %mul3A_18 : i32 to index
      %get3A_26 = tpu.vector_load %arg17[%get3A_25] {strides = array<i32>} : memref<3136xf32, #tpu.memory_space<vmem>>, vector<16xf32>,
      %add3A_27 = arith.addf %add3A_24, %get3A_26 : vector<16xf32>
      %mul3A_28 = arith.mulf %get3A_19, %add3A_27 : vector<16xf32>
      %swap3A = arith.index_cast %mul3A_18 : i32 to index
      %swap3A_29 = tpu.vector_load %arg14[%swap3A] {strides = array<i32>} : memref<3136xf32, #tpu.memory_space<vmem>>, vector<16xf32>,
      tpu.vector_store %arg14[%swap3A], %mul3A_28 {strides = array<i32>} : memref<3136xf32, #tpu.memory_space<vmem>>, vector<16xf32>,
    }
    %scan3A_6 = arith.constant 196 : i32
    %barrier3A = arith.constant 0 : index
    tpu.barrier barrier_id(%barrier3A)
    "tpu.region"() ({
      %run_scoped3A = tpu.sem_alloc : memref<!tpu.dma_semaphore, #tpu.memory_space<semaphore_mem>>
      %dma_start3A = arith.constant 0 : i32
      %dma_start3A_13 = tpu.memref_slice %arg19[%dma_start3A] : memref<528xf32, #tpu.memory_space<vmem_shared>> -> memref<528xf32, #tpu.memory_space<vmem_shared>>
      tpu.enqueue_indirect_dma source(%arg14 : memref<3136xf32, #tpu.memory_space<vmem>>) target(%dma_start3A_13 : memref<528xf32, #tpu.memory_space<vmem_shared>>) offsets(%arg13 : memref<3136xi32, #tpu.memory_space<vmem>>) semaphore(%run_scoped3A : memref<!tpu.dma_semaphore, #tpu.memory_space<semaphore_mem>>) {add = true}
      %dma_wait3A = arith.constant 0 : i32
      %dma_wait3A_14 = tpu.memref_slice %arg19[%dma_wait3A] : memref<528xf32, #tpu.memory_space<vmem_shared>> -> memref<528xf32, #tpu.memory_space<vmem_shared>>
      tpu.wait_indirect_dma semaphore(%run_scoped3A : memref<!tpu.dma_semaphore, #tpu.memory_space<semaphore_mem>>) src(%arg14 : memref<3136xf32, #tpu.memory_space<vmem>>) dst(%dma_wait3A_14 : memref<528xf32, #tpu.memory_space<vmem_shared>>)
      tpu.yield
    }) : () -> ()
    "tpu.region"() ({
      %run_scoped3A = tpu.sem_alloc : memref<!tpu.dma_semaphore, #tpu.memory_space<semaphore_mem>>
      tpu.enqueue_dma source(%arg7 : memref<3136xf32, #tpu.memory_space<hbm>>) target(%arg14 : memref<3136xf32, #tpu.memory_space<vmem>>) target_semaphore(%run_scoped3A : memref<!tpu.dma_semaphore, #tpu.memory_space<semaphore_mem>>)
      tpu.wait_dma2 semaphore(%run_scoped3A : memref<!tpu.dma_semaphore, #tpu.memory_space<semaphore_mem>>) src(%arg7 : memref<3136xf32, #tpu.memory_space<hbm>>) dst(%arg14 : memref<3136xf32, #tpu.memory_space<vmem>>)
      tpu.yield
    }) : () -> ()
    "tpu.region"() ({
      %run_scoped3A = tpu.sem_alloc : memref<!tpu.dma_semaphore, #tpu.memory_space<semaphore_mem>>
      %dma_start3A = arith.constant 0 : i32
      %dma_start3A_13 = tpu.memref_slice %arg20[%dma_start3A] : memref<528xf32, #tpu.memory_space<vmem_shared>> -> memref<528xf32, #tpu.memory_space<vmem_shared>>
      tpu.enqueue_indirect_dma source(%arg14 : memref<3136xf32, #tpu.memory_space<vmem>>) target(%dma_start3A_13 : memref<528xf32, #tpu.memory_space<vmem_shared>>) offsets(%arg13 : memref<3136xi32, #tpu.memory_space<vmem>>) semaphore(%run_scoped3A : memref<!tpu.dma_semaphore, #tpu.memory_space<semaphore_mem>>) {add = true}
      %dma_wait3A = arith.constant 0 : i32
      %dma_wait3A_14 = tpu.memref_slice %arg20[%dma_wait3A] : memref<528xf32, #tpu.memory_space<vmem_shared>> -> memref<528xf32, #tpu.memory_space<vmem_shared>>
      tpu.wait_indirect_dma semaphore(%run_scoped3A : memref<!tpu.dma_semaphore, #tpu.memory_space<semaphore_mem>>) src(%arg14 : memref<3136xf32, #tpu.memory_space<vmem>>) dst(%dma_wait3A_14 : memref<528xf32, #tpu.memory_space<vmem_shared>>)
      tpu.yield
    }) : () -> ()
    %barrier3A_7 = arith.constant 0 : index
    tpu.barrier barrier_id(%barrier3A_7)
    %eq3A_8 = arith.constant 0 : i32
    %eq3A_9 = arith.cmpi eq, %arg1, %eq3A_8 : i32
    %convert_element_type3A_10 = arith.extui %eq3A_9 : i1 to i32
    %cond3A_11 = arith.constant 0 : i32
    %cond3A_12 = arith.cmpi ne, %convert_element_type3A_10, %cond3A_11 : i32
    scf.if %cond3A_12 {
      "tpu.region"() ({
        %run_scoped3A = tpu.sem_alloc : memref<!tpu.dma_semaphore, #tpu.memory_space<semaphore_mem>>
        %dma_start3A = arith.constant 0 : i32
        %dma_start3A_23 = tpu.memref_slice %arg15[%dma_start3A] : memref<3136xf32, #tpu.memory_space<vmem>> -> memref<512xf32, #tpu.memory_space<vmem>>
        %dma_start3A_24 = arith.constant 0 : i32
        %dma_start3A_25 = tpu.memref_slice %arg19[%dma_start3A_24] : memref<528xf32, #tpu.memory_space<vmem_shared>> -> memref<512xf32, #tpu.memory_space<vmem_shared>>
        %dma_start3A_26 = arith.constant 0 : i32
        %dma_start3A_27 = tpu.memref_slice %arg15[%dma_start3A_26] : memref<3136xf32, #tpu.memory_space<vmem>> -> memref<512xf32, #tpu.memory_space<vmem>>
        %dma_start3A_28 = arith.constant 0 : i32
        %dma_start3A_29 = tpu.memref_slice %arg19[%dma_start3A_28] : memref<528xf32, #tpu.memory_space<vmem_shared>> -> memref<512xf32, #tpu.memory_space<vmem_shared>>
        tpu.enqueue_dma source(%dma_start3A_29 : memref<512xf32, #tpu.memory_space<vmem_shared>>) target(%dma_start3A_27 : memref<512xf32, #tpu.memory_space<vmem>>) target_semaphore(%run_scoped3A : memref<!tpu.dma_semaphore, #tpu.memory_space<semaphore_mem>>)
        %dma_wait3A = arith.constant 0 : i32
        %dma_wait3A_30 = tpu.memref_slice %arg15[%dma_wait3A] : memref<3136xf32, #tpu.memory_space<vmem>> -> memref<512xf32, #tpu.memory_space<vmem>>
        %dma_wait3A_31 = arith.constant 0 : i32
        %dma_wait3A_32 = tpu.memref_slice %arg19[%dma_wait3A_31] : memref<528xf32, #tpu.memory_space<vmem_shared>> -> memref<512xf32, #tpu.memory_space<vmem_shared>>
        %dma_wait3A_33 = arith.constant 0 : i32
        %dma_wait3A_34 = tpu.memref_slice %arg15[%dma_wait3A_33] : memref<3136xf32, #tpu.memory_space<vmem>> -> memref<512xf32, #tpu.memory_space<vmem>>
        %dma_wait3A_35 = arith.constant 0 : i32
        %dma_wait3A_36 = tpu.memref_slice %arg19[%dma_wait3A_35] : memref<528xf32, #tpu.memory_space<vmem_shared>> -> memref<512xf32, #tpu.memory_space<vmem_shared>>
        tpu.wait_dma2 semaphore(%run_scoped3A : memref<!tpu.dma_semaphore, #tpu.memory_space<semaphore_mem>>) src(%dma_wait3A_36 : memref<512xf32, #tpu.memory_space<vmem_shared>>) dst(%dma_wait3A_34 : memref<512xf32, #tpu.memory_space<vmem>>)
        tpu.yield
      }) : () -> ()
      "tpu.region"() ({
        %run_scoped3A = tpu.sem_alloc : memref<!tpu.dma_semaphore, #tpu.memory_space<semaphore_mem>>
        %dma_start3A = arith.constant 0 : i32
        %dma_start3A_23 = tpu.memref_slice %arg16[%dma_start3A] : memref<3136xf32, #tpu.memory_space<vmem>> -> memref<512xf32, #tpu.memory_space<vmem>>
        %dma_start3A_24 = arith.constant 0 : i32
        %dma_start3A_25 = tpu.memref_slice %arg20[%dma_start3A_24] : memref<528xf32, #tpu.memory_space<vmem_shared>> -> memref<512xf32, #tpu.memory_space<vmem_shared>>
        %dma_start3A_26 = arith.constant 0 : i32
        %dma_start3A_27 = tpu.memref_slice %arg16[%dma_start3A_26] : memref<3136xf32, #tpu.memory_space<vmem>> -> memref<512xf32, #tpu.memory_space<vmem>>
        %dma_start3A_28 = arith.constant 0 : i32
        %dma_start3A_29 = tpu.memref_slice %arg20[%dma_start3A_28] : memref<528xf32, #tpu.memory_space<vmem_shared>> -> memref<512xf32, #tpu.memory_space<vmem_shared>>
        tpu.enqueue_dma source(%dma_start3A_29 : memref<512xf32, #tpu.memory_space<vmem_shared>>) target(%dma_start3A_27 : memref<512xf32, #tpu.memory_space<vmem>>) target_semaphore(%run_scoped3A : memref<!tpu.dma_semaphore, #tpu.memory_space<semaphore_mem>>)
        %dma_wait3A = arith.constant 0 : i32
        %dma_wait3A_30 = tpu.memref_slice %arg16[%dma_wait3A] : memref<3136xf32, #tpu.memory_space<vmem>> -> memref<512xf32, #tpu.memory_space<vmem>>
        %dma_wait3A_31 = arith.constant 0 : i32
        %dma_wait3A_32 = tpu.memref_slice %arg20[%dma_wait3A_31] : memref<528xf32, #tpu.memory_space<vmem_shared>> -> memref<512xf32, #tpu.memory_space<vmem_shared>>
        %dma_wait3A_33 = arith.constant 0 : i32
        %dma_wait3A_34 = tpu.memref_slice %arg16[%dma_wait3A_33] : memref<3136xf32, #tpu.memory_space<vmem>> -> memref<512xf32, #tpu.memory_space<vmem>>
        %dma_wait3A_35 = arith.constant 0 : i32
        %dma_wait3A_36 = tpu.memref_slice %arg20[%dma_wait3A_35] : memref<528xf32, #tpu.memory_space<vmem_shared>> -> memref<512xf32, #tpu.memory_space<vmem_shared>>
        tpu.wait_dma2 semaphore(%run_scoped3A : memref<!tpu.dma_semaphore, #tpu.memory_space<semaphore_mem>>) src(%dma_wait3A_36 : memref<512xf32, #tpu.memory_space<vmem_shared>>) dst(%dma_wait3A_34 : memref<512xf32, #tpu.memory_space<vmem>>)
        tpu.yield
      }) : () -> ()
      %eq3A_13 = arith.constant 0 : i32
      %eq3A_14 = arith.cmpi eq, %arg0, %eq3A_13 : i32
      %convert_element_type3A_15 = arith.extui %eq3A_14 : i1 to i32
      %cond3A_16 = arith.constant 0 : i32
      %cond3A_17 = arith.cmpi ne, %convert_element_type3A_15, %cond3A_16 : i32
      scf.if %cond3A_17 {
        "tpu.region"() ({
          %run_scoped3A = tpu.sem_alloc : memref<!tpu.dma_semaphore, #tpu.memory_space<semaphore_mem>>
          %dma_start3A = arith.constant 0 : i32
          %dma_start3A_23 = tpu.memref_slice %arg15[%dma_start3A] : memref<3136xf32, #tpu.memory_space<vmem>> -> memref<512xf32, #tpu.memory_space<vmem>>
          %dma_start3A_24 = arith.constant 0 : i32
          %dma_start3A_25 = tpu.memref_slice %arg15[%dma_start3A_24] : memref<3136xf32, #tpu.memory_space<vmem>> -> memref<512xf32, #tpu.memory_space<vmem>>
          tpu.enqueue_dma source(%dma_start3A_25 : memref<512xf32, #tpu.memory_space<vmem>>) target(%arg9 : memref<512xf32, #tpu.memory_space<hbm>>) target_semaphore(%run_scoped3A : memref<!tpu.dma_semaphore, #tpu.memory_space<semaphore_mem>>)
          %dma_wait3A = arith.constant 0 : i32
          %dma_wait3A_26 = tpu.memref_slice %arg15[%dma_wait3A] : memref<3136xf32, #tpu.memory_space<vmem>> -> memref<512xf32, #tpu.memory_space<vmem>>
          %dma_wait3A_27 = arith.constant 0 : i32
          %dma_wait3A_28 = tpu.memref_slice %arg15[%dma_wait3A_27] : memref<3136xf32, #tpu.memory_space<vmem>> -> memref<512xf32, #tpu.memory_space<vmem>>
          tpu.wait_dma2 semaphore(%run_scoped3A : memref<!tpu.dma_semaphore, #tpu.memory_space<semaphore_mem>>) src(%dma_wait3A_28 : memref<512xf32, #tpu.memory_space<vmem>>) dst(%arg9 : memref<512xf32, #tpu.memory_space<hbm>>)
          tpu.yield
        }) : () -> ()
        "tpu.region"() ({
          %run_scoped3A = tpu.sem_alloc : memref<!tpu.dma_semaphore, #tpu.memory_space<semaphore_mem>>
          %dma_start3A = arith.constant 0 : i32
          %dma_start3A_23 = tpu.memref_slice %arg16[%dma_start3A] : memref<3136xf32, #tpu.memory_space<vmem>> -> memref<512xf32, #tpu.memory_space<vmem>>
          %dma_start3A_24 = arith.constant 0 : i32
          %dma_start3A_25 = tpu.memref_slice %arg16[%dma_start3A_24] : memref<3136xf32, #tpu.memory_space<vmem>> -> memref<512xf32, #tpu.memory_space<vmem>>
          tpu.enqueue_dma source(%dma_start3A_25 : memref<512xf32, #tpu.memory_space<vmem>>) target(%arg11 : memref<512xf32, #tpu.memory_space<hbm>>) target_semaphore(%run_scoped3A : memref<!tpu.dma_semaphore, #tpu.memory_space<semaphore_mem>>)
          %dma_wait3A = arith.constant 0 : i32
          %dma_wait3A_26 = tpu.memref_slice %arg16[%dma_wait3A] : memref<3136xf32, #tpu.memory_space<vmem>> -> memref<512xf32, #tpu.memory_space<vmem>>
          %dma_wait3A_27 = arith.constant 0 : i32
          %dma_wait3A_28 = tpu.memref_slice %arg16[%dma_wait3A_27] : memref<3136xf32, #tpu.memory_space<vmem>> -> memref<512xf32, #tpu.memory_space<vmem>>
          tpu.wait_dma2 semaphore(%run_scoped3A : memref<!tpu.dma_semaphore, #tpu.memory_space<semaphore_mem>>) src(%dma_wait3A_28 : memref<512xf32, #tpu.memory_space<vmem>>) dst(%arg11 : memref<512xf32, #tpu.memory_space<hbm>>)
          tpu.yield
        }) : () -> ()
      } else {
      }
      %eq3A_18 = arith.constant 1 : i32
      %eq3A_19 = arith.cmpi eq, %arg0, %eq3A_18 : i32
      %convert_element_type3A_20 = arith.extui %eq3A_19 : i1 to i32
      %cond3A_21 = arith.constant 0 : i32
      %cond3A_22 = arith.cmpi ne, %convert_element_type3A_20, %cond3A_21 : i32
      scf.if %cond3A_22 {
        "tpu.region"() ({
          %run_scoped3A = tpu.sem_alloc : memref<!tpu.dma_semaphore, #tpu.memory_space<semaphore_mem>>
          %dma_start3A = arith.constant 0 : i32
          %dma_start3A_23 = tpu.memref_slice %arg15[%dma_start3A] : memref<3136xf32, #tpu.memory_space<vmem>> -> memref<512xf32, #tpu.memory_space<vmem>>
          %dma_start3A_24 = arith.constant 0 : i32
          %dma_start3A_25 = tpu.memref_slice %arg15[%dma_start3A_24] : memref<3136xf32, #tpu.memory_space<vmem>> -> memref<512xf32, #tpu.memory_space<vmem>>
          tpu.enqueue_dma source(%dma_start3A_25 : memref<512xf32, #tpu.memory_space<vmem>>) target(%arg10 : memref<512xf32, #tpu.memory_space<hbm>>) target_semaphore(%run_scoped3A : memref<!tpu.dma_semaphore, #tpu.memory_space<semaphore_mem>>)
          %dma_wait3A = arith.constant 0 : i32
          %dma_wait3A_26 = tpu.memref_slice %arg15[%dma_wait3A] : memref<3136xf32, #tpu.memory_space<vmem>> -> memref<512xf32, #tpu.memory_space<vmem>>
          %dma_wait3A_27 = arith.constant 0 : i32
          %dma_wait3A_28 = tpu.memref_slice %arg15[%dma_wait3A_27] : memref<3136xf32, #tpu.memory_space<vmem>> -> memref<512xf32, #tpu.memory_space<vmem>>
          tpu.wait_dma2 semaphore(%run_scoped3A : memref<!tpu.dma_semaphore, #tpu.memory_space<semaphore_mem>>) src(%dma_wait3A_28 : memref<512xf32, #tpu.memory_space<vmem>>) dst(%arg10 : memref<512xf32, #tpu.memory_space<hbm>>)
          tpu.yield
        }) : () -> ()
        "tpu.region"() ({
          %run_scoped3A = tpu.sem_alloc : memref<!tpu.dma_semaphore, #tpu.memory_space<semaphore_mem>>
          %dma_start3A = arith.constant 0 : i32
          %dma_start3A_23 = tpu.memref_slice %arg16[%dma_start3A] : memref<3136xf32, #tpu.memory_space<vmem>> -> memref<512xf32, #tpu.memory_space<vmem>>
          %dma_start3A_24 = arith.constant 0 : i32
          %dma_start3A_25 = tpu.memref_slice %arg16[%dma_start3A_24] : memref<3136xf32, #tpu.memory_space<vmem>> -> memref<512xf32, #tpu.memory_space<vmem>>
          tpu.enqueue_dma source(%dma_start3A_25 : memref<512xf32, #tpu.memory_space<vmem>>) target(%arg12 : memref<512xf32, #tpu.memory_space<hbm>>) target_semaphore(%run_scoped3A : memref<!tpu.dma_semaphore, #tpu.memory_space<semaphore_mem>>)
          %dma_wait3A = arith.constant 0 : i32
          %dma_wait3A_26 = tpu.memref_slice %arg16[%dma_wait3A] : memref<3136xf32, #tpu.memory_space<vmem>> -> memref<512xf32, #tpu.memory_space<vmem>>
          %dma_wait3A_27 = arith.constant 0 : i32
          %dma_wait3A_28 = tpu.memref_slice %arg16[%dma_wait3A_27] : memref<3136xf32, #tpu.memory_space<vmem>> -> memref<512xf32, #tpu.memory_space<vmem>>
          tpu.wait_dma2 semaphore(%run_scoped3A : memref<!tpu.dma_semaphore, #tpu.memory_space<semaphore_mem>>) src(%dma_wait3A_28 : memref<512xf32, #tpu.memory_space<vmem>>) dst(%arg12 : memref<512xf32, #tpu.memory_space<hbm>>)
          tpu.yield
        }) : () -> ()
      } else {
      }
    } else {
    }
    return
  }
}

#map = affine_map<(d0, d1) -> (0)>
module attributes {stable_mosaic.version = 14 : i64} {
  func.func @_final_kernel(%arg0: i32, %arg1: i32, %arg2: memref<512xf32, #tpu.memory_space<hbm>>, %arg3: memref<512xf32, #tpu.memory_space<hbm>>, %arg4: memref<512xf32, #tpu.memory_space<hbm>>, %arg5: memref<512xf32, #tpu.memory_space<hbm>>, %arg6: memref<512xf32, #tpu.memory_space<hbm>>, %arg7: memref<16xf32, #tpu.memory_space<vmem>>, %arg8: memref<16xf32, #tpu.memory_space<vmem>>, %arg9: memref<16xf32, #tpu.memory_space<vmem>>, %arg10: memref<16xf32, #tpu.memory_space<vmem>>) attributes {dimension_semantics = [#tpu.dimension_semantics<core_parallel>, #tpu.dimension_semantics<subcore_parallel>], iteration_bounds = array<i64: 2, 16>, scalar_prefetch = 0 : i64, scratch_operands = 4 : i64, tpu.core_type = #tpu.core_type<sc_vector_subcore>, window_params = [{transform_indices = #map}, {transform_indices = #map}, {transform_indices = #map}, {transform_indices = #map}, {transform_indices = #map}]} {
    %mul3A = arith.constant 16 : i32
    %mul3A_0 = arith.muli %arg0, %mul3A : i32
    %add3A = arith.addi %mul3A_0, %arg1 : i32
    %mul3A_1 = arith.constant 16 : i32
    %mul3A_2 = arith.muli %add3A, %mul3A_1 : i32
    "tpu.region"() ({
      %run_scoped3A = tpu.sem_alloc : memref<!tpu.dma_semaphore, #tpu.memory_space<semaphore_mem>>
      %dma_start3A = tpu.memref_slice %arg2[%mul3A_2] : memref<512xf32, #tpu.memory_space<hbm>> -> memref<16xf32, #tpu.memory_space<hbm>>
      %dma_start3A_15 = tpu.memref_slice %arg2[%mul3A_2] : memref<512xf32, #tpu.memory_space<hbm>> -> memref<16xf32, #tpu.memory_space<hbm>>
      tpu.enqueue_dma source(%dma_start3A_15 : memref<16xf32, #tpu.memory_space<hbm>>) target(%arg7 : memref<16xf32, #tpu.memory_space<vmem>>) target_semaphore(%run_scoped3A : memref<!tpu.dma_semaphore, #tpu.memory_space<semaphore_mem>>)
      %dma_wait3A = tpu.memref_slice %arg2[%mul3A_2] : memref<512xf32, #tpu.memory_space<hbm>> -> memref<16xf32, #tpu.memory_space<hbm>>
      %dma_wait3A_16 = tpu.memref_slice %arg2[%mul3A_2] : memref<512xf32, #tpu.memory_space<hbm>> -> memref<16xf32, #tpu.memory_space<hbm>>
      tpu.wait_dma2 semaphore(%run_scoped3A : memref<!tpu.dma_semaphore, #tpu.memory_space<semaphore_mem>>) src(%dma_wait3A_16 : memref<16xf32, #tpu.memory_space<hbm>>) dst(%arg7 : memref<16xf32, #tpu.memory_space<vmem>>)
      tpu.yield
    }) : () -> ()
    "tpu.region"() ({
      %run_scoped3A = tpu.sem_alloc : memref<!tpu.dma_semaphore, #tpu.memory_space<semaphore_mem>>
      %dma_start3A = tpu.memref_slice %arg3[%mul3A_2] : memref<512xf32, #tpu.memory_space<hbm>> -> memref<16xf32, #tpu.memory_space<hbm>>
      %dma_start3A_15 = tpu.memref_slice %arg3[%mul3A_2] : memref<512xf32, #tpu.memory_space<hbm>> -> memref<16xf32, #tpu.memory_space<hbm>>
      tpu.enqueue_dma source(%dma_start3A_15 : memref<16xf32, #tpu.memory_space<hbm>>) target(%arg8 : memref<16xf32, #tpu.memory_space<vmem>>) target_semaphore(%run_scoped3A : memref<!tpu.dma_semaphore, #tpu.memory_space<semaphore_mem>>)
      %dma_wait3A = tpu.memref_slice %arg3[%mul3A_2] : memref<512xf32, #tpu.memory_space<hbm>> -> memref<16xf32, #tpu.memory_space<hbm>>
      %dma_wait3A_16 = tpu.memref_slice %arg3[%mul3A_2] : memref<512xf32, #tpu.memory_space<hbm>> -> memref<16xf32, #tpu.memory_space<hbm>>
      tpu.wait_dma2 semaphore(%run_scoped3A : memref<!tpu.dma_semaphore, #tpu.memory_space<semaphore_mem>>) src(%dma_wait3A_16 : memref<16xf32, #tpu.memory_space<hbm>>) dst(%arg8 : memref<16xf32, #tpu.memory_space<vmem>>)
      tpu.yield
    }) : () -> ()
    "tpu.region"() ({
      %run_scoped3A = tpu.sem_alloc : memref<!tpu.dma_semaphore, #tpu.memory_space<semaphore_mem>>
      %dma_start3A = tpu.memref_slice %arg4[%mul3A_2] : memref<512xf32, #tpu.memory_space<hbm>> -> memref<16xf32, #tpu.memory_space<hbm>>
      %dma_start3A_15 = tpu.memref_slice %arg4[%mul3A_2] : memref<512xf32, #tpu.memory_space<hbm>> -> memref<16xf32, #tpu.memory_space<hbm>>
      tpu.enqueue_dma source(%dma_start3A_15 : memref<16xf32, #tpu.memory_space<hbm>>) target(%arg9 : memref<16xf32, #tpu.memory_space<vmem>>) target_semaphore(%run_scoped3A : memref<!tpu.dma_semaphore, #tpu.memory_space<semaphore_mem>>)
      %dma_wait3A = tpu.memref_slice %arg4[%mul3A_2] : memref<512xf32, #tpu.memory_space<hbm>> -> memref<16xf32, #tpu.memory_space<hbm>>
      %dma_wait3A_16 = tpu.memref_slice %arg4[%mul3A_2] : memref<512xf32, #tpu.memory_space<hbm>> -> memref<16xf32, #tpu.memory_space<hbm>>
      tpu.wait_dma2 semaphore(%run_scoped3A : memref<!tpu.dma_semaphore, #tpu.memory_space<semaphore_mem>>) src(%dma_wait3A_16 : memref<16xf32, #tpu.memory_space<hbm>>) dst(%arg9 : memref<16xf32, #tpu.memory_space<vmem>>)
      tpu.yield
    }) : () -> ()
    "tpu.region"() ({
      %run_scoped3A = tpu.sem_alloc : memref<!tpu.dma_semaphore, #tpu.memory_space<semaphore_mem>>
      %dma_start3A = tpu.memref_slice %arg5[%mul3A_2] : memref<512xf32, #tpu.memory_space<hbm>> -> memref<16xf32, #tpu.memory_space<hbm>>
      %dma_start3A_15 = tpu.memref_slice %arg5[%mul3A_2] : memref<512xf32, #tpu.memory_space<hbm>> -> memref<16xf32, #tpu.memory_space<hbm>>
      tpu.enqueue_dma source(%dma_start3A_15 : memref<16xf32, #tpu.memory_space<hbm>>) target(%arg10 : memref<16xf32, #tpu.memory_space<vmem>>) target_semaphore(%run_scoped3A : memref<!tpu.dma_semaphore, #tpu.memory_space<semaphore_mem>>)
      %dma_wait3A = tpu.memref_slice %arg5[%mul3A_2] : memref<512xf32, #tpu.memory_space<hbm>> -> memref<16xf32, #tpu.memory_space<hbm>>
      %dma_wait3A_16 = tpu.memref_slice %arg5[%mul3A_2] : memref<512xf32, #tpu.memory_space<hbm>> -> memref<16xf32, #tpu.memory_space<hbm>>
      tpu.wait_dma2 semaphore(%run_scoped3A : memref<!tpu.dma_semaphore, #tpu.memory_space<semaphore_mem>>) src(%dma_wait3A_16 : memref<16xf32, #tpu.memory_space<hbm>>) dst(%arg10 : memref<16xf32, #tpu.memory_space<vmem>>)
      tpu.yield
    }) : () -> ()
    %get3A = arith.constant 0 : index
    %get3A_3 = tpu.vector_load %arg7[%get3A] {strides = array<i32>} : memref<16xf32, #tpu.memory_space<vmem>>, vector<16xf32>,
    %get3A_4 = arith.constant 0 : index
    %get3A_5 = tpu.vector_load %arg8[%get3A_4] {strides = array<i32>} : memref<16xf32, #tpu.memory_space<vmem>>, vector<16xf32>,
    %add3A_6 = arith.addf %get3A_3, %get3A_5 : vector<16xf32>
    %get3A_7 = arith.constant 0 : index
    %get3A_8 = tpu.vector_load %arg9[%get3A_7] {strides = array<i32>} : memref<16xf32, #tpu.memory_space<vmem>>, vector<16xf32>,
    %get3A_9 = arith.constant 0 : index
    %get3A_10 = tpu.vector_load %arg10[%get3A_9] {strides = array<i32>} : memref<16xf32, #tpu.memory_space<vmem>>, vector<16xf32>,
    %add3A_11 = arith.addf %get3A_8, %get3A_10 : vector<16xf32>
    %max3A = arith.constant 1.000000e+00 : f32
    %max3A_12 = vector.broadcast %max3A : f32 to vector<16xf32>
    %max3A_13 = arith.maximumf %add3A_11, %max3A_12 : vector<16xf32>
    %div3A = arith.divf %add3A_6, %max3A_13 : vector<16xf32>
    %swap3A = arith.constant 0 : index
    %swap3A_14 = tpu.vector_load %arg7[%swap3A] {strides = array<i32>} : memref<16xf32, #tpu.memory_space<vmem>>, vector<16xf32>,
    tpu.vector_store %arg7[%swap3A], %div3A {strides = array<i32>} : memref<16xf32, #tpu.memory_space<vmem>>, vector<16xf32>,
    "tpu.region"() ({
      %run_scoped3A = tpu.sem_alloc : memref<!tpu.dma_semaphore, #tpu.memory_space<semaphore_mem>>
      %dma_start3A = tpu.memref_slice %arg6[%mul3A_2] : memref<512xf32, #tpu.memory_space<hbm>> -> memref<16xf32, #tpu.memory_space<hbm>>
      %dma_start3A_15 = tpu.memref_slice %arg6[%mul3A_2] : memref<512xf32, #tpu.memory_space<hbm>> -> memref<16xf32, #tpu.memory_space<hbm>>
      tpu.enqueue_dma source(%arg7 : memref<16xf32, #tpu.memory_space<vmem>>) target(%dma_start3A_15 : memref<16xf32, #tpu.memory_space<hbm>>) target_semaphore(%run_scoped3A : memref<!tpu.dma_semaphore, #tpu.memory_space<semaphore_mem>>)
      %dma_wait3A = tpu.memref_slice %arg6[%mul3A_2] : memref<512xf32, #tpu.memory_space<hbm>> -> memref<16xf32, #tpu.memory_space<hbm>>
      %dma_wait3A_16 = tpu.memref_slice %arg6[%mul3A_2] : memref<512xf32, #tpu.memory_space<hbm>> -> memref<16xf32, #tpu.memory_space<hbm>>
      tpu.wait_dma2 semaphore(%run_scoped3A : memref<!tpu.dma_semaphore, #tpu.memory_space<semaphore_mem>>) src(%arg7 : memref<16xf32, #tpu.memory_space<vmem>>) dst(%dma_wait3A_16 : memref<16xf32, #tpu.memory_space<hbm>>)
      tpu.yield
    }) : () -> ()
    return
  }
}

</mosaic_0001>

<sc_bundles>
// kernel: kernel.11.cloned.1.call-start
scs
__scs_entry_jumppad:
0x0: {  	(pc) =	sbr.rel $0x88, $3  }
0x1: {  	(tag) =	ssettag $0x0;
	lr =	simm.s32 $0x1  }
0x2: {  	[smem:$0x3F97] =	sst lr;
	_ =	strace $0xD0000000  }
0x3: {  	_ = 	snop  }
0x4: {  	_ = 	snop  }
0x5: {  	_ = 	snop  }
0x6: {  	_ = 	snop  }
0x7: {  	_ = 	snop  }
__scs_overlays_trampoline_lowered:
0x8: {  	[smem:$0x3FA6] =	sst s0  }
0x9: {  	[smem:$0x3FA7] =	sst s1  }
0xa: {  	[smem:$0x3FA8] =	sst s2  }
0xb: {  	[smem:$0x3FA9] =	sst s3  }
0xc: {  	[smem:$0x3FAA] =	sst s4  }
0xd: {  	[smem:$0x3FAB] =	sst s5  }
0xe: {  	[smem:$0x3FAC] =	sst s6  }
0xf: {  	[smem:$0x3FAD] =	sst s7  }
0x10: {  	[smem:$0x3FAE] =	sst s8  }
0x11: {  	[smem:$0x3FAF] =	sst s9;
	s0 =	simm.s32 @!p0 $0x0  }
0x12: {  	s1 =	sld [smem:$0x3F95];
	s0 =	simm.s32 @p0 $0x1  }
0x13: {  	[smem:$0x3FB0] =	sst s0;
	s0 =	simm.s32 @!p1 $0x0  }
0x14: {  	s2 =	sld [smem:$0x3F94];
	s0 =	simm.s32 @p1 $0x1  }
0x15: {  	[smem:$0x3FB1] =	sst s0;
	s0 =	simm.s32 @!p2 $0x0  }
0x16: {  	s3 =	sld [smem:$0x3FDB];
	s0 =	simm.s32 @p2 $0x1  }
0x17: {  	s4 =	simm.s32 $0x1BF5;
	[smem:$0x3FB3] =	sst s0  }
0x18: {  	s0 =	sld [smem:$0x3F96];
	_ =	swait.ge [sflag:s4], $0x0  }
0x19: {  	s7 =	sld [smem:$0x3F97]  }
0x1a: {  	s8 =	sadd.s32 $0xFFFFE003, lr  }
0x1b: {  	s9 =	sadd.s32 $0xFFFFFEF7, lr;
	s5 =	simm.s32 $0xFFFFFFFF;
	p2 =	slt.u32 s8, $0xFFFFF086  }
0x1c: {  	p1 =	slt.u32 s9, $0xF7A;
	s5 =	simm.s32 @!p2 $0x0  }
0x1d: {  	s5 =	simm.s32 @p1 $0x1;
	p0 =	seq.s32 s7, s2  }
0x1e: {  	s7 =	smul.u32 @!p0 $0xF7A, s2;
	p2 =	seq.s32 @!p0 s5, $0x0  }
0x1f: {  	s9 =	smul.u32 $0xF7A, s1;
	s8 =	simm.s32 @!p0 $0x1BF5;
	p2 =	por !p2, p0  }
0x20: {  	[sflag:s8] =	ssyncset.s32 @!p0 $0xFFFFF086;
	s6 =	sadd.s32 @!p0 s3, s7;
	s7 =	simm.s32 @!p0 $0x108  }
0x21: {  	s3 =	sadd.s32 s3, s9;
	s6 =	sadd.s32 @!p0 $0x88, s6;
	s7 =	simm.s32 @p2 $0x1082  }
0x22: {  	[simem:s7], [sflag:s8] =	dma.local @!p0 [hbm:s6], $0xF7A  }
0x23: {  	s9 =	sor.u32 $0xD0000000, s2;
	s6 =	simm.s32 $0x108;
	_ =	swait.ge @!p0 [sflag:s8], $0x0  }
0x24: {  	s3 =	sadd.s32 $0x88, s3;
	s6 =	simm.s32 @!p1 $0x1082;
	[sflag:s4] =	ssyncset.s32 $0xFFFFF086  }
0x25: {  	[simem:s6], [sflag:s4] =	dma.local [hbm:s3], $0xF7A  }
0x26: {  	[smem:$0x3F97] =	sst s1;
	(tag) =	ssettag s2;
	_ =	strace s9  }
0x27: {  	s1 =	sld [smem:$0x3FA7]  }
0x28: {  	s2 =	sld [smem:$0x3FA8]  }
0x29: {  	s4 =	sld [smem:$0x3FAA]  }
0x2a: {  	p0 =	seq.s32 s5, $0x0;
	s5 =	sld [smem:$0x3FAB]  }
0x2b: {  	s6 =	sld [smem:$0x3FAC]  }
0x2c: {  	s7 =	sld [smem:$0x3FAD]  }
0x2d: {  	s3 =	simm.s32 $0x108;
	s8 =	sld [smem:$0x3FAE]  }
0x2e: {  	s3 =	simm.s32 @!p0 $0x1082;
	s9 =	sld [smem:$0x3FAF]  }
0x2f: {  	lr =	sadd.s32 s0, s3;
	s0 =	sld [smem:$0x3FA6]  }
0x30: {  	s3 =	sld [smem:$0x3FA9]  }
0x31: {  	[smem:$0x3FB2] =	sst s10  }
0x32: {  	s10 =	sld [smem:$0x3FB0];
	_ =	sdelay $0x3  }
0x33: {  	p0 =	seq.s32 s10, $0x1;
	s10 =	sld [smem:$0x3FB2];
	_ =	sdelay $0x3  }
0x34: {  	[smem:$0x3FB2] =	sst s10  }
0x35: {  	s10 =	sld [smem:$0x3FB1];
	_ =	sdelay $0x3  }
0x36: {  	p1 =	seq.s32 s10, $0x1;
	s10 =	sld [smem:$0x3FB2];
	_ =	sdelay $0x3  }
0x37: {  	[smem:$0x3FB2] =	sst s10  }
0x38: {  	s10 =	sld [smem:$0x3FB3]  }
0x39: {  	_ = 	snop;
	(pc) =	sbr.ind lr, $3  }
0x3a: {  	_ = 	snop  }
0x3b: {  	_ = 	snop  }
0x3c: {  	p2 =	seq.s32 s10, $0x1;
	s10 =	sld [smem:$0x3FB2]  }
0x3d: {  	_ =	shalt  }
0x3e: {  	_ =	shalt  }
0x3f: {  	_ =	shalt  }
0x40: {  	_ =	shalt  }
0x41: {  	_ =	shalt  }
0x42: {  	_ =	shalt  }
0x43: {  	_ =	shalt  }
0x44: {  	_ =	shalt  }
0x45: {  	_ =	shalt  }
0x46: {  	_ =	shalt  }
0x47: {  	_ =	shalt  }
0x48: {  	_ =	shalt  }
0x49: {  	_ =	shalt  }
0x4a: {  	_ =	shalt  }
0x4b: {  	_ =	shalt  }
0x4c: {  	_ =	shalt  }
0x4d: {  	_ =	shalt  }
0x4e: {  	_ =	shalt  }
0x4f: {  	_ =	shalt  }
0x50: {  	_ =	shalt  }
0x51: {  	_ =	shalt  }
0x52: {  	_ =	shalt  }
0x53: {  	_ =	shalt  }
0x54: {  	_ =	shalt  }
0x55: {  	_ =	shalt  }
0x56: {  	_ =	shalt  }
0x57: {  	_ =	shalt  }
0x58: {  	_ =	shalt  }
0x59: {  	_ =	shalt  }
0x5a: {  	_ =	shalt  }
0x5b: {  	_ =	shalt  }
0x5c: {  	_ =	shalt  }
0x5d: {  	_ =	shalt  }
0x5e: {  	_ =	shalt  }
0x5f: {  	_ =	shalt  }
0x60: {  	_ =	shalt  }
0x61: {  	_ =	shalt  }
0x62: {  	_ =	shalt  }
0x63: {  	_ =	shalt  }
0x64: {  	_ =	shalt  }
0x65: {  	_ =	shalt  }
0x66: {  	_ =	shalt  }
0x67: {  	_ =	shalt  }
0x68: {  	_ =	shalt  }
0x69: {  	_ =	shalt  }
0x6a: {  	_ =	shalt  }
0x6b: {  	_ =	shalt  }
0x6c: {  	_ =	shalt  }
0x6d: {  	_ =	shalt  }
0x6e: {  	_ =	shalt  }
0x6f: {  	_ =	shalt  }
0x70: {  	_ =	shalt  }
0x71: {  	_ =	shalt  }
0x72: {  	_ =	shalt  }
0x73: {  	_ =	shalt  }
0x74: {  	_ =	shalt  }
0x75: {  	_ =	shalt  }
0x76: {  	_ =	shalt  }
0x77: {  	_ =	shalt  }
0x78: {  	_ =	shalt  }
0x79: {  	_ =	shalt  }
0x7a: {  	_ =	shalt  }
0x7b: {  	_ =	shalt  }
0x7c: {  	_ =	shalt  }
0x7d: {  	_ =	shalt  }
0x7e: {  	_ =	shalt  }
0x7f: {  	_ =	shalt  }
0x80: {  	_ =	shalt  }
0x81: {  	_ =	shalt  }
0x82: {  	_ =	shalt  }
0x83: {  	_ =	shalt  }
0x84: {  	_ =	shalt  }
0x85: {  	_ =	shalt  }
0x86: {  	_ =	shalt  }
0x87: {  	_ =	shalt  }
.Lfunc_end0:
.L_simem_size_0:
called_computation.1_lowered:
.L_overlay_start_0:
0x88: {  	s2 =	sld [smem:$0x3FD9]  }
0x89: {  	s3 =	sld [smem:$0x3FFE];
	_ =	sdelay $0x1  }
0x8a: {  	s1 =	srdreg.scid  }
0x8b: {  	s0 =	sand.u32 $0x1, s1  }
0x8c: {  	s16 =	sshll.u32 s0, $0xA;
	s2 =	sadd.s32 s3, s2  }
0x8d: {  	s2 =	sadd.s32 s2, s16  }
0x8e: {  	[smem:$0x3FBE] =	sst s2  }
0x8f: {  	_ = 	snop  }
0x90: {  	(tm) =	ssettm $0x1  }
0x91: {  	s17 =	sld [smem:$0x3FFB];
	_ =	sdelay $0x3  }
0x92: {  	_ =	strace s17  }
0x93: {  	s2 =	sld [smem:$0x3FFC];
	_ =	sdelay $0x3  }
0x94: {  	_ =	strace s2  }
0x95: {  	s2 =	sld [smem:$0x3FFD];
	_ =	sdelay $0x3  }
0x96: {  	_ =	strace s2  }
0x97: {  	_ =	strace $0x8FFFFFFF  }
0x98: {  	s18 =	sld [smem:$0x3FDB];
	_ =	sdelay $0x1  }
0x99: {  	s19 =	simm.s32 $_scs_section_size  }
0x9a: {  	s4 =	simm.s32 $_size__tile_overlayer_lowered;
	s5 =	simm.s32 $_tile_overlayer_lowered  }
0x9b: {  	s22 =	simm.s32 $0x1BFF;
	s21 =	sshll.u32 s5, $0x1;
	s2 =	sadd.s32 s19, s18  }
0x9c: {  	s6 =	simm.s32 $0x0;
	s20 =	sshll.u32 s4, $0x1;
	s4 =	sadd.s32 s21, s2  }
0x9d: {  	[timem:s6], [sflag:s22] =	dma.local [hbm:s4], s20  }
0x9e: {  	_ =	swait.ge [sflag:s22], s20  }
0x9f: {  	s3 =	ssub.s32 $0x0, s20;
	[sflag:s22] =	ssyncset.done $0x0  }
0xa0: {  	[sflag:s22] =	ssyncadd.s32 s3;
	_ =	sdelay $0x1  }
0xa1: {  	s23 =	simm.s32 $0x1B8B  }
0xa2: {  	_ =	swait.ge [sflag:s23], $0x1  }
0xa3: {  	[sflag:s23] =	ssyncset.done $0x0  }
0xa4: {  	s25 =	simm.s32 $0x1B8E;
	s24 =	sld [smem:$0x3FFE];
	[sflag:s23] =	ssyncadd.s32 $0xFFFFFFFF  }
0xa5: {  	s26 =	simm.s32 $execute0_lowered;
	[smem:$0x3FD2] =	sst s25  }
0xa6: {  	s4 =	sshll.u32 s26, $0x1;
	_ =	strace $0x80000049;
	[dreg:$0x1] =	wrdreg $0xFFFFFFFF  }
0xa7: {  	s28 =	simm.s32 $_size_execute0_lowered;
	s2 =	sadd.s32 s2, s4;
	[dreg:$0x0] =	wrdreg $0x0  }
0xa8: {  	s4 =	sshll.u32 s28, $0x1;
	[dreg:$0x2] =	wrdreg s2  }
0xa9: {  	[dreg:$0x3] =	wrdreg s4  }
0xaa: {  	[dreg:$0x4] =	wrdreg $0xC0  }
0xab: {  	_ =	task [dreg:s6], $0x5FFFF  }
0xac: {  	[dreg:$0x1] =	wrdreg $0xFFFFFFFF  }
0xad: {  	[dreg:$0x0] =	wrdreg $0x60  }
0xae: {  	[dreg:$0x2] =	wrdreg s24  }
0xaf: {  	[dreg:$0x3] =	wrdreg $0x7BC80  }
0xb0: {  	[dreg:$0x4] =	wrdreg $0x6F800  }
0xb1: {  	[dreg:$0x5] =	wrdreg $0x9  }
0xb2: {  	_ =	task.clear_ibuf [dreg:s6], $0x6FFFF;
	_ =	strace $0x90000049  }
0xb3: {  	s29 =	simm.s32 $0x9;
	_ =	strace $0x8000004B  }
0xb4: {  	_ =	swait.ge [sflag:s29], $0x1  }
0xb5: {  	[sflag:s29] =	ssyncadd.s32 $0xFFFFFFFF  }
0xb6: {  	_ =	strace $0x9000004B  }
0xb7: {  	_ =	sfence  }
0xb8: {  	s30 =	sld [smem:$0x0];
	_ =	sdelay $0x2  }
0xb9: {  	s31 =	sshll.u32 s1, $0xD;
	s1 =	sshrl.u32 s1, $0x2  }
0xba: {  	s3 =	sand.u32 $0x4000, s31;
	s1 =	sadd.s32 s1, s30  }
0xbb: {  	s0 =	sor.u32 s3, s0;
	s1 =	sshll.u32 s1, $0x11  }
0xbc: {  	s0 =	sor.u32 s1, s0  }
0xbd: {  	s0 =	sadd.s32 $0x8F2B, s0  }
0xbe: {  	[sflag:s0] =	ssyncadd.remote.s32 $0x1  }
0xbf: {  	_ =	sfence.sel $0xFFFF  }
0xc0: {  	[dreg:$0x0] =	wrdreg $0xFFFFFFFF;
	(pc) =	sbr.abs _section_cstart, $3  }
0xc1: {  	[dreg:$0x1] =	wrdreg $0xFFFFFFFF  }
0xc2: {  	_ =	task.clear_ibuf [dreg:s6], $0x2FFFF;
	_ =	strace $0x9FFFFFFF  }
0xc3: {  	(tm) =	ssettm $0x7FFFFFFF  }
tec
execute0_lowered:
.L_overlay_start_1:
0x0: {  	(tag) =	ssettag $0x1  }
0x1: {  	s0 =	rddreg [dreg:$0x0]  }
0x2: {  	s1 =	rddreg [dreg:$0x1]  }
0x3: {  	s2 =	rddreg [dreg:$0x2]  }
0x4: {  	s3 =	simm.s32 $0x0;
	s6 =	stileid.u32;
	s7 =	srdreg.scid  }
0x5: {  	s29 =	simm.s32 $0x1880;
	s30 =	simm.s32 $0x0;
	[smem:$0x7FF] =	sst s3  }
0x6: {  	s4 =	sadd.s32 $0x20600, s0;
	s5 =	sadd.s32 $0x2A00, s0;
	s8 =	sadd.s32 $0x1B200, s0  }
0x7: {  	s9 =	smul.u32 $0xC40, s6;
	s22 =	sand.u32 $0x1, s7;
	s24 =	sadd.s32 $0x38E00, s0  }
0x8: {  	s23 =	sadd.s32 $0x3A800, s0;
	s18 =	sadd.s32 $0xC400, s2;
	p0 =	sne.s32 s6, $0x0  }
0x9: {  	_ =	strace $0x8000004A;
	[dreg:$0x4] =	wrdreg s8;
	s7 =	sshll.u32 s22, $0x4  }
0xa: {  	s19 =	ssub.s32 $0x2, s22;
	p1 =	sne.s32 s22, $0x0;
	s22 =	simm.s32 $0x3100  }
0xb: {  	s25 =	sshrl.u32 s9, $0x3;
	s7 =	sor.u32 s6, s7;
	s10 =	sshrl.u32 s19, $0x1  }
0xc: {  	s31 =	sadd.s32 s9, s1;
	s9 =	sadd.s32 s9, s2;
	s24 =	smov.u32 @p1 s23  }
0xd: {  	s23 =	simm.s32 $0x1;
	s0 =	sadd.s32 s25, s0;
	s11 =	smul.u32 $0x6200, s7  }
0xe: {  	s21 =	ssub.s32 s19, s10;
	[dreg:$0x8] =	wrdreg s31;
	s20 =	sadd.s32 $0x1B800, s0  }
0xf: {  	s24 =	sadd.s32 s24, s25;
	s26 =	sadd.s32 $0x1D200, s0;
	[dreg:$0x5] =	wrdreg s20  }
0x10: {  	s28 =	sadd.s32 $0x1EC00, s0;
	s19 =	sadd.s32 $0x3DC00, s0;
	[dreg:$0x6] =	wrdreg s26  }
0x11: {  	s21 =	smax.u32 s21, $0x1;
	[dreg:$0x7] =	wrdreg s28;
	s15 =	sshrl.u32 s11, $0x3  }
0x12: {  	s20 =	sadd.s32 $0x3C200, s0;
	s10 =	sadd.s32 s4, s15;
	s13 =	sadd.s32 $0x310, s15  }
0x13: {  	s11 =	sadd.s32 s5, s15;
	s16 =	sadd.s32 $0x620, s15;
	s17 =	sadd.s32 $0x930, s15  }
0x14: {  	s12 =	sadd.s32 s4, s13;
	s13 =	sadd.s32 s5, s13;
	s14 =	sadd.s32 s4, s16  }
0x15: {  	s15 =	sadd.s32 s5, s16;
	s16 =	sadd.s32 s4, s17;
	s17 =	sadd.s32 s5, s17  }
.LBB2_1:
0x16: {  	s0 =	rddreg [dreg:$0x5]  }
0x17: {  	[tilespmem:s22], [sflag:$0x1] =	stream.linear.gather [hbm4b:s0+s3], $0xC40, $0x38;
	[tilespmem:$0x8808] =	vst v63  }
0x18: {  	_ =	swait.ge [sflag:s23], $0xC40  }
0x19: {  	[sflag:s23] =	ssyncset.done $0x0  }
0x1a: {  	s4 =	simm.s32 $0x3D80;
	s8 =	rddreg [dreg:$0x6];
	[sflag:s23] =	ssyncadd.s32 $0xFFFFF3C0  }
0x1b: {  	[tilespmem:s4], [sflag:$0x1] =	stream.linear.gather [hbm4b:s8+s3], $0xC40, $0x38;
	[tilespmem:$0x8808] =	vst v63  }
0x1c: {  	_ =	swait.ge [sflag:s23], $0xC40  }
0x1d: {  	[sflag:s23] =	ssyncset.done $0x0  }
0x1e: {  	s26 =	simm.s32 $0x4A00;
	s25 =	rddreg [dreg:$0x7];
	[sflag:s23] =	ssyncadd.s32 $0xFFFFF3C0  }
0x1f: {  	[tilespmem:s26], [sflag:$0x1] =	stream.linear.gather [hbm4b:s25+s3], $0xC40, $0x38;
	[tilespmem:$0x8808] =	vst v63  }
0x20: {  	_ =	swait.ge [sflag:s23], $0xC40  }
0x21: {  	[sflag:s23] =	ssyncset.done $0x0  }
0x22: {  	s4 =	simm.s32 $0x0;
	[sflag:s23] =	ssyncadd.s32 $0xFFFFF3C0  }
0x23: {  	v0 =	vld [tilespmem:s4+$0x3100]  }
0x24: {  	v1 =	vld [tilespmem:s4+$0x3D80];
	_ =	sdelay $0x3  }
0x25: {  	s0 =	simm.s32 $0x10  }
0x26: {  	v2 =	vld [tilespmem:s0+$0x3100];
	v0 =	vadd.f32 v1, v0  }
0x27: {  	v1 =	vld [tilespmem:s0+$0x3D80]  }
0x28: {  	v0 =	vadd.f32 $1.000000000e+00, v0;
	_ =	sdelay $0x1  }
0x29: {  	s26 =	simm.s32 $0x20;
	v3 =	vshrl.u32 v0, $0x1;
	v4 =	vmul.f32 $5.000000000e-01, v0  }
0x2a: {  	v5 =	vld [tilespmem:s26+$0x3D80];
	v0 =	vsub.s32 $0x5F3759DF, v3  }
0x2b: {  	v3 =	vld [tilespmem:s26+$0x3100];
	v1 =	vadd.f32 v1, v2;
	v2 =	vmul.f32 v0, v4;
	_ =	sdelay $0x1  }
0x2c: {  	v1 =	vadd.f32 $1.000000000e+00, v1;
	v2 =	vmul.f32 v0, v2;
	_ =	sdelay $0x1  }
0x2d: {  	s31 =	simm.s32 $0x30;
	v6 =	vshrl.u32 v1, $0x1;
	v7 =	vmul.f32 $5.000000000e-01, v1;
	v1 =	vsub.f32 $1.500000000e+00, v2  }
0x2e: {  	v8 =	vld [tilespmem:s31+$0x3D80];
	v2 =	vsub.s32 $0x5F3759DF, v6;
	v3 =	vadd.f32 v5, v3  }
0x2f: {  	v6 =	vld [tilespmem:s31+$0x3100];
	v5 =	vmul.f32 v2, v7;
	v1 =	vmul.f32 v0, v1  }
0x30: {  	s25 =	simm.s32 $0x40;
	v0 =	vadd.f32 $1.000000000e+00, v3  }
0x31: {  	v10 =	vld [tilespmem:s25+$0x3100];
	v3 =	vmul.f32 v2, v5;
	v5 =	vmul.f32 v1, v4  }
0x32: {  	v11 =	vld [tilespmem:s25+$0x3D80];
	v9 =	vshrl.u32 v0, $0x1;
	v0 =	vmul.f32 $5.000000000e-01, v0  }
0x33: {  	v3 =	vsub.f32 $1.500000000e+00, v3;
	v9 =	vsub.s32 $0x5F3759DF, v9;
	v5 =	vmul.f32 v5, v1  }
0x34: {  	v6 =	vadd.f32 v8, v6;
	v8 =	vmul.f32 v9, v0  }
0x35: {  	v2 =	vmul.f32 v2, v3;
	v3 =	vsub.f32 $1.500000000e+00, v5  }
0x36: {  	v5 =	vadd.f32 $1.000000000e+00, v6;
	v6 =	vmul.f32 v9, v8  }
0x37: {  	v10 =	vadd.f32 v11, v10;
	v8 =	vmul.f32 v2, v7;
	v3 =	vmul.f32 v3, v1  }
0x38: {  	v12 =	vshrl.u32 v5, $0x1;
	v1 =	vmul.f32 $5.000000000e-01, v5;
	v5 =	vsub.f32 $1.500000000e+00, v6  }
0x39: {  	s28 =	simm.s32 $0x50;
	v15 =	vsub.s32 $0x5F3759DF, v12;
	v6 =	vmul.f32 v8, v2;
	v4 =	vmul.f32 v3, v4  }
0x3a: {  	v13 =	vld [tilespmem:s28+$0x3D80];
	v11 =	vmul.f32 v15, v1;
	v5 =	vmul.f32 v9, v5  }
0x3b: {  	v8 =	vld [tilespmem:s28+$0x3100];
	v12 =	vadd.f32 $1.000000000e+00, v10;
	v6 =	vsub.f32 $1.500000000e+00, v6;
	v9 =	vmul.f32 v4, v3  }
0x3c: {  	v11 =	vmul.f32 v15, v11;
	v14 =	vmul.f32 v5, v0  }
0x3d: {  	v4 =	vmul.f32 v6, v2;
	v2 =	vmul.f32 $5.000000000e-01, v12  }
0x3e: {  	v6 =	vld [tilespmem:s4+$0x4A00];
	v10 =	vsub.f32 $1.500000000e+00, v9;
	v9 =	vshrl.u32 v12, $0x1;
	v16 =	vsub.f32 $1.500000000e+00, v11  }
0x3f: {  	s5 =	simm.s32 $0x60;
	v11 =	vmul.f32 v14, v5;
	v9 =	vsub.s32 $0x5F3759DF, v9;
	v12 =	vmul.f32 v4, v7  }
0x40: {  	s6 =	simm.s32 $0x1C0;
	v13 =	vadd.f32 v13, v8;
	v7 =	vld [tilespmem:s5+$0x3100];
	v14 =	vmul.f32 v9, v2;
	v8 =	vmul.f32 v15, v16  }
.LBB2_2:
0x41: {  	p2 =	sne.s32 s6, $0x30C0;
	v15 =	vld [tilespmem:s5+$0x3D80];
	v11 =	vsub.f32 $1.500000000e+00, v11;
	v12 =	vmul.f32 v12, v4;
	v16 =	vmul.f32 v10, v3;
	v3 =	vmovc v4;
	v17 =	vmovc v2;
	s7 =	smov.u32 s6;
	s6 =	sadd.s32 $0x40, s6  }
.Ltmp0:
0x42: {  	v18 =	vmovc v9;
	s8 =	smov.u32 s28;
	s28 =	smov.u32 s5;
	v2 =	vadd.f32 $1.000000000e+00, v13;
	v13 =	vmul.f32 v9, v14;
	v14 =	vmul.f32 v8, v1;
	(pc) =	sbr.rel @p2 .LBB2_2-.Ltmp0, $4  }
0x43: {  	v4 =	vmul.f32 v11, v5;
	v10 =	vsub.f32 $1.500000000e+00, v12;
	[tilespmem:s4+$0x6300] =	vst v16;
	v16 =	vmul.f32 v16, v6;
	v6 =	vld [tilespmem:s0+$0x4A00];
	v5 =	vmovc v8  }
0x44: {  	v8 =	vshrl.u32 v2, $0x1;
	v2 =	vmul.f32 $5.000000000e-01, v2;
	v19 =	vsub.f32 $1.500000000e+00, v13  }
0x45: {  	s5 =	sshra.s32 s7, $0x2;
	v11 =	vmul.f32 v14, v5;
	v9 =	vsub.s32 $0x5F3759DF, v8;
	v12 =	vmul.f32 v4, v0;
	[tilespmem:s4+$0x5680] =	vst v16;
	v0 =	vmovc v1;
	s4 =	smov.u32 s0;
	s0 =	smov.u32 s26  }
0x46: {  	v1 =	vmovc v17;
	s26 =	smov.u32 s31;
	s31 =	smov.u32 s25;
	s25 =	smov.u32 s8;
	v13 =	vadd.f32 v15, v7;
	v7 =	vld [tilespmem:s5+$0x3100];
	v14 =	vmul.f32 v9, v2;
	v8 =	vmul.f32 v18, v19  }
0x47: {  	v15 =	vld [tilespmem:s5+$0x3D80];
	_ =	sdelay $0x1  }
0x48: {  	v11 =	vsub.f32 $1.500000000e+00, v11;
	v12 =	vmul.f32 v12, v4;
	v3 =	vmul.f32 v10, v3  }
0x49: {  	v26 =	vadd.f32 $1.000000000e+00, v13;
	v27 =	vmul.f32 v9, v14;
	v28 =	vmul.f32 v8, v1  }
0x4a: {  	v5 =	vmul.f32 v11, v5;
	v29 =	vsub.f32 $1.500000000e+00, v12;
	v6 =	vmul.f32 v3, v6  }
0x4b: {  	v30 =	vshrl.u32 v26, $0x1;
	v10 =	vmul.f32 $5.000000000e-01, v26;
	v7 =	vadd.f32 v15, v7  }
0x4c: {  	v13 =	vsub.f32 $1.500000000e+00, v27;
	v14 =	vmul.f32 v28, v8;
	v12 =	vsub.s32 $0x5F3759DF, v30  }
0x4d: {  	v34 =	vld [tilespmem:s0+$0x4A00];
	v0 =	vmul.f32 v5, v0;
	v37 =	vmul.f32 v29, v4;
	v7 =	vadd.f32 $1.000000000e+00, v7  }
0x4e: {  	v31 =	vmul.f32 v12, v10;
	v32 =	vmul.f32 v9, v13  }
0x4f: {  	v33 =	vsub.f32 $1.500000000e+00, v14;
	v16 =	vshrl.u32 v7, $0x1;
	v7 =	vmul.f32 $5.000000000e-01, v7  }
0x50: {  	v0 =	vmul.f32 v0, v5;
	v15 =	vmul.f32 v12, v31;
	v16 =	vsub.s32 $0x5F3759DF, v16  }
0x51: {  	[tilespmem:s4+$0x6300] =	vst v3;
	v17 =	vmul.f32 v32, v2;
	v36 =	vmul.f32 v16, v7  }
0x52: {  	[tilespmem:s4+$0x5680] =	vst v6;
	v14 =	vmul.f32 v37, v34;
	v35 =	vmul.f32 v33, v8;
	v38 =	vsub.f32 $1.500000000e+00, v15  }
0x53: {  	v40 =	vld [tilespmem:s26+$0x4A00];
	v0 =	vsub.f32 $1.500000000e+00, v0;
	v39 =	vmul.f32 v17, v32;
	v8 =	vmul.f32 v16, v36  }
0x54: {  	v41 =	vmul.f32 v35, v1;
	v6 =	vmul.f32 v12, v38  }
0x55: {  	v0 =	vmul.f32 v0, v5;
	v11 =	vsub.f32 $1.500000000e+00, v39;
	v8 =	vsub.f32 $1.500000000e+00, v8  }
0x56: {  	v1 =	vmul.f32 v41, v35;
	v42 =	vmul.f32 v6, v10  }
0x57: {  	[tilespmem:s0+$0x6300] =	vst v37;
	v43 =	vmul.f32 v11, v32;
	v8 =	vmul.f32 v16, v8  }
0x58: {  	[tilespmem:s0+$0x5680] =	vst v14;
	v44 =	vmul.f32 v0, v40;
	v5 =	vmul.f32 v42, v6  }
0x59: {  	v45 =	vld [tilespmem:s31+$0x4A00];
	v46 =	vmul.f32 v43, v2;
	v47 =	vmul.f32 v8, v7  }
0x5a: {  	[tilespmem:s26+$0x6300] =	vst v0;
	v1 =	vsub.f32 $1.500000000e+00, v1;
	v48 =	vsub.f32 $1.500000000e+00, v5  }
0x5b: {  	[tilespmem:s26+$0x5680] =	vst v44;
	v2 =	vmul.f32 v46, v43;
	v49 =	vmul.f32 v47, v8  }
0x5c: {  	v1 =	vmul.f32 v1, v35;
	v50 =	vld [tilespmem:s25+$0x4A00];
	v0 =	vmul.f32 v48, v6  }
0x5d: {  	v2 =	vsub.f32 $1.500000000e+00, v2;
	v5 =	vsub.f32 $1.500000000e+00, v49  }
0x5e: {  	v51 =	vmul.f32 v1, v45;
	v52 =	vmul.f32 v0, v10  }
0x5f: {  	v53 =	vmul.f32 v2, v43;
	v54 =	vmul.f32 v5, v8  }
0x60: {  	[tilespmem:s31+$0x6300] =	vst v1;
	v55 =	vmul.f32 v52, v0  }
0x61: {  	[tilespmem:s31+$0x5680] =	vst v51;
	v3 =	vmul.f32 v53, v50;
	v57 =	vmul.f32 v54, v7  }
0x62: {  	v56 =	vld [tilespmem:s28+$0x4A00];
	[tilespmem:s25+$0x6300] =	vst v53  }
0x63: {  	v58 =	vsub.f32 $1.500000000e+00, v55;
	[tilespmem:s25+$0x5680] =	vst v3;
	v59 =	vmul.f32 v57, v54  }
0x64: {  	v60 =	vld [tilespmem:s5+$0x4A00]  }
0x65: {  	v0 =	vmul.f32 v58, v0;
	v61 =	vsub.f32 $1.500000000e+00, v59;
	_ =	sdelay $0x1  }
0x66: {  	v62 =	vmul.f32 v0, v56;
	v1 =	vmul.f32 v61, v54  }
0x67: {  	[tilespmem:s28+$0x6300] =	vst v0  }
0x68: {  	[tilespmem:s28+$0x5680] =	vst v62;
	v63 =	vmul.f32 v1, v60  }
0x69: {  	[tilespmem:s5+$0x6300] =	vst v1  }
0x6a: {  	s26 =	rddreg [dreg:$0x8];
	s28 =	simm.s32 $0x5680;
	[tilespmem:s5+$0x5680] =	vst v63  }
0x6b: {  	[spmem:s26] =	stream.linear.scatter [tilespmem:s28], [sflag:$0x1], $0xC40, $0x38;
	[tilespmem:$0x8808] =	vst v63  }
0x6c: {  	_ =	swait.ge [sflag:s23], $0xC40  }
0x6d: {  	[sflag:s23] =	ssyncset.done $0x0  }
0x6e: {  	s31 =	rddreg [dreg:$0x4];
	[sflag:s23] =	ssyncadd.s32 $0xFFFFF3C0  }
0x6f: {  	[tilespmem:s22], [sflag:$0x1] =	stream.linear.gather [hbm4b:s31+s3], $0xC80, $0x38;
	[tilespmem:$0x8808] =	vst v63  }
0x70: {  	_ =	swait.ge [sflag:s23], $0xC80  }
0x71: {  	[sflag:s23] =	ssyncset.done $0x0  }
0x72: {  	[sflag:s23] =	ssyncadd.s32 $0xFFFFF380  }
0x73: {  	[spmem:s9] =	stream.linear.scatter [tilespmem:s22], [sflag:$0x1], $0xC40, $0x38;
	[tilespmem:$0x8808] =	vst v63  }
0x74: {  	_ =	swait.ge [sflag:s23], $0xC40  }
0x75: {  	[sflag:s23] =	ssyncset.done $0x0  }
0x76: {  	s0 =	simm.s32 @!p0 $0x3100;
	[sflag:s23] =	ssyncadd.s32 $0xFFFFF3C0  }
0x77: {  	[spmem:s18] =	stream.linear.scatter @!p0 [tilespmem:s0], [sflag:$0x1], $0x8, $0x38;
	[tilespmem:$0x8808] =	vst v63  }
0x78: {  	s0 =	simm.s32 @!p0 $0x1  }
0x79: {  	_ =	swait.ge @!p0 [sflag:s0], $0x8  }
0x7a: {  	[sflag:s0] =	ssyncset.done @!p0 $0x0  }
0x7b: {  	s4 =	simm.s32 @!p1 $0x6300;
	[sflag:s0] =	ssyncadd.s32 @!p0 $0xFFFFFFF8;
	s0 =	simm.s32 @!p1 $0x0  }
0x7c: {  	[hbm4b:s19+s0] =	stream.linear.scatter @!p1 [tilespmem:s4], [sflag:$0x1], $0xC40, $0x38;
	[tilespmem:$0x8808] =	vst v63  }
0x7d: {  	s4 =	simm.s32 @!p1 $0x1  }
0x7e: {  	_ =	swait.ge @!p1 [sflag:s4], $0xC40  }
0x7f: {  	[sflag:s4] =	ssyncset.done @!p1 $0x0  }
0x80: {  	s5 =	simm.s32 @!p1 $0x5680;
	[sflag:s4] =	ssyncadd.s32 @!p1 $0xFFFFF3C0  }
0x81: {  	[hbm4b:s20+s0] =	stream.linear.scatter @!p1 [tilespmem:s5], [sflag:$0x1], $0xC40, $0x38;
	[tilespmem:$0x8808] =	vst v63  }
0x82: {  	_ =	swait.ge @!p1 [sflag:s4], $0xC40  }
0x83: {  	[sflag:s4] =	ssyncset.done @!p1 $0x0  }
0x84: {  	[sflag:s4] =	ssyncadd.s32 @!p1 $0xFFFFF3C0  }
0x85: {  	[bflag:$0x0] =	sbarrier.arrive $0xFFFF  }
0x86: {  	[tilespmem:s3], [sflag:$0x1] =	stream.linear.gather [hbm4b:s10+s3], $0x1880, $0x38;
	[tilespmem:$0x8808] =	vst v63  }
0x87: {  	_ =	swait.ge [sflag:s23], $0x1880  }
0x88: {  	[sflag:s23] =	ssyncset.done $0x0  }
0x89: {  	[sflag:s23] =	ssyncadd.s32 $0xFFFFE780  }
0x8a: {  	[tilespmem:s29], [sflag:$0x1] =	stream.indirect.gather [spmem:s1], $0x1, s3, s29, $0xb8;
	[tilespmem:$0x8808] =	vst v63  }
0x8b: {  	_ =	swait.ge [sflag:s23], $0x1880  }
0x8c: {  	[sflag:s23] =	ssyncset.done $0x0  }
0x8d: {  	[sflag:s23] =	ssyncadd.s32 $0xFFFFE780  }
0x8e: {  	[tilespmem:s3], [sflag:$0x1] =	stream.linear.gather [hbm4b:s11+s3], $0x1880, $0x38;
	[tilespmem:$0x8808] =	vst v63  }
0x8f: {  	_ =	swait.ge [sflag:s23], $0x1880  }
0x90: {  	[sflag:s23] =	ssyncset.done $0x0  }
0x91: {  	[sflag:s23] =	ssyncadd.s32 $0xFFFFE780  }
0x92: {  	[spmem:s2] =	stream.indirect.scatter.add.f32 [tilespmem:s29], [sflag:$0x1], $0x1, s3, s29, $0xb8;
	[tilespmem:$0x8808] =	vst v63  }
0x93: {  	_ =	swait.ge [sflag:s23], $0x1880  }
0x94: {  	[sflag:s23] =	ssyncset.done $0x0  }
0x95: {  	[sflag:s23] =	ssyncadd.s32 $0xFFFFE780  }
0x96: {  	[tilespmem:s3], [sflag:$0x1] =	stream.linear.gather [hbm4b:s12+s3], $0x1880, $0x38;
	[tilespmem:$0x8808] =	vst v63  }
0x97: {  	_ =	swait.ge [sflag:s23], $0x1880  }
0x98: {  	[sflag:s23] =	ssyncset.done $0x0  }
0x99: {  	[sflag:s23] =	ssyncadd.s32 $0xFFFFE780  }
0x9a: {  	[tilespmem:s29], [sflag:$0x1] =	stream.indirect.gather [spmem:s1], $0x1, s3, s29, $0xb8;
	[tilespmem:$0x8808] =	vst v63  }
0x9b: {  	_ =	swait.ge [sflag:s23], $0x1880  }
0x9c: {  	[sflag:s23] =	ssyncset.done $0x0  }
0x9d: {  	[sflag:s23] =	ssyncadd.s32 $0xFFFFE780  }
0x9e: {  	[tilespmem:s3], [sflag:$0x1] =	stream.linear.gather [hbm4b:s13+s3], $0x1880, $0x38;
	[tilespmem:$0x8808] =	vst v63  }
0x9f: {  	_ =	swait.ge [sflag:s23], $0x1880  }
0xa0: {  	[sflag:s23] =	ssyncset.done $0x0  }
0xa1: {  	[sflag:s23] =	ssyncadd.s32 $0xFFFFE780  }
0xa2: {  	[spmem:s2] =	stream.indirect.scatter.add.f32 [tilespmem:s29], [sflag:$0x1], $0x1, s3, s29, $0xb8;
	[tilespmem:$0x8808] =	vst v63  }
0xa3: {  	_ =	swait.ge [sflag:s23], $0x1880  }
0xa4: {  	[sflag:s23] =	ssyncset.done $0x0  }
0xa5: {  	[sflag:s23] =	ssyncadd.s32 $0xFFFFE780  }
0xa6: {  	[tilespmem:s3], [sflag:$0x1] =	stream.linear.gather [hbm4b:s14+s3], $0x1880, $0x38;
	[tilespmem:$0x8808] =	vst v63  }
0xa7: {  	_ =	swait.ge [sflag:s23], $0x1880  }
0xa8: {  	[sflag:s23] =	ssyncset.done $0x0  }
0xa9: {  	[sflag:s23] =	ssyncadd.s32 $0xFFFFE780  }
0xaa: {  	[tilespmem:s29], [sflag:$0x1] =	stream.indirect.gather [spmem:s1], $0x1, s3, s29, $0xb8;
	[tilespmem:$0x8808] =	vst v63  }
0xab: {  	_ =	swait.ge [sflag:s23], $0x1880  }
0xac: {  	[sflag:s23] =	ssyncset.done $0x0  }
0xad: {  	[sflag:s23] =	ssyncadd.s32 $0xFFFFE780  }
0xae: {  	[tilespmem:s3], [sflag:$0x1] =	stream.linear.gather [hbm4b:s15+s3], $0x1880, $0x38;
	[tilespmem:$0x8808] =	vst v63  }
0xaf: {  	_ =	swait.ge [sflag:s23], $0x1880  }
0xb0: {  	[sflag:s23] =	ssyncset.done $0x0  }
0xb1: {  	[sflag:s23] =	ssyncadd.s32 $0xFFFFE780  }
0xb2: {  	[spmem:s2] =	stream.indirect.scatter.add.f32 [tilespmem:s29], [sflag:$0x1], $0x1, s3, s29, $0xb8;
	[tilespmem:$0x8808] =	vst v63  }
0xb3: {  	_ =	swait.ge [sflag:s23], $0x1880  }
0xb4: {  	[sflag:s23] =	ssyncset.done $0x0  }
0xb5: {  	[sflag:s23] =	ssyncadd.s32 $0xFFFFE780  }
0xb6: {  	[tilespmem:s3], [sflag:$0x1] =	stream.linear.gather [hbm4b:s16+s3], $0x1880, $0x38;
	[tilespmem:$0x8808] =	vst v63  }
0xb7: {  	_ =	swait.ge [sflag:s23], $0x1880  }
0xb8: {  	[sflag:s23] =	ssyncset.done $0x0  }
0xb9: {  	[sflag:s23] =	ssyncadd.s32 $0xFFFFE780  }
0xba: {  	[tilespmem:s29], [sflag:$0x1] =	stream.indirect.gather [spmem:s1], $0x1, s3, s29, $0xb8;
	[tilespmem:$0x8808] =	vst v63  }
0xbb: {  	_ =	swait.ge [sflag:s23], $0x1880  }
0xbc: {  	[sflag:s23] =	ssyncset.done $0x0  }
0xbd: {  	[sflag:s23] =	ssyncadd.s32 $0xFFFFE780  }
0xbe: {  	[tilespmem:s3], [sflag:$0x1] =	stream.linear.gather [hbm4b:s17+s3], $0x1880, $0x38;
	[tilespmem:$0x8808] =	vst v63  }
0xbf: {  	_ =	swait.ge [sflag:s23], $0x1880  }
0xc0: {  	[sflag:s23] =	ssyncset.done $0x0  }
0xc1: {  	[sflag:s23] =	ssyncadd.s32 $0xFFFFE780  }
0xc2: {  	[spmem:s2] =	stream.indirect.scatter.add.f32 [tilespmem:s29], [sflag:$0x1], $0x1, s3, s29, $0xb8;
	[tilespmem:$0x8808] =	vst v63  }
0xc3: {  	_ =	swait.ge [sflag:s23], $0x1880  }
0xc4: {  	[sflag:s23] =	ssyncset.done $0x0  }
0xc5: {  	[sflag:s23] =	ssyncadd.s32 $0xFFFFE780  }
0xc6: {  	[bflag:$0x0] =	sbarrier.arrive $0xFFFF  }
0xc7: {  	[tilespmem:s22], [sflag:$0x1] =	stream.linear.gather [spmem:s9], $0xC40, $0x38;
	[tilespmem:$0x8808] =	vst v63  }
0xc8: {  	s30 =	sadd.s32 $0x1, s30;
	_ =	swait.ge [sflag:s23], $0xC40  }
0xc9: {  	p2 =	sne.s32 s30, s21;
	[sflag:s23] =	ssyncset.done $0x0  }
.Ltmp1:
0xca: {  	[sflag:s23] =	ssyncadd.s32 $0xFFFFF3C0;
	(pc) =	sbr.rel @p2 .LBB2_1-.Ltmp1, $4  }
0xcb: {  	[hbm4b:s24+s3] =	stream.linear.scatter [tilespmem:s22], [sflag:$0x1], $0xC40, $0x38;
	[tilespmem:$0x8808] =	vst v63  }
0xcc: {  	_ =	swait.ge [sflag:s23], $0xC40  }
0xcd: {  	[sflag:s23] =	ssyncset.done $0x0  }
0xce: {  	[sflag:s23] =	ssyncadd.s32 $0xFFFFF3C0  }
0xcf: {  	_ =	sfence.sel $0x180000  }
0xd0: {  	[bflag:$0x0] =	sbarrier.arrive $0xFFFF  }
0xd1: {  	_ =	strace $0x9000004A  }
0xd2: {  	[bflag:$0x2] =	sbarrier.arrive $0xFFFF  }
0xd3: {  	s0 =	rddreg [dreg:$0x3]  }
0xd4: {  	s0 =	sadd.s32 @!p0 $0x100000, s0  }
0xd5: {  	[sflag:s0] =	ssyncadd.tile.s32 @!p0 $0x1;
	_ =	shalt  }
.Lfunc_end2:
_tile_overlayer_lowered:
.L_overlay_start_2:
0xd6: {  	(tag) =	ssettag $0x2  }
0xd7: {  	s0 =	rddreg [dreg:$0x0];
	s2 =	stileid.u32  }
0xd8: {  	s1 =	rddreg [dreg:$0x1];
	p0 =	sne.s32 s2, $0x0  }
0xd9: {  	s3 =	rddreg [dreg:$0x2];
	[bflag:$0x3] =	sbarrier.arrive $0xFFFF;
	s2 =	simm.s32 @!p0 $0x1C01  }
0xda: {  	[timem:s3], [sflag:s2] =	dma.local @!p0 [hbm:s0], s1  }
0xdb: {  	s0 =	simm.s32 @!p0 $0x1  }
0xdc: {  	_ =	swait.ge @!p0 [sflag:s0], s1  }
0xdd: {  	s1 =	ssub.s32 @!p0 $0x0, s1;
	[sflag:s0] =	ssyncset.done @!p0 $0x0  }
0xde: {  	[sflag:s0] =	ssyncadd.s32 @!p0 s1  }
0xdf: {  	[bflag:$0x3] =	sbarrier.arrive $0xFFFF  }
0xe0: {  	_ =	shalt  }

// kernel: kernel.14.cloned.1.call-start
scs
__scs_entry_jumppad:
0x0: {  	(pc) =	sbr.rel $0x88, $3  }
0x1: {  	(tag) =	ssettag $0x0;
	lr =	simm.s32 $0x1  }
0x2: {  	[smem:$0x3F97] =	sst lr;
	_ =	strace $0xD0000000  }
0x3: {  	_ = 	snop  }
0x4: {  	_ = 	snop  }
0x5: {  	_ = 	snop  }
0x6: {  	_ = 	snop  }
0x7: {  	_ = 	snop  }
__scs_overlays_trampoline_lowered:
0x8: {  	[smem:$0x3FA6] =	sst s0  }
0x9: {  	[smem:$0x3FA7] =	sst s1  }
0xa: {  	[smem:$0x3FA8] =	sst s2  }
0xb: {  	[smem:$0x3FA9] =	sst s3  }
0xc: {  	[smem:$0x3FAA] =	sst s4  }
0xd: {  	[smem:$0x3FAB] =	sst s5  }
0xe: {  	[smem:$0x3FAC] =	sst s6  }
0xf: {  	[smem:$0x3FAD] =	sst s7  }
0x10: {  	[smem:$0x3FAE] =	sst s8  }
0x11: {  	[smem:$0x3FAF] =	sst s9;
	s0 =	simm.s32 @!p0 $0x0  }
0x12: {  	s1 =	sld [smem:$0x3F95];
	s0 =	simm.s32 @p0 $0x1  }
0x13: {  	[smem:$0x3FB0] =	sst s0;
	s0 =	simm.s32 @!p1 $0x0  }
0x14: {  	s2 =	sld [smem:$0x3F94];
	s0 =	simm.s32 @p1 $0x1  }
0x15: {  	[smem:$0x3FB1] =	sst s0;
	s0 =	simm.s32 @!p2 $0x0  }
0x16: {  	s3 =	sld [smem:$0x3FDB];
	s0 =	simm.s32 @p2 $0x1  }
0x17: {  	s4 =	simm.s32 $0x1BF5;
	[smem:$0x3FB3] =	sst s0  }
0x18: {  	s0 =	sld [smem:$0x3F96];
	_ =	swait.ge [sflag:s4], $0x0  }
0x19: {  	s7 =	sld [smem:$0x3F97]  }
0x1a: {  	s8 =	sadd.s32 $0xFFFFE003, lr  }
0x1b: {  	s9 =	sadd.s32 $0xFFFFFEF7, lr;
	s5 =	simm.s32 $0xFFFFFFFF;
	p2 =	slt.u32 s8, $0xFFFFF086  }
0x1c: {  	p1 =	slt.u32 s9, $0xF7A;
	s5 =	simm.s32 @!p2 $0x0  }
0x1d: {  	s5 =	simm.s32 @p1 $0x1;
	p0 =	seq.s32 s7, s2  }
0x1e: {  	s7 =	smul.u32 @!p0 $0xF7A, s2;
	p2 =	seq.s32 @!p0 s5, $0x0  }
0x1f: {  	s9 =	smul.u32 $0xF7A, s1;
	s8 =	simm.s32 @!p0 $0x1BF5;
	p2 =	por !p2, p0  }
0x20: {  	[sflag:s8] =	ssyncset.s32 @!p0 $0xFFFFF086;
	s6 =	sadd.s32 @!p0 s3, s7;
	s7 =	simm.s32 @!p0 $0x108  }
0x21: {  	s3 =	sadd.s32 s3, s9;
	s6 =	sadd.s32 @!p0 $0x88, s6;
	s7 =	simm.s32 @p2 $0x1082  }
0x22: {  	[simem:s7], [sflag:s8] =	dma.local @!p0 [hbm:s6], $0xF7A  }
0x23: {  	s9 =	sor.u32 $0xD0000000, s2;
	s6 =	simm.s32 $0x108;
	_ =	swait.ge @!p0 [sflag:s8], $0x0  }
0x24: {  	s3 =	sadd.s32 $0x88, s3;
	s6 =	simm.s32 @!p1 $0x1082;
	[sflag:s4] =	ssyncset.s32 $0xFFFFF086  }
0x25: {  	[simem:s6], [sflag:s4] =	dma.local [hbm:s3], $0xF7A  }
0x26: {  	[smem:$0x3F97] =	sst s1;
	(tag) =	ssettag s2;
	_ =	strace s9  }
0x27: {  	s1 =	sld [smem:$0x3FA7]  }
0x28: {  	s2 =	sld [smem:$0x3FA8]  }
0x29: {  	s4 =	sld [smem:$0x3FAA]  }
0x2a: {  	p0 =	seq.s32 s5, $0x0;
	s5 =	sld [smem:$0x3FAB]  }
0x2b: {  	s6 =	sld [smem:$0x3FAC]  }
0x2c: {  	s7 =	sld [smem:$0x3FAD]  }
0x2d: {  	s3 =	simm.s32 $0x108;
	s8 =	sld [smem:$0x3FAE]  }
0x2e: {  	s3 =	simm.s32 @!p0 $0x1082;
	s9 =	sld [smem:$0x3FAF]  }
0x2f: {  	lr =	sadd.s32 s0, s3;
	s0 =	sld [smem:$0x3FA6]  }
0x30: {  	s3 =	sld [smem:$0x3FA9]  }
0x31: {  	[smem:$0x3FB2] =	sst s10  }
0x32: {  	s10 =	sld [smem:$0x3FB0];
	_ =	sdelay $0x3  }
0x33: {  	p0 =	seq.s32 s10, $0x1;
	s10 =	sld [smem:$0x3FB2];
	_ =	sdelay $0x3  }
0x34: {  	[smem:$0x3FB2] =	sst s10  }
0x35: {  	s10 =	sld [smem:$0x3FB1];
	_ =	sdelay $0x3  }
0x36: {  	p1 =	seq.s32 s10, $0x1;
	s10 =	sld [smem:$0x3FB2];
	_ =	sdelay $0x3  }
0x37: {  	[smem:$0x3FB2] =	sst s10  }
0x38: {  	s10 =	sld [smem:$0x3FB3]  }
0x39: {  	_ = 	snop;
	(pc) =	sbr.ind lr, $3  }
0x3a: {  	_ = 	snop  }
0x3b: {  	_ = 	snop  }
0x3c: {  	p2 =	seq.s32 s10, $0x1;
	s10 =	sld [smem:$0x3FB2]  }
0x3d: {  	_ =	shalt  }
0x3e: {  	_ =	shalt  }
0x3f: {  	_ =	shalt  }
0x40: {  	_ =	shalt  }
0x41: {  	_ =	shalt  }
0x42: {  	_ =	shalt  }
0x43: {  	_ =	shalt  }
0x44: {  	_ =	shalt  }
0x45: {  	_ =	shalt  }
0x46: {  	_ =	shalt  }
0x47: {  	_ =	shalt  }
0x48: {  	_ =	shalt  }
0x49: {  	_ =	shalt  }
0x4a: {  	_ =	shalt  }
0x4b: {  	_ =	shalt  }
0x4c: {  	_ =	shalt  }
0x4d: {  	_ =	shalt  }
0x4e: {  	_ =	shalt  }
0x4f: {  	_ =	shalt  }
0x50: {  	_ =	shalt  }
0x51: {  	_ =	shalt  }
0x52: {  	_ =	shalt  }
0x53: {  	_ =	shalt  }
0x54: {  	_ =	shalt  }
0x55: {  	_ =	shalt  }
0x56: {  	_ =	shalt  }
0x57: {  	_ =	shalt  }
0x58: {  	_ =	shalt  }
0x59: {  	_ =	shalt  }
0x5a: {  	_ =	shalt  }
0x5b: {  	_ =	shalt  }
0x5c: {  	_ =	shalt  }
0x5d: {  	_ =	shalt  }
0x5e: {  	_ =	shalt  }
0x5f: {  	_ =	shalt  }
0x60: {  	_ =	shalt  }
0x61: {  	_ =	shalt  }
0x62: {  	_ =	shalt  }
0x63: {  	_ =	shalt  }
0x64: {  	_ =	shalt  }
0x65: {  	_ =	shalt  }
0x66: {  	_ =	shalt  }
0x67: {  	_ =	shalt  }
0x68: {  	_ =	shalt  }
0x69: {  	_ =	shalt  }
0x6a: {  	_ =	shalt  }
0x6b: {  	_ =	shalt  }
0x6c: {  	_ =	shalt  }
0x6d: {  	_ =	shalt  }
0x6e: {  	_ =	shalt  }
0x6f: {  	_ =	shalt  }
0x70: {  	_ =	shalt  }
0x71: {  	_ =	shalt  }
0x72: {  	_ =	shalt  }
0x73: {  	_ =	shalt  }
0x74: {  	_ =	shalt  }
0x75: {  	_ =	shalt  }
0x76: {  	_ =	shalt  }
0x77: {  	_ =	shalt  }
0x78: {  	_ =	shalt  }
0x79: {  	_ =	shalt  }
0x7a: {  	_ =	shalt  }
0x7b: {  	_ =	shalt  }
0x7c: {  	_ =	shalt  }
0x7d: {  	_ =	shalt  }
0x7e: {  	_ =	shalt  }
0x7f: {  	_ =	shalt  }
0x80: {  	_ =	shalt  }
0x81: {  	_ =	shalt  }
0x82: {  	_ =	shalt  }
0x83: {  	_ =	shalt  }
0x84: {  	_ =	shalt  }
0x85: {  	_ =	shalt  }
0x86: {  	_ =	shalt  }
0x87: {  	_ =	shalt  }
.Lfunc_end0:
.L_simem_size_0:
called_computation.2_lowered:
.L_overlay_start_0:
0x88: {  	s2 =	sld [smem:$0x3FD9]  }
0x89: {  	s3 =	sld [smem:$0x3FFE];
	_ =	sdelay $0x1  }
0x8a: {  	s1 =	srdreg.scid  }
0x8b: {  	s0 =	sand.u32 $0x1, s1  }
0x8c: {  	s16 =	sshll.u32 s0, $0xA;
	s2 =	sadd.s32 s3, s2  }
0x8d: {  	s2 =	sadd.s32 s2, s16  }
0x8e: {  	[smem:$0x3FBE] =	sst s2  }
0x8f: {  	_ = 	snop  }
0x90: {  	(tm) =	ssettm $0x1  }
0x91: {  	s17 =	sld [smem:$0x3FFB];
	_ =	sdelay $0x3  }
0x92: {  	_ =	strace s17  }
0x93: {  	s2 =	sld [smem:$0x3FFC];
	_ =	sdelay $0x3  }
0x94: {  	_ =	strace s2  }
0x95: {  	s2 =	sld [smem:$0x3FFD];
	_ =	sdelay $0x3  }
0x96: {  	_ =	strace s2  }
0x97: {  	_ =	strace $0x8FFFFFFF  }
0x98: {  	s18 =	sld [smem:$0x3FDB];
	_ =	sdelay $0x1  }
0x99: {  	s19 =	simm.s32 $_scs_section_size  }
0x9a: {  	s4 =	simm.s32 $_size__tile_overlayer_lowered;
	s5 =	simm.s32 $_tile_overlayer_lowered  }
0x9b: {  	s22 =	simm.s32 $0x1BFF;
	s21 =	sshll.u32 s5, $0x1;
	s2 =	sadd.s32 s19, s18  }
0x9c: {  	s6 =	simm.s32 $0x0;
	s20 =	sshll.u32 s4, $0x1;
	s4 =	sadd.s32 s21, s2  }
0x9d: {  	[timem:s6], [sflag:s22] =	dma.local [hbm:s4], s20  }
0x9e: {  	_ =	swait.ge [sflag:s22], s20  }
0x9f: {  	s3 =	ssub.s32 $0x0, s20;
	[sflag:s22] =	ssyncset.done $0x0  }
0xa0: {  	[sflag:s22] =	ssyncadd.s32 s3;
	_ =	sdelay $0x1  }
0xa1: {  	s23 =	simm.s32 $0x1B8B  }
0xa2: {  	_ =	swait.ge [sflag:s23], $0x1  }
0xa3: {  	[sflag:s23] =	ssyncset.done $0x0  }
0xa4: {  	s25 =	simm.s32 $0x1B8E;
	s24 =	sld [smem:$0x3FFE];
	[sflag:s23] =	ssyncadd.s32 $0xFFFFFFFF  }
0xa5: {  	s26 =	simm.s32 $execute0_lowered;
	[smem:$0x3FD2] =	sst s25  }
0xa6: {  	s4 =	sshll.u32 s26, $0x1;
	_ =	strace $0x8000004C;
	[dreg:$0x1] =	wrdreg $0xFFFFFFFF  }
0xa7: {  	s28 =	simm.s32 $_size_execute0_lowered;
	s2 =	sadd.s32 s2, s4;
	[dreg:$0x0] =	wrdreg $0x0  }
0xa8: {  	s4 =	sshll.u32 s28, $0x1;
	[dreg:$0x2] =	wrdreg s2  }
0xa9: {  	[dreg:$0x3] =	wrdreg s4  }
0xaa: {  	[dreg:$0x4] =	wrdreg $0xC0  }
0xab: {  	_ =	task [dreg:s6], $0x5FFFF  }
0xac: {  	[dreg:$0x1] =	wrdreg $0xFFFFFFFF  }
0xad: {  	[dreg:$0x0] =	wrdreg $0x60  }
0xae: {  	[dreg:$0x2] =	wrdreg s24  }
0xaf: {  	[dreg:$0x3] =	wrdreg $0xAD100  }
0xb0: {  	[dreg:$0x4] =	wrdreg $0xB9500  }
0xb1: {  	[dreg:$0x5] =	wrdreg $0x94800  }
0xb2: {  	[dreg:$0x6] =	wrdreg $0xA0C80  }
0xb3: {  	[dreg:$0x7] =	wrdreg $0x9  }
0xb4: {  	_ =	task.clear_ibuf [dreg:s6], $0x8FFFF;
	_ =	strace $0x9000004C  }
0xb5: {  	s29 =	simm.s32 $0x9;
	_ =	strace $0x8000004E  }
0xb6: {  	_ =	swait.ge [sflag:s29], $0x1  }
0xb7: {  	[sflag:s29] =	ssyncadd.s32 $0xFFFFFFFF  }
0xb8: {  	_ =	strace $0x9000004E  }
0xb9: {  	_ =	sfence  }
0xba: {  	s30 =	sld [smem:$0x0];
	_ =	sdelay $0x2  }
0xbb: {  	s31 =	sshll.u32 s1, $0xD;
	s1 =	sshrl.u32 s1, $0x2  }
0xbc: {  	s3 =	sand.u32 $0x4000, s31;
	s1 =	sadd.s32 s1, s30  }
0xbd: {  	s0 =	sor.u32 s3, s0;
	s1 =	sshll.u32 s1, $0x11  }
0xbe: {  	s0 =	sor.u32 s1, s0  }
0xbf: {  	s0 =	sadd.s32 $0x8F2B, s0  }
0xc0: {  	[sflag:s0] =	ssyncadd.remote.s32 $0x1  }
0xc1: {  	_ =	sfence.sel $0xFFFF  }
0xc2: {  	[dreg:$0x0] =	wrdreg $0xFFFFFFFF;
	(pc) =	sbr.abs _section_cstart, $3  }
0xc3: {  	[dreg:$0x1] =	wrdreg $0xFFFFFFFF  }
0xc4: {  	_ =	task.clear_ibuf [dreg:s6], $0x2FFFF;
	_ =	strace $0x9FFFFFFF  }
0xc5: {  	(tm) =	ssettm $0x7FFFFFFF  }
tec
execute0_lowered:
.L_overlay_start_1:
0x0: {  	(tag) =	ssettag $0x1  }
0x1: {  	s0 =	rddreg [dreg:$0x0]  }
0x2: {  	s1 =	rddreg [dreg:$0x1]  }
0x3: {  	s2 =	rddreg [dreg:$0x2]  }
0x4: {  	s3 =	rddreg [dreg:$0x3]  }
0x5: {  	s4 =	rddreg [dreg:$0x4];
	s5 =	simm.s32 $0x0;
	s6 =	srdreg.scid  }
0x6: {  	s31 =	simm.s32 $0x4980;
	[smem:$0x7FF] =	sst s5;
	s7 =	sadd.s32 $0x20600, s0  }
0x7: {  	s8 =	sadd.s32 $0x2A00, s0;
	s6 =	sand.u32 $0x1, s6;
	s9 =	sadd.s32 $0x1B200, s0  }
0x8: {  	s11 =	sadd.s32 $0x1B400, s0;
	s18 =	sadd.s32 $0x1CE00, s0;
	s17 =	sadd.s32 $0x1E800, s0  }
0x9: {  	s19 =	sadd.s32 $0x3F600, s0;
	s29 =	sadd.s32 $0xC400, s3;
	s30 =	sadd.s32 $0xC400, s4  }
0xa: {  	_ =	strace $0x8000004D;
	[dreg:$0x6] =	wrdreg s9;
	s9 =	stileid.u32  }
0xb: {  	s10 =	sshll.u32 s6, $0x4;
	s13 =	ssub.s32 $0x2, s6;
	p0 =	seq.s32 s6, $0x0  }
0xc: {  	p1 =	sne.s32 s6, $0x0;
	s6 =	simm.s32 $0x5600;
	s12 =	smul.u32 $0xC40, s9  }
0xd: {  	s10 =	sor.u32 s9, s10;
	s14 =	sshrl.u32 s13, $0x1;
	s18 =	smov.u32 @p0 s11  }
0xe: {  	s19 =	smov.u32 @p0 s17;
	p0 =	sne.s32 s9, $0x0;
	s10 =	smul.u32 $0x6200, s10  }
0xf: {  	s9 =	simm.s32 $0x0;
	s28 =	ssub.s32 s13, s14;
	s20 =	sshrl.u32 s12, $0x3  }
0x10: {  	s28 =	smax.u32 s28, $0x1;
	s0 =	sadd.s32 s20, s0;
	s10 =	sshrl.u32 s10, $0x3  }
0x11: {  	s18 =	sadd.s32 s18, s20;
	s19 =	sadd.s32 s19, s20;
	s21 =	sadd.s32 $0x310, s10  }
0x12: {  	s22 =	sadd.s32 s7, s10;
	s23 =	sadd.s32 s8, s10;
	s25 =	sadd.s32 $0x620, s10  }
0x13: {  	s10 =	sadd.s32 $0x930, s10;
	s15 =	sadd.s32 $0x38E00, s0;
	s16 =	sadd.s32 $0x3A800, s0  }
0x14: {  	s17 =	sadd.s32 $0x3C200, s0;
	s20 =	sadd.s32 $0x3DC00, s0;
	[dreg:$0x7] =	wrdreg s22  }
0x15: {  	[dreg:$0x8] =	wrdreg s23;
	s24 =	sadd.s32 s7, s21;
	s13 =	sadd.s32 s8, s21  }
0x16: {  	s26 =	sadd.s32 s7, s25;
	s7 =	sadd.s32 s7, s10;
	[dreg:$0x9] =	wrdreg s24  }
0x17: {  	s14 =	sadd.s32 s8, s10;
	s21 =	sadd.s32 s12, s1;
	[dreg:$0xa] =	wrdreg s13  }
0x18: {  	s22 =	sadd.s32 $0x41000, s0;
	s23 =	sadd.s32 $0x42A00, s0;
	[dreg:$0xb] =	wrdreg s26  }
0x19: {  	s0 =	simm.s32 $0x1;
	s13 =	sadd.s32 s8, s25;
	[dreg:$0xd] =	wrdreg s7  }
0x1a: {  	s24 =	sadd.s32 s12, s2;
	s25 =	sadd.s32 s12, s3;
	s26 =	sadd.s32 s12, s4  }
0x1b: {  	s7 =	simm.s32 $0x1880;
	s8 =	simm.s32 $0x3100;
	[dreg:$0xc] =	wrdreg s13  }
.LBB2_1:
0x1c: {  	[tilespmem:s31], [sflag:$0x1] =	stream.linear.gather [hbm4b:s15+s5], $0xC40, $0x38;
	[tilespmem:$0xC590] =	vst v63  }
0x1d: {  	_ =	swait.ge [sflag:s0], $0xC40  }
0x1e: {  	[sflag:s0] =	ssyncset.done $0x0  }
0x1f: {  	[sflag:s0] =	ssyncadd.s32 $0xFFFFF3C0  }
0x20: {  	[tilespmem:s6], [sflag:$0x1] =	stream.linear.gather [hbm4b:s16+s5], $0xC40, $0x38;
	[tilespmem:$0xC590] =	vst v63  }
0x21: {  	_ =	swait.ge [sflag:s0], $0xC40  }
0x22: {  	[sflag:s0] =	ssyncset.done $0x0  }
0x23: {  	s10 =	simm.s32 $0x6280;
	[sflag:s0] =	ssyncadd.s32 $0xFFFFF3C0  }
0x24: {  	[tilespmem:s10], [sflag:$0x1] =	stream.linear.gather [hbm4b:s17+s5], $0xC40, $0x38;
	[tilespmem:$0xC590] =	vst v63  }
0x25: {  	_ =	swait.ge [sflag:s0], $0xC40  }
0x26: {  	[sflag:s0] =	ssyncset.done $0x0  }
0x27: {  	s13 =	simm.s32 $0x6F00;
	[sflag:s0] =	ssyncadd.s32 $0xFFFFF3C0  }
0x28: {  	[tilespmem:s13], [sflag:$0x1] =	stream.linear.gather [hbm4b:s20+s5], $0xC40, $0x38;
	[tilespmem:$0xC590] =	vst v63  }
0x29: {  	_ =	swait.ge [sflag:s0], $0xC40  }
0x2a: {  	[sflag:s0] =	ssyncset.done $0x0  }
0x2b: {  	s10 =	simm.s32 $0x0;
	[sflag:s0] =	ssyncadd.s32 $0xFFFFF3C0  }
0x2c: {  	v1 =	vld [tilespmem:s10+$0x4980]  }
0x2d: {  	v2 =	vld [tilespmem:s10+$0x5600];
	_ =	sdelay $0x1  }
0x2e: {  	v3 =	vld [tilespmem:s10+$0x6280];
	_ =	sdelay $0x2  }
0x2f: {  	s11 =	simm.s32 $0x10;
	v0 =	vld [tilespmem:s10+$0x6F00];
	v2 =	vadd.f32 v2, v1  }
0x30: {  	v1 =	vld [tilespmem:s11+$0x4980]  }
0x31: {  	v4 =	vadd.f32 v3, v2;
	v3 =	vld [tilespmem:s11+$0x5600];
	_ =	sdelay $0x1  }
0x32: {  	v2 =	vld [tilespmem:s11+$0x6280]  }
0x33: {  	s12 =	simm.s32 $0x80;
	v4 =	vmul.f32 v4, v0  }
.LBB2_2:
0x34: {  	s13 =	sshra.s32 s12, $0x2;
	v5 =	vld [tilespmem:s11+$0x6F00];
	p2 =	sne.s32 s12, $0x30C0  }
.Ltmp0:
0x35: {  	s12 =	sadd.s32 $0x40, s12;
	v6 =	vadd.f32 v3, v1;
	v1 =	vld [tilespmem:s13+$0x4980];
	v7 =	vmax.f32 v4, $0.0e+00;
	v4 =	vxor.u32 $0x80000000, v4;
	(pc) =	sbr.rel @p2 .LBB2_2-.Ltmp0, $4  }
0x36: {  	v3 =	vld [tilespmem:s13+$0x5600];
	v7 =	vmul.f32 v7, v0;
	v4 =	vmax.f32 v4, $0.0e+00  }
0x37: {  	v6 =	vadd.f32 v2, v6;
	v8 =	vmul.f32 v4, v0  }
0x38: {  	v2 =	vld [tilespmem:s13+$0x6280];
	[tilespmem:s10+$0x7B80] =	vst v7  }
0x39: {  	v4 =	vmul.f32 v6, v5;
	[tilespmem:s10+$0x8800] =	vst v8;
	v0 =	vmov v5;
	s10 =	smov.u32 s11;
	s11 =	smov.u32 s13  }
0x3a: {  	v5 =	vld [tilespmem:s11+$0x6F00]  }
0x3b: {  	v1 =	vadd.f32 v3, v1;
	_ =	sdelay $0x1  }
0x3c: {  	v1 =	vadd.f32 v2, v1;
	_ =	sdelay $0x1  }
0x3d: {  	v58 =	vmax.f32 v4, $0.0e+00;
	v59 =	vxor.u32 $0x80000000, v4;
	v1 =	vmul.f32 v1, v5  }
0x3e: {  	v3 =	vmax.f32 v59, $0.0e+00;
	v2 =	vmul.f32 v58, v0  }
0x3f: {  	v60 =	vmul.f32 v3, v0;
	v61 =	vmax.f32 v1, $0.0e+00;
	v1 =	vxor.u32 $0x80000000, v1  }
0x40: {  	[tilespmem:s10+$0x7B80] =	vst v2;
	v62 =	vmul.f32 v61, v5;
	v1 =	vmax.f32 v1, $0.0e+00  }
0x41: {  	[tilespmem:s10+$0x8800] =	vst v60;
	v63 =	vmul.f32 v1, v5  }
0x42: {  	[tilespmem:s11+$0x7B80] =	vst v62  }
0x43: {  	s13 =	simm.s32 $0x7B80;
	[tilespmem:s11+$0x8800] =	vst v63  }
0x44: {  	[spmem:s21] =	stream.linear.scatter [tilespmem:s13], [sflag:$0x1], $0xC40, $0x38;
	[tilespmem:$0xC590] =	vst v63  }
0x45: {  	_ =	swait.ge [sflag:s0], $0xC40  }
0x46: {  	[sflag:s0] =	ssyncset.done $0x0  }
0x47: {  	s11 =	simm.s32 $0x8800;
	[sflag:s0] =	ssyncadd.s32 $0xFFFFF3C0  }
0x48: {  	[spmem:s24] =	stream.linear.scatter [tilespmem:s11], [sflag:$0x1], $0xC40, $0x38;
	[tilespmem:$0xC590] =	vst v63  }
0x49: {  	_ =	swait.ge [sflag:s0], $0xC40  }
0x4a: {  	[sflag:s0] =	ssyncset.done $0x0  }
0x4b: {  	s10 =	simm.s32 @!p1 $0x0;
	s11 =	simm.s32 @!p1 $0x7B80;
	[sflag:s0] =	ssyncadd.s32 $0xFFFFF3C0  }
0x4c: {  	[hbm4b:s22+s10] =	stream.linear.scatter @!p1 [tilespmem:s11], [sflag:$0x1], $0xC40, $0x38;
	[tilespmem:$0xC590] =	vst v63  }
0x4d: {  	s11 =	simm.s32 @!p1 $0x1  }
0x4e: {  	_ =	swait.ge @!p1 [sflag:s11], $0xC40  }
0x4f: {  	[sflag:s11] =	ssyncset.done @!p1 $0x0  }
0x50: {  	s12 =	simm.s32 @!p1 $0x8800;
	[sflag:s11] =	ssyncadd.s32 @!p1 $0xFFFFF3C0  }
0x51: {  	[hbm4b:s23+s10] =	stream.linear.scatter @!p1 [tilespmem:s12], [sflag:$0x1], $0xC40, $0x38;
	[tilespmem:$0xC590] =	vst v63  }
0x52: {  	_ =	swait.ge @!p1 [sflag:s11], $0xC40  }
0x53: {  	[sflag:s11] =	ssyncset.done @!p1 $0x0  }
0x54: {  	s12 =	rddreg [dreg:$0x6];
	[sflag:s11] =	ssyncadd.s32 @!p1 $0xFFFFF3C0  }
0x55: {  	[tilespmem:s31], [sflag:$0x1] =	stream.linear.gather [hbm4b:s12+s5], $0xC80, $0x38;
	[tilespmem:$0xC590] =	vst v63  }
0x56: {  	_ =	swait.ge [sflag:s0], $0xC80  }
0x57: {  	[sflag:s0] =	ssyncset.done $0x0  }
0x58: {  	[sflag:s0] =	ssyncadd.s32 $0xFFFFF380  }
0x59: {  	[spmem:s25] =	stream.linear.scatter [tilespmem:s31], [sflag:$0x1], $0xC40, $0x38;
	[tilespmem:$0xC590] =	vst v63  }
0x5a: {  	_ =	swait.ge [sflag:s0], $0xC40  }
0x5b: {  	[sflag:s0] =	ssyncset.done $0x0  }
0x5c: {  	[sflag:s0] =	ssyncadd.s32 $0xFFFFF3C0  }
0x5d: {  	[spmem:s26] =	stream.linear.scatter [tilespmem:s31], [sflag:$0x1], $0xC40, $0x38;
	[tilespmem:$0xC590] =	vst v63  }
0x5e: {  	_ =	swait.ge [sflag:s0], $0xC40  }
0x5f: {  	[sflag:s0] =	ssyncset.done $0x0  }
0x60: {  	s10 =	simm.s32 @!p0 $0x4980;
	s11 =	simm.s32 @!p0 $0x1;
	[sflag:s0] =	ssyncadd.s32 $0xFFFFF3C0  }
0x61: {  	[spmem:s29] =	stream.linear.scatter @!p0 [tilespmem:s10], [sflag:$0x1], $0x8, $0x38;
	[tilespmem:$0xC590] =	vst v63  }
0x62: {  	_ =	swait.ge @!p0 [sflag:s11], $0x8  }
0x63: {  	[sflag:s11] =	ssyncset.done @!p0 $0x0  }
0x64: {  	[sflag:s11] =	ssyncadd.s32 @!p0 $0xFFFFFFF8  }
0x65: {  	[spmem:s30] =	stream.linear.scatter @!p0 [tilespmem:s10], [sflag:$0x1], $0x8, $0x38;
	[tilespmem:$0xC590] =	vst v63  }
0x66: {  	_ =	swait.ge @!p0 [sflag:s11], $0x8  }
0x67: {  	[sflag:s11] =	ssyncset.done @!p0 $0x0  }
0x68: {  	[sflag:s11] =	ssyncadd.s32 @!p0 $0xFFFFFFF8  }
0x69: {  	[bflag:$0x0] =	sbarrier.arrive $0xFFFF  }
0x6a: {  	s13 =	rddreg [dreg:$0x7]  }
0x6b: {  	[tilespmem:s5], [sflag:$0x1] =	stream.linear.gather [hbm4b:s13+s5], $0x1880, $0x38;
	[tilespmem:$0xC590] =	vst v63  }
0x6c: {  	_ =	swait.ge [sflag:s0], $0x1880  }
0x6d: {  	[sflag:s0] =	ssyncset.done $0x0  }
0x6e: {  	s11 =	rddreg [dreg:$0x8];
	[sflag:s0] =	ssyncadd.s32 $0xFFFFE780  }
0x6f: {  	[tilespmem:s7], [sflag:$0x1] =	stream.linear.gather [hbm4b:s11+s5], $0x1880, $0x38;
	[tilespmem:$0xC590] =	vst v63  }
0x70: {  	_ =	swait.ge [sflag:s0], $0x1880  }
0x71: {  	[sflag:s0] =	ssyncset.done $0x0  }
0x72: {  	[sflag:s0] =	ssyncadd.s32 $0xFFFFE780  }
0x73: {  	[tilespmem:s8], [sflag:$0x1] =	stream.indirect.gather [spmem:s1], $0x1, s5, s7, $0xb8;
	[tilespmem:$0xC590] =	vst v63  }
0x74: {  	_ =	swait.ge [sflag:s0], $0x1880  }
0x75: {  	[sflag:s0] =	ssyncset.done $0x0  }
0x76: {  	[sflag:s0] =	ssyncadd.s32 $0xFFFFE780  }
0x77: {  	[spmem:s3] =	stream.indirect.scatter.add.f32 [tilespmem:s8], [sflag:$0x1], $0x1, s7, s7, $0xb8;
	[tilespmem:$0xC590] =	vst v63  }
0x78: {  	_ =	swait.ge [sflag:s0], $0x1880  }
0x79: {  	[sflag:s0] =	ssyncset.done $0x0  }
0x7a: {  	[sflag:s0] =	ssyncadd.s32 $0xFFFFE780  }
0x7b: {  	[tilespmem:s8], [sflag:$0x1] =	stream.indirect.gather [spmem:s2], $0x1, s5, s7, $0xb8;
	[tilespmem:$0xC590] =	vst v63  }
0x7c: {  	_ =	swait.ge [sflag:s0], $0x1880  }
0x7d: {  	[sflag:s0] =	ssyncset.done $0x0  }
0x7e: {  	[sflag:s0] =	ssyncadd.s32 $0xFFFFE780  }
0x7f: {  	[spmem:s4] =	stream.indirect.scatter.add.f32 [tilespmem:s8], [sflag:$0x1], $0x1, s7, s7, $0xb8;
	[tilespmem:$0xC590] =	vst v63  }
0x80: {  	_ =	swait.ge [sflag:s0], $0x1880  }
0x81: {  	[sflag:s0] =	ssyncset.done $0x0  }
0x82: {  	s12 =	rddreg [dreg:$0x9];
	[sflag:s0] =	ssyncadd.s32 $0xFFFFE780  }
0x83: {  	[tilespmem:s5], [sflag:$0x1] =	stream.linear.gather [hbm4b:s12+s5], $0x1880, $0x38;
	[tilespmem:$0xC590] =	vst v63  }
0x84: {  	_ =	swait.ge [sflag:s0], $0x1880  }
0x85: {  	[sflag:s0] =	ssyncset.done $0x0  }
0x86: {  	s13 =	rddreg [dreg:$0xa];
	[sflag:s0] =	ssyncadd.s32 $0xFFFFE780  }
0x87: {  	[tilespmem:s7], [sflag:$0x1] =	stream.linear.gather [hbm4b:s13+s5], $0x1880, $0x38;
	[tilespmem:$0xC590] =	vst v63  }
0x88: {  	_ =	swait.ge [sflag:s0], $0x1880  }
0x89: {  	[sflag:s0] =	ssyncset.done $0x0  }
0x8a: {  	[sflag:s0] =	ssyncadd.s32 $0xFFFFE780  }
0x8b: {  	[tilespmem:s8], [sflag:$0x1] =	stream.indirect.gather [spmem:s1], $0x1, s5, s7, $0xb8;
	[tilespmem:$0xC590] =	vst v63  }
0x8c: {  	_ =	swait.ge [sflag:s0], $0x1880  }
0x8d: {  	[sflag:s0] =	ssyncset.done $0x0  }
0x8e: {  	[sflag:s0] =	ssyncadd.s32 $0xFFFFE780  }
0x8f: {  	[spmem:s3] =	stream.indirect.scatter.add.f32 [tilespmem:s8], [sflag:$0x1], $0x1, s7, s7, $0xb8;
	[tilespmem:$0xC590] =	vst v63  }
0x90: {  	_ =	swait.ge [sflag:s0], $0x1880  }
0x91: {  	[sflag:s0] =	ssyncset.done $0x0  }
0x92: {  	[sflag:s0] =	ssyncadd.s32 $0xFFFFE780  }
0x93: {  	[tilespmem:s8], [sflag:$0x1] =	stream.indirect.gather [spmem:s2], $0x1, s5, s7, $0xb8;
	[tilespmem:$0xC590] =	vst v63  }
0x94: {  	_ =	swait.ge [sflag:s0], $0x1880  }
0x95: {  	[sflag:s0] =	ssyncset.done $0x0  }
0x96: {  	[sflag:s0] =	ssyncadd.s32 $0xFFFFE780  }
0x97: {  	[spmem:s4] =	stream.indirect.scatter.add.f32 [tilespmem:s8], [sflag:$0x1], $0x1, s7, s7, $0xb8;
	[tilespmem:$0xC590] =	vst v63  }
0x98: {  	_ =	swait.ge [sflag:s0], $0x1880  }
0x99: {  	[sflag:s0] =	ssyncset.done $0x0  }
0x9a: {  	s11 =	rddreg [dreg:$0xb];
	[sflag:s0] =	ssyncadd.s32 $0xFFFFE780  }
0x9b: {  	[tilespmem:s5], [sflag:$0x1] =	stream.linear.gather [hbm4b:s11+s5], $0x1880, $0x38;
	[tilespmem:$0xC590] =	vst v63  }
0x9c: {  	_ =	swait.ge [sflag:s0], $0x1880  }
0x9d: {  	[sflag:s0] =	ssyncset.done $0x0  }
0x9e: {  	s12 =	rddreg [dreg:$0xc];
	[sflag:s0] =	ssyncadd.s32 $0xFFFFE780  }
0x9f: {  	[tilespmem:s7], [sflag:$0x1] =	stream.linear.gather [hbm4b:s12+s5], $0x1880, $0x38;
	[tilespmem:$0xC590] =	vst v63  }
0xa0: {  	_ =	swait.ge [sflag:s0], $0x1880  }
0xa1: {  	[sflag:s0] =	ssyncset.done $0x0  }
0xa2: {  	[sflag:s0] =	ssyncadd.s32 $0xFFFFE780  }
0xa3: {  	[tilespmem:s8], [sflag:$0x1] =	stream.indirect.gather [spmem:s1], $0x1, s5, s7, $0xb8;
	[tilespmem:$0xC590] =	vst v63  }
0xa4: {  	_ =	swait.ge [sflag:s0], $0x1880  }
0xa5: {  	[sflag:s0] =	ssyncset.done $0x0  }
0xa6: {  	[sflag:s0] =	ssyncadd.s32 $0xFFFFE780  }
0xa7: {  	[spmem:s3] =	stream.indirect.scatter.add.f32 [tilespmem:s8], [sflag:$0x1], $0x1, s7, s7, $0xb8;
	[tilespmem:$0xC590] =	vst v63  }
0xa8: {  	_ =	swait.ge [sflag:s0], $0x1880  }
0xa9: {  	[sflag:s0] =	ssyncset.done $0x0  }
0xaa: {  	[sflag:s0] =	ssyncadd.s32 $0xFFFFE780  }
0xab: {  	[tilespmem:s8], [sflag:$0x1] =	stream.indirect.gather [spmem:s2], $0x1, s5, s7, $0xb8;
	[tilespmem:$0xC590] =	vst v63  }
0xac: {  	_ =	swait.ge [sflag:s0], $0x1880  }
0xad: {  	[sflag:s0] =	ssyncset.done $0x0  }
0xae: {  	[sflag:s0] =	ssyncadd.s32 $0xFFFFE780  }
0xaf: {  	[spmem:s4] =	stream.indirect.scatter.add.f32 [tilespmem:s8], [sflag:$0x1], $0x1, s7, s7, $0xb8;
	[tilespmem:$0xC590] =	vst v63  }
0xb0: {  	_ =	swait.ge [sflag:s0], $0x1880  }
0xb1: {  	[sflag:s0] =	ssyncset.done $0x0  }
0xb2: {  	s13 =	rddreg [dreg:$0xd];
	[sflag:s0] =	ssyncadd.s32 $0xFFFFE780  }
0xb3: {  	[tilespmem:s5], [sflag:$0x1] =	stream.linear.gather [hbm4b:s13+s5], $0x1880, $0x38;
	[tilespmem:$0xC590] =	vst v63  }
0xb4: {  	_ =	swait.ge [sflag:s0], $0x1880  }
0xb5: {  	[sflag:s0] =	ssyncset.done $0x0  }
0xb6: {  	[sflag:s0] =	ssyncadd.s32 $0xFFFFE780  }
0xb7: {  	[tilespmem:s7], [sflag:$0x1] =	stream.linear.gather [hbm4b:s14+s5], $0x1880, $0x38;
	[tilespmem:$0xC590] =	vst v63  }
0xb8: {  	_ =	swait.ge [sflag:s0], $0x1880  }
0xb9: {  	[sflag:s0] =	ssyncset.done $0x0  }
0xba: {  	[sflag:s0] =	ssyncadd.s32 $0xFFFFE780  }
0xbb: {  	[tilespmem:s8], [sflag:$0x1] =	stream.indirect.gather [spmem:s1], $0x1, s5, s7, $0xb8;
	[tilespmem:$0xC590] =	vst v63  }
0xbc: {  	_ =	swait.ge [sflag:s0], $0x1880  }
0xbd: {  	[sflag:s0] =	ssyncset.done $0x0  }
0xbe: {  	[sflag:s0] =	ssyncadd.s32 $0xFFFFE780  }
0xbf: {  	[spmem:s3] =	stream.indirect.scatter.add.f32 [tilespmem:s8], [sflag:$0x1], $0x1, s7, s7, $0xb8;
	[tilespmem:$0xC590] =	vst v63  }
0xc0: {  	_ =	swait.ge [sflag:s0], $0x1880  }
0xc1: {  	[sflag:s0] =	ssyncset.done $0x0  }
0xc2: {  	[sflag:s0] =	ssyncadd.s32 $0xFFFFE780  }
0xc3: {  	[tilespmem:s8], [sflag:$0x1] =	stream.indirect.gather [spmem:s2], $0x1, s5, s7, $0xb8;
	[tilespmem:$0xC590] =	vst v63  }
0xc4: {  	_ =	swait.ge [sflag:s0], $0x1880  }
0xc5: {  	[sflag:s0] =	ssyncset.done $0x0  }
0xc6: {  	[sflag:s0] =	ssyncadd.s32 $0xFFFFE780  }
0xc7: {  	[spmem:s4] =	stream.indirect.scatter.add.f32 [tilespmem:s8], [sflag:$0x1], $0x1, s7, s7, $0xb8;
	[tilespmem:$0xC590] =	vst v63  }
0xc8: {  	_ =	swait.ge [sflag:s0], $0x1880  }
0xc9: {  	[sflag:s0] =	ssyncset.done $0x0  }
0xca: {  	[sflag:s0] =	ssyncadd.s32 $0xFFFFE780  }
0xcb: {  	[bflag:$0x0] =	sbarrier.arrive $0xFFFF  }
0xcc: {  	[tilespmem:s31], [sflag:$0x1] =	stream.linear.gather [spmem:s25], $0xC40, $0x38;
	[tilespmem:$0xC590] =	vst v63  }
0xcd: {  	_ =	swait.ge [sflag:s0], $0xC40  }
0xce: {  	[sflag:s0] =	ssyncset.done $0x0  }
0xcf: {  	[sflag:s0] =	ssyncadd.s32 $0xFFFFF3C0  }
0xd0: {  	[tilespmem:s6], [sflag:$0x1] =	stream.linear.gather [spmem:s26], $0xC40, $0x38;
	[tilespmem:$0xC590] =	vst v63  }
0xd1: {  	_ =	swait.ge [sflag:s0], $0xC40  }
0xd2: {  	[sflag:s0] =	ssyncset.done $0x0  }
0xd3: {  	[sflag:s0] =	ssyncadd.s32 $0xFFFFF3C0  }
0xd4: {  	[hbm4b:s18+s5] =	stream.linear.scatter [tilespmem:s31], [sflag:$0x1], $0xC40, $0x38;
	[tilespmem:$0xC590] =	vst v63  }
0xd5: {  	s9 =	sadd.s32 $0x1, s9;
	_ =	swait.ge [sflag:s0], $0xC40  }
0xd6: {  	p2 =	sne.s32 s9, s28;
	[sflag:s0] =	ssyncset.done $0x0  }
.Ltmp1:
0xd7: {  	[sflag:s0] =	ssyncadd.s32 $0xFFFFF3C0;
	(pc) =	sbr.rel @p2 .LBB2_1-.Ltmp1, $4  }
0xd8: {  	[hbm4b:s19+s5] =	stream.linear.scatter [tilespmem:s6], [sflag:$0x1], $0xC40, $0x38;
	[tilespmem:$0xC590] =	vst v63  }
0xd9: {  	_ =	swait.ge [sflag:s0], $0xC40  }
0xda: {  	[sflag:s0] =	ssyncset.done $0x0  }
0xdb: {  	[sflag:s0] =	ssyncadd.s32 $0xFFFFF3C0  }
0xdc: {  	_ =	sfence.sel $0x180000  }
0xdd: {  	[bflag:$0x0] =	sbarrier.arrive $0xFFFF  }
0xde: {  	_ =	strace $0x9000004D  }
0xdf: {  	[bflag:$0x2] =	sbarrier.arrive $0xFFFF  }
0xe0: {  	s0 =	rddreg [dreg:$0x5]  }
0xe1: {  	s0 =	sadd.s32 @!p0 $0x100000, s0  }
0xe2: {  	[sflag:s0] =	ssyncadd.tile.s32 @!p0 $0x1;
	_ =	shalt  }
.Lfunc_end2:
_tile_overlayer_lowered:
.L_overlay_start_2:
0xe3: {  	(tag) =	ssettag $0x2  }
0xe4: {  	s0 =	rddreg [dreg:$0x0];
	s2 =	stileid.u32  }
0xe5: {  	s1 =	rddreg [dreg:$0x1];
	p0 =	sne.s32 s2, $0x0  }
0xe6: {  	s3 =	rddreg [dreg:$0x2];
	[bflag:$0x3] =	sbarrier.arrive $0xFFFF;
	s2 =	simm.s32 @!p0 $0x1C01  }
0xe7: {  	[timem:s3], [sflag:s2] =	dma.local @!p0 [hbm:s0], s1  }
0xe8: {  	s0 =	simm.s32 @!p0 $0x1  }
0xe9: {  	_ =	swait.ge @!p0 [sflag:s0], s1  }
0xea: {  	s1 =	ssub.s32 @!p0 $0x0, s1;
	[sflag:s0] =	ssyncset.done @!p0 $0x0  }
0xeb: {  	[sflag:s0] =	ssyncadd.s32 @!p0 s1  }
0xec: {  	[bflag:$0x3] =	sbarrier.arrive $0xFFFF  }
0xed: {  	_ =	shalt  }

// kernel: kernel.17.cloned.1.call-start
scs
__scs_entry_jumppad:
0x0: {  	(pc) =	sbr.rel $0x88, $3  }
0x1: {  	(tag) =	ssettag $0x0;
	lr =	simm.s32 $0x1  }
0x2: {  	[smem:$0x3F97] =	sst lr;
	_ =	strace $0xD0000000  }
0x3: {  	_ = 	snop  }
0x4: {  	_ = 	snop  }
0x5: {  	_ = 	snop  }
0x6: {  	_ = 	snop  }
0x7: {  	_ = 	snop  }
__scs_overlays_trampoline_lowered:
0x8: {  	[smem:$0x3FA6] =	sst s0  }
0x9: {  	[smem:$0x3FA7] =	sst s1  }
0xa: {  	[smem:$0x3FA8] =	sst s2  }
0xb: {  	[smem:$0x3FA9] =	sst s3  }
0xc: {  	[smem:$0x3FAA] =	sst s4  }
0xd: {  	[smem:$0x3FAB] =	sst s5  }
0xe: {  	[smem:$0x3FAC] =	sst s6  }
0xf: {  	[smem:$0x3FAD] =	sst s7  }
0x10: {  	[smem:$0x3FAE] =	sst s8  }
0x11: {  	[smem:$0x3FAF] =	sst s9;
	s0 =	simm.s32 @!p0 $0x0  }
0x12: {  	s1 =	sld [smem:$0x3F95];
	s0 =	simm.s32 @p0 $0x1  }
0x13: {  	[smem:$0x3FB0] =	sst s0;
	s0 =	simm.s32 @!p1 $0x0  }
0x14: {  	s2 =	sld [smem:$0x3F94];
	s0 =	simm.s32 @p1 $0x1  }
0x15: {  	[smem:$0x3FB1] =	sst s0;
	s0 =	simm.s32 @!p2 $0x0  }
0x16: {  	s3 =	sld [smem:$0x3FDB];
	s0 =	simm.s32 @p2 $0x1  }
0x17: {  	s4 =	simm.s32 $0x1BF5;
	[smem:$0x3FB3] =	sst s0  }
0x18: {  	s0 =	sld [smem:$0x3F96];
	_ =	swait.ge [sflag:s4], $0x0  }
0x19: {  	s7 =	sld [smem:$0x3F97]  }
0x1a: {  	s8 =	sadd.s32 $0xFFFFE003, lr  }
0x1b: {  	s9 =	sadd.s32 $0xFFFFFEF7, lr;
	s5 =	simm.s32 $0xFFFFFFFF;
	p2 =	slt.u32 s8, $0xFFFFF086  }
0x1c: {  	p1 =	slt.u32 s9, $0xF7A;
	s5 =	simm.s32 @!p2 $0x0  }
0x1d: {  	s5 =	simm.s32 @p1 $0x1;
	p0 =	seq.s32 s7, s2  }
0x1e: {  	s7 =	smul.u32 @!p0 $0xF7A, s2;
	p2 =	seq.s32 @!p0 s5, $0x0  }
0x1f: {  	s9 =	smul.u32 $0xF7A, s1;
	s8 =	simm.s32 @!p0 $0x1BF5;
	p2 =	por !p2, p0  }
0x20: {  	[sflag:s8] =	ssyncset.s32 @!p0 $0xFFFFF086;
	s6 =	sadd.s32 @!p0 s3, s7;
	s7 =	simm.s32 @!p0 $0x108  }
0x21: {  	s3 =	sadd.s32 s3, s9;
	s6 =	sadd.s32 @!p0 $0x88, s6;
	s7 =	simm.s32 @p2 $0x1082  }
0x22: {  	[simem:s7], [sflag:s8] =	dma.local @!p0 [hbm:s6], $0xF7A  }
0x23: {  	s9 =	sor.u32 $0xD0000000, s2;
	s6 =	simm.s32 $0x108;
	_ =	swait.ge @!p0 [sflag:s8], $0x0  }
0x24: {  	s3 =	sadd.s32 $0x88, s3;
	s6 =	simm.s32 @!p1 $0x1082;
	[sflag:s4] =	ssyncset.s32 $0xFFFFF086  }
0x25: {  	[simem:s6], [sflag:s4] =	dma.local [hbm:s3], $0xF7A  }
0x26: {  	[smem:$0x3F97] =	sst s1;
	(tag) =	ssettag s2;
	_ =	strace s9  }
0x27: {  	s1 =	sld [smem:$0x3FA7]  }
0x28: {  	s2 =	sld [smem:$0x3FA8]  }
0x29: {  	s4 =	sld [smem:$0x3FAA]  }
0x2a: {  	p0 =	seq.s32 s5, $0x0;
	s5 =	sld [smem:$0x3FAB]  }
0x2b: {  	s6 =	sld [smem:$0x3FAC]  }
0x2c: {  	s7 =	sld [smem:$0x3FAD]  }
0x2d: {  	s3 =	simm.s32 $0x108;
	s8 =	sld [smem:$0x3FAE]  }
0x2e: {  	s3 =	simm.s32 @!p0 $0x1082;
	s9 =	sld [smem:$0x3FAF]  }
0x2f: {  	lr =	sadd.s32 s0, s3;
	s0 =	sld [smem:$0x3FA6]  }
0x30: {  	s3 =	sld [smem:$0x3FA9]  }
0x31: {  	[smem:$0x3FB2] =	sst s10  }
0x32: {  	s10 =	sld [smem:$0x3FB0];
	_ =	sdelay $0x3  }
0x33: {  	p0 =	seq.s32 s10, $0x1;
	s10 =	sld [smem:$0x3FB2];
	_ =	sdelay $0x3  }
0x34: {  	[smem:$0x3FB2] =	sst s10  }
0x35: {  	s10 =	sld [smem:$0x3FB1];
	_ =	sdelay $0x3  }
0x36: {  	p1 =	seq.s32 s10, $0x1;
	s10 =	sld [smem:$0x3FB2];
	_ =	sdelay $0x3  }
0x37: {  	[smem:$0x3FB2] =	sst s10  }
0x38: {  	s10 =	sld [smem:$0x3FB3]  }
0x39: {  	_ = 	snop;
	(pc) =	sbr.ind lr, $3  }
0x3a: {  	_ = 	snop  }
0x3b: {  	_ = 	snop  }
0x3c: {  	p2 =	seq.s32 s10, $0x1;
	s10 =	sld [smem:$0x3FB2]  }
0x3d: {  	_ =	shalt  }
0x3e: {  	_ =	shalt  }
0x3f: {  	_ =	shalt  }
0x40: {  	_ =	shalt  }
0x41: {  	_ =	shalt  }
0x42: {  	_ =	shalt  }
0x43: {  	_ =	shalt  }
0x44: {  	_ =	shalt  }
0x45: {  	_ =	shalt  }
0x46: {  	_ =	shalt  }
0x47: {  	_ =	shalt  }
0x48: {  	_ =	shalt  }
0x49: {  	_ =	shalt  }
0x4a: {  	_ =	shalt  }
0x4b: {  	_ =	shalt  }
0x4c: {  	_ =	shalt  }
0x4d: {  	_ =	shalt  }
0x4e: {  	_ =	shalt  }
0x4f: {  	_ =	shalt  }
0x50: {  	_ =	shalt  }
0x51: {  	_ =	shalt  }
0x52: {  	_ =	shalt  }
0x53: {  	_ =	shalt  }
0x54: {  	_ =	shalt  }
0x55: {  	_ =	shalt  }
0x56: {  	_ =	shalt  }
0x57: {  	_ =	shalt  }
0x58: {  	_ =	shalt  }
0x59: {  	_ =	shalt  }
0x5a: {  	_ =	shalt  }
0x5b: {  	_ =	shalt  }
0x5c: {  	_ =	shalt  }
0x5d: {  	_ =	shalt  }
0x5e: {  	_ =	shalt  }
0x5f: {  	_ =	shalt  }
0x60: {  	_ =	shalt  }
0x61: {  	_ =	shalt  }
0x62: {  	_ =	shalt  }
0x63: {  	_ =	shalt  }
0x64: {  	_ =	shalt  }
0x65: {  	_ =	shalt  }
0x66: {  	_ =	shalt  }
0x67: {  	_ =	shalt  }
0x68: {  	_ =	shalt  }
0x69: {  	_ =	shalt  }
0x6a: {  	_ =	shalt  }
0x6b: {  	_ =	shalt  }
0x6c: {  	_ =	shalt  }
0x6d: {  	_ =	shalt  }
0x6e: {  	_ =	shalt  }
0x6f: {  	_ =	shalt  }
0x70: {  	_ =	shalt  }
0x71: {  	_ =	shalt  }
0x72: {  	_ =	shalt  }
0x73: {  	_ =	shalt  }
0x74: {  	_ =	shalt  }
0x75: {  	_ =	shalt  }
0x76: {  	_ =	shalt  }
0x77: {  	_ =	shalt  }
0x78: {  	_ =	shalt  }
0x79: {  	_ =	shalt  }
0x7a: {  	_ =	shalt  }
0x7b: {  	_ =	shalt  }
0x7c: {  	_ =	shalt  }
0x7d: {  	_ =	shalt  }
0x7e: {  	_ =	shalt  }
0x7f: {  	_ =	shalt  }
0x80: {  	_ =	shalt  }
0x81: {  	_ =	shalt  }
0x82: {  	_ =	shalt  }
0x83: {  	_ =	shalt  }
0x84: {  	_ =	shalt  }
0x85: {  	_ =	shalt  }
0x86: {  	_ =	shalt  }
0x87: {  	_ =	shalt  }
.Lfunc_end0:
.L_simem_size_0:
called_computation.3_lowered:
.L_overlay_start_0:
0x88: {  	s2 =	sld [smem:$0x3FD9]  }
0x89: {  	s3 =	sld [smem:$0x3FFE];
	_ =	sdelay $0x1  }
0x8a: {  	s1 =	srdreg.scid  }
0x8b: {  	s0 =	sand.u32 $0x1, s1  }
0x8c: {  	s17 =	sshll.u32 s0, $0xA;
	s2 =	sadd.s32 s3, s2  }
0x8d: {  	s2 =	sadd.s32 s2, s17  }
0x8e: {  	[smem:$0x3FBE] =	sst s2  }
0x8f: {  	_ = 	snop  }
0x90: {  	s2 =	sld [smem:$0x3FC4]  }
0x91: {  	s18 =	sld [smem:$0x3FD0];
	(tm) =	ssettm $0x1  }
0x92: {  	s4 =	sld [smem:$0x3FFB];
	_ =	sdelay $0x3  }
0x93: {  	_ =	strace s4  }
0x94: {  	s4 =	sld [smem:$0x3FFC];
	_ =	sdelay $0x3  }
0x95: {  	_ =	strace s4  }
0x96: {  	s4 =	sld [smem:$0x3FFD];
	_ =	sdelay $0x3  }
0x97: {  	_ =	strace s4  }
0x98: {  	_ =	strace $0x8FFFFFFF  }
0x99: {  	s19 =	sld [smem:$0x3FDB];
	_ =	sdelay $0x1  }
0x9a: {  	s5 =	simm.s32 $_scs_section_size  }
0x9b: {  	s6 =	simm.s32 $_size__tile_overlayer_lowered;
	s7 =	simm.s32 $_tile_overlayer_lowered  }
0x9c: {  	s22 =	simm.s32 $0x1BFF;
	s21 =	sshll.u32 s7, $0x1;
	s4 =	sadd.s32 s5, s19  }
0x9d: {  	s8 =	simm.s32 $0x0;
	s20 =	sshll.u32 s6, $0x1;
	s6 =	sadd.s32 s21, s4  }
0x9e: {  	[timem:s8], [sflag:s22] =	dma.local [hbm:s6], s20  }
0x9f: {  	_ =	swait.ge [sflag:s22], s20  }
0xa0: {  	s5 =	ssub.s32 $0x0, s20;
	[sflag:s22] =	ssyncset.done $0x0  }
0xa1: {  	[sflag:s22] =	ssyncadd.s32 s5;
	_ =	sdelay $0x1  }
0xa2: {  	s23 =	simm.s32 $0x1B8B  }
0xa3: {  	_ =	swait.ge [sflag:s23], $0x1  }
0xa4: {  	[sflag:s23] =	ssyncset.done $0x0  }
0xa5: {  	s25 =	simm.s32 $0x1B8E;
	s24 =	sld [smem:$0x3FFE];
	[sflag:s23] =	ssyncadd.s32 $0xFFFFFFFF  }
0xa6: {  	s26 =	simm.s32 $execute0_lowered;
	[smem:$0x3FD2] =	sst s25  }
0xa7: {  	s6 =	sshll.u32 s26, $0x1;
	_ =	strace $0x8000004F;
	[dreg:$0x1] =	wrdreg $0xFFFFFFFF  }
0xa8: {  	s28 =	simm.s32 $_size_execute0_lowered;
	s4 =	sadd.s32 s4, s6;
	[dreg:$0x0] =	wrdreg $0x0  }
0xa9: {  	s6 =	sshll.u32 s28, $0x1;
	[dreg:$0x2] =	wrdreg s4  }
0xaa: {  	[dreg:$0x3] =	wrdreg s6  }
0xab: {  	[dreg:$0x4] =	wrdreg $0xC0  }
0xac: {  	_ =	task [dreg:s8], $0x5FFFF  }
0xad: {  	[dreg:$0x1] =	wrdreg $0xFFFFFFFF  }
0xae: {  	[dreg:$0x0] =	wrdreg $0x60  }
0xaf: {  	[dreg:$0x2] =	wrdreg s24  }
0xb0: {  	[dreg:$0x3] =	wrdreg s18  }
0xb1: {  	[dreg:$0x4] =	wrdreg s2  }
0xb2: {  	[dreg:$0x5] =	wrdreg $0x96C80  }
0xb3: {  	[dreg:$0x6] =	wrdreg $0x8A800  }
0xb4: {  	[dreg:$0x7] =	wrdreg $0x9  }
0xb5: {  	_ =	task.clear_ibuf [dreg:s8], $0x8FFFF;
	_ =	strace $0x9000004F  }
0xb6: {  	s29 =	simm.s32 $0x9;
	_ =	strace $0x80000051  }
0xb7: {  	_ =	swait.ge [sflag:s29], $0x1  }
0xb8: {  	[sflag:s29] =	ssyncadd.s32 $0xFFFFFFFF  }
0xb9: {  	_ =	strace $0x90000051  }
0xba: {  	_ =	sfence  }
0xbb: {  	s30 =	sld [smem:$0x0];
	_ =	sdelay $0x2  }
0xbc: {  	s31 =	sshll.u32 s1, $0xD;
	s1 =	sshrl.u32 s1, $0x2  }
0xbd: {  	s3 =	sand.u32 $0x4000, s31;
	s1 =	sadd.s32 s1, s30  }
0xbe: {  	s0 =	sor.u32 s3, s0;
	s1 =	sshll.u32 s1, $0x11  }
0xbf: {  	s0 =	sor.u32 s1, s0  }
0xc0: {  	s0 =	sadd.s32 $0x8F2B, s0  }
0xc1: {  	[sflag:s0] =	ssyncadd.remote.s32 $0x1  }
0xc2: {  	_ =	sfence.sel $0xFFFF  }
0xc3: {  	[dreg:$0x0] =	wrdreg $0xFFFFFFFF;
	(pc) =	sbr.abs _section_cstart, $3  }
0xc4: {  	[dreg:$0x1] =	wrdreg $0xFFFFFFFF  }
0xc5: {  	_ =	task.clear_ibuf [dreg:s8], $0x2FFFF;
	_ =	strace $0x9FFFFFFF  }
0xc6: {  	(tm) =	ssettm $0x7FFFFFFF  }
0xc7: {  	_ =	shalt  }
tec
execute0_lowered:
.L_overlay_start_1:
0x0: {  	(tag) =	ssettag $0x1  }
0x1: {  	s0 =	rddreg [dreg:$0x0]  }
0x2: {  	s3 =	rddreg [dreg:$0x3]  }
0x3: {  	s4 =	rddreg [dreg:$0x4];
	s5 =	simm.s32 $0x0;
	s23 =	stileid.u32  }
0x4: {  	s2 =	srdreg.scid;
	s31 =	simm.s32 $0x7C00;
	[smem:$0x7FF] =	sst s5  }
0x5: {  	s1 =	sadd.s32 $0x20400, s0;
	s22 =	sadd.s32 $0x20200, s0;
	s6 =	sadd.s32 $0x20600, s0  }
0x6: {  	s7 =	smul.u32 $0xC40, s23;
	_ =	strace $0x80000050;
	[dreg:$0x6] =	wrdreg s1  }
0x7: {  	s2 =	sand.u32 $0x1, s2;
	s9 =	sadd.s32 $0x1B200, s0;
	[dreg:$0x7] =	wrdreg s22  }
0x8: {  	s8 =	sadd.s32 $0x2A00, s0;
	s30 =	sadd.s32 $0xC400, s4;
	[dreg:$0x8] =	wrdreg s9  }
0x9: {  	s24 =	sshll.u32 s2, $0x4;
	s11 =	ssub.s32 $0x2, s2;
	p0 =	seq.s32 s2, $0x0  }
0xa: {  	p1 =	sne.s32 s2, $0x0;
	s1 =	simm.s32 $0x6300;
	s2 =	simm.s32 $0x1880  }
0xb: {  	s10 =	sshrl.u32 s7, $0x3;
	s9 =	sor.u32 s23, s24;
	s25 =	sshrl.u32 s11, $0x1  }
0xc: {  	s28 =	sadd.s32 s7, s4;
	s0 =	sadd.s32 s10, s0;
	s9 =	smul.u32 $0x6200, s9  }
0xd: {  	s29 =	ssub.s32 s11, s25;
	s26 =	sadd.s32 $0x1B400, s0;
	s10 =	sadd.s32 $0x1CE00, s0  }
0xe: {  	s11 =	sadd.s32 $0x1E800, s0;
	s20 =	sadd.s32 $0x3F600, s0;
	s21 =	sadd.s32 $0x41000, s0  }
0xf: {  	s24 =	sadd.s32 $0x3DC00, s0;
	s25 =	sadd.s32 $0x3C200, s0;
	s29 =	smax.u32 s29, $0x1  }
0x10: {  	[dreg:$0x9] =	wrdreg s26;
	s9 =	sshrl.u32 s9, $0x3;
	s26 =	sadd.s32 s7, s3  }
0x11: {  	s12 =	sadd.s32 s6, s9;
	s13 =	sadd.s32 s8, s9;
	s15 =	sadd.s32 $0x310, s9  }
0x12: {  	s17 =	sadd.s32 $0x620, s9;
	s9 =	sadd.s32 $0x930, s9;
	s14 =	sadd.s32 s6, s15  }
0x13: {  	s15 =	sadd.s32 s8, s15;
	s16 =	sadd.s32 s6, s17;
	s17 =	sadd.s32 s8, s17  }
0x14: {  	s18 =	sadd.s32 s6, s9;
	s19 =	sadd.s32 s8, s9;
	s6 =	simm.s32 $0x38E00  }
0x15: {  	s6 =	simm.s32 @!p0 $0x3A800;
	p0 =	sne.s32 s23, $0x0;
	s23 =	sadd.s32 $0x42A00, s0  }
0x16: {  	s22 =	sadd.s32 s6, s0;
	s0 =	simm.s32 $0x1;
	s6 =	simm.s32 $0x0  }
.LBB2_1:
0x17: {  	s7 =	rddreg [dreg:$0x9];
	s8 =	simm.s32 $0x3100  }
0x18: {  	[tilespmem:s8], [sflag:$0x1] =	stream.linear.gather [hbm4b:s7+s5], $0xC40, $0x38;
	[tilespmem:$0xA308] =	vst v63  }
0x19: {  	_ =	swait.ge [sflag:s0], $0xC40  }
0x1a: {  	[sflag:s0] =	ssyncset.done $0x0  }
0x1b: {  	s8 =	simm.s32 $0x3D80;
	[sflag:s0] =	ssyncadd.s32 $0xFFFFF3C0  }
0x1c: {  	[tilespmem:s8], [sflag:$0x1] =	stream.linear.gather [hbm4b:s10+s5], $0xC40, $0x38;
	[tilespmem:$0xA308] =	vst v63  }
0x1d: {  	_ =	swait.ge [sflag:s0], $0xC40  }
0x1e: {  	[sflag:s0] =	ssyncset.done $0x0  }
0x1f: {  	s9 =	simm.s32 $0x4A00;
	[sflag:s0] =	ssyncadd.s32 $0xFFFFF3C0  }
0x20: {  	[tilespmem:s9], [sflag:$0x1] =	stream.linear.gather [hbm4b:s11+s5], $0xC40, $0x38;
	[tilespmem:$0xA308] =	vst v63  }
0x21: {  	_ =	swait.ge [sflag:s0], $0xC40  }
0x22: {  	[sflag:s0] =	ssyncset.done $0x0  }
0x23: {  	s8 =	simm.s32 $0x5680;
	[sflag:s0] =	ssyncadd.s32 $0xFFFFF3C0  }
0x24: {  	[tilespmem:s8], [sflag:$0x1] =	stream.linear.gather [hbm4b:s20+s5], $0xC40, $0x38;
	[tilespmem:$0xA308] =	vst v63  }
0x25: {  	_ =	swait.ge [sflag:s0], $0xC40  }
0x26: {  	[sflag:s0] =	ssyncset.done $0x0  }
0x27: {  	[sflag:s0] =	ssyncadd.s32 $0xFFFFF3C0  }
0x28: {  	[tilespmem:s1], [sflag:$0x1] =	stream.linear.gather [hbm4b:s21+s5], $0xC40, $0x38;
	[tilespmem:$0xA308] =	vst v63  }
0x29: {  	_ =	swait.ge [sflag:s0], $0xC40  }
0x2a: {  	[sflag:s0] =	ssyncset.done $0x0  }
0x2b: {  	s9 =	simm.s32 $0x6F80;
	[sflag:s0] =	ssyncadd.s32 $0xFFFFF3C0  }
0x2c: {  	[tilespmem:s9], [sflag:$0x1] =	stream.linear.gather [hbm4b:s23+s5], $0xC40, $0x38;
	[tilespmem:$0xA308] =	vst v63  }
0x2d: {  	_ =	swait.ge [sflag:s0], $0xC40  }
0x2e: {  	[sflag:s0] =	ssyncset.done $0x0  }
0x2f: {  	[sflag:s0] =	ssyncadd.s32 $0xFFFFF3C0  }
0x30: {  	[tilespmem:s31], [sflag:$0x1] =	stream.linear.gather [hbm4b:s24+s5], $0xC40, $0x38;
	[tilespmem:$0xA308] =	vst v63  }
0x31: {  	_ =	swait.ge [sflag:s0], $0xC40  }
0x32: {  	[sflag:s0] =	ssyncset.done $0x0  }
0x33: {  	s9 =	simm.s32 $0x8880;
	s8 =	rddreg [dreg:$0x6];
	[sflag:s0] =	ssyncadd.s32 $0xFFFFF3C0  }
0x34: {  	[tilespmem:s9], [sflag:$0x1] =	stream.linear.gather [hbm4b:s8+s5], $0x80, $0x38;
	[tilespmem:$0xA308] =	vst v63  }
0x35: {  	_ =	swait.ge [sflag:s0], $0x80  }
0x36: {  	[sflag:s0] =	ssyncset.done $0x0  }
0x37: {  	[sflag:s0] =	ssyncadd.s32 $0xFFFFFF80  }
0x38: {  	s9 =	simm.s32 $0x8900;
	s8 =	rddreg [dreg:$0x1]  }
0x39: {  	[tilespmem:s9], [sflag:$0x1] =	stream.linear.gather [hbm4b:s8+s5], $0x80, $0x38;
	[tilespmem:$0xA308] =	vst v63  }
0x3a: {  	_ =	swait.ge [sflag:s0], $0x80  }
0x3b: {  	[sflag:s0] =	ssyncset.done $0x0  }
0x3c: {  	[sflag:s0] =	ssyncadd.s32 $0xFFFFFF80  }
0x3d: {  	s9 =	simm.s32 $0x8980;
	s8 =	rddreg [dreg:$0x2]  }
0x3e: {  	[tilespmem:s9], [sflag:$0x1] =	stream.linear.gather [hbm4b:s8+s5], $0x80, $0x38;
	[tilespmem:$0xA308] =	vst v63  }
0x3f: {  	_ =	swait.ge [sflag:s0], $0x80  }
0x40: {  	[sflag:s0] =	ssyncset.done $0x0  }
0x41: {  	s9 =	simm.s32 $0x8A00;
	s8 =	rddreg [dreg:$0x7];
	[sflag:s0] =	ssyncadd.s32 $0xFFFFFF80  }
0x42: {  	[tilespmem:s9], [sflag:$0x1] =	stream.linear.gather [hbm4b:s8+s5], $0x80, $0x38;
	[tilespmem:$0xA308] =	vst v63  }
0x43: {  	_ =	swait.ge [sflag:s0], $0x80  }
0x44: {  	[sflag:s0] =	ssyncset.done $0x0  }
0x45: {  	[sflag:s0] =	ssyncadd.s32 $0xFFFFFF80  }
0x46: {  	v0 =	vld [tilespmem:$0x8880];
	_ =	sdelay $0x1  }
0x47: {  	v1 =	vld [tilespmem:$0x8900];
	_ =	sdelay $0x1  }
0x48: {  	v2 =	vld [tilespmem:$0x8980]  }
0x49: {  	v4 =	vbroadcast v0, $0x0  }
0x4a: {  	v3 =	vld [tilespmem:$0x8A00]  }
0x4b: {  	[tilespmem:$0x1EFD0] =	vst v4;
	v4 =	vbroadcast v1, $0x0;
	_ =	sdelay $0x1  }
0x4c: {  	[tilespmem:$0x1EFE0] =	vst v4;
	v4 =	vbroadcast v2, $0x0;
	_ =	sdelay $0x1  }
0x4d: {  	[tilespmem:$0x1EFF0] =	vst v4;
	v4 =	vbroadcast v3, $0x0;
	_ =	sdelay $0x1  }
0x4e: {  	[tilespmem:$0x1F000] =	vst v4;
	v4 =	vbroadcast v0, $0x1;
	_ =	sdelay $0x1  }
0x4f: {  	[tilespmem:$0x1F010] =	vst v4;
	v4 =	vbroadcast v1, $0x1;
	_ =	sdelay $0x1  }
0x50: {  	[tilespmem:$0x1F020] =	vst v4;
	v4 =	vbroadcast v2, $0x1;
	_ =	sdelay $0x1  }
0x51: {  	[tilespmem:$0x1F030] =	vst v4;
	v4 =	vbroadcast v3, $0x1;
	_ =	sdelay $0x1  }
0x52: {  	[tilespmem:$0x1F040] =	vst v4;
	v4 =	vbroadcast v0, $0x2;
	_ =	sdelay $0x1  }
0x53: {  	[tilespmem:$0x1F050] =	vst v4;
	v4 =	vbroadcast v1, $0x2;
	_ =	sdelay $0x1  }
0x54: {  	[tilespmem:$0x1F060] =	vst v4;
	v4 =	vbroadcast v2, $0x2;
	_ =	sdelay $0x1  }
0x55: {  	[tilespmem:$0x1F070] =	vst v4;
	v4 =	vbroadcast v3, $0x2;
	_ =	sdelay $0x1  }
0x56: {  	[tilespmem:$0x1F080] =	vst v4;
	v4 =	vbroadcast v0, $0x3;
	_ =	sdelay $0x1  }
0x57: {  	[tilespmem:$0x1F090] =	vst v4;
	v4 =	vbroadcast v1, $0x3;
	_ =	sdelay $0x1  }
0x58: {  	[tilespmem:$0x1F0A0] =	vst v4;
	v4 =	vbroadcast v2, $0x3;
	_ =	sdelay $0x1  }
0x59: {  	[tilespmem:$0x1F0B0] =	vst v4;
	v4 =	vbroadcast v3, $0x3;
	_ =	sdelay $0x1  }
0x5a: {  	[tilespmem:$0x1F0C0] =	vst v4;
	v4 =	vbroadcast v0, $0x4;
	_ =	sdelay $0x1  }
0x5b: {  	[tilespmem:$0x1F0D0] =	vst v4;
	v4 =	vbroadcast v1, $0x4;
	_ =	sdelay $0x1  }
0x5c: {  	[tilespmem:$0x1F0E0] =	vst v4;
	v4 =	vbroadcast v2, $0x4;
	_ =	sdelay $0x1  }
0x5d: {  	[tilespmem:$0x1F0F0] =	vst v4;
	v4 =	vbroadcast v3, $0x4;
	_ =	sdelay $0x1  }
0x5e: {  	[tilespmem:$0x1F100] =	vst v4;
	v4 =	vbroadcast v0, $0x5;
	_ =	sdelay $0x1  }
0x5f: {  	[tilespmem:$0x1F110] =	vst v4;
	v4 =	vbroadcast v1, $0x5;
	_ =	sdelay $0x1  }
0x60: {  	[tilespmem:$0x1F120] =	vst v4;
	v4 =	vbroadcast v2, $0x5;
	_ =	sdelay $0x1  }
0x61: {  	[tilespmem:$0x1F130] =	vst v4;
	v4 =	vbroadcast v3, $0x5;
	_ =	sdelay $0x1  }
0x62: {  	[tilespmem:$0x1F140] =	vst v4;
	v4 =	vbroadcast v0, $0x6;
	_ =	sdelay $0x1  }
0x63: {  	[tilespmem:$0x1F150] =	vst v4;
	v4 =	vbroadcast v1, $0x6;
	_ =	sdelay $0x1  }
0x64: {  	[tilespmem:$0x1F160] =	vst v4;
	v4 =	vbroadcast v2, $0x6;
	_ =	sdelay $0x1  }
0x65: {  	[tilespmem:$0x1F170] =	vst v4;
	v4 =	vbroadcast v3, $0x6;
	_ =	sdelay $0x1  }
0x66: {  	[tilespmem:$0x1F180] =	vst v4;
	v4 =	vbroadcast v0, $0x7;
	_ =	sdelay $0x1  }
0x67: {  	[tilespmem:$0x1F190] =	vst v4;
	v4 =	vbroadcast v1, $0x7;
	_ =	sdelay $0x1  }
0x68: {  	[tilespmem:$0x1F1A0] =	vst v4;
	v4 =	vbroadcast v2, $0x7;
	_ =	sdelay $0x1  }
0x69: {  	[tilespmem:$0x1F1B0] =	vst v4;
	v4 =	vbroadcast v3, $0x7;
	_ =	sdelay $0x1  }
0x6a: {  	[tilespmem:$0x1F1C0] =	vst v4;
	v4 =	vbroadcast v0, $0x8;
	_ =	sdelay $0x1  }
0x6b: {  	[tilespmem:$0x1F1D0] =	vst v4;
	v4 =	vbroadcast v1, $0x8;
	_ =	sdelay $0x1  }
0x6c: {  	[tilespmem:$0x1F1E0] =	vst v4;
	v4 =	vbroadcast v2, $0x8;
	_ =	sdelay $0x1  }
0x6d: {  	[tilespmem:$0x1F1F0] =	vst v4;
	v4 =	vbroadcast v3, $0x8;
	_ =	sdelay $0x1  }
0x6e: {  	[tilespmem:$0x1F200] =	vst v4;
	v4 =	vbroadcast v0, $0x9;
	_ =	sdelay $0x1  }
0x6f: {  	[tilespmem:$0x1F210] =	vst v4;
	v4 =	vbroadcast v1, $0x9;
	_ =	sdelay $0x1  }
0x70: {  	[tilespmem:$0x1F220] =	vst v4;
	v4 =	vbroadcast v2, $0x9;
	_ =	sdelay $0x1  }
0x71: {  	[tilespmem:$0x1F230] =	vst v4;
	v4 =	vbroadcast v3, $0x9;
	_ =	sdelay $0x1  }
0x72: {  	[tilespmem:$0x1F240] =	vst v4;
	v4 =	vbroadcast v0, $0xA;
	_ =	sdelay $0x1  }
0x73: {  	[tilespmem:$0x1F250] =	vst v4;
	v4 =	vbroadcast v1, $0xA;
	_ =	sdelay $0x1  }
0x74: {  	[tilespmem:$0x1F260] =	vst v4;
	v4 =	vbroadcast v2, $0xA;
	_ =	sdelay $0x1  }
0x75: {  	[tilespmem:$0x1F270] =	vst v4;
	v4 =	vbroadcast v3, $0xA;
	_ =	sdelay $0x1  }
0x76: {  	[tilespmem:$0x1F280] =	vst v4;
	v4 =	vbroadcast v0, $0xB;
	_ =	sdelay $0x1  }
0x77: {  	[tilespmem:$0x1F290] =	vst v4;
	v4 =	vbroadcast v1, $0xB;
	_ =	sdelay $0x1  }
0x78: {  	[tilespmem:$0x1F2A0] =	vst v4;
	v4 =	vbroadcast v2, $0xB;
	_ =	sdelay $0x1  }
0x79: {  	[tilespmem:$0x1F2B0] =	vst v4;
	v4 =	vbroadcast v3, $0xB;
	_ =	sdelay $0x1  }
0x7a: {  	[tilespmem:$0x1F2C0] =	vst v4;
	v4 =	vbroadcast v0, $0xC;
	_ =	sdelay $0x1  }
0x7b: {  	[tilespmem:$0x1F2D0] =	vst v4;
	v4 =	vbroadcast v1, $0xC;
	_ =	sdelay $0x1  }
0x7c: {  	[tilespmem:$0x1F2E0] =	vst v4;
	v4 =	vbroadcast v2, $0xC  }
0x7d: {  	v5 =	vbroadcast v1, $0xD  }
0x7e: {  	[tilespmem:$0x1F2F0] =	vst v4;
	v4 =	vbroadcast v3, $0xC  }
0x7f: {  	[tilespmem:$0x1F320] =	vst v5;
	v5 =	vbroadcast v2, $0xD  }
0x80: {  	[tilespmem:$0x1F300] =	vst v4;
	v4 =	vbroadcast v0, $0xD  }
0x81: {  	[tilespmem:$0x1F330] =	vst v5  }
0x82: {  	v5 =	vbroadcast v3, $0xD;
	[tilespmem:$0x1F310] =	vst v4;
	v4 =	vld [tilespmem:$0x8890];
	_ =	sdelay $0x1  }
0x83: {  	[tilespmem:$0x1F340] =	vst v5;
	v5 =	vbroadcast v0, $0xE;
	v0 =	vbroadcast v0, $0xF;
	_ =	sdelay $0x1  }
0x84: {  	[tilespmem:$0x1F380] =	vst v0;
	v0 =	vbroadcast v1, $0xF  }
0x85: {  	[tilespmem:$0x1F350] =	vst v5;
	v5 =	vbroadcast v1, $0xE;
	v1 =	vbroadcast v4, $0x5  }
0x86: {  	[tilespmem:$0x1F390] =	vst v0;
	v0 =	vbroadcast v2, $0xF  }
0x87: {  	[tilespmem:$0x1F420] =	vst v1;
	v1 =	vbroadcast v4, $0x6  }
0x88: {  	[tilespmem:$0x1F3A0] =	vst v0;
	v0 =	vbroadcast v3, $0xE  }
0x89: {  	[tilespmem:$0x1F430] =	vst v1;
	v1 =	vbroadcast v4, $0x7  }
0x8a: {  	[tilespmem:$0x1F3B0] =	vst v0;
	v0 =	vbroadcast v3, $0xF  }
0x8b: {  	[tilespmem:$0x1F440] =	vst v1;
	v1 =	vbroadcast v4, $0x8  }
0x8c: {  	[tilespmem:$0x1F3C0] =	vst v0;
	v0 =	vbroadcast v4, $0x0  }
0x8d: {  	[tilespmem:$0x1F450] =	vst v1;
	v1 =	vbroadcast v4, $0x9  }
0x8e: {  	[tilespmem:$0x1F3D0] =	vst v0;
	v0 =	vbroadcast v4, $0x1  }
0x8f: {  	[tilespmem:$0x1F460] =	vst v1;
	v1 =	vbroadcast v4, $0xA  }
0x90: {  	[tilespmem:$0x1F3E0] =	vst v0;
	v0 =	vbroadcast v4, $0x2  }
0x91: {  	[tilespmem:$0x1F470] =	vst v1;
	v1 =	vbroadcast v4, $0xB  }
0x92: {  	[tilespmem:$0x1F3F0] =	vst v0;
	v0 =	vbroadcast v4, $0x3  }
0x93: {  	[tilespmem:$0x1F480] =	vst v1;
	v1 =	vbroadcast v4, $0xC  }
0x94: {  	[tilespmem:$0x1F400] =	vst v0;
	v0 =	vbroadcast v4, $0x4  }
0x95: {  	[tilespmem:$0x1F490] =	vst v1;
	v1 =	vbroadcast v4, $0xD  }
0x96: {  	[tilespmem:$0x1F410] =	vst v0;
	v0 =	vld [tilespmem:$0x8910]  }
0x97: {  	[tilespmem:$0x1F4A0] =	vst v1;
	v1 =	vbroadcast v4, $0xE;
	_ =	sdelay $0x1  }
0x98: {  	[tilespmem:$0x1F4B0] =	vst v1;
	v1 =	vbroadcast v4, $0xF;
	_ =	sdelay $0x1  }
0x99: {  	[tilespmem:$0x1F4C0] =	vst v1;
	v1 =	vbroadcast v0, $0x0  }
0x9a: {  	[tilespmem:$0x1F360] =	vst v5;
	v5 =	vbroadcast v2, $0xE;
	v2 =	vbroadcast v0, $0x5  }
0x9b: {  	[tilespmem:$0x1F4D0] =	vst v1;
	v1 =	vbroadcast v0, $0x1  }
0x9c: {  	[tilespmem:$0x1F520] =	vst v2;
	v2 =	vbroadcast v0, $0x6  }
0x9d: {  	[tilespmem:$0x1F4E0] =	vst v1;
	v1 =	vbroadcast v0, $0x2  }
0x9e: {  	[tilespmem:$0x1F530] =	vst v2;
	v2 =	vbroadcast v0, $0x7  }
0x9f: {  	[tilespmem:$0x1F4F0] =	vst v1;
	v1 =	vbroadcast v0, $0x3  }
0xa0: {  	[tilespmem:$0x1F540] =	vst v2;
	v2 =	vbroadcast v0, $0x8  }
0xa1: {  	[tilespmem:$0x1F500] =	vst v1;
	v1 =	vbroadcast v0, $0x4  }
0xa2: {  	[tilespmem:$0x1F550] =	vst v2;
	v2 =	vbroadcast v0, $0x9  }
0xa3: {  	[tilespmem:$0x1F510] =	vst v1;
	v1 =	vld [tilespmem:$0x8990]  }
0xa4: {  	[tilespmem:$0x1F560] =	vst v2;
	v2 =	vbroadcast v0, $0xA;
	_ =	sdelay $0x1  }
0xa5: {  	[tilespmem:$0x1F570] =	vst v2;
	v2 =	vbroadcast v0, $0xB;
	_ =	sdelay $0x1  }
0xa6: {  	[tilespmem:$0x1F580] =	vst v2;
	v2 =	vbroadcast v1, $0x5;
	_ =	sdelay $0x1  }
0xa7: {  	[tilespmem:$0x1F5E0] =	vst v2;
	v2 =	vbroadcast v1, $0x6  }
0xa8: {  	v7 =	vbroadcast v0, $0xC;
	v9 =	vbroadcast v0, $0xD  }
0xa9: {  	v8 =	vbroadcast v0, $0xE;
	[tilespmem:$0x1F5F0] =	vst v2;
	v2 =	vbroadcast v1, $0x7  }
0xaa: {  	v10 =	vbroadcast v0, $0xF;
	v0 =	vbroadcast v1, $0x0  }
0xab: {  	[tilespmem:$0x1F600] =	vst v2;
	v2 =	vbroadcast v1, $0x8  }
0xac: {  	[tilespmem:$0x1F590] =	vst v0;
	v0 =	vbroadcast v1, $0x1  }
0xad: {  	[tilespmem:$0x1F610] =	vst v2;
	v2 =	vbroadcast v1, $0x9  }
0xae: {  	[tilespmem:$0x1F5A0] =	vst v0;
	v0 =	vbroadcast v1, $0x2  }
0xaf: {  	[tilespmem:$0x1F620] =	vst v2;
	v2 =	vbroadcast v1, $0xA  }
0xb0: {  	[tilespmem:$0x1F5B0] =	vst v0;
	v0 =	vbroadcast v1, $0x3  }
0xb1: {  	[tilespmem:$0x1F630] =	vst v2;
	v2 =	vbroadcast v1, $0xB  }
0xb2: {  	[tilespmem:$0x1F5C0] =	vst v0;
	v0 =	vbroadcast v1, $0x4  }
0xb3: {  	[tilespmem:$0x1F640] =	vst v2;
	v2 =	vbroadcast v1, $0xC  }
0xb4: {  	[tilespmem:$0x1F5D0] =	vst v0;
	v0 =	vld [tilespmem:$0x8A10]  }
0xb5: {  	[tilespmem:$0x1F650] =	vst v2;
	v2 =	vbroadcast v1, $0xD;
	_ =	sdelay $0x1  }
0xb6: {  	[tilespmem:$0x1F660] =	vst v2;
	v2 =	vbroadcast v1, $0xE;
	_ =	sdelay $0x1  }
0xb7: {  	[tilespmem:$0x1F670] =	vst v2;
	v2 =	vbroadcast v0, $0x5;
	_ =	sdelay $0x1  }
0xb8: {  	[tilespmem:$0x1F6E0] =	vst v2;
	v2 =	vbroadcast v0, $0x6  }
0xb9: {  	v1 =	vbroadcast v1, $0xF  }
0xba: {  	[tilespmem:$0x1F6F0] =	vst v2;
	v2 =	vbroadcast v0, $0x7  }
0xbb: {  	[tilespmem:$0x1F680] =	vst v1;
	v1 =	vbroadcast v0, $0x0  }
0xbc: {  	[tilespmem:$0x1F700] =	vst v2;
	v2 =	vbroadcast v0, $0x8  }
0xbd: {  	[tilespmem:$0x1F690] =	vst v1;
	v1 =	vbroadcast v0, $0x1  }
0xbe: {  	[tilespmem:$0x1F710] =	vst v2;
	v2 =	vbroadcast v0, $0x9  }
0xbf: {  	[tilespmem:$0x1F6A0] =	vst v1;
	v1 =	vbroadcast v0, $0x2  }
0xc0: {  	[tilespmem:$0x1F720] =	vst v2;
	v2 =	vbroadcast v0, $0xA  }
0xc1: {  	[tilespmem:$0x1F6B0] =	vst v1;
	v1 =	vbroadcast v0, $0x3  }
0xc2: {  	[tilespmem:$0x1F730] =	vst v2;
	v2 =	vbroadcast v0, $0xB  }
0xc3: {  	[tilespmem:$0x1F6C0] =	vst v1;
	v1 =	vbroadcast v0, $0x4  }
0xc4: {  	[tilespmem:$0x1F740] =	vst v2;
	v2 =	vbroadcast v0, $0xC  }
0xc5: {  	[tilespmem:$0x1F6D0] =	vst v1;
	v1 =	vld [tilespmem:$0x88A0]  }
0xc6: {  	[tilespmem:$0x1F750] =	vst v2;
	v2 =	vbroadcast v0, $0xD;
	_ =	sdelay $0x1  }
0xc7: {  	[tilespmem:$0x1F760] =	vst v2;
	v2 =	vbroadcast v0, $0xE;
	_ =	sdelay $0x1  }
0xc8: {  	[tilespmem:$0x1F770] =	vst v2;
	v2 =	vbroadcast v1, $0x5;
	_ =	sdelay $0x1  }
0xc9: {  	[tilespmem:$0x1F7E0] =	vst v2;
	v2 =	vbroadcast v1, $0x6  }
0xca: {  	v0 =	vbroadcast v0, $0xF  }
0xcb: {  	[tilespmem:$0x1F7F0] =	vst v2;
	v2 =	vbroadcast v1, $0x7  }
0xcc: {  	[tilespmem:$0x1F780] =	vst v0;
	v0 =	vbroadcast v1, $0x0  }
0xcd: {  	[tilespmem:$0x1F800] =	vst v2;
	v2 =	vbroadcast v1, $0x8  }
0xce: {  	[tilespmem:$0x1F790] =	vst v0;
	v0 =	vbroadcast v1, $0x1  }
0xcf: {  	[tilespmem:$0x1F810] =	vst v2;
	v2 =	vbroadcast v1, $0x9  }
0xd0: {  	[tilespmem:$0x1F7A0] =	vst v0;
	v0 =	vbroadcast v1, $0x2  }
0xd1: {  	[tilespmem:$0x1F820] =	vst v2;
	v2 =	vbroadcast v1, $0xA  }
0xd2: {  	[tilespmem:$0x1F7B0] =	vst v0;
	v0 =	vbroadcast v1, $0x3  }
0xd3: {  	[tilespmem:$0x1F830] =	vst v2;
	v2 =	vbroadcast v1, $0xB  }
0xd4: {  	[tilespmem:$0x1F7C0] =	vst v0;
	v0 =	vbroadcast v1, $0x4  }
0xd5: {  	[tilespmem:$0x1F840] =	vst v2;
	v2 =	vbroadcast v1, $0xC  }
0xd6: {  	[tilespmem:$0x1F7D0] =	vst v0  }
0xd7: {  	v0 =	vld [tilespmem:$0x8920];
	[tilespmem:$0x1F850] =	vst v2;
	v2 =	vbroadcast v1, $0xD;
	_ =	sdelay $0x1  }
0xd8: {  	[tilespmem:$0x1F860] =	vst v2;
	v2 =	vbroadcast v1, $0xE;
	v1 =	vbroadcast v1, $0xF;
	_ =	sdelay $0x1  }
0xd9: {  	[tilespmem:$0x1F880] =	vst v1;
	v1 =	vld [tilespmem:$0x89A0]  }
0xda: {  	v11 =	vbroadcast v0, $0x0;
	v12 =	vbroadcast v0, $0x1  }
0xdb: {  	[tilespmem:$0x1F370] =	vst v5;
	v13 =	vbroadcast v0, $0x2;
	v14 =	vbroadcast v0, $0x3  }
0xdc: {  	[tilespmem:$0x1FFC0] =	vst v8;
	v15 =	vbroadcast v0, $0x4;
	v16 =	vbroadcast v0, $0x5  }
0xdd: {  	[tilespmem:$0x1FFD0] =	vst v10;
	v17 =	vbroadcast v0, $0x6;
	v21 =	vbroadcast v0, $0x7  }
0xde: {  	v23 =	vbroadcast v0, $0x8;
	[tilespmem:$0x1F870] =	vst v2;
	v2 =	vbroadcast v1, $0x5  }
0xdf: {  	[tilespmem:$0x1FFE0] =	vst v7;
	v24 =	vbroadcast v0, $0x9;
	v25 =	vbroadcast v0, $0xA  }
0xe0: {  	v27 =	vbroadcast v0, $0xB;
	[tilespmem:$0x1F8E0] =	vst v2;
	v2 =	vbroadcast v1, $0x6  }
0xe1: {  	[tilespmem:$0x1FFF0] =	vst v9;
	v19 =	vbroadcast v0, $0xC;
	v18 =	vbroadcast v0, $0xE  }
0xe2: {  	v28 =	vbroadcast v0, $0xD;
	[tilespmem:$0x1F8F0] =	vst v2;
	v2 =	vbroadcast v1, $0x7  }
0xe3: {  	v20 =	vbroadcast v0, $0xF;
	[tilespmem:$0x1FEC0] =	vst v18;
	v0 =	vbroadcast v1, $0x0  }
0xe4: {  	[tilespmem:$0x1F900] =	vst v2;
	v2 =	vbroadcast v1, $0x8  }
0xe5: {  	[tilespmem:$0x1F890] =	vst v0;
	v0 =	vbroadcast v1, $0x1  }
0xe6: {  	[tilespmem:$0x1F910] =	vst v2;
	v2 =	vbroadcast v1, $0x9  }
0xe7: {  	[tilespmem:$0x1F8A0] =	vst v0;
	v0 =	vbroadcast v1, $0x2  }
0xe8: {  	[tilespmem:$0x1F920] =	vst v2;
	v2 =	vbroadcast v1, $0xA  }
0xe9: {  	[tilespmem:$0x1F8B0] =	vst v0;
	v0 =	vbroadcast v1, $0x3  }
0xea: {  	[tilespmem:$0x1F930] =	vst v2;
	v2 =	vbroadcast v1, $0xB  }
0xeb: {  	[tilespmem:$0x1F8C0] =	vst v0;
	v0 =	vbroadcast v1, $0x4  }
0xec: {  	[tilespmem:$0x1F940] =	vst v2;
	v2 =	vbroadcast v1, $0xC  }
0xed: {  	[tilespmem:$0x1F8D0] =	vst v0;
	v0 =	vld [tilespmem:$0x8A20]  }
0xee: {  	[tilespmem:$0x1F950] =	vst v2;
	v2 =	vbroadcast v1, $0xD  }
0xef: {  	[tilespmem:$0x1FED0] =	vst v20  }
0xf0: {  	[tilespmem:$0x1F960] =	vst v2;
	v2 =	vbroadcast v1, $0xE  }
0xf1: {  	[tilespmem:$0x1FEE0] =	vst v19  }
0xf2: {  	[tilespmem:$0x1F970] =	vst v2;
	v2 =	vbroadcast v0, $0x5  }
0xf3: {  	[tilespmem:$0x1FEF0] =	vst v28  }
0xf4: {  	[tilespmem:$0x1F9E0] =	vst v2;
	v2 =	vbroadcast v0, $0x6  }
0xf5: {  	[tilespmem:$0x1FF00] =	vst v25;
	v1 =	vbroadcast v1, $0xF  }
0xf6: {  	[tilespmem:$0x1F9F0] =	vst v2;
	v2 =	vbroadcast v0, $0x7  }
0xf7: {  	[tilespmem:$0x1F980] =	vst v1;
	v1 =	vbroadcast v0, $0x0  }
0xf8: {  	[tilespmem:$0x1FA00] =	vst v2;
	v2 =	vbroadcast v0, $0x8  }
0xf9: {  	[tilespmem:$0x1F990] =	vst v1;
	v1 =	vbroadcast v0, $0x1  }
0xfa: {  	[tilespmem:$0x1FA10] =	vst v2;
	v2 =	vbroadcast v0, $0x9  }
0xfb: {  	[tilespmem:$0x1F9A0] =	vst v1;
	v1 =	vbroadcast v0, $0x2  }
0xfc: {  	[tilespmem:$0x1FA20] =	vst v2;
	v2 =	vbroadcast v0, $0xA  }
0xfd: {  	[tilespmem:$0x1F9B0] =	vst v1;
	v1 =	vbroadcast v0, $0x3  }
0xfe: {  	[tilespmem:$0x1FA30] =	vst v2;
	v2 =	vbroadcast v0, $0xB  }
0xff: {  	[tilespmem:$0x1F9C0] =	vst v1;
	v1 =	vbroadcast v0, $0x4  }
0x100: {  	[tilespmem:$0x1FA40] =	vst v2;
	v2 =	vbroadcast v0, $0xC  }
0x101: {  	[tilespmem:$0x1F9D0] =	vst v1;
	v1 =	vld [tilespmem:$0x88B0]  }
0x102: {  	[tilespmem:$0x1FA50] =	vst v2;
	v2 =	vbroadcast v0, $0xD  }
0x103: {  	[tilespmem:$0x1FF10] =	vst v27  }
0x104: {  	[tilespmem:$0x1FA60] =	vst v2;
	v2 =	vbroadcast v0, $0xE  }
0x105: {  	[tilespmem:$0x1FF20] =	vst v23;
	v0 =	vbroadcast v0, $0xF  }
0x106: {  	[tilespmem:$0x1FA70] =	vst v2;
	v2 =	vbroadcast v1, $0x5  }
0x107: {  	[tilespmem:$0x1FA80] =	vst v0;
	v0 =	vbroadcast v1, $0x0  }
0x108: {  	[tilespmem:$0x1FAE0] =	vst v2;
	v2 =	vbroadcast v1, $0x6  }
0x109: {  	[tilespmem:$0x1FA90] =	vst v0;
	v0 =	vbroadcast v1, $0x1  }
0x10a: {  	[tilespmem:$0x1FAF0] =	vst v2;
	v2 =	vbroadcast v1, $0x7  }
0x10b: {  	[tilespmem:$0x1FAA0] =	vst v0;
	v0 =	vbroadcast v1, $0x2  }
0x10c: {  	[tilespmem:$0x1FB00] =	vst v2;
	v2 =	vbroadcast v1, $0x8  }
0x10d: {  	[tilespmem:$0x1FAB0] =	vst v0;
	v0 =	vbroadcast v1, $0x3  }
0x10e: {  	[tilespmem:$0x1FB10] =	vst v2;
	v2 =	vbroadcast v1, $0x9  }
0x10f: {  	[tilespmem:$0x1FAC0] =	vst v0;
	v0 =	vbroadcast v1, $0x4  }
0x110: {  	[tilespmem:$0x1FB20] =	vst v2;
	v2 =	vbroadcast v1, $0xA  }
0x111: {  	[tilespmem:$0x1FAD0] =	vst v0;
	v0 =	vld [tilespmem:$0x8930]  }
0x112: {  	[tilespmem:$0x1FB30] =	vst v2;
	v2 =	vbroadcast v1, $0xB  }
0x113: {  	[tilespmem:$0x1FF30] =	vst v24  }
0x114: {  	[tilespmem:$0x1FB40] =	vst v2;
	v2 =	vbroadcast v1, $0xC  }
0x115: {  	[tilespmem:$0x1FF40] =	vst v17  }
0x116: {  	v29 =	vbroadcast v0, $0x0;
	[tilespmem:$0x1FB50] =	vst v2;
	v2 =	vbroadcast v1, $0xD  }
0x117: {  	[tilespmem:$0x1FF50] =	vst v21;
	v31 =	vbroadcast v0, $0x1;
	v32 =	vbroadcast v0, $0x2  }
0x118: {  	[tilespmem:$0x1FB60] =	vst v2;
	v2 =	vbroadcast v1, $0xE;
	v1 =	vbroadcast v1, $0xF  }
0x119: {  	[tilespmem:$0x1FF60] =	vst v15;
	v33 =	vbroadcast v0, $0x3;
	v34 =	vbroadcast v0, $0x4  }
0x11a: {  	v35 =	vbroadcast v0, $0x5;
	v36 =	vbroadcast v0, $0x6;
	[tilespmem:$0x1FB80] =	vst v1;
	v1 =	vld [tilespmem:$0x89B0]  }
0x11b: {  	[tilespmem:$0x1FF70] =	vst v16;
	v26 =	vbroadcast v0, $0x7;
	v37 =	vbroadcast v0, $0x8  }
0x11c: {  	[tilespmem:$0x1FF80] =	vst v13;
	v22 =	vbroadcast v0, $0x9;
	v30 =	vbroadcast v0, $0xA  }
0x11d: {  	[tilespmem:$0x1FF90] =	vst v14;
	v38 =	vbroadcast v0, $0xB;
	v39 =	vbroadcast v0, $0xC  }
0x11e: {  	[tilespmem:$0x1FFA0] =	vst v11;
	v40 =	vbroadcast v0, $0xD;
	v41 =	vbroadcast v0, $0xE  }
0x11f: {  	[tilespmem:$0x1FFB0] =	vst v12;
	v42 =	vbroadcast v0, $0xF;
	v0 =	vbroadcast v1, $0x0  }
0x120: {  	s7 =	simm.s32 $0x0;
	[tilespmem:$0x1FB70] =	vst v2;
	v3 =	vbroadcast v1, $0x3  }
0x121: {  	v4 =	vld [tilespmem:s7+$0x5680];
	[tilespmem:$0x1FB90] =	vst v0;
	v0 =	vbroadcast v1, $0x1  }
0x122: {  	v2 =	vld [tilespmem:s7+$0x4A00];
	[tilespmem:$0x1FBC0] =	vst v3;
	v3 =	vbroadcast v1, $0x4  }
0x123: {  	[tilespmem:$0x1FBA0] =	vst v0;
	v0 =	vbroadcast v1, $0x2  }
0x124: {  	[tilespmem:$0x1FBD0] =	vst v3;
	v3 =	vbroadcast v1, $0x5  }
0x125: {  	[tilespmem:$0x1FBB0] =	vst v0  }
0x126: {  	v0 =	vld [tilespmem:s7+$0x6F80];
	[tilespmem:$0x1FBE0] =	vst v3;
	v3 =	vbroadcast v1, $0x6  }
0x127: {  	[tilespmem:$0x1FD90] =	vst v42;
	v2 =	vadd.f32 v4, v2;
	v4 =	vld [tilespmem:$0x8A30]  }
0x128: {  	[tilespmem:$0x1FBF0] =	vst v3;
	v3 =	vld [tilespmem:s7+$0x7C00]  }
0x129: {  	[tilespmem:$0x1FDA0] =	vst v41  }
0x12a: {  	[tilespmem:$0x1FDB0] =	vst v39  }
0x12b: {  	[tilespmem:$0x1FDD0] =	vst v40;
	v0 =	vadd.f32 v0, v2  }
0x12c: {  	[tilespmem:$0x1FDE0] =	vst v38  }
0x12d: {  	[tilespmem:$0x1FE00] =	vst v22;
	v6 =	vmul.f32 v0, v3;
	v0 =	vbroadcast v4, $0x0  }
0x12e: {  	[tilespmem:$0x1FE10] =	vst v30  }
0x12f: {  	[tilespmem:$0x1FC90] =	vst v0;
	v0 =	vbroadcast v4, $0x1  }
0x130: {  	[tilespmem:$0x1FE30] =	vst v26  }
0x131: {  	[tilespmem:$0x1FCA0] =	vst v0;
	v0 =	vbroadcast v4, $0x2  }
0x132: {  	[tilespmem:$0x1FE40] =	vst v37;
	v5 =	vbroadcast v1, $0x7  }
0x133: {  	[tilespmem:$0x1FCB0] =	vst v0;
	v0 =	vbroadcast v4, $0x3  }
0x134: {  	[tilespmem:$0x1FC00] =	vst v5;
	v5 =	vbroadcast v1, $0x8  }
0x135: {  	[tilespmem:$0x1FCC0] =	vst v0;
	v0 =	vbroadcast v4, $0x4  }
0x136: {  	[tilespmem:$0x1FC10] =	vst v5;
	v5 =	vbroadcast v1, $0x9  }
0x137: {  	[tilespmem:$0x1FCD0] =	vst v0;
	v0 =	vbroadcast v4, $0x5  }
0x138: {  	[tilespmem:$0x1FC20] =	vst v5;
	v2 =	vbroadcast v1, $0xB  }
0x139: {  	[tilespmem:$0x1FCE0] =	vst v0;
	v0 =	vbroadcast v4, $0x6  }
0x13a: {  	[tilespmem:$0x1FC40] =	vst v2;
	v2 =	vbroadcast v1, $0xC  }
0x13b: {  	[tilespmem:$0x1FCF0] =	vst v0;
	v0 =	vbroadcast v4, $0x7  }
0x13c: {  	v5 =	vbroadcast v1, $0xA;
	[tilespmem:$0x1FC50] =	vst v2;
	v2 =	vbroadcast v1, $0xD  }
0x13d: {  	v47 =	vmul.f32 v6, v42;
	[tilespmem:$0x1FD00] =	vst v0;
	v0 =	vbroadcast v4, $0x8  }
0x13e: {  	[tilespmem:$0x1FE50] =	vst v35;
	v56 =	vmul.f32 v6, v41;
	v62 =	vmul.f32 v6, v40  }
0x13f: {  	v22 =	vmul.f32 v6, v22;
	[tilespmem:$0x1FD10] =	vst v0;
	v0 =	vbroadcast v4, $0x9  }
0x140: {  	[tilespmem:$0x1FE60] =	vst v36;
	v36 =	vmul.f32 v6, v36;
	v42 =	vmul.f32 v6, v34  }
0x141: {  	v59 =	vmul.f32 v6, v32;
	[tilespmem:$0x1FD20] =	vst v0;
	v0 =	vbroadcast v4, $0xA  }
0x142: {  	[tilespmem:$0x1FE70] =	vst v34;
	v51 =	vmul.f32 v6, v33;
	v60 =	vmul.f32 v6, v31  }
0x143: {  	v18 =	vmul.f32 v6, v18;
	[tilespmem:$0x1FD30] =	vst v0;
	v0 =	vbroadcast v4, $0xB  }
0x144: {  	[tilespmem:$0x1FC30] =	vst v5;
	v5 =	vmul.f32 v6, v20;
	v20 =	vmul.f32 v6, v19  }
0x145: {  	v19 =	vmul.f32 v6, v28;
	[tilespmem:$0x1FD40] =	vst v0;
	v0 =	vbroadcast v4, $0xC  }
0x146: {  	[tilespmem:$0x1FE80] =	vst v32;
	v45 =	vmul.f32 v6, v25;
	v27 =	vmul.f32 v6, v27  }
0x147: {  	v49 =	vmul.f32 v6, v23;
	[tilespmem:$0x1FD50] =	vst v0;
	v0 =	vbroadcast v4, $0xD  }
0x148: {  	[tilespmem:$0x1FE90] =	vst v33;
	v48 =	vmul.f32 v6, v24;
	v52 =	vmul.f32 v6, v17  }
0x149: {  	v50 =	vmul.f32 v6, v21;
	[tilespmem:$0x1FD60] =	vst v0;
	v0 =	vbroadcast v4, $0xE  }
0x14a: {  	[tilespmem:$0x1FEA0] =	vst v29;
	v54 =	vmul.f32 v6, v15;
	v53 =	vmul.f32 v6, v16  }
0x14b: {  	v57 =	vmul.f32 v6, v13;
	[tilespmem:$0x1FD70] =	vst v0;
	v0 =	vbroadcast v4, $0xF  }
0x14c: {  	v55 =	vmul.f32 v6, v14;
	[tilespmem:$0x1FC60] =	vst v2;
	v2 =	vbroadcast v1, $0xE  }
0x14d: {  	v58 =	vmul.f32 v6, v12;
	[tilespmem:$0x1FD80] =	vst v0;
	v0 =	vmul.f32 v6, v39  }
0x14e: {  	v61 =	vmul.f32 v6, v10;
	v1 =	vbroadcast v1, $0xF;
	[tilespmem:$0x1FC70] =	vst v2  }
0x14f: {  	v63 =	vmul.f32 v6, v9;
	[tilespmem:$0x1FDC0] =	vst v0;
	v0 =	vmul.f32 v6, v38  }
0x150: {  	[tilespmem:$0x1FC80] =	vst v1;
	v1 =	vmul.f32 v6, v11;
	v2 =	vmul.f32 v6, v8  }
0x151: {  	v8 =	vmul.f32 v6, v7;
	[tilespmem:$0x1FDF0] =	vst v0;
	v0 =	vmul.f32 v6, v30  }
0x152: {  	[tilespmem:$0x1FEB0] =	vst v31;
	v39 =	vmul.f32 v6, v35;
	v30 =	vmul.f32 v6, v26  }
0x153: {  	s8 =	simm.s32 $0x40;
	v4 =	vld [tilespmem:s7+$0x3100];
	v26 =	vmul.f32 v6, v37;
	[tilespmem:$0x1FE20] =	vst v0;
	v0 =	vmul.f32 v6, v29  }
.LBB2_2:
0x154: {  	v7 =	vld [tilespmem:$0x1F570];
	_ =	sdelay $0x4  }
0x155: {  	v10 =	vmul.f32 v6, v7;
	v7 =	vld [tilespmem:$0x1F580];
	_ =	sdelay $0x4  }
0x156: {  	v9 =	vmul.f32 v6, v7;
	v7 =	vld [tilespmem:$0x1F550];
	_ =	sdelay $0x4  }
0x157: {  	v12 =	vmul.f32 v6, v7;
	v7 =	vld [tilespmem:$0x1F560];
	_ =	sdelay $0x4  }
0x158: {  	v11 =	vmul.f32 v6, v7;
	v7 =	vld [tilespmem:$0x1F530];
	_ =	sdelay $0x4  }
0x159: {  	v14 =	vmul.f32 v6, v7;
	v7 =	vld [tilespmem:$0x1F540];
	_ =	sdelay $0x4  }
0x15a: {  	v13 =	vmul.f32 v6, v7;
	v7 =	vld [tilespmem:$0x1F510];
	_ =	sdelay $0x4  }
0x15b: {  	v16 =	vmul.f32 v6, v7;
	v7 =	vld [tilespmem:$0x1F520];
	_ =	sdelay $0x4  }
0x15c: {  	v15 =	vmul.f32 v6, v7;
	v7 =	vld [tilespmem:$0x1F4F0];
	_ =	sdelay $0x4  }
0x15d: {  	v21 =	vmul.f32 v6, v7;
	v7 =	vld [tilespmem:$0x1F500];
	_ =	sdelay $0x4  }
0x15e: {  	v17 =	vmul.f32 v6, v7;
	v7 =	vld [tilespmem:$0x1F4D0];
	_ =	sdelay $0x3  }
0x15f: {  	v23 =	vld [tilespmem:s7+$0x3D80]  }
0x160: {  	v24 =	vmul.f32 v6, v7;
	v7 =	vld [tilespmem:$0x1F4E0];
	_ =	sdelay $0x4  }
0x161: {  	v4 =	vadd.f32 v23, v4;
	v23 =	vmul.f32 v6, v7;
	v7 =	vld [tilespmem:$0x1F360];
	_ =	sdelay $0x4  }
0x162: {  	v29 =	vmul.f32 v6, v7;
	v7 =	vld [tilespmem:$0x1F390];
	_ =	sdelay $0x3  }
0x163: {  	v31 =	vld [tilespmem:s7+$0x6300]  }
0x164: {  	v25 =	vmul.f32 v6, v7;
	v7 =	vld [tilespmem:$0x1F2E0];
	_ =	sdelay $0x4  }
0x165: {  	v4 =	vadd.f32 v31, v4;
	v31 =	vmul.f32 v6, v7;
	v7 =	vld [tilespmem:$0x1F320];
	_ =	sdelay $0x4  }
0x166: {  	v32 =	vmul.f32 v6, v7;
	v7 =	vld [tilespmem:$0x1F260];
	_ =	sdelay $0x4  }
0x167: {  	v33 =	vmul.f32 v6, v7;
	v7 =	vld [tilespmem:$0x1F2A0];
	_ =	sdelay $0x4  }
0x168: {  	v37 =	vmul.f32 v6, v7;
	v7 =	vld [tilespmem:$0x1F220];
	_ =	sdelay $0x4  }
0x169: {  	v38 =	vmul.f32 v6, v7;
	v7 =	vld [tilespmem:$0x1F1A0];
	_ =	sdelay $0x4  }
0x16a: {  	v41 =	vmul.f32 v6, v7;
	v7 =	vld [tilespmem:$0x1F1E0];
	_ =	sdelay $0x4  }
0x16b: {  	v43 =	vmul.f32 v6, v7;
	v7 =	vld [tilespmem:$0x1EFD0];
	_ =	sdelay $0x2  }
0x16c: {  	v4 =	vmul.f32 v4, v3;
	_ =	sdelay $0x1  }
0x16d: {  	v46 =	vmul.f32 v4, v7;
	v7 =	vld [tilespmem:$0x1EFE0];
	_ =	sdelay $0x4  }
0x16e: {  	[tilespmem:$0x1EFB0] =	vst v56;
	v56 =	vmul.f32 v6, v7;
	v7 =	vld [tilespmem:$0x1F120];
	_ =	sdelay $0x4  }
0x16f: {  	v35 =	vmul.f32 v6, v7;
	v7 =	vld [tilespmem:$0x1F160];
	_ =	sdelay $0x4  }
0x170: {  	[tilespmem:$0x1EFA0] =	vst v62;
	v62 =	vmul.f32 v6, v7;
	v7 =	vld [tilespmem:$0x1F010];
	_ =	sdelay $0x1  }
0x171: {  	[tilespmem:$0x1EF90] =	vst v22;
	v22 =	vld [tilespmem:$0x1EFF0];
	_ =	sdelay $0x2  }
0x172: {  	[tilespmem:$0x1EFC0] =	vst v47;
	v46 =	vadd.f32 v56, v46;
	v47 =	vmul.f32 v4, v7;
	v7 =	vld [tilespmem:$0x1F020];
	_ =	sdelay $0x1  }
0x173: {  	v46 =	vadd.f32 v46, v22;
	v22 =	vld [tilespmem:$0x1F050]  }
0x174: {  	s9 =	sshra.s32 s8, $0x2  }
0x175: {  	v40 =	vld [tilespmem:s9+$0x4A00]  }
0x176: {  	v44 =	vld [tilespmem:s9+$0x5680];
	v56 =	vmul.f32 v6, v7  }
0x177: {  	v7 =	vld [tilespmem:$0x1F060]  }
0x178: {  	v47 =	vadd.f32 v56, v47;
	v56 =	vmul.f32 v4, v22;
	v22 =	vld [tilespmem:$0x1F090];
	_ =	sdelay $0x1  }
0x179: {  	v34 =	vld [tilespmem:s9+$0x6F80];
	_ =	sdelay $0x1  }
0x17a: {  	v28 =	vmul.f32 v6, v7;
	v7 =	vld [tilespmem:$0x1F0E0]  }
0x17b: {  	v40 =	vadd.f32 v44, v40;
	v44 =	vmul.f32 v4, v22;
	v22 =	vld [tilespmem:$0x1F0A0];
	_ =	sdelay $0x1  }
0x17c: {  	v56 =	vadd.f32 v28, v56;
	v28 =	vadd.f32 v34, v40;
	v40 =	vld [tilespmem:$0x1F000];
	_ =	sdelay $0x2  }
0x17d: {  	v7 =	vmul.f32 v6, v7;
	v6 =	vmul.f32 v6, v22;
	v22 =	vld [tilespmem:$0x1F030]  }
0x17e: {  	v46 =	vmax.f32 v46, $0.0e+00  }
0x17f: {  	v34 =	vmul.f32 v46, v40;
	v46 =	vld [tilespmem:$0x1F0D0];
	_ =	sdelay $0x2  }
0x180: {  	v47 =	vadd.f32 v47, v22;
	_ =	sdelay $0x1  }
0x181: {  	v40 =	vmul.f32 v4, v46;
	v46 =	vmax.f32 v47, $0.0e+00;
	v47 =	vld [tilespmem:$0x1F070];
	_ =	sdelay $0x4  }
0x182: {  	v47 =	vadd.f32 v56, v47;
	v56 =	vld [tilespmem:$0x1F040];
	_ =	sdelay $0x4  }
0x183: {  	v6 =	vadd.f32 v6, v44;
	v44 =	vmul.f32 v46, v56;
	v56 =	vld [tilespmem:$0x1F110];
	_ =	sdelay $0x4  }
0x184: {  	v46 =	vmul.f32 v4, v56;
	v56 =	vld [tilespmem:$0x1F0B0]  }
0x185: {  	v34 =	vadd.f32 $0.0e+00, v34;
	_ =	sdelay $0x1  }
0x186: {  	v34 =	vadd.f32 v34, v44;
	v44 =	vld [tilespmem:$0x1F080];
	_ =	sdelay $0x1  }
0x187: {  	v6 =	vadd.f32 v6, v56;
	v56 =	vld [tilespmem:$0x1F150];
	_ =	sdelay $0x1  }
0x188: {  	v47 =	vmax.f32 v47, $0.0e+00  }
0x189: {  	v7 =	vadd.f32 v7, v40;
	v40 =	vmul.f32 v47, v44;
	v47 =	vld [tilespmem:$0x1F190];
	_ =	sdelay $0x1  }
0x18a: {  	v44 =	vmul.f32 v4, v56;
	v56 =	vld [tilespmem:$0x1F0F0]  }
0x18b: {  	v35 =	vadd.f32 v35, v46;
	v46 =	vld [tilespmem:$0x1F0C0];
	_ =	sdelay $0x1  }
0x18c: {  	v34 =	vadd.f32 v34, v40;
	v40 =	vmul.f32 v4, v47;
	v47 =	vld [tilespmem:$0x1F100];
	_ =	sdelay $0x1  }
0x18d: {  	v6 =	vmax.f32 v6, $0.0e+00;
	v7 =	vadd.f32 v7, v56  }
0x18e: {  	v6 =	vmul.f32 v6, v46  }
0x18f: {  	v56 =	vld [tilespmem:$0x1F130];
	v7 =	vmax.f32 v7, $0.0e+00  }
0x190: {  	v6 =	vadd.f32 v34, v6;
	v7 =	vmul.f32 v7, v47;
	_ =	sdelay $0x1  }
0x191: {  	v6 =	vadd.f32 v6, v7;
	v7 =	vld [tilespmem:$0x1F140];
	_ =	sdelay $0x1  }
0x192: {  	v35 =	vadd.f32 v35, v56;
	_ =	sdelay $0x1  }
0x193: {  	v44 =	vadd.f32 v62, v44;
	v62 =	vld [tilespmem:$0x1F170];
	v35 =	vmax.f32 v35, $0.0e+00  }
0x194: {  	v7 =	vmul.f32 v35, v7  }
0x195: {  	v56 =	vld [tilespmem:$0x1F1D0]  }
0x196: {  	v6 =	vadd.f32 v6, v7;
	v7 =	vld [tilespmem:$0x1F180];
	_ =	sdelay $0x1  }
0x197: {  	v44 =	vadd.f32 v44, v62;
	_ =	sdelay $0x1  }
0x198: {  	v62 =	vld [tilespmem:$0x1F1B0];
	v34 =	vmul.f32 v4, v56;
	v56 =	vmax.f32 v44, $0.0e+00  }
0x199: {  	v7 =	vmul.f32 v56, v7;
	_ =	sdelay $0x1  }
0x19a: {  	v40 =	vadd.f32 v41, v40;
	v6 =	vadd.f32 v6, v7;
	v7 =	vld [tilespmem:$0x1F1C0];
	_ =	sdelay $0x1  }
0x19b: {  	v40 =	vadd.f32 v40, v62;
	_ =	sdelay $0x1  }
0x19c: {  	v62 =	vld [tilespmem:$0x1F1F0];
	v40 =	vmax.f32 v40, $0.0e+00  }
0x19d: {  	v7 =	vmul.f32 v40, v7  }
0x19e: {  	v47 =	vld [tilespmem:$0x1F210]  }
0x19f: {  	v34 =	vadd.f32 v43, v34;
	v6 =	vadd.f32 v6, v7;
	v7 =	vld [tilespmem:$0x1F200];
	_ =	sdelay $0x1  }
0x1a0: {  	v34 =	vadd.f32 v34, v62;
	_ =	sdelay $0x1  }
0x1a1: {  	v35 =	vmul.f32 v4, v47;
	v47 =	vld [tilespmem:$0x1F230];
	v34 =	vmax.f32 v34, $0.0e+00  }
0x1a2: {  	v7 =	vmul.f32 v34, v7  }
0x1a3: {  	v56 =	vld [tilespmem:$0x1F250]  }
0x1a4: {  	v35 =	vadd.f32 v38, v35;
	v6 =	vadd.f32 v6, v7;
	v7 =	vld [tilespmem:$0x1F240];
	_ =	sdelay $0x1  }
0x1a5: {  	v35 =	vadd.f32 v35, v47;
	_ =	sdelay $0x1  }
0x1a6: {  	v62 =	vld [tilespmem:$0x1F270];
	v35 =	vmax.f32 v35, $0.0e+00  }
0x1a7: {  	v41 =	vmul.f32 v4, v56;
	v7 =	vmul.f32 v35, v7  }
0x1a8: {  	v46 =	vld [tilespmem:$0x1F290]  }
0x1a9: {  	v33 =	vadd.f32 v33, v41;
	v6 =	vadd.f32 v6, v7;
	v7 =	vld [tilespmem:$0x1F280];
	_ =	sdelay $0x1  }
0x1aa: {  	v33 =	vadd.f32 v33, v62;
	_ =	sdelay $0x1  }
0x1ab: {  	v41 =	vld [tilespmem:$0x1F2B0];
	v33 =	vmax.f32 v33, $0.0e+00  }
0x1ac: {  	v38 =	vmul.f32 v4, v46;
	v7 =	vmul.f32 v33, v7  }
0x1ad: {  	v56 =	vld [tilespmem:$0x1F2D0]  }
0x1ae: {  	v37 =	vadd.f32 v37, v38;
	v6 =	vadd.f32 v6, v7;
	v7 =	vld [tilespmem:$0x1F2C0];
	_ =	sdelay $0x1  }
0x1af: {  	v37 =	vadd.f32 v37, v41;
	_ =	sdelay $0x1  }
0x1b0: {  	v46 =	vld [tilespmem:$0x1F2F0];
	v44 =	vmax.f32 v37, $0.0e+00  }
0x1b1: {  	v34 =	vmul.f32 v4, v56;
	v7 =	vmul.f32 v44, v7  }
0x1b2: {  	v40 =	vld [tilespmem:$0x1F310]  }
0x1b3: {  	v31 =	vadd.f32 v31, v34;
	v6 =	vadd.f32 v6, v7;
	v7 =	vld [tilespmem:$0x1F300];
	_ =	sdelay $0x1  }
0x1b4: {  	v31 =	vadd.f32 v31, v46;
	_ =	sdelay $0x1  }
0x1b5: {  	v56 =	vld [tilespmem:$0x1F330];
	v31 =	vmax.f32 v31, $0.0e+00  }
0x1b6: {  	v35 =	vmul.f32 v4, v40;
	v7 =	vmul.f32 v31, v7  }
0x1b7: {  	v43 =	vld [tilespmem:$0x1F350]  }
0x1b8: {  	v32 =	vadd.f32 v32, v35;
	v6 =	vadd.f32 v6, v7;
	v7 =	vld [tilespmem:$0x1F340];
	_ =	sdelay $0x1  }
0x1b9: {  	v32 =	vadd.f32 v32, v56;
	_ =	sdelay $0x1  }
0x1ba: {  	v62 =	vld [tilespmem:$0x1F370];
	v32 =	vmax.f32 v32, $0.0e+00  }
0x1bb: {  	v33 =	vmul.f32 v4, v43;
	v7 =	vmul.f32 v32, v7  }
0x1bc: {  	v47 =	vld [tilespmem:$0x1F380]  }
0x1bd: {  	v29 =	vadd.f32 v29, v33;
	v6 =	vadd.f32 v6, v7;
	v7 =	vld [tilespmem:$0x1F3B0];
	_ =	sdelay $0x1  }
0x1be: {  	v29 =	vadd.f32 v29, v62  }
0x1bf: {  	v38 =	vld [tilespmem:$0x1F3A0]  }
0x1c0: {  	v29 =	vmax.f32 v29, $0.0e+00;
	v31 =	vld [tilespmem:$0x1F3D0]  }
0x1c1: {  	v34 =	vmul.f32 v4, v47;
	v7 =	vmul.f32 v29, v7;
	_ =	sdelay $0x1  }
0x1c2: {  	v25 =	vadd.f32 v25, v34;
	v6 =	vadd.f32 v6, v7;
	v7 =	vld [tilespmem:$0x1F3C0];
	_ =	sdelay $0x1  }
0x1c3: {  	v25 =	vadd.f32 v25, v38;
	v31 =	vmul.f32 v4, v31;
	_ =	sdelay $0x1  }
0x1c4: {  	v25 =	vmax.f32 v25, $0.0e+00;
	v24 =	vadd.f32 v24, v31;
	v31 =	vld [tilespmem:$0x1F590]  }
0x1c5: {  	v7 =	vmul.f32 v25, v7  }
0x1c6: {  	v37 =	vld [tilespmem:$0x1F3E0]  }
0x1c7: {  	v6 =	vadd.f32 v6, v7;
	v7 =	vld [tilespmem:$0x1F690];
	_ =	sdelay $0x1  }
0x1c8: {  	v24 =	vadd.f32 v24, v31  }
0x1c9: {  	v31 =	vld [tilespmem:$0x1F5A0]  }
0x1ca: {  	v29 =	vld [tilespmem:$0x1F3F0];
	v24 =	vmax.f32 v24, $0.0e+00  }
0x1cb: {  	v32 =	vmul.f32 v4, v37;
	v7 =	vmul.f32 v24, v7;
	_ =	sdelay $0x1  }
0x1cc: {  	v23 =	vadd.f32 v23, v32;
	v6 =	vadd.f32 v6, v7;
	v7 =	vld [tilespmem:$0x1F6A0];
	_ =	sdelay $0x1  }
0x1cd: {  	v23 =	vadd.f32 v23, v31;
	v29 =	vmul.f32 v4, v29  }
0x1ce: {  	v25 =	vld [tilespmem:$0x1F400]  }
0x1cf: {  	v23 =	vmax.f32 v23, $0.0e+00;
	v21 =	vadd.f32 v21, v29;
	v29 =	vld [tilespmem:$0x1F5B0]  }
0x1d0: {  	v7 =	vmul.f32 v23, v7;
	_ =	sdelay $0x1  }
0x1d1: {  	v6 =	vadd.f32 v6, v7;
	v7 =	vld [tilespmem:$0x1F6B0];
	_ =	sdelay $0x1  }
0x1d2: {  	v25 =	vmul.f32 v4, v25;
	v21 =	vadd.f32 v21, v29  }
0x1d3: {  	v24 =	vld [tilespmem:$0x1F410]  }
0x1d4: {  	v17 =	vadd.f32 v17, v25;
	v21 =	vmax.f32 v21, $0.0e+00;
	v25 =	vld [tilespmem:$0x1F5C0]  }
0x1d5: {  	v7 =	vmul.f32 v21, v7;
	_ =	sdelay $0x1  }
0x1d6: {  	v6 =	vadd.f32 v6, v7;
	v7 =	vld [tilespmem:$0x1F6C0];
	_ =	sdelay $0x1  }
0x1d7: {  	v24 =	vmul.f32 v4, v24;
	v17 =	vadd.f32 v17, v25  }
0x1d8: {  	v23 =	vld [tilespmem:$0x1F420]  }
0x1d9: {  	v16 =	vadd.f32 v16, v24;
	v17 =	vmax.f32 v17, $0.0e+00;
	v24 =	vld [tilespmem:$0x1F5D0]  }
0x1da: {  	v7 =	vmul.f32 v17, v7;
	_ =	sdelay $0x1  }
0x1db: {  	v6 =	vadd.f32 v6, v7;
	v7 =	vld [tilespmem:$0x1F6D0];
	_ =	sdelay $0x1  }
0x1dc: {  	v23 =	vmul.f32 v4, v23;
	v16 =	vadd.f32 v16, v24  }
0x1dd: {  	v21 =	vld [tilespmem:$0x1F430]  }
0x1de: {  	v15 =	vadd.f32 v15, v23;
	v16 =	vmax.f32 v16, $0.0e+00;
	v23 =	vld [tilespmem:$0x1F5E0]  }
0x1df: {  	v7 =	vmul.f32 v16, v7;
	_ =	sdelay $0x1  }
0x1e0: {  	v6 =	vadd.f32 v6, v7;
	v7 =	vld [tilespmem:$0x1F6E0];
	_ =	sdelay $0x1  }
0x1e1: {  	v21 =	vmul.f32 v4, v21;
	v15 =	vadd.f32 v15, v23  }
0x1e2: {  	v17 =	vld [tilespmem:$0x1F440]  }
0x1e3: {  	v14 =	vadd.f32 v14, v21;
	v15 =	vmax.f32 v15, $0.0e+00;
	v21 =	vld [tilespmem:$0x1F5F0]  }
0x1e4: {  	v7 =	vmul.f32 v15, v7;
	_ =	sdelay $0x1  }
0x1e5: {  	v6 =	vadd.f32 v6, v7;
	v7 =	vld [tilespmem:$0x1F6F0];
	_ =	sdelay $0x1  }
0x1e6: {  	v17 =	vmul.f32 v4, v17;
	v14 =	vadd.f32 v14, v21  }
0x1e7: {  	v16 =	vld [tilespmem:$0x1F450]  }
0x1e8: {  	v13 =	vadd.f32 v13, v17;
	v14 =	vmax.f32 v14, $0.0e+00;
	v17 =	vld [tilespmem:$0x1F600]  }
0x1e9: {  	v7 =	vmul.f32 v14, v7;
	_ =	sdelay $0x1  }
0x1ea: {  	v6 =	vadd.f32 v6, v7;
	v7 =	vld [tilespmem:$0x1F700];
	_ =	sdelay $0x1  }
0x1eb: {  	v16 =	vmul.f32 v4, v16;
	v13 =	vadd.f32 v13, v17;
	_ =	sdelay $0x1  }
0x1ec: {  	v12 =	vadd.f32 v12, v16;
	v13 =	vmax.f32 v13, $0.0e+00;
	v16 =	vld [tilespmem:$0x1F610]  }
0x1ed: {  	v7 =	vmul.f32 v13, v7  }
0x1ee: {  	v40 =	vld [tilespmem:$0x1F460]  }
0x1ef: {  	v6 =	vadd.f32 v6, v7;
	v7 =	vld [tilespmem:$0x1F710];
	_ =	sdelay $0x1  }
0x1f0: {  	v12 =	vadd.f32 v12, v16;
	_ =	sdelay $0x1  }
0x1f1: {  	v44 =	vld [tilespmem:$0x1F620];
	v12 =	vmax.f32 v12, $0.0e+00  }
0x1f2: {  	v15 =	vmul.f32 v4, v40;
	v7 =	vmul.f32 v12, v7  }
0x1f3: {  	v41 =	vld [tilespmem:$0x1F470]  }
0x1f4: {  	v11 =	vadd.f32 v11, v15;
	v6 =	vadd.f32 v6, v7;
	v7 =	vld [tilespmem:$0x1F720];
	_ =	sdelay $0x1  }
0x1f5: {  	v11 =	vadd.f32 v11, v44;
	_ =	sdelay $0x1  }
0x1f6: {  	v47 =	vld [tilespmem:$0x1F630];
	v11 =	vmax.f32 v11, $0.0e+00  }
0x1f7: {  	v14 =	vmul.f32 v4, v41;
	v7 =	vmul.f32 v11, v7  }
0x1f8: {  	v43 =	vld [tilespmem:$0x1F480]  }
0x1f9: {  	v10 =	vadd.f32 v10, v14;
	v6 =	vadd.f32 v6, v7;
	v7 =	vld [tilespmem:$0x1F730];
	_ =	sdelay $0x1  }
0x1fa: {  	v10 =	vadd.f32 v10, v47;
	_ =	sdelay $0x1  }
0x1fb: {  	v56 =	vld [tilespmem:$0x1F640];
	v10 =	vmax.f32 v10, $0.0e+00  }
0x1fc: {  	v13 =	vmul.f32 v4, v43;
	v7 =	vmul.f32 v10, v7  }
0x1fd: {  	v46 =	vld [tilespmem:$0x1F490]  }
0x1fe: {  	v9 =	vadd.f32 v9, v13;
	v6 =	vadd.f32 v6, v7;
	v7 =	vld [tilespmem:$0x1F740];
	_ =	sdelay $0x1  }
0x1ff: {  	v9 =	vadd.f32 v9, v56  }
0x200: {  	v62 =	vld [tilespmem:$0x1F650]  }
0x201: {  	v9 =	vmax.f32 v9, $0.0e+00;
	v11 =	vld [tilespmem:$0x1F4A0]  }
0x202: {  	v12 =	vmul.f32 v4, v46;
	v7 =	vmul.f32 v9, v7;
	_ =	sdelay $0x1  }
0x203: {  	v8 =	vadd.f32 v8, v12;
	v6 =	vadd.f32 v6, v7;
	v7 =	vld [tilespmem:$0x1F750];
	_ =	sdelay $0x1  }
0x204: {  	v8 =	vadd.f32 v8, v62;
	v11 =	vmul.f32 v4, v11  }
0x205: {  	v10 =	vld [tilespmem:$0x1F4B0]  }
0x206: {  	v8 =	vmax.f32 v8, $0.0e+00;
	v11 =	vadd.f32 v63, v11;
	v63 =	vld [tilespmem:$0x1F660]  }
0x207: {  	v7 =	vmul.f32 v8, v7;
	_ =	sdelay $0x1  }
0x208: {  	v6 =	vadd.f32 v6, v7;
	v7 =	vld [tilespmem:$0x1F760];
	_ =	sdelay $0x1  }
0x209: {  	v10 =	vmul.f32 v4, v10;
	v11 =	vadd.f32 v11, v63;
	_ =	sdelay $0x1  }
0x20a: {  	v2 =	vadd.f32 v2, v10;
	v10 =	vmax.f32 v11, $0.0e+00;
	v11 =	vld [tilespmem:$0x1F670]  }
0x20b: {  	v7 =	vmul.f32 v10, v7  }
0x20c: {  	v9 =	vld [tilespmem:$0x1F4C0]  }
0x20d: {  	v6 =	vadd.f32 v6, v7;
	v7 =	vld [tilespmem:$0x1F770];
	_ =	sdelay $0x1  }
0x20e: {  	v2 =	vadd.f32 v2, v11  }
0x20f: {  	v11 =	vld [tilespmem:$0x1F680]  }
0x210: {  	v8 =	vld [tilespmem:$0x1F790];
	v2 =	vmax.f32 v2, $0.0e+00  }
0x211: {  	v9 =	vmul.f32 v4, v9;
	v2 =	vmul.f32 v2, v7;
	_ =	sdelay $0x1  }
0x212: {  	v9 =	vadd.f32 v61, v9;
	v2 =	vadd.f32 v6, v2;
	v6 =	vld [tilespmem:$0x1F780];
	_ =	sdelay $0x1  }
0x213: {  	v9 =	vadd.f32 v9, v11;
	v8 =	vmul.f32 v4, v8  }
0x214: {  	v10 =	vld [tilespmem:$0x1F7A0]  }
0x215: {  	v1 =	vadd.f32 v1, v8;
	v8 =	vmax.f32 v9, $0.0e+00;
	v9 =	vld [tilespmem:$0x1F890]  }
0x216: {  	v6 =	vmul.f32 v8, v6;
	_ =	sdelay $0x1  }
0x217: {  	v2 =	vadd.f32 v2, v6;
	v6 =	vld [tilespmem:$0x1F990];
	_ =	sdelay $0x1  }
0x218: {  	v10 =	vmul.f32 v4, v10;
	v1 =	vadd.f32 v1, v9;
	_ =	sdelay $0x1  }
0x219: {  	v9 =	vadd.f32 v58, v10;
	v1 =	vmax.f32 v1, $0.0e+00;
	v10 =	vld [tilespmem:$0x1F8A0]  }
0x21a: {  	v1 =	vmul.f32 v1, v6  }
0x21b: {  	v7 =	vld [tilespmem:$0x1F7B0]  }
0x21c: {  	v1 =	vadd.f32 v2, v1;
	v2 =	vld [tilespmem:$0x1F9A0];
	_ =	sdelay $0x1  }
0x21d: {  	v9 =	vadd.f32 v9, v10;
	_ =	sdelay $0x1  }
0x21e: {  	v10 =	vld [tilespmem:$0x1F8B0];
	v9 =	vmax.f32 v9, $0.0e+00  }
0x21f: {  	v7 =	vmul.f32 v4, v7;
	v2 =	vmul.f32 v9, v2  }
0x220: {  	v8 =	vld [tilespmem:$0x1F7C0]  }
0x221: {  	v7 =	vadd.f32 v57, v7;
	v1 =	vadd.f32 v1, v2;
	v2 =	vld [tilespmem:$0x1F9B0];
	_ =	sdelay $0x1  }
0x222: {  	v7 =	vadd.f32 v7, v10;
	_ =	sdelay $0x1  }
0x223: {  	v10 =	vld [tilespmem:$0x1F8C0];
	v7 =	vmax.f32 v7, $0.0e+00  }
0x224: {  	v8 =	vmul.f32 v4, v8;
	v2 =	vmul.f32 v7, v2  }
0x225: {  	v6 =	vld [tilespmem:$0x1F7D0]  }
0x226: {  	v8 =	vadd.f32 v55, v8;
	v1 =	vadd.f32 v1, v2;
	v2 =	vld [tilespmem:$0x1F9C0];
	_ =	sdelay $0x1  }
0x227: {  	v8 =	vadd.f32 v8, v10;
	_ =	sdelay $0x1  }
0x228: {  	v10 =	vld [tilespmem:$0x1F8D0];
	v8 =	vmax.f32 v8, $0.0e+00  }
0x229: {  	v6 =	vmul.f32 v4, v6;
	v2 =	vmul.f32 v8, v2  }
0x22a: {  	v9 =	vld [tilespmem:$0x1F7E0]  }
0x22b: {  	v6 =	vadd.f32 v54, v6;
	v1 =	vadd.f32 v1, v2;
	v2 =	vld [tilespmem:$0x1F9D0];
	_ =	sdelay $0x1  }
0x22c: {  	v6 =	vadd.f32 v6, v10;
	_ =	sdelay $0x1  }
0x22d: {  	v10 =	vld [tilespmem:$0x1F8E0];
	v6 =	vmax.f32 v6, $0.0e+00  }
0x22e: {  	v9 =	vmul.f32 v4, v9;
	v2 =	vmul.f32 v6, v2  }
0x22f: {  	v7 =	vld [tilespmem:$0x1F7F0]  }
0x230: {  	v9 =	vadd.f32 v53, v9;
	v1 =	vadd.f32 v1, v2;
	v2 =	vld [tilespmem:$0x1F9E0];
	_ =	sdelay $0x1  }
0x231: {  	v9 =	vadd.f32 v9, v10;
	_ =	sdelay $0x1  }
0x232: {  	v10 =	vld [tilespmem:$0x1F8F0];
	v9 =	vmax.f32 v9, $0.0e+00  }
0x233: {  	v7 =	vmul.f32 v4, v7;
	v2 =	vmul.f32 v9, v2  }
0x234: {  	v8 =	vld [tilespmem:$0x1F800]  }
0x235: {  	v7 =	vadd.f32 v52, v7;
	v1 =	vadd.f32 v1, v2;
	v2 =	vld [tilespmem:$0x1F9F0];
	_ =	sdelay $0x1  }
0x236: {  	v7 =	vadd.f32 v7, v10;
	_ =	sdelay $0x1  }
0x237: {  	v10 =	vld [tilespmem:$0x1F900];
	v7 =	vmax.f32 v7, $0.0e+00  }
0x238: {  	v8 =	vmul.f32 v4, v8;
	v2 =	vmul.f32 v7, v2  }
0x239: {  	v6 =	vld [tilespmem:$0x1F810]  }
0x23a: {  	v8 =	vadd.f32 v50, v8;
	v1 =	vadd.f32 v1, v2;
	v2 =	vld [tilespmem:$0x1FA00];
	_ =	sdelay $0x1  }
0x23b: {  	v8 =	vadd.f32 v8, v10;
	_ =	sdelay $0x1  }
0x23c: {  	v10 =	vld [tilespmem:$0x1F910];
	v8 =	vmax.f32 v8, $0.0e+00  }
0x23d: {  	v6 =	vmul.f32 v4, v6;
	v2 =	vmul.f32 v8, v2  }
0x23e: {  	v9 =	vld [tilespmem:$0x1F820]  }
0x23f: {  	v6 =	vadd.f32 v49, v6;
	v1 =	vadd.f32 v1, v2;
	v2 =	vld [tilespmem:$0x1FA10];
	_ =	sdelay $0x1  }
0x240: {  	v6 =	vadd.f32 v6, v10;
	_ =	sdelay $0x1  }
0x241: {  	v10 =	vld [tilespmem:$0x1F920];
	v6 =	vmax.f32 v6, $0.0e+00  }
0x242: {  	v9 =	vmul.f32 v4, v9;
	v2 =	vmul.f32 v6, v2  }
0x243: {  	v7 =	vld [tilespmem:$0x1F830]  }
0x244: {  	v9 =	vadd.f32 v48, v9;
	v1 =	vadd.f32 v1, v2;
	v2 =	vld [tilespmem:$0x1FA20];
	_ =	sdelay $0x1  }
0x245: {  	v9 =	vadd.f32 v9, v10;
	_ =	sdelay $0x1  }
0x246: {  	v10 =	vld [tilespmem:$0x1F930];
	v9 =	vmax.f32 v9, $0.0e+00  }
0x247: {  	v7 =	vmul.f32 v4, v7;
	v2 =	vmul.f32 v9, v2  }
0x248: {  	v8 =	vld [tilespmem:$0x1F840]  }
0x249: {  	v7 =	vadd.f32 v45, v7;
	v1 =	vadd.f32 v1, v2;
	v2 =	vld [tilespmem:$0x1FA30];
	_ =	sdelay $0x1  }
0x24a: {  	v7 =	vadd.f32 v7, v10;
	_ =	sdelay $0x1  }
0x24b: {  	v10 =	vld [tilespmem:$0x1F940];
	v7 =	vmax.f32 v7, $0.0e+00  }
0x24c: {  	v8 =	vmul.f32 v4, v8;
	v2 =	vmul.f32 v7, v2  }
0x24d: {  	v6 =	vld [tilespmem:$0x1F850]  }
0x24e: {  	v8 =	vadd.f32 v27, v8;
	v1 =	vadd.f32 v1, v2;
	v2 =	vld [tilespmem:$0x1FA40];
	_ =	sdelay $0x1  }
0x24f: {  	v8 =	vadd.f32 v8, v10;
	_ =	sdelay $0x1  }
0x250: {  	v10 =	vld [tilespmem:$0x1F950];
	v8 =	vmax.f32 v8, $0.0e+00  }
0x251: {  	v6 =	vmul.f32 v4, v6;
	v2 =	vmul.f32 v8, v2  }
0x252: {  	v9 =	vld [tilespmem:$0x1F860]  }
0x253: {  	v6 =	vadd.f32 v20, v6;
	v1 =	vadd.f32 v1, v2;
	v2 =	vld [tilespmem:$0x1FA50];
	_ =	sdelay $0x1  }
0x254: {  	v6 =	vadd.f32 v6, v10;
	_ =	sdelay $0x1  }
0x255: {  	v10 =	vld [tilespmem:$0x1F960];
	v6 =	vmax.f32 v6, $0.0e+00  }
0x256: {  	v9 =	vmul.f32 v4, v9;
	v2 =	vmul.f32 v6, v2  }
0x257: {  	v7 =	vld [tilespmem:$0x1F870]  }
0x258: {  	v9 =	vadd.f32 v19, v9;
	v1 =	vadd.f32 v1, v2;
	v2 =	vld [tilespmem:$0x1FA60];
	_ =	sdelay $0x1  }
0x259: {  	v9 =	vadd.f32 v9, v10;
	_ =	sdelay $0x1  }
0x25a: {  	v10 =	vld [tilespmem:$0x1F970];
	v9 =	vmax.f32 v9, $0.0e+00  }
0x25b: {  	v7 =	vmul.f32 v4, v7;
	v2 =	vmul.f32 v9, v2  }
0x25c: {  	v8 =	vld [tilespmem:$0x1F880]  }
0x25d: {  	v7 =	vadd.f32 v18, v7;
	v1 =	vadd.f32 v1, v2;
	v2 =	vld [tilespmem:$0x1FA70];
	_ =	sdelay $0x1  }
0x25e: {  	v7 =	vadd.f32 v7, v10;
	_ =	sdelay $0x1  }
0x25f: {  	v7 =	vmax.f32 v7, $0.0e+00;
	v9 =	vld [tilespmem:$0x1F980]  }
0x260: {  	v8 =	vmul.f32 v4, v8;
	v2 =	vmul.f32 v7, v2  }
0x261: {  	v6 =	vld [tilespmem:$0x1FA90]  }
0x262: {  	v5 =	vadd.f32 v5, v8;
	v1 =	vadd.f32 v1, v2;
	v2 =	vld [tilespmem:$0x1FA80];
	_ =	sdelay $0x1  }
0x263: {  	v5 =	vadd.f32 v5, v9  }
0x264: {  	v8 =	vld [tilespmem:$0x1FAA0]  }
0x265: {  	v5 =	vmax.f32 v5, $0.0e+00;
	v7 =	vld [tilespmem:$0x1FB90]  }
0x266: {  	v6 =	vmul.f32 v4, v6;
	v2 =	vmul.f32 v5, v2;
	_ =	sdelay $0x1  }
0x267: {  	v0 =	vadd.f32 v0, v6;
	v1 =	vadd.f32 v1, v2;
	v2 =	vld [tilespmem:$0x1FC90];
	_ =	sdelay $0x1  }
0x268: {  	v8 =	vmul.f32 v4, v8;
	v0 =	vadd.f32 v0, v7;
	_ =	sdelay $0x1  }
0x269: {  	v7 =	vadd.f32 v60, v8;
	v8 =	vld [tilespmem:$0x1FBA0];
	v0 =	vmax.f32 v0, $0.0e+00  }
0x26a: {  	v0 =	vmul.f32 v0, v2  }
0x26b: {  	v6 =	vld [tilespmem:$0x1FAB0]  }
0x26c: {  	v0 =	vadd.f32 v1, v0;
	v1 =	vld [tilespmem:$0x1FCA0];
	_ =	sdelay $0x1  }
0x26d: {  	v7 =	vadd.f32 v7, v8;
	_ =	sdelay $0x1  }
0x26e: {  	v8 =	vld [tilespmem:$0x1FBB0];
	v7 =	vmax.f32 v7, $0.0e+00  }
0x26f: {  	v6 =	vmul.f32 v4, v6;
	v1 =	vmul.f32 v7, v1  }
0x270: {  	v5 =	vld [tilespmem:$0x1FAC0]  }
0x271: {  	v6 =	vadd.f32 v59, v6;
	v0 =	vadd.f32 v0, v1;
	v1 =	vld [tilespmem:$0x1FCB0];
	_ =	sdelay $0x1  }
0x272: {  	v6 =	vadd.f32 v6, v8  }
0x273: {  	v8 =	vld [tilespmem:$0x1FBC0]  }
0x274: {  	v5 =	vmul.f32 v4, v5;
	v2 =	vld [tilespmem:$0x1FAD0];
	v6 =	vmax.f32 v6, $0.0e+00  }
0x275: {  	v1 =	vmul.f32 v6, v1  }
0x276: {  	v5 =	vadd.f32 v51, v5  }
0x277: {  	v0 =	vadd.f32 v0, v1;
	v1 =	vld [tilespmem:$0x1FCC0]  }
0x278: {  	v5 =	vadd.f32 v5, v8;
	v8 =	vld [tilespmem:$0x1FBD0]  }
0x279: {  	v2 =	vmul.f32 v4, v2  }
0x27a: {  	v7 =	vld [tilespmem:$0x1FAE0]  }
0x27b: {  	v2 =	vadd.f32 v42, v2;
	v5 =	vmax.f32 v5, $0.0e+00  }
0x27c: {  	v1 =	vmul.f32 v5, v1  }
0x27d: {  	v2 =	vadd.f32 v2, v8;
	v8 =	vld [tilespmem:$0x1FBE0]  }
0x27e: {  	v0 =	vadd.f32 v0, v1;
	v1 =	vld [tilespmem:$0x1FCD0]  }
0x27f: {  	v7 =	vmul.f32 v4, v7;
	v6 =	vld [tilespmem:$0x1FAF0];
	_ =	sdelay $0x1  }
0x280: {  	v7 =	vadd.f32 v39, v7  }
0x281: {  	v2 =	vmax.f32 v2, $0.0e+00  }
0x282: {  	v7 =	vadd.f32 v7, v8;
	v8 =	vld [tilespmem:$0x1FBF0];
	v1 =	vmul.f32 v2, v1  }
0x283: {  	v6 =	vmul.f32 v4, v6;
	v5 =	vld [tilespmem:$0x1FB00]  }
0x284: {  	v0 =	vadd.f32 v0, v1;
	v1 =	vld [tilespmem:$0x1FCE0]  }
0x285: {  	v6 =	vadd.f32 v36, v6;
	_ =	sdelay $0x1  }
0x286: {  	v6 =	vadd.f32 v6, v8;
	v8 =	vld [tilespmem:$0x1FC00]  }
0x287: {  	v7 =	vmax.f32 v7, $0.0e+00;
	v5 =	vmul.f32 v4, v5;
	v2 =	vld [tilespmem:$0x1FB10]  }
0x288: {  	v1 =	vmul.f32 v7, v1  }
0x289: {  	v5 =	vadd.f32 v30, v5  }
0x28a: {  	v0 =	vadd.f32 v0, v1;
	v1 =	vld [tilespmem:$0x1FCF0]  }
0x28b: {  	v5 =	vadd.f32 v5, v8;
	v8 =	vld [tilespmem:$0x1FC10]  }
0x28c: {  	v2 =	vmul.f32 v4, v2;
	_ =	sdelay $0x1  }
0x28d: {  	v6 =	vmax.f32 v6, $0.0e+00;
	v2 =	vadd.f32 v26, v2  }
0x28e: {  	v7 =	vld [tilespmem:$0x1FB20];
	v1 =	vmul.f32 v6, v1  }
0x28f: {  	v2 =	vadd.f32 v2, v8;
	v8 =	vld [tilespmem:$0x1EF90]  }
0x290: {  	v0 =	vadd.f32 v0, v1;
	v1 =	vld [tilespmem:$0x1FD00];
	_ =	sdelay $0x2  }
0x291: {  	v7 =	vmul.f32 v4, v7  }
0x292: {  	v5 =	vmax.f32 v5, $0.0e+00  }
0x293: {  	v7 =	vadd.f32 v8, v7;
	v8 =	vld [tilespmem:$0x1FC20];
	v1 =	vmul.f32 v5, v1;
	_ =	sdelay $0x1  }
0x294: {  	v0 =	vadd.f32 v0, v1;
	v1 =	vld [tilespmem:$0x1FD10]  }
0x295: {  	v6 =	vld [tilespmem:$0x1FB30];
	_ =	sdelay $0x1  }
0x296: {  	v7 =	vadd.f32 v7, v8;
	v8 =	vld [tilespmem:$0x1FE20]  }
0x297: {  	v2 =	vmax.f32 v2, $0.0e+00  }
0x298: {  	v1 =	vmul.f32 v2, v1  }
0x299: {  	v6 =	vmul.f32 v4, v6  }
0x29a: {  	v0 =	vadd.f32 v0, v1;
	v1 =	vld [tilespmem:$0x1FD20]  }
0x29b: {  	v6 =	vadd.f32 v8, v6;
	v8 =	vld [tilespmem:$0x1FC30];
	_ =	sdelay $0x2  }
0x29c: {  	v5 =	vld [tilespmem:$0x1FB40];
	v7 =	vmax.f32 v7, $0.0e+00  }
0x29d: {  	v1 =	vmul.f32 v7, v1  }
0x29e: {  	v6 =	vadd.f32 v6, v8;
	v8 =	vld [tilespmem:$0x1FDF0]  }
0x29f: {  	v0 =	vadd.f32 v0, v1;
	v1 =	vld [tilespmem:$0x1FD30]  }
0x2a0: {  	v9 =	vld [tilespmem:$0x1FC40]  }
0x2a1: {  	v5 =	vmul.f32 v4, v5;
	_ =	sdelay $0x1  }
0x2a2: {  	v2 =	vld [tilespmem:$0x1FB50];
	v6 =	vmax.f32 v6, $0.0e+00;
	v5 =	vadd.f32 v8, v5  }
0x2a3: {  	v1 =	vmul.f32 v6, v1  }
0x2a4: {  	v5 =	vadd.f32 v5, v9;
	v9 =	vld [tilespmem:$0x1FDC0]  }
0x2a5: {  	v0 =	vadd.f32 v0, v1;
	v1 =	vld [tilespmem:$0x1FD40];
	_ =	sdelay $0x1  }
0x2a6: {  	v2 =	vmul.f32 v4, v2  }
0x2a7: {  	v7 =	vld [tilespmem:$0x1FB60]  }
0x2a8: {  	v5 =	vmax.f32 v5, $0.0e+00;
	v2 =	vadd.f32 v9, v2;
	v9 =	vld [tilespmem:$0x1FC50]  }
0x2a9: {  	v6 =	vld [tilespmem:$0x1FB70];
	v1 =	vmul.f32 v5, v1  }
0x2aa: {  	v5 =	vld [tilespmem:$0x1FB80]  }
0x2ab: {  	v0 =	vadd.f32 v0, v1;
	v1 =	vld [tilespmem:$0x1FD50];
	_ =	sdelay $0x1  }
0x2ac: {  	v2 =	vadd.f32 v2, v9;
	v9 =	vld [tilespmem:$0x1EFA0]  }
0x2ad: {  	v7 =	vmul.f32 v4, v7  }
0x2ae: {  	v6 =	vmul.f32 v4, v6;
	v2 =	vmax.f32 v2, $0.0e+00;
	v4 =	vmul.f32 v4, v5;
	v5 =	vld [tilespmem:$0x1FC60]  }
0x2af: {  	v1 =	vmul.f32 v2, v1;
	_ =	sdelay $0x1  }
0x2b0: {  	v7 =	vadd.f32 v9, v7;
	v0 =	vadd.f32 v0, v1;
	v1 =	vld [tilespmem:$0x1FD60];
	_ =	sdelay $0x1  }
0x2b1: {  	v5 =	vadd.f32 v7, v5;
	v7 =	vld [tilespmem:$0x1EFB0]  }
0x2b2: {  	v8 =	vld [tilespmem:s9+$0x7C00]  }
0x2b3: {  	v2 =	vmax.f32 v5, $0.0e+00;
	v5 =	vld [tilespmem:$0x1FC70]  }
0x2b4: {  	v1 =	vmul.f32 v2, v1  }
0x2b5: {  	v2 =	vld [tilespmem:$0x1FD90]  }
0x2b6: {  	v7 =	vadd.f32 v7, v6;
	v0 =	vadd.f32 v0, v1;
	v1 =	vld [tilespmem:$0x1FD70];
	_ =	sdelay $0x1  }
0x2b7: {  	v6 =	vmul.f32 v28, v8;
	v5 =	vadd.f32 v7, v5;
	_ =	sdelay $0x1  }
0x2b8: {  	v47 =	vmul.f32 v6, v2;
	v2 =	vmax.f32 v5, $0.0e+00  }
0x2b9: {  	v1 =	vmul.f32 v2, v1;
	v2 =	vld [tilespmem:$0x1FDB0];
	_ =	sdelay $0x2  }
0x2ba: {  	v7 =	vld [tilespmem:$0x1EFC0];
	_ =	sdelay $0x1  }
0x2bb: {  	v5 =	vld [tilespmem:$0x1FC80];
	v2 =	vmul.f32 v6, v2;
	_ =	sdelay $0x1  }
0x2bc: {  	[tilespmem:$0x1FDC0] =	vst v2;
	v2 =	vld [tilespmem:$0x1FDD0]  }
0x2bd: {  	v4 =	vadd.f32 v7, v4;
	v0 =	vadd.f32 v0, v1;
	v1 =	vld [tilespmem:$0x1FD80];
	_ =	sdelay $0x1  }
0x2be: {  	v4 =	vadd.f32 v4, v5;
	_ =	sdelay $0x1  }
0x2bf: {  	v62 =	vmul.f32 v6, v2;
	v2 =	vmax.f32 v4, $0.0e+00  }
0x2c0: {  	v1 =	vmul.f32 v2, v1;
	_ =	sdelay $0x1  }
0x2c1: {  	v0 =	vadd.f32 v0, v1;
	v1 =	vld [tilespmem:$0x1FE50];
	_ =	sdelay $0x4  }
0x2c2: {  	v39 =	vmul.f32 v6, v1;
	v1 =	vld [tilespmem:$0x1FE60];
	_ =	sdelay $0x4  }
0x2c3: {  	v36 =	vmul.f32 v6, v1;
	v1 =	vld [tilespmem:$0x1FE70];
	_ =	sdelay $0x4  }
0x2c4: {  	v42 =	vmul.f32 v6, v1;
	v1 =	vmul.f32 v0, v3;
	_ =	sdelay $0x1  }
0x2c5: {  	[tilespmem:s7+$0x6300] =	vst v1;
	v1 =	vld [tilespmem:$0x1FEC0];
	_ =	sdelay $0x3  }
0x2c6: {  	v5 =	vld [tilespmem:$0x1FDA0]  }
0x2c7: {  	v18 =	vmul.f32 v6, v1;
	v1 =	vld [tilespmem:$0x1FED0];
	_ =	sdelay $0x4  }
0x2c8: {  	v56 =	vmul.f32 v6, v5;
	v5 =	vmul.f32 v6, v1;
	v1 =	vld [tilespmem:$0x1FEE0];
	_ =	sdelay $0x4  }
0x2c9: {  	v20 =	vmul.f32 v6, v1;
	v1 =	vld [tilespmem:$0x1FEF0];
	_ =	sdelay $0x4  }
0x2ca: {  	v19 =	vmul.f32 v6, v1;
	v1 =	vld [tilespmem:$0x1FF00];
	_ =	sdelay $0x4  }
0x2cb: {  	v45 =	vmul.f32 v6, v1;
	v1 =	vld [tilespmem:$0x1FF10];
	_ =	sdelay $0x4  }
0x2cc: {  	v27 =	vmul.f32 v6, v1;
	v1 =	vld [tilespmem:$0x1FF20];
	_ =	sdelay $0x4  }
0x2cd: {  	v49 =	vmul.f32 v6, v1;
	v1 =	vld [tilespmem:$0x1FF30];
	_ =	sdelay $0x1  }
0x2ce: {  	v2 =	vld [tilespmem:$0x1FE00];
	_ =	sdelay $0x2  }
0x2cf: {  	v48 =	vmul.f32 v6, v1;
	v1 =	vld [tilespmem:$0x1FF40];
	_ =	sdelay $0x1  }
0x2d0: {  	v22 =	vmul.f32 v6, v2;
	v2 =	vld [tilespmem:$0x1FE10];
	_ =	sdelay $0x2  }
0x2d1: {  	v52 =	vmul.f32 v6, v1;
	v1 =	vld [tilespmem:$0x1FF50];
	_ =	sdelay $0x1  }
0x2d2: {  	v2 =	vmul.f32 v6, v2;
	_ =	sdelay $0x1  }
0x2d3: {  	[tilespmem:$0x1FE20] =	vst v2;
	v2 =	vld [tilespmem:$0x1FE30]  }
0x2d4: {  	v50 =	vmul.f32 v6, v1;
	v1 =	vld [tilespmem:$0x1FF60];
	_ =	sdelay $0x3  }
0x2d5: {  	v30 =	vmul.f32 v6, v2;
	v2 =	vld [tilespmem:$0x1FE40]  }
0x2d6: {  	v54 =	vmul.f32 v6, v1;
	v1 =	vld [tilespmem:$0x1FF70];
	_ =	sdelay $0x1  }
0x2d7: {  	v4 =	vld [tilespmem:$0x1FDE0]  }
0x2d8: {  	v0 =	vld [tilespmem:$0x1FE80]  }
0x2d9: {  	v26 =	vmul.f32 v6, v2;
	v2 =	vld [tilespmem:$0x1FEB0]  }
0x2da: {  	v53 =	vmul.f32 v6, v1;
	v1 =	vld [tilespmem:$0x1FF80];
	_ =	sdelay $0x1  }
0x2db: {  	v7 =	vld [tilespmem:$0x1FFE0]  }
0x2dc: {  	v59 =	vmul.f32 v6, v0;
	v0 =	vld [tilespmem:$0x1FE90]  }
0x2dd: {  	v4 =	vmul.f32 v6, v4;
	v60 =	vmul.f32 v6, v2;
	v2 =	vld [tilespmem:$0x1FFB0]  }
0x2de: {  	v57 =	vmul.f32 v6, v1;
	v1 =	vld [tilespmem:$0x1FF90]  }
0x2df: {  	[tilespmem:$0x1FDF0] =	vst v4;
	v4 =	vld [tilespmem:$0x1FFD0]  }
0x2e0: {  	v3 =	vmov v8;
	v8 =	vmul.f32 v6, v7;
	v7 =	vld [tilespmem:$0x1FFF0]  }
0x2e1: {  	v51 =	vmul.f32 v6, v0;
	v0 =	vld [tilespmem:$0x1FEA0]  }
0x2e2: {  	v58 =	vmul.f32 v6, v2;
	v2 =	vld [tilespmem:$0x1FFC0]  }
0x2e3: {  	p2 =	sne.s32 s8, $0x30C0;
	v55 =	vmul.f32 v6, v1;
	v1 =	vld [tilespmem:$0x1FFA0]  }
.Ltmp0:
0x2e4: {  	_ = 	snop;
	(pc) =	sbr.rel @p2 .LBB2_2-.Ltmp0, $4  }
0x2e5: {  	_ = 	snop  }
0x2e6: {  	v61 =	vmul.f32 v6, v4  }
0x2e7: {  	s7 =	smov.u32 s9;
	v63 =	vmul.f32 v6, v7;
	v0 =	vmul.f32 v6, v0  }
0x2e8: {  	s8 =	sadd.s32 $0x40, s8;
	v4 =	vld [tilespmem:s7+$0x3100];
	v2 =	vmul.f32 v6, v2;
	v1 =	vmul.f32 v6, v1  }
0x2e9: {  	v7 =	vld [tilespmem:s7+$0x3D80]  }
0x2ea: {  	v17 =	vld [tilespmem:s7+$0x6300]  }
0x2eb: {  	v9 =	vld [tilespmem:$0x1F570]  }
0x2ec: {  	v21 =	vld [tilespmem:$0x1F580]  }
0x2ed: {  	v23 =	vld [tilespmem:$0x1F550]  }
0x2ee: {  	v24 =	vld [tilespmem:$0x1F560]  }
0x2ef: {  	v25 =	vld [tilespmem:$0x1F530]  }
0x2f0: {  	v28 =	vld [tilespmem:$0x1F540]  }
0x2f1: {  	v29 =	vld [tilespmem:$0x1F510]  }
0x2f2: {  	v31 =	vld [tilespmem:$0x1F520]  }
0x2f3: {  	v32 =	vld [tilespmem:$0x1F4F0]  }
0x2f4: {  	v33 =	vld [tilespmem:$0x1F500]  }
0x2f5: {  	v34 =	vld [tilespmem:$0x1F4D0]  }
0x2f6: {  	v35 =	vld [tilespmem:$0x1F4E0]  }
0x2f7: {  	v37 =	vld [tilespmem:$0x1F360]  }
0x2f8: {  	v38 =	vld [tilespmem:$0x1F390]  }
0x2f9: {  	v40 =	vld [tilespmem:$0x1F2E0]  }
0x2fa: {  	v41 =	vld [tilespmem:$0x1EFD0]  }
0x2fb: {  	v43 =	vld [tilespmem:$0x1EFE0]  }
0x2fc: {  	v44 =	vld [tilespmem:$0x1F010]  }
0x2fd: {  	v46 =	vld [tilespmem:$0x1F020];
	v10 =	vmul.f32 v6, v9;
	v9 =	vmul.f32 v6, v21  }
0x2fe: {  	v12 =	vmul.f32 v6, v23;
	v21 =	vmul.f32 v6, v34;
	v34 =	vld [tilespmem:$0x1F260]  }
0x2ff: {  	v11 =	vmul.f32 v6, v24;
	v4 =	vadd.f32 v7, v4;
	v23 =	vmul.f32 v6, v35;
	v35 =	vld [tilespmem:$0x1F2A0]  }
0x300: {  	v14 =	vmul.f32 v6, v25;
	v24 =	vmul.f32 v6, v37;
	v37 =	vld [tilespmem:$0x1F220]  }
0x301: {  	v13 =	vmul.f32 v6, v28;
	v25 =	vmul.f32 v6, v38;
	v38 =	vld [tilespmem:$0x1EFF0];
	v4 =	vadd.f32 v17, v4  }
0x302: {  	v15 =	vmul.f32 v6, v31;
	v28 =	vmul.f32 v6, v40;
	v40 =	vld [tilespmem:$0x1F060]  }
0x303: {  	v31 =	vmul.f32 v6, v43;
	v43 =	vld [tilespmem:$0x1F030];
	v4 =	vmul.f32 v4, v3  }
0x304: {  	v17 =	vmul.f32 v6, v33;
	v33 =	vmul.f32 v6, v46;
	v46 =	vld [tilespmem:$0x1F1E0]  }
0x305: {  	v7 =	vmul.f32 v6, v32;
	v32 =	vmul.f32 v4, v44;
	v44 =	vld [tilespmem:$0x1F1A0]  }
0x306: {  	v16 =	vmul.f32 v6, v29;
	v29 =	vmul.f32 v4, v41;
	v41 =	vld [tilespmem:$0x1F050]  }
0x307: {  	[tilespmem:$0x1EF80] =	vst v9;
	v9 =	vld [tilespmem:$0x1F0E0];
	v32 =	vadd.f32 v33, v32  }
0x308: {  	v29 =	vadd.f32 v31, v29;
	v31 =	vld [tilespmem:$0x1F320]  }
0x309: {  	v33 =	vmul.f32 v6, v35;
	v35 =	vmul.f32 v6, v37;
	v32 =	vadd.f32 v32, v43;
	v43 =	vld [tilespmem:$0x1F0A0]  }
0x30a: {  	v37 =	vmul.f32 v6, v40;
	v40 =	vmul.f32 v6, v44;
	v44 =	vld [tilespmem:$0x1F120]  }
0x30b: {  	v29 =	vadd.f32 v29, v38;
	v38 =	vmul.f32 v4, v41;
	v41 =	vmul.f32 v6, v46;
	v46 =	vld [tilespmem:$0x1F160];
	_ =	sdelay $0x2  }
0x30c: {  	v34 =	vmul.f32 v6, v34;
	v31 =	vmul.f32 v6, v31  }
0x30d: {  	v43 =	vmul.f32 v6, v43;
	v44 =	vmul.f32 v6, v44  }
0x30e: {  	v46 =	vmul.f32 v6, v46;
	v6 =	vmul.f32 v6, v9;
	v9 =	vld [tilespmem:$0x1F000];
	_ =	sdelay $0x1  }
0x30f: {  	v37 =	vadd.f32 v37, v38;
	v38 =	vld [tilespmem:$0x1F090];
	_ =	sdelay $0x1  }
0x310: {  	v29 =	vmax.f32 v29, $0.0e+00  }
0x311: {  	v29 =	vmul.f32 v29, v9;
	v9 =	vld [tilespmem:$0x1F040];
	_ =	sdelay $0x1  }
0x312: {  	v38 =	vmul.f32 v4, v38;
	_ =	sdelay $0x1  }
0x313: {  	v32 =	vmax.f32 v32, $0.0e+00;
	v38 =	vadd.f32 v43, v38;
	v43 =	vld [tilespmem:$0x1F070]  }
0x314: {  	v32 =	vmul.f32 v32, v9;
	v9 =	vld [tilespmem:$0x1F0B0];
	_ =	sdelay $0x3  }
0x315: {  	v37 =	vadd.f32 v37, v43;
	v43 =	vld [tilespmem:$0x1F0D0]  }
0x316: {  	v38 =	vadd.f32 v38, v9;
	v9 =	vld [tilespmem:$0x1F080];
	_ =	sdelay $0x2  }
0x317: {  	v29 =	vadd.f32 $0.0e+00, v29  }
0x318: {  	v37 =	vmax.f32 v37, $0.0e+00  }
0x319: {  	v29 =	vadd.f32 v29, v32;
	v43 =	vmul.f32 v4, v43;
	v32 =	vmul.f32 v37, v9;
	v9 =	vld [tilespmem:$0x1F0F0];
	_ =	sdelay $0x1  }
0x31a: {  	v6 =	vadd.f32 v6, v43;
	v43 =	vld [tilespmem:$0x1F110];
	_ =	sdelay $0x2  }
0x31b: {  	v6 =	vadd.f32 v6, v9;
	v9 =	vld [tilespmem:$0x1F0C0];
	_ =	sdelay $0x1  }
0x31c: {  	v37 =	vld [tilespmem:$0x1F150];
	v43 =	vmul.f32 v4, v43;
	_ =	sdelay $0x1  }
0x31d: {  	v38 =	vmax.f32 v38, $0.0e+00;
	v43 =	vadd.f32 v44, v43;
	v44 =	vld [tilespmem:$0x1F190]  }
0x31e: {  	v29 =	vadd.f32 v29, v32;
	v32 =	vmul.f32 v38, v9;
	v38 =	vld [tilespmem:$0x1F130]  }
0x31f: {  	v9 =	vld [tilespmem:$0x1F170]  }
0x320: {  	v37 =	vmul.f32 v4, v37;
	_ =	sdelay $0x1  }
0x321: {  	v37 =	vadd.f32 v46, v37;
	v46 =	vld [tilespmem:$0x1F100]  }
0x322: {  	v38 =	vadd.f32 v43, v38;
	v43 =	vmul.f32 v4, v44;
	v44 =	vld [tilespmem:$0x1F210]  }
0x323: {  	v29 =	vadd.f32 v29, v32;
	v32 =	vadd.f32 v37, v9;
	v9 =	vld [tilespmem:$0x1F1B0]  }
0x324: {  	v37 =	vadd.f32 v40, v43;
	v40 =	vld [tilespmem:$0x1F1D0]  }
0x325: {  	v43 =	vld [tilespmem:$0x1F140]  }
0x326: {  	v6 =	vmax.f32 v6, $0.0e+00  }
0x327: {  	v6 =	vmul.f32 v6, v46;
	v46 =	vmul.f32 v4, v44  }
0x328: {  	v37 =	vadd.f32 v37, v9;
	v9 =	vld [tilespmem:$0x1F250]  }
0x329: {  	v38 =	vmax.f32 v38, $0.0e+00;
	v44 =	vadd.f32 v35, v46;
	v46 =	vld [tilespmem:$0x1F1F0]  }
0x32a: {  	v6 =	vadd.f32 v29, v6;
	v40 =	vmul.f32 v4, v40;
	v29 =	vmul.f32 v38, v43;
	v43 =	vld [tilespmem:$0x1F180];
	_ =	sdelay $0x1  }
0x32b: {  	v40 =	vadd.f32 v41, v40;
	v41 =	vld [tilespmem:$0x1F230]  }
0x32c: {  	v38 =	vmul.f32 v4, v9;
	v9 =	vld [tilespmem:$0x1F270]  }
0x32d: {  	v32 =	vmax.f32 v32, $0.0e+00;
	v35 =	vadd.f32 v40, v46;
	v40 =	vld [tilespmem:$0x1F1C0]  }
0x32e: {  	v6 =	vadd.f32 v6, v29;
	v29 =	vmul.f32 v32, v43;
	v43 =	vld [tilespmem:$0x1F290]  }
0x32f: {  	v46 =	vld [tilespmem:$0x1F2D0]  }
0x330: {  	v34 =	vadd.f32 v34, v38;
	v38 =	vld [tilespmem:$0x1F380]  }
0x331: {  	v32 =	vadd.f32 v44, v41;
	v44 =	vld [tilespmem:$0x1F200]  }
0x332: {  	v41 =	vld [tilespmem:$0x1F2B0]  }
0x333: {  	v37 =	vmax.f32 v37, $0.0e+00;
	v34 =	vadd.f32 v34, v9;
	v9 =	vld [tilespmem:$0x1F350]  }
0x334: {  	v6 =	vadd.f32 v6, v29;
	v29 =	vmul.f32 v37, v40;
	v40 =	vld [tilespmem:$0x1F240]  }
0x335: {  	v35 =	vmax.f32 v35, $0.0e+00;
	v37 =	vmul.f32 v4, v43;
	v43 =	vld [tilespmem:$0x1F310]  }
0x336: {  	v6 =	vadd.f32 v6, v29;
	v29 =	vmul.f32 v35, v44;
	v44 =	vld [tilespmem:$0x1F280]  }
0x337: {  	v35 =	vmul.f32 v4, v46;
	v46 =	vld [tilespmem:$0x1F2F0]  }
0x338: {  	v33 =	vadd.f32 v33, v37;
	v37 =	vld [tilespmem:$0x1F2C0]  }
0x339: {  	v32 =	vmax.f32 v32, $0.0e+00;
	v28 =	vadd.f32 v28, v35;
	v35 =	vld [tilespmem:$0x1F590]  }
0x33a: {  	v6 =	vadd.f32 v6, v29;
	v29 =	vmul.f32 v32, v40;
	v40 =	vld [tilespmem:$0x1F330]  }
0x33b: {  	v32 =	vadd.f32 v33, v41;
	v41 =	vld [tilespmem:$0x1F300]  }
0x33c: {  	v34 =	vmax.f32 v34, $0.0e+00;
	v33 =	vmul.f32 v4, v43;
	v43 =	vld [tilespmem:$0x1F370]  }
0x33d: {  	v6 =	vadd.f32 v6, v29;
	v29 =	vmul.f32 v34, v44;
	v44 =	vld [tilespmem:$0x1F3D0]  }
0x33e: {  	v28 =	vadd.f32 v28, v46;
	v46 =	vld [tilespmem:$0x1F340]  }
0x33f: {  	v31 =	vadd.f32 v31, v33;
	v33 =	vmul.f32 v4, v9;
	v9 =	vld [tilespmem:$0x1F3A0]  }
0x340: {  	v34 =	vld [tilespmem:$0x1F3F0]  }
0x341: {  	v32 =	vmax.f32 v32, $0.0e+00;
	v24 =	vadd.f32 v24, v33;
	v33 =	vld [tilespmem:$0x1F3B0]  }
0x342: {  	v6 =	vadd.f32 v6, v29;
	v29 =	vmul.f32 v32, v37;
	v37 =	vld [tilespmem:$0x1F3C0]  }
0x343: {  	v32 =	vmul.f32 v4, v38;
	v38 =	vld [tilespmem:$0x1F5A0]  }
0x344: {  	v28 =	vmax.f32 v28, $0.0e+00;
	v31 =	vadd.f32 v31, v40;
	v40 =	vld [tilespmem:$0x1F400]  }
0x345: {  	v28 =	vmul.f32 v28, v41;
	v41 =	vld [tilespmem:$0x1F690]  }
0x346: {  	v25 =	vadd.f32 v25, v32;
	v32 =	vld [tilespmem:$0x1F3E0]  }
0x347: {  	v6 =	vadd.f32 v6, v29;
	v24 =	vadd.f32 v24, v43;
	v43 =	vld [tilespmem:$0x1F5B0]  }
0x348: {  	v29 =	vmul.f32 v4, v44;
	v31 =	vmax.f32 v31, $0.0e+00;
	v44 =	vld [tilespmem:$0x1F410]  }
0x349: {  	v6 =	vadd.f32 v6, v28;
	v28 =	vmul.f32 v31, v46;
	v46 =	vld [tilespmem:$0x1F6A0]  }
0x34a: {  	v24 =	vmax.f32 v24, $0.0e+00;
	v31 =	vld [tilespmem:$0x1F6B0]  }
0x34b: {  	v24 =	vmul.f32 v24, v33;
	v33 =	vld [tilespmem:$0x1F430]  }
0x34c: {  	v21 =	vadd.f32 v21, v29;
	v6 =	vadd.f32 v6, v28;
	v28 =	vmul.f32 v4, v34;
	v34 =	vld [tilespmem:$0x1F6C0]  }
0x34d: {  	v25 =	vadd.f32 v25, v9;
	v29 =	vmul.f32 v4, v32;
	v32 =	vld [tilespmem:$0x1F5D0]  }
0x34e: {  	v21 =	vadd.f32 v21, v35;
	v35 =	vld [tilespmem:$0x1F5E0]  }
0x34f: {  	v25 =	vmax.f32 v25, $0.0e+00;
	v7 =	vadd.f32 v7, v28;
	v28 =	vld [tilespmem:$0x1F420]  }
0x350: {  	v6 =	vadd.f32 v6, v24;
	v24 =	vmul.f32 v25, v37;
	v37 =	vld [tilespmem:$0x1F440]  }
0x351: {  	v25 =	vmul.f32 v4, v40;
	v40 =	vld [tilespmem:$0x1F450]  }
0x352: {  	v23 =	vadd.f32 v23, v29;
	v21 =	vmax.f32 v21, $0.0e+00;
	v29 =	vld [tilespmem:$0x1F5C0]  }
0x353: {  	v21 =	vmul.f32 v21, v41;
	v41 =	vld [tilespmem:$0x1F5F0]  }
0x354: {  	v7 =	vadd.f32 v7, v43;
	v43 =	vld [tilespmem:$0x1F6E0]  }
0x355: {  	v6 =	vadd.f32 v6, v24;
	v24 =	vmul.f32 v4, v44;
	v44 =	vld [tilespmem:$0x1F600]  }
0x356: {  	v17 =	vadd.f32 v17, v25;
	v25 =	vld [tilespmem:$0x1F710]  }
0x357: {  	v23 =	vadd.f32 v23, v38;
	v38 =	vld [tilespmem:$0x1F6D0]  }
0x358: {  	v16 =	vadd.f32 v16, v24;
	v24 =	vld [tilespmem:$0x1F620]  }
0x359: {  	v6 =	vadd.f32 v6, v21;
	v7 =	vmax.f32 v7, $0.0e+00;
	v21 =	vmul.f32 v4, v33;
	v33 =	vld [tilespmem:$0x1F640]  }
0x35a: {  	v23 =	vmax.f32 v23, $0.0e+00;
	v7 =	vmul.f32 v7, v31;
	v31 =	vld [tilespmem:$0x1F490]  }
0x35b: {  	v9 =	vmul.f32 v23, v46;
	v46 =	vld [tilespmem:$0x1F460]  }
0x35c: {  	v14 =	vadd.f32 v14, v21;
	v21 =	vld [tilespmem:$0x1F700]  }
0x35d: {  	v23 =	vmul.f32 v4, v28;
	v28 =	vld [tilespmem:$0x1EF80]  }
0x35e: {  	v17 =	vadd.f32 v17, v29;
	v29 =	vld [tilespmem:$0x1F630]  }
0x35f: {  	v16 =	vadd.f32 v16, v32;
	v32 =	vld [tilespmem:$0x1F720]  }
0x360: {  	v6 =	vadd.f32 v6, v9;
	v9 =	vld [tilespmem:$0x1F6F0]  }
0x361: {  	v15 =	vadd.f32 v15, v23;
	v23 =	vld [tilespmem:$0x1F480]  }
0x362: {  	v17 =	vmax.f32 v17, $0.0e+00;
	v14 =	vadd.f32 v14, v41;
	v41 =	vld [tilespmem:$0x1F660]  }
0x363: {  	v6 =	vadd.f32 v6, v7;
	v7 =	vmul.f32 v17, v34;
	v34 =	vld [tilespmem:$0x1F4A0]  }
0x364: {  	v15 =	vadd.f32 v15, v35;
	v17 =	vmul.f32 v4, v37;
	v35 =	vld [tilespmem:$0x1F730]  }
0x365: {  	v37 =	vld [tilespmem:$0x1F4B0]  }
0x366: {  	v16 =	vmax.f32 v16, $0.0e+00;
	v13 =	vadd.f32 v13, v17;
	v17 =	vld [tilespmem:$0x1F470]  }
0x367: {  	v6 =	vadd.f32 v6, v7;
	v7 =	vmul.f32 v16, v38;
	v16 =	vmul.f32 v4, v40;
	v38 =	vld [tilespmem:$0x1F650]  }
0x368: {  	v40 =	vld [tilespmem:$0x1F740]  }
0x369: {  	v15 =	vmax.f32 v15, $0.0e+00;
	v12 =	vadd.f32 v12, v16;
	v16 =	vld [tilespmem:$0x1F610]  }
0x36a: {  	v6 =	vadd.f32 v6, v7;
	v7 =	vmul.f32 v15, v43;
	v43 =	vld [tilespmem:$0x1F4C0]  }
0x36b: {  	v14 =	vmax.f32 v14, $0.0e+00;
	v13 =	vadd.f32 v13, v44;
	v15 =	vmul.f32 v4, v46;
	v44 =	vld [tilespmem:$0x1F750]  }
0x36c: {  	v46 =	vld [tilespmem:$0x1F670];
	v6 =	vadd.f32 v6, v7;
	v7 =	vmul.f32 v14, v9  }
0x36d: {  	v11 =	vadd.f32 v11, v15;
	v13 =	vmax.f32 v13, $0.0e+00;
	v15 =	vld [tilespmem:$0x1F680]  }
0x36e: {  	v6 =	vadd.f32 v6, v7;
	v7 =	vmul.f32 v13, v21;
	v21 =	vld [tilespmem:$0x1F890]  }
0x36f: {  	v14 =	vmul.f32 v4, v17;
	v13 =	vmul.f32 v4, v23;
	v23 =	vld [tilespmem:$0x1F7B0]  }
0x370: {  	v11 =	vadd.f32 v11, v24;
	v24 =	vld [tilespmem:$0x1F780]  }
0x371: {  	v10 =	vadd.f32 v10, v14;
	v14 =	vld [tilespmem:$0x1F7A0]  }
0x372: {  	v12 =	vadd.f32 v12, v16;
	v16 =	vld [tilespmem:$0x1F770]  }
0x373: {  	v9 =	vadd.f32 v28, v13;
	v13 =	vld [tilespmem:$0x1F760]  }
0x374: {  	v12 =	vmax.f32 v12, $0.0e+00;
	v10 =	vadd.f32 v10, v29;
	v29 =	vld [tilespmem:$0x1F7C0]  }
0x375: {  	v6 =	vadd.f32 v6, v7;
	v7 =	vmul.f32 v12, v25;
	v25 =	vld [tilespmem:$0x1F8A0]  }
0x376: {  	v12 =	vmul.f32 v4, v31;
	v31 =	vld [tilespmem:$0x1F990]  }
0x377: {  	v9 =	vadd.f32 v9, v33;
	v33 =	vld [tilespmem:$0x1F8B0]  }
0x378: {  	v11 =	vmax.f32 v11, $0.0e+00;
	v8 =	vadd.f32 v8, v12;
	v12 =	vld [tilespmem:$0x1F790]  }
0x379: {  	v6 =	vadd.f32 v6, v7;
	v7 =	vmul.f32 v11, v32;
	v32 =	vld [tilespmem:$0x1F7D0]  }
0x37a: {  	v10 =	vmax.f32 v10, $0.0e+00;
	v11 =	vmul.f32 v4, v34;
	v34 =	vld [tilespmem:$0x1F9A0]  }
0x37b: {  	v6 =	vadd.f32 v6, v7;
	v7 =	vmul.f32 v10, v35;
	v35 =	vld [tilespmem:$0x1F8C0]  }
0x37c: {  	v10 =	vmul.f32 v4, v37;
	v37 =	vld [tilespmem:$0x1F7E0]  }
0x37d: {  	v9 =	vmax.f32 v9, $0.0e+00;
	v8 =	vadd.f32 v8, v38;
	v38 =	vld [tilespmem:$0x1F9B0]  }
0x37e: {  	v11 =	vadd.f32 v63, v11;
	v6 =	vadd.f32 v6, v7;
	v7 =	vmul.f32 v9, v40;
	v40 =	vld [tilespmem:$0x1F8D0]  }
0x37f: {  	v2 =	vadd.f32 v2, v10;
	v10 =	vmul.f32 v4, v43;
	v43 =	vld [tilespmem:$0x1F7F0]  }
0x380: {  	v9 =	vadd.f32 v11, v41;
	v8 =	vmax.f32 v8, $0.0e+00;
	v11 =	vld [tilespmem:$0x1FAD0]  }
0x381: {  	v6 =	vadd.f32 v6, v7;
	v7 =	vmul.f32 v8, v44;
	v44 =	vld [tilespmem:$0x1F9C0]  }
0x382: {  	v2 =	vadd.f32 v2, v46;
	v63 =	vadd.f32 v61, v10;
	v46 =	vld [tilespmem:$0x1F800]  }
0x383: {  	v61 =	vld [tilespmem:$0x1F9E0]  }
0x384: {  	v9 =	vmax.f32 v9, $0.0e+00;
	v8 =	vadd.f32 v63, v15;
	v63 =	vld [tilespmem:$0x1F900]  }
0x385: {  	v6 =	vadd.f32 v6, v7;
	v7 =	vmul.f32 v9, v13;
	v13 =	vld [tilespmem:$0x1F820]  }
0x386: {  	v10 =	vmul.f32 v4, v12;
	v9 =	vmul.f32 v4, v14;
	v14 =	vld [tilespmem:$0x1F9F0]  }
0x387: {  	v15 =	vld [tilespmem:$0x1F830]  }
0x388: {  	v1 =	vadd.f32 v1, v10;
	v2 =	vmax.f32 v2, $0.0e+00;
	v10 =	vld [tilespmem:$0x1FBB0]  }
0x389: {  	v2 =	vmul.f32 v2, v16;
	v16 =	vld [tilespmem:$0x1F910]  }
0x38a: {  	v17 =	vadd.f32 v58, v9;
	v9 =	vmul.f32 v4, v23;
	v58 =	vld [tilespmem:$0x1F810]  }
0x38b: {  	v23 =	vld [tilespmem:$0x1F920]  }
0x38c: {  	v6 =	vadd.f32 v6, v7;
	v28 =	vadd.f32 v57, v9;
	v57 =	vld [tilespmem:$0x1F8F0]  }
0x38d: {  	v1 =	vadd.f32 v1, v21;
	v8 =	vmax.f32 v8, $0.0e+00;
	v7 =	vadd.f32 v17, v25;
	v17 =	vld [tilespmem:$0x1FA00]  }
0x38e: {  	v2 =	vadd.f32 v6, v2;
	v6 =	vmul.f32 v8, v24;
	v24 =	vld [tilespmem:$0x1F840]  }
0x38f: {  	v1 =	vmax.f32 v1, $0.0e+00;
	v25 =	vld [tilespmem:$0x1FA10]  }
0x390: {  	v9 =	vmul.f32 v4, v29;
	v1 =	vmul.f32 v1, v31;
	v31 =	vld [tilespmem:$0x1F850]  }
0x391: {  	v2 =	vadd.f32 v2, v6;
	v8 =	vadd.f32 v28, v33;
	v28 =	vld [tilespmem:$0x1F930]  }
0x392: {  	v6 =	vmul.f32 v4, v32;
	v9 =	vadd.f32 v55, v9;
	v7 =	vmax.f32 v7, $0.0e+00;
	v32 =	vld [tilespmem:$0x1FA20]  }
0x393: {  	v33 =	vld [tilespmem:$0x1F860];
	v1 =	vadd.f32 v2, v1;
	v2 =	vmul.f32 v7, v34  }
0x394: {  	v6 =	vadd.f32 v54, v6;
	v7 =	vadd.f32 v9, v35;
	v9 =	vmul.f32 v4, v37;
	v54 =	vld [tilespmem:$0x1F9D0]  }
0x395: {  	v34 =	vld [tilespmem:$0x1F940]  }
0x396: {  	v41 =	vadd.f32 v53, v9;
	v53 =	vld [tilespmem:$0x1F8E0]  }
0x397: {  	v8 =	vmax.f32 v8, $0.0e+00;
	v35 =	vld [tilespmem:$0x1FA30]  }
0x398: {  	v1 =	vadd.f32 v1, v2;
	v2 =	vmul.f32 v8, v38;
	v38 =	vld [tilespmem:$0x1F950]  }
0x399: {  	v6 =	vadd.f32 v6, v40;
	v9 =	vmul.f32 v4, v43;
	v7 =	vmax.f32 v7, $0.0e+00;
	v40 =	vld [tilespmem:$0x1F870]  }
0x39a: {  	v43 =	vld [tilespmem:$0x1F960];
	v1 =	vadd.f32 v1, v2;
	v2 =	vmul.f32 v7, v44;
	v7 =	vmul.f32 v4, v46  }
0x39b: {  	v9 =	vadd.f32 v52, v9;
	v6 =	vmax.f32 v6, $0.0e+00;
	v46 =	vld [tilespmem:$0x1FA50];
	v8 =	vadd.f32 v41, v53  }
0x39c: {  	v52 =	vld [tilespmem:$0x1F980];
	v1 =	vadd.f32 v1, v2;
	v2 =	vmul.f32 v6, v54;
	v55 =	vadd.f32 v50, v7  }
0x39d: {  	v7 =	vadd.f32 v9, v57;
	v9 =	vmul.f32 v4, v58;
	v50 =	vld [tilespmem:$0x1FA60];
	v8 =	vmax.f32 v8, $0.0e+00  }
0x39e: {  	v57 =	vld [tilespmem:$0x1FB90];
	v1 =	vadd.f32 v1, v2;
	v6 =	vadd.f32 v55, v63;
	v2 =	vmul.f32 v8, v61  }
0x39f: {  	v58 =	vld [tilespmem:$0x1FAB0];
	v12 =	vadd.f32 v49, v9;
	v9 =	vmul.f32 v4, v13;
	v7 =	vmax.f32 v7, $0.0e+00  }
0x3a0: {  	v41 =	vld [tilespmem:$0x1FA40];
	v1 =	vadd.f32 v1, v2;
	v2 =	vmul.f32 v7, v14;
	v7 =	vmul.f32 v4, v15  }
0x3a1: {  	v53 =	vld [tilespmem:$0x1FAA0];
	v8 =	vadd.f32 v12, v16;
	v9 =	vadd.f32 v48, v9;
	v6 =	vmax.f32 v6, $0.0e+00  }
0x3a2: {  	v49 =	vld [tilespmem:$0x1F970];
	v1 =	vadd.f32 v1, v2;
	v2 =	vmul.f32 v6, v17;
	v21 =	vadd.f32 v45, v7  }
0x3a3: {  	v55 =	vld [tilespmem:$0x1FA70];
	v8 =	vmax.f32 v8, $0.0e+00;
	v7 =	vadd.f32 v9, v23;
	v9 =	vmul.f32 v4, v24  }
0x3a4: {  	v63 =	vld [tilespmem:$0x1FBA0];
	v1 =	vadd.f32 v1, v2;
	v2 =	vmul.f32 v8, v25;
	v6 =	vadd.f32 v21, v28  }
0x3a5: {  	v13 =	vld [tilespmem:$0x1FBC0];
	v29 =	vadd.f32 v27, v9;
	v9 =	vmul.f32 v4, v31;
	v7 =	vmax.f32 v7, $0.0e+00  }
0x3a6: {  	v48 =	vld [tilespmem:$0x1FA90];
	v1 =	vadd.f32 v1, v2;
	v2 =	vmul.f32 v7, v32;
	v7 =	vmul.f32 v4, v33  }
0x3a7: {  	v61 =	vld [tilespmem:$0x1FAC0];
	v8 =	vadd.f32 v29, v34;
	v9 =	vadd.f32 v20, v9;
	v6 =	vmax.f32 v6, $0.0e+00  }
0x3a8: {  	v45 =	vld [tilespmem:$0x1F880];
	v1 =	vadd.f32 v1, v2;
	v2 =	vmul.f32 v6, v35  }
0x3a9: {  	v12 =	vld [tilespmem:$0x1FCA0];
	v37 =	vadd.f32 v19, v7;
	v7 =	vadd.f32 v9, v38;
	v8 =	vmax.f32 v8, $0.0e+00  }
0x3aa: {  	v16 =	vld [tilespmem:$0x1FCB0];
	v1 =	vadd.f32 v1, v2;
	v2 =	vmul.f32 v8, v41  }
0x3ab: {  	v15 =	vld [tilespmem:$0x1FAE0];
	v9 =	vmul.f32 v4, v40;
	v6 =	vadd.f32 v37, v43;
	v7 =	vmax.f32 v7, $0.0e+00  }
0x3ac: {  	v17 =	vld [tilespmem:$0x1FAF0];
	v1 =	vadd.f32 v1, v2;
	v2 =	vmul.f32 v7, v46  }
0x3ad: {  	v23 =	vld [tilespmem:$0x1FB00];
	v44 =	vadd.f32 v18, v9;
	v9 =	vmul.f32 v4, v45;
	v6 =	vmax.f32 v6, $0.0e+00  }
0x3ae: {  	v24 =	vld [tilespmem:$0x1FCD0];
	v1 =	vadd.f32 v1, v2;
	v2 =	vmul.f32 v6, v50;
	v6 =	vmul.f32 v4, v53  }
0x3af: {  	v21 =	vld [tilespmem:$0x1FBE0];
	v8 =	vadd.f32 v44, v49  }
0x3b0: {  	v7 =	vmul.f32 v4, v48;
	v5 =	vadd.f32 v5, v9;
	v6 =	vadd.f32 v60, v6;
	v60 =	vld [tilespmem:$0x1FA80]  }
0x3b1: {  	v25 =	vld [tilespmem:$0x1FBF0]  }
0x3b2: {  	v0 =	vadd.f32 v0, v7;
	v5 =	vadd.f32 v5, v52;
	v54 =	vmax.f32 v8, $0.0e+00;
	v8 =	vld [tilespmem:$0x1FC90]  }
0x3b3: {  	v28 =	vld [tilespmem:$0x1FB10];
	v1 =	vadd.f32 v1, v2;
	v2 =	vmul.f32 v54, v55  }
0x3b4: {  	v31 =	vld [tilespmem:$0x1FC00];
	v7 =	vmul.f32 v4, v58;
	v0 =	vadd.f32 v0, v57;
	v5 =	vmax.f32 v5, $0.0e+00  }
0x3b5: {  	v29 =	vld [tilespmem:$0x1FCE0];
	v1 =	vadd.f32 v1, v2;
	v6 =	vadd.f32 v6, v63;
	v2 =	vmul.f32 v5, v60  }
0x3b6: {  	v32 =	vld [tilespmem:$0x1FCF0];
	v7 =	vadd.f32 v59, v7;
	v0 =	vmax.f32 v0, $0.0e+00;
	v5 =	vmul.f32 v4, v61  }
0x3b7: {  	v34 =	vld [tilespmem:$0x1FC10];
	v0 =	vmul.f32 v0, v8;
	v6 =	vmax.f32 v6, $0.0e+00;
	v1 =	vadd.f32 v1, v2  }
0x3b8: {  	v19 =	vld [tilespmem:$0x1FCC0];
	v9 =	vadd.f32 v51, v5;
	v5 =	vadd.f32 v7, v10;
	v7 =	vmul.f32 v4, v11  }
0x3b9: {  	v35 =	vld [tilespmem:$0x1FB30];
	v0 =	vadd.f32 v1, v0;
	v1 =	vmul.f32 v6, v12  }
0x3ba: {  	v38 =	vld [tilespmem:$0x1FE20];
	v14 =	vadd.f32 v42, v7;
	v7 =	vmul.f32 v4, v15  }
0x3bb: {  	v18 =	vld [tilespmem:$0x1FBD0];
	v5 =	vmax.f32 v5, $0.0e+00;
	v0 =	vadd.f32 v0, v1  }
0x3bc: {  	v40 =	vld [tilespmem:$0x1FD10];
	v1 =	vmul.f32 v5, v16;
	v5 =	vmul.f32 v4, v17;
	v7 =	vadd.f32 v39, v7  }
0x3bd: {  	v37 =	vld [tilespmem:$0x1FC20];
	v2 =	vadd.f32 v9, v13  }
0x3be: {  	v41 =	vld [tilespmem:$0x1FB50];
	v20 =	vadd.f32 v36, v5;
	v5 =	vadd.f32 v7, v21;
	v7 =	vmul.f32 v4, v23  }
0x3bf: {  	v43 =	vld [tilespmem:$0x1FDF0]  }
0x3c0: {  	v6 =	vadd.f32 v14, v18;
	v2 =	vmax.f32 v2, $0.0e+00;
	v27 =	vadd.f32 v30, v7;
	v30 =	vld [tilespmem:$0x1FB20]  }
0x3c1: {  	v45 =	vld [tilespmem:$0x1FDC0];
	v0 =	vadd.f32 v0, v1;
	v1 =	vmul.f32 v2, v19  }
0x3c2: {  	v44 =	vld [tilespmem:$0x1FD20];
	v6 =	vmax.f32 v6, $0.0e+00  }
0x3c3: {  	v46 =	vld [tilespmem:$0x1FC40];
	v0 =	vadd.f32 v0, v1;
	v1 =	vmul.f32 v6, v24  }
0x3c4: {  	v36 =	vld [tilespmem:$0x1FD00];
	v2 =	vadd.f32 v20, v25;
	v7 =	vmul.f32 v4, v28;
	v5 =	vmax.f32 v5, $0.0e+00  }
0x3c5: {  	v39 =	vld [tilespmem:$0x1FB40];
	v0 =	vadd.f32 v0, v1;
	v1 =	vmul.f32 v5, v29;
	v5 =	vmul.f32 v4, v30  }
0x3c6: {  	v48 =	vld [tilespmem:$0x1FB60];
	v6 =	vadd.f32 v27, v31;
	v7 =	vadd.f32 v26, v7;
	v2 =	vmax.f32 v2, $0.0e+00  }
0x3c7: {  	v42 =	vld [tilespmem:$0x1FC30];
	v0 =	vadd.f32 v0, v1;
	v1 =	vmul.f32 v2, v32;
	v33 =	vadd.f32 v22, v5  }
0x3c8: {  	v49 =	vld [tilespmem:$0x1FD30];
	v6 =	vmax.f32 v6, $0.0e+00;
	v5 =	vadd.f32 v7, v34;
	v7 =	vmul.f32 v4, v35  }
0x3c9: {  	v50 =	vld [tilespmem:$0x1FC50];
	v0 =	vadd.f32 v0, v1;
	v1 =	vmul.f32 v6, v36;
	v2 =	vadd.f32 v33, v37  }
0x3ca: {  	v52 =	vld [tilespmem:$0x1FB70];
	v6 =	vadd.f32 v38, v7;
	v7 =	vmul.f32 v4, v39;
	v5 =	vmax.f32 v5, $0.0e+00  }
0x3cb: {  	v53 =	vld [tilespmem:$0x1FD40];
	v0 =	vadd.f32 v0, v1;
	v1 =	vmul.f32 v5, v40;
	v5 =	vmul.f32 v4, v41  }
0x3cc: {  	v54 =	vld [tilespmem:$0x1FB80];
	v6 =	vadd.f32 v6, v42;
	v7 =	vadd.f32 v43, v7;
	v2 =	vmax.f32 v2, $0.0e+00  }
0x3cd: {  	v55 =	vld [tilespmem:$0x1FC60];
	v0 =	vadd.f32 v0, v1;
	v1 =	vmul.f32 v2, v44;
	v2 =	vadd.f32 v45, v5  }
0x3ce: {  	v57 =	vld [tilespmem:$0x1FD50];
	v5 =	vadd.f32 v7, v46;
	v7 =	vmul.f32 v4, v48;
	v6 =	vmax.f32 v6, $0.0e+00  }
0x3cf: {  	v58 =	vld [tilespmem:$0x1FC70];
	v0 =	vadd.f32 v0, v1;
	v1 =	vmul.f32 v6, v49;
	v2 =	vadd.f32 v2, v50  }
0x3d0: {  	v59 =	vld [tilespmem:$0x1FD60];
	v51 =	vadd.f32 v62, v7;
	v7 =	vmul.f32 v4, v52;
	v5 =	vmax.f32 v5, $0.0e+00  }
0x3d1: {  	v60 =	vld [tilespmem:$0x1FC80];
	v4 =	vmul.f32 v4, v54;
	v0 =	vadd.f32 v0, v1;
	v1 =	vmul.f32 v5, v53  }
0x3d2: {  	v61 =	vld [tilespmem:$0x1FD70];
	v2 =	vmax.f32 v2, $0.0e+00;
	v5 =	vadd.f32 v51, v55;
	v56 =	vadd.f32 v56, v7  }
0x3d3: {  	v0 =	vadd.f32 v0, v1;
	v1 =	vmul.f32 v2, v57  }
0x3d4: {  	v63 =	vld [tilespmem:$0x1FD80];
	v4 =	vadd.f32 v47, v4;
	v2 =	vadd.f32 v56, v58;
	v5 =	vmax.f32 v5, $0.0e+00  }
0x3d5: {  	v0 =	vadd.f32 v0, v1;
	v1 =	vmul.f32 v5, v59  }
0x3d6: {  	v4 =	vadd.f32 v4, v60;
	v2 =	vmax.f32 v2, $0.0e+00  }
0x3d7: {  	v0 =	vadd.f32 v0, v1;
	v1 =	vmul.f32 v2, v61  }
0x3d8: {  	v62 =	vmax.f32 v4, $0.0e+00  }
0x3d9: {  	v0 =	vadd.f32 v0, v1;
	v1 =	vmul.f32 v62, v63;
	_ =	sdelay $0x1  }
0x3da: {  	v0 =	vadd.f32 v0, v1;
	_ =	sdelay $0x1  }
0x3db: {  	v0 =	vmul.f32 v0, v3;
	_ =	sdelay $0x1  }
0x3dc: {  	[tilespmem:s7+$0x6300] =	vst v0  }
0x3dd: {  	[spmem:s26] =	stream.linear.scatter [tilespmem:s1], [sflag:$0x1], $0xC40, $0x38;
	[tilespmem:$0xA308] =	vst v63  }
0x3de: {  	_ =	swait.ge [sflag:s0], $0xC40  }
0x3df: {  	[sflag:s0] =	ssyncset.done $0x0  }
0x3e0: {  	s8 =	simm.s32 @!p1 $0x6300;
	s7 =	simm.s32 @!p1 $0x0;
	[sflag:s0] =	ssyncadd.s32 $0xFFFFF3C0  }
0x3e1: {  	[hbm4b:s25+s7] =	stream.linear.scatter @!p1 [tilespmem:s8], [sflag:$0x1], $0xC40, $0x38;
	[tilespmem:$0xA308] =	vst v63  }
0x3e2: {  	s7 =	simm.s32 @!p1 $0x1  }
0x3e3: {  	_ =	swait.ge @!p1 [sflag:s7], $0xC40  }
0x3e4: {  	[sflag:s7] =	ssyncset.done @!p1 $0x0  }
0x3e5: {  	s9 =	rddreg [dreg:$0x8];
	[sflag:s7] =	ssyncadd.s32 @!p1 $0xFFFFF3C0  }
0x3e6: {  	[tilespmem:s31], [sflag:$0x1] =	stream.linear.gather [hbm4b:s9+s5], $0xC80, $0x38;
	[tilespmem:$0xA308] =	vst v63  }
0x3e7: {  	_ =	swait.ge [sflag:s0], $0xC80  }
0x3e8: {  	[sflag:s0] =	ssyncset.done $0x0  }
0x3e9: {  	[sflag:s0] =	ssyncadd.s32 $0xFFFFF380  }
0x3ea: {  	[spmem:s28] =	stream.linear.scatter [tilespmem:s31], [sflag:$0x1], $0xC40, $0x38;
	[tilespmem:$0xA308] =	vst v63  }
0x3eb: {  	_ =	swait.ge [sflag:s0], $0xC40  }
0x3ec: {  	[sflag:s0] =	ssyncset.done $0x0  }
0x3ed: {  	s7 =	simm.s32 @!p0 $0x7C00;
	[sflag:s0] =	ssyncadd.s32 $0xFFFFF3C0  }
0x3ee: {  	[spmem:s30] =	stream.linear.scatter @!p0 [tilespmem:s7], [sflag:$0x1], $0x8, $0x38;
	[tilespmem:$0xA308] =	vst v63  }
0x3ef: {  	s7 =	simm.s32 @!p0 $0x1  }
0x3f0: {  	_ =	swait.ge @!p0 [sflag:s7], $0x8  }
0x3f1: {  	[sflag:s7] =	ssyncset.done @!p0 $0x0  }
0x3f2: {  	[sflag:s7] =	ssyncadd.s32 @!p0 $0xFFFFFFF8  }
0x3f3: {  	[bflag:$0x0] =	sbarrier.arrive $0xFFFF  }
0x3f4: {  	[tilespmem:s5], [sflag:$0x1] =	stream.linear.gather [hbm4b:s12+s5], $0x1880, $0x38;
	[tilespmem:$0xA308] =	vst v63  }
0x3f5: {  	_ =	swait.ge [sflag:s0], $0x1880  }
0x3f6: {  	[sflag:s0] =	ssyncset.done $0x0  }
0x3f7: {  	[sflag:s0] =	ssyncadd.s32 $0xFFFFE780  }
0x3f8: {  	[tilespmem:s2], [sflag:$0x1] =	stream.indirect.gather [spmem:s3], $0x1, s5, s2, $0xb8;
	[tilespmem:$0xA308] =	vst v63  }
0x3f9: {  	_ =	swait.ge [sflag:s0], $0x1880  }
0x3fa: {  	[sflag:s0] =	ssyncset.done $0x0  }
0x3fb: {  	[sflag:s0] =	ssyncadd.s32 $0xFFFFE780  }
0x3fc: {  	[tilespmem:s5], [sflag:$0x1] =	stream.linear.gather [hbm4b:s13+s5], $0x1880, $0x38;
	[tilespmem:$0xA308] =	vst v63  }
0x3fd: {  	_ =	swait.ge [sflag:s0], $0x1880  }
0x3fe: {  	[sflag:s0] =	ssyncset.done $0x0  }
0x3ff: {  	[sflag:s0] =	ssyncadd.s32 $0xFFFFE780  }
0x400: {  	[spmem:s4] =	stream.indirect.scatter.add.f32 [tilespmem:s2], [sflag:$0x1], $0x1, s5, s2, $0xb8;
	[tilespmem:$0xA308] =	vst v63  }
0x401: {  	_ =	swait.ge [sflag:s0], $0x1880  }
0x402: {  	[sflag:s0] =	ssyncset.done $0x0  }
0x403: {  	[sflag:s0] =	ssyncadd.s32 $0xFFFFE780  }
0x404: {  	[tilespmem:s5], [sflag:$0x1] =	stream.linear.gather [hbm4b:s14+s5], $0x1880, $0x38;
	[tilespmem:$0xA308] =	vst v63  }
0x405: {  	_ =	swait.ge [sflag:s0], $0x1880  }
0x406: {  	[sflag:s0] =	ssyncset.done $0x0  }
0x407: {  	[sflag:s0] =	ssyncadd.s32 $0xFFFFE780  }
0x408: {  	[tilespmem:s2], [sflag:$0x1] =	stream.indirect.gather [spmem:s3], $0x1, s5, s2, $0xb8;
	[tilespmem:$0xA308] =	vst v63  }
0x409: {  	_ =	swait.ge [sflag:s0], $0x1880  }
0x40a: {  	[sflag:s0] =	ssyncset.done $0x0  }
0x40b: {  	[sflag:s0] =	ssyncadd.s32 $0xFFFFE780  }
0x40c: {  	[tilespmem:s5], [sflag:$0x1] =	stream.linear.gather [hbm4b:s15+s5], $0x1880, $0x38;
	[tilespmem:$0xA308] =	vst v63  }
0x40d: {  	_ =	swait.ge [sflag:s0], $0x1880  }
0x40e: {  	[sflag:s0] =	ssyncset.done $0x0  }
0x40f: {  	[sflag:s0] =	ssyncadd.s32 $0xFFFFE780  }
0x410: {  	[spmem:s4] =	stream.indirect.scatter.add.f32 [tilespmem:s2], [sflag:$0x1], $0x1, s5, s2, $0xb8;
	[tilespmem:$0xA308] =	vst v63  }
0x411: {  	_ =	swait.ge [sflag:s0], $0x1880  }
0x412: {  	[sflag:s0] =	ssyncset.done $0x0  }
0x413: {  	[sflag:s0] =	ssyncadd.s32 $0xFFFFE780  }
0x414: {  	[tilespmem:s5], [sflag:$0x1] =	stream.linear.gather [hbm4b:s16+s5], $0x1880, $0x38;
	[tilespmem:$0xA308] =	vst v63  }
0x415: {  	_ =	swait.ge [sflag:s0], $0x1880  }
0x416: {  	[sflag:s0] =	ssyncset.done $0x0  }
0x417: {  	[sflag:s0] =	ssyncadd.s32 $0xFFFFE780  }
0x418: {  	[tilespmem:s2], [sflag:$0x1] =	stream.indirect.gather [spmem:s3], $0x1, s5, s2, $0xb8;
	[tilespmem:$0xA308] =	vst v63  }
0x419: {  	_ =	swait.ge [sflag:s0], $0x1880  }
0x41a: {  	[sflag:s0] =	ssyncset.done $0x0  }
0x41b: {  	[sflag:s0] =	ssyncadd.s32 $0xFFFFE780  }
0x41c: {  	[tilespmem:s5], [sflag:$0x1] =	stream.linear.gather [hbm4b:s17+s5], $0x1880, $0x38;
	[tilespmem:$0xA308] =	vst v63  }
0x41d: {  	_ =	swait.ge [sflag:s0], $0x1880  }
0x41e: {  	[sflag:s0] =	ssyncset.done $0x0  }
0x41f: {  	[sflag:s0] =	ssyncadd.s32 $0xFFFFE780  }
0x420: {  	[spmem:s4] =	stream.indirect.scatter.add.f32 [tilespmem:s2], [sflag:$0x1], $0x1, s5, s2, $0xb8;
	[tilespmem:$0xA308] =	vst v63  }
0x421: {  	_ =	swait.ge [sflag:s0], $0x1880  }
0x422: {  	[sflag:s0] =	ssyncset.done $0x0  }
0x423: {  	[sflag:s0] =	ssyncadd.s32 $0xFFFFE780  }
0x424: {  	[tilespmem:s5], [sflag:$0x1] =	stream.linear.gather [hbm4b:s18+s5], $0x1880, $0x38;
	[tilespmem:$0xA308] =	vst v63  }
0x425: {  	_ =	swait.ge [sflag:s0], $0x1880  }
0x426: {  	[sflag:s0] =	ssyncset.done $0x0  }
0x427: {  	[sflag:s0] =	ssyncadd.s32 $0xFFFFE780  }
0x428: {  	[tilespmem:s2], [sflag:$0x1] =	stream.indirect.gather [spmem:s3], $0x1, s5, s2, $0xb8;
	[tilespmem:$0xA308] =	vst v63  }
0x429: {  	_ =	swait.ge [sflag:s0], $0x1880  }
0x42a: {  	[sflag:s0] =	ssyncset.done $0x0  }
0x42b: {  	[sflag:s0] =	ssyncadd.s32 $0xFFFFE780  }
0x42c: {  	[tilespmem:s5], [sflag:$0x1] =	stream.linear.gather [hbm4b:s19+s5], $0x1880, $0x38;
	[tilespmem:$0xA308] =	vst v63  }
0x42d: {  	_ =	swait.ge [sflag:s0], $0x1880  }
0x42e: {  	[sflag:s0] =	ssyncset.done $0x0  }
0x42f: {  	[sflag:s0] =	ssyncadd.s32 $0xFFFFE780  }
0x430: {  	[spmem:s4] =	stream.indirect.scatter.add.f32 [tilespmem:s2], [sflag:$0x1], $0x1, s5, s2, $0xb8;
	[tilespmem:$0xA308] =	vst v63  }
0x431: {  	_ =	swait.ge [sflag:s0], $0x1880  }
0x432: {  	[sflag:s0] =	ssyncset.done $0x0  }
0x433: {  	[sflag:s0] =	ssyncadd.s32 $0xFFFFE780  }
0x434: {  	[bflag:$0x0] =	sbarrier.arrive $0xFFFF  }
0x435: {  	[tilespmem:s31], [sflag:$0x1] =	stream.linear.gather [spmem:s28], $0xC40, $0x38;
	[tilespmem:$0xA308] =	vst v63  }
0x436: {  	s6 =	sadd.s32 $0x1, s6;
	_ =	swait.ge [sflag:s0], $0xC40  }
0x437: {  	p2 =	sne.s32 s6, s29;
	[sflag:s0] =	ssyncset.done $0x0  }
.Ltmp1:
0x438: {  	[sflag:s0] =	ssyncadd.s32 $0xFFFFF3C0;
	(pc) =	sbr.rel @p2 .LBB2_1-.Ltmp1, $4  }
0x439: {  	[hbm4b:s22+s5] =	stream.linear.scatter [tilespmem:s31], [sflag:$0x1], $0xC40, $0x38;
	[tilespmem:$0xA308] =	vst v63  }
0x43a: {  	_ =	swait.ge [sflag:s0], $0xC40  }
0x43b: {  	[sflag:s0] =	ssyncset.done $0x0  }
0x43c: {  	[sflag:s0] =	ssyncadd.s32 $0xFFFFF3C0  }
0x43d: {  	_ =	sfence.sel $0x180000  }
0x43e: {  	[bflag:$0x0] =	sbarrier.arrive $0xFFFF  }
0x43f: {  	_ =	strace $0x90000050  }
0x440: {  	[bflag:$0x2] =	sbarrier.arrive $0xFFFF  }
0x441: {  	s0 =	rddreg [dreg:$0x5]  }
0x442: {  	s0 =	sadd.s32 @!p0 $0x100000, s0  }
0x443: {  	[sflag:s0] =	ssyncadd.tile.s32 @!p0 $0x1;
	_ =	shalt  }
.Lfunc_end2:
_tile_overlayer_lowered:
.L_overlay_start_2:
0x444: {  	(tag) =	ssettag $0x2  }
0x445: {  	s0 =	rddreg [dreg:$0x0];
	s2 =	stileid.u32  }
0x446: {  	s1 =	rddreg [dreg:$0x1];
	p0 =	sne.s32 s2, $0x0  }
0x447: {  	s3 =	rddreg [dreg:$0x2];
	[bflag:$0x3] =	sbarrier.arrive $0xFFFF;
	s2 =	simm.s32 @!p0 $0x1C01  }
0x448: {  	[timem:s3], [sflag:s2] =	dma.local @!p0 [hbm:s0], s1  }
0x449: {  	s0 =	simm.s32 @!p0 $0x1  }
0x44a: {  	_ =	swait.ge @!p0 [sflag:s0], s1  }
0x44b: {  	s1 =	ssub.s32 @!p0 $0x0, s1;
	[sflag:s0] =	ssyncset.done @!p0 $0x0  }
0x44c: {  	[sflag:s0] =	ssyncadd.s32 @!p0 s1  }
0x44d: {  	[bflag:$0x3] =	sbarrier.arrive $0xFFFF  }
0x44e: {  	_ =	shalt  }

// kernel: kernel.20.cloned.1.call-start
scs
__scs_entry_jumppad:
0x0: {  	(pc) =	sbr.rel $0x88, $3  }
0x1: {  	(tag) =	ssettag $0x0;
	lr =	simm.s32 $0x1  }
0x2: {  	[smem:$0x3F97] =	sst lr;
	_ =	strace $0xD0000000  }
0x3: {  	_ = 	snop  }
0x4: {  	_ = 	snop  }
0x5: {  	_ = 	snop  }
0x6: {  	_ = 	snop  }
0x7: {  	_ = 	snop  }
__scs_overlays_trampoline_lowered:
0x8: {  	[smem:$0x3FA6] =	sst s0  }
0x9: {  	[smem:$0x3FA7] =	sst s1  }
0xa: {  	[smem:$0x3FA8] =	sst s2  }
0xb: {  	[smem:$0x3FA9] =	sst s3  }
0xc: {  	[smem:$0x3FAA] =	sst s4  }
0xd: {  	[smem:$0x3FAB] =	sst s5  }
0xe: {  	[smem:$0x3FAC] =	sst s6  }
0xf: {  	[smem:$0x3FAD] =	sst s7  }
0x10: {  	[smem:$0x3FAE] =	sst s8  }
0x11: {  	[smem:$0x3FAF] =	sst s9;
	s0 =	simm.s32 @!p0 $0x0  }
0x12: {  	s1 =	sld [smem:$0x3F95];
	s0 =	simm.s32 @p0 $0x1  }
0x13: {  	[smem:$0x3FB0] =	sst s0;
	s0 =	simm.s32 @!p1 $0x0  }
0x14: {  	s2 =	sld [smem:$0x3F94];
	s0 =	simm.s32 @p1 $0x1  }
0x15: {  	[smem:$0x3FB1] =	sst s0;
	s0 =	simm.s32 @!p2 $0x0  }
0x16: {  	s3 =	sld [smem:$0x3FDB];
	s0 =	simm.s32 @p2 $0x1  }
0x17: {  	s4 =	simm.s32 $0x1BF5;
	[smem:$0x3FB3] =	sst s0  }
0x18: {  	s0 =	sld [smem:$0x3F96];
	_ =	swait.ge [sflag:s4], $0x0  }
0x19: {  	s7 =	sld [smem:$0x3F97]  }
0x1a: {  	s8 =	sadd.s32 $0xFFFFE003, lr  }
0x1b: {  	s9 =	sadd.s32 $0xFFFFFEF7, lr;
	s5 =	simm.s32 $0xFFFFFFFF;
	p2 =	slt.u32 s8, $0xFFFFF086  }
0x1c: {  	p1 =	slt.u32 s9, $0xF7A;
	s5 =	simm.s32 @!p2 $0x0  }
0x1d: {  	s5 =	simm.s32 @p1 $0x1;
	p0 =	seq.s32 s7, s2  }
0x1e: {  	s7 =	smul.u32 @!p0 $0xF7A, s2;
	p2 =	seq.s32 @!p0 s5, $0x0  }
0x1f: {  	s9 =	smul.u32 $0xF7A, s1;
	s8 =	simm.s32 @!p0 $0x1BF5;
	p2 =	por !p2, p0  }
0x20: {  	[sflag:s8] =	ssyncset.s32 @!p0 $0xFFFFF086;
	s6 =	sadd.s32 @!p0 s3, s7;
	s7 =	simm.s32 @!p0 $0x108  }
0x21: {  	s3 =	sadd.s32 s3, s9;
	s6 =	sadd.s32 @!p0 $0x88, s6;
	s7 =	simm.s32 @p2 $0x1082  }
0x22: {  	[simem:s7], [sflag:s8] =	dma.local @!p0 [hbm:s6], $0xF7A  }
0x23: {  	s9 =	sor.u32 $0xD0000000, s2;
	s6 =	simm.s32 $0x108;
	_ =	swait.ge @!p0 [sflag:s8], $0x0  }
0x24: {  	s3 =	sadd.s32 $0x88, s3;
	s6 =	simm.s32 @!p1 $0x1082;
	[sflag:s4] =	ssyncset.s32 $0xFFFFF086  }
0x25: {  	[simem:s6], [sflag:s4] =	dma.local [hbm:s3], $0xF7A  }
0x26: {  	[smem:$0x3F97] =	sst s1;
	(tag) =	ssettag s2;
	_ =	strace s9  }
0x27: {  	s1 =	sld [smem:$0x3FA7]  }
0x28: {  	s2 =	sld [smem:$0x3FA8]  }
0x29: {  	s4 =	sld [smem:$0x3FAA]  }
0x2a: {  	p0 =	seq.s32 s5, $0x0;
	s5 =	sld [smem:$0x3FAB]  }
0x2b: {  	s6 =	sld [smem:$0x3FAC]  }
0x2c: {  	s7 =	sld [smem:$0x3FAD]  }
0x2d: {  	s3 =	simm.s32 $0x108;
	s8 =	sld [smem:$0x3FAE]  }
0x2e: {  	s3 =	simm.s32 @!p0 $0x1082;
	s9 =	sld [smem:$0x3FAF]  }
0x2f: {  	lr =	sadd.s32 s0, s3;
	s0 =	sld [smem:$0x3FA6]  }
0x30: {  	s3 =	sld [smem:$0x3FA9]  }
0x31: {  	[smem:$0x3FB2] =	sst s10  }
0x32: {  	s10 =	sld [smem:$0x3FB0];
	_ =	sdelay $0x3  }
0x33: {  	p0 =	seq.s32 s10, $0x1;
	s10 =	sld [smem:$0x3FB2];
	_ =	sdelay $0x3  }
0x34: {  	[smem:$0x3FB2] =	sst s10  }
0x35: {  	s10 =	sld [smem:$0x3FB1];
	_ =	sdelay $0x3  }
0x36: {  	p1 =	seq.s32 s10, $0x1;
	s10 =	sld [smem:$0x3FB2];
	_ =	sdelay $0x3  }
0x37: {  	[smem:$0x3FB2] =	sst s10  }
0x38: {  	s10 =	sld [smem:$0x3FB3]  }
0x39: {  	_ = 	snop;
	(pc) =	sbr.ind lr, $3  }
0x3a: {  	_ = 	snop  }
0x3b: {  	_ = 	snop  }
0x3c: {  	p2 =	seq.s32 s10, $0x1;
	s10 =	sld [smem:$0x3FB2]  }
0x3d: {  	_ =	shalt  }
0x3e: {  	_ =	shalt  }
0x3f: {  	_ =	shalt  }
0x40: {  	_ =	shalt  }
0x41: {  	_ =	shalt  }
0x42: {  	_ =	shalt  }
0x43: {  	_ =	shalt  }
0x44: {  	_ =	shalt  }
0x45: {  	_ =	shalt  }
0x46: {  	_ =	shalt  }
0x47: {  	_ =	shalt  }
0x48: {  	_ =	shalt  }
0x49: {  	_ =	shalt  }
0x4a: {  	_ =	shalt  }
0x4b: {  	_ =	shalt  }
0x4c: {  	_ =	shalt  }
0x4d: {  	_ =	shalt  }
0x4e: {  	_ =	shalt  }
0x4f: {  	_ =	shalt  }
0x50: {  	_ =	shalt  }
0x51: {  	_ =	shalt  }
0x52: {  	_ =	shalt  }
0x53: {  	_ =	shalt  }
0x54: {  	_ =	shalt  }
0x55: {  	_ =	shalt  }
0x56: {  	_ =	shalt  }
0x57: {  	_ =	shalt  }
0x58: {  	_ =	shalt  }
0x59: {  	_ =	shalt  }
0x5a: {  	_ =	shalt  }
0x5b: {  	_ =	shalt  }
0x5c: {  	_ =	shalt  }
0x5d: {  	_ =	shalt  }
0x5e: {  	_ =	shalt  }
0x5f: {  	_ =	shalt  }
0x60: {  	_ =	shalt  }
0x61: {  	_ =	shalt  }
0x62: {  	_ =	shalt  }
0x63: {  	_ =	shalt  }
0x64: {  	_ =	shalt  }
0x65: {  	_ =	shalt  }
0x66: {  	_ =	shalt  }
0x67: {  	_ =	shalt  }
0x68: {  	_ =	shalt  }
0x69: {  	_ =	shalt  }
0x6a: {  	_ =	shalt  }
0x6b: {  	_ =	shalt  }
0x6c: {  	_ =	shalt  }
0x6d: {  	_ =	shalt  }
0x6e: {  	_ =	shalt  }
0x6f: {  	_ =	shalt  }
0x70: {  	_ =	shalt  }
0x71: {  	_ =	shalt  }
0x72: {  	_ =	shalt  }
0x73: {  	_ =	shalt  }
0x74: {  	_ =	shalt  }
0x75: {  	_ =	shalt  }
0x76: {  	_ =	shalt  }
0x77: {  	_ =	shalt  }
0x78: {  	_ =	shalt  }
0x79: {  	_ =	shalt  }
0x7a: {  	_ =	shalt  }
0x7b: {  	_ =	shalt  }
0x7c: {  	_ =	shalt  }
0x7d: {  	_ =	shalt  }
0x7e: {  	_ =	shalt  }
0x7f: {  	_ =	shalt  }
0x80: {  	_ =	shalt  }
0x81: {  	_ =	shalt  }
0x82: {  	_ =	shalt  }
0x83: {  	_ =	shalt  }
0x84: {  	_ =	shalt  }
0x85: {  	_ =	shalt  }
0x86: {  	_ =	shalt  }
0x87: {  	_ =	shalt  }
.Lfunc_end0:
.L_simem_size_0:
called_computation.4_lowered:
.L_overlay_start_0:
0x88: {  	s2 =	sld [smem:$0x3FD9]  }
0x89: {  	s3 =	sld [smem:$0x3FFE];
	_ =	sdelay $0x1  }
0x8a: {  	s1 =	srdreg.scid  }
0x8b: {  	s0 =	sand.u32 $0x1, s1  }
0x8c: {  	s16 =	sshll.u32 s0, $0xA;
	s2 =	sadd.s32 s3, s2  }
0x8d: {  	s2 =	sadd.s32 s2, s16  }
0x8e: {  	[smem:$0x3FBE] =	sst s2  }
0x8f: {  	_ = 	snop  }
0x90: {  	(tm) =	ssettm $0x1  }
0x91: {  	s17 =	sld [smem:$0x3FFB];
	_ =	sdelay $0x3  }
0x92: {  	_ =	strace s17  }
0x93: {  	s2 =	sld [smem:$0x3FFC];
	_ =	sdelay $0x3  }
0x94: {  	_ =	strace s2  }
0x95: {  	s2 =	sld [smem:$0x3FFD];
	_ =	sdelay $0x3  }
0x96: {  	_ =	strace s2  }
0x97: {  	_ =	strace $0x8FFFFFFF  }
0x98: {  	s18 =	sld [smem:$0x3FDB];
	_ =	sdelay $0x1  }
0x99: {  	s19 =	simm.s32 $_scs_section_size  }
0x9a: {  	s4 =	simm.s32 $_size__tile_overlayer_lowered;
	s5 =	simm.s32 $_tile_overlayer_lowered  }
0x9b: {  	s22 =	simm.s32 $0x1BFF;
	s21 =	sshll.u32 s5, $0x1;
	s2 =	sadd.s32 s19, s18  }
0x9c: {  	s6 =	simm.s32 $0x0;
	s20 =	sshll.u32 s4, $0x1;
	s4 =	sadd.s32 s21, s2  }
0x9d: {  	[timem:s6], [sflag:s22] =	dma.local [hbm:s4], s20  }
0x9e: {  	_ =	swait.ge [sflag:s22], s20  }
0x9f: {  	s3 =	ssub.s32 $0x0, s20;
	[sflag:s22] =	ssyncset.done $0x0  }
0xa0: {  	[sflag:s22] =	ssyncadd.s32 s3;
	_ =	sdelay $0x1  }
0xa1: {  	s23 =	simm.s32 $0x1B8B  }
0xa2: {  	_ =	swait.ge [sflag:s23], $0x1  }
0xa3: {  	[sflag:s23] =	ssyncset.done $0x0  }
0xa4: {  	s25 =	simm.s32 $0x1B8E;
	s24 =	sld [smem:$0x3FFE];
	[sflag:s23] =	ssyncadd.s32 $0xFFFFFFFF  }
0xa5: {  	s26 =	simm.s32 $execute0_lowered;
	[smem:$0x3FD2] =	sst s25  }
0xa6: {  	s4 =	sshll.u32 s26, $0x1;
	_ =	strace $0x80000052;
	[dreg:$0x1] =	wrdreg $0xFFFFFFFF  }
0xa7: {  	s28 =	simm.s32 $_size_execute0_lowered;
	s2 =	sadd.s32 s2, s4;
	[dreg:$0x0] =	wrdreg $0x0  }
0xa8: {  	s4 =	sshll.u32 s28, $0x1;
	[dreg:$0x2] =	wrdreg s2  }
0xa9: {  	[dreg:$0x3] =	wrdreg s4  }
0xaa: {  	[dreg:$0x4] =	wrdreg $0xC0  }
0xab: {  	_ =	task [dreg:s6], $0x5FFFF  }
0xac: {  	[dreg:$0x1] =	wrdreg $0xFFFFFFFF  }
0xad: {  	[dreg:$0x0] =	wrdreg $0x60  }
0xae: {  	[dreg:$0x2] =	wrdreg s24  }
0xaf: {  	[dreg:$0x3] =	wrdreg $0x4B000  }
0xb0: {  	[dreg:$0x4] =	wrdreg $0x4B280  }
0xb1: {  	[dreg:$0x5] =	wrdreg $0x9  }
0xb2: {  	_ =	task.clear_ibuf [dreg:s6], $0x6FFFF;
	_ =	strace $0x90000052  }
0xb3: {  	s29 =	simm.s32 $0x9;
	_ =	strace $0x80000054  }
0xb4: {  	_ =	swait.ge [sflag:s29], $0x1  }
0xb5: {  	[sflag:s29] =	ssyncadd.s32 $0xFFFFFFFF  }
0xb6: {  	_ =	strace $0x90000054  }
0xb7: {  	_ =	sfence  }
0xb8: {  	s30 =	sld [smem:$0x0];
	_ =	sdelay $0x2  }
0xb9: {  	s31 =	sshll.u32 s1, $0xD;
	s1 =	sshrl.u32 s1, $0x2  }
0xba: {  	s3 =	sand.u32 $0x4000, s31;
	s1 =	sadd.s32 s1, s30  }
0xbb: {  	s0 =	sor.u32 s3, s0;
	s1 =	sshll.u32 s1, $0x11  }
0xbc: {  	s0 =	sor.u32 s1, s0  }
0xbd: {  	s0 =	sadd.s32 $0x8F2B, s0  }
0xbe: {  	[sflag:s0] =	ssyncadd.remote.s32 $0x1  }
0xbf: {  	_ =	sfence.sel $0xFFFF  }
0xc0: {  	[dreg:$0x0] =	wrdreg $0xFFFFFFFF;
	(pc) =	sbr.abs _section_cstart, $3  }
0xc1: {  	[dreg:$0x1] =	wrdreg $0xFFFFFFFF  }
0xc2: {  	_ =	task.clear_ibuf [dreg:s6], $0x2FFFF;
	_ =	strace $0x9FFFFFFF  }
0xc3: {  	(tm) =	ssettm $0x7FFFFFFF  }
tec
execute0_lowered:
.L_overlay_start_1:
0x0: {  	(tag) =	ssettag $0x1  }
0x1: {  	s8 =	rddreg [dreg:$0x0]  }
0x2: {  	s1 =	rddreg [dreg:$0x1]  }
0x3: {  	s2 =	rddreg [dreg:$0x2]  }
0x4: {  	s14 =	stileid.u32;
	s0 =	rddreg [dreg:$0x3];
	s3 =	simm.s32 $0x0  }
0x5: {  	s5 =	srdreg.scid;
	s18 =	simm.s32 $0x3E80;
	s19 =	simm.s32 $0xC40  }
0x6: {  	s20 =	simm.s32 $0xC80;
	s21 =	simm.s32 $0x0;
	s4 =	smul.u32 $0x188, s14  }
0x7: {  	[smem:$0x7FF] =	sst s3;
	s13 =	sand.u32 $0x1, s5;
	s5 =	sadd.s32 $0x1B200, s8  }
0x8: {  	s6 =	sadd.s32 $0x3F800, s8;
	s15 =	sadd.s32 $0x3FA00, s8;
	s7 =	sadd.s32 $0x3FC00, s8  }
0x9: {  	s16 =	sadd.s32 $0x3FE00, s8;
	_ =	strace $0x80000053;
	s9 =	ssub.s32 $0x2, s13  }
0xa: {  	p0 =	seq.s32 s13, $0x1;
	s12 =	sadd.s32 s4, s8;
	s4 =	sadd.s32 $0x3F600, s8  }
0xb: {  	s10 =	sshrl.u32 s9, $0x1;
	s6 =	smov.u32 @p0 s15;
	s7 =	smov.u32 @p0 s16  }
0xc: {  	p0 =	sne.s32 s14, $0x0;
	s14 =	simm.s32 $0x1900;
	s15 =	simm.s32 $0x1  }
0xd: {  	s16 =	simm.s32 $0x2580;
	s17 =	ssub.s32 s9, s10;
	s8 =	sadd.s32 $0x38E00, s12  }
0xe: {  	s9 =	sadd.s32 $0x3A800, s12;
	s10 =	sadd.s32 $0x3C200, s12;
	s11 =	sadd.s32 $0x3DC00, s12  }
0xf: {  	s12 =	sadd.s32 $0x44400, s12;
	s13 =	smax.u32 s17, $0x1;
	s17 =	simm.s32 $0x3200  }
.LBB2_1:
0x10: {  	s22 =	simm.s32 @!p0 $0x0;
	s23 =	simm.s32 @!p0 $0xC80  }
0x11: {  	[tilespmem:s23], [sflag:$0x1] =	stream.linear.gather @!p0 [hbm4b:s5+s22], $0x210, $0x38;
	[tilespmem:$0x4B50] =	vst v63  }
0x12: {  	s22 =	simm.s32 @!p0 $0x1  }
0x13: {  	_ =	swait.ge @!p0 [sflag:s22], $0x210  }
0x14: {  	[sflag:s22] =	ssyncset.done @!p0 $0x0  }
0x15: {  	[sflag:s22] =	ssyncadd.s32 @!p0 $0xFFFFFDF0  }
0x16: {  	[spmem:s1] =	stream.linear.scatter @!p0 [tilespmem:s23], [sflag:$0x1], $0x210, $0x38;
	[tilespmem:$0x4B50] =	vst v63  }
0x17: {  	_ =	swait.ge @!p0 [sflag:s22], $0x210  }
0x18: {  	[sflag:s22] =	ssyncset.done @!p0 $0x0  }
0x19: {  	[sflag:s22] =	ssyncadd.s32 @!p0 $0xFFFFFDF0  }
0x1a: {  	[spmem:s2] =	stream.linear.scatter @!p0 [tilespmem:s23], [sflag:$0x1], $0x210, $0x38;
	[tilespmem:$0x4B50] =	vst v63  }
0x1b: {  	_ =	swait.ge @!p0 [sflag:s22], $0x210  }
0x1c: {  	[sflag:s22] =	ssyncset.done @!p0 $0x0  }
0x1d: {  	[sflag:s22] =	ssyncadd.s32 @!p0 $0xFFFFFDF0  }
0x1e: {  	[tilespmem:s14], [sflag:$0x1] =	stream.linear.gather [hbm4b:s8+s3], $0xC40, $0x38;
	[tilespmem:$0x4B50] =	vst v63  }
0x1f: {  	_ =	swait.ge [sflag:s15], $0xC40  }
0x20: {  	[sflag:s15] =	ssyncset.done $0x0  }
0x21: {  	[sflag:s15] =	ssyncadd.s32 $0xFFFFF3C0  }
0x22: {  	[tilespmem:s16], [sflag:$0x1] =	stream.linear.gather [hbm4b:s9+s3], $0xC40, $0x38;
	[tilespmem:$0x4B50] =	vst v63  }
0x23: {  	_ =	swait.ge [sflag:s15], $0xC40  }
0x24: {  	[sflag:s15] =	ssyncset.done $0x0  }
0x25: {  	[sflag:s15] =	ssyncadd.s32 $0xFFFFF3C0  }
0x26: {  	[tilespmem:s17], [sflag:$0x1] =	stream.linear.gather [hbm4b:s10+s3], $0xC40, $0x38;
	[tilespmem:$0x4B50] =	vst v63  }
0x27: {  	_ =	swait.ge [sflag:s15], $0xC40  }
0x28: {  	[sflag:s15] =	ssyncset.done $0x0  }
0x29: {  	[sflag:s15] =	ssyncadd.s32 $0xFFFFF3C0  }
0x2a: {  	[tilespmem:s18], [sflag:$0x1] =	stream.linear.gather [hbm4b:s11+s3], $0xC40, $0x38;
	[tilespmem:$0x4B50] =	vst v63  }
0x2b: {  	_ =	swait.ge [sflag:s15], $0xC40  }
0x2c: {  	[sflag:s15] =	ssyncset.done $0x0  }
0x2d: {  	[sflag:s15] =	ssyncadd.s32 $0xFFFFF3C0  }
0x2e: {  	[tilespmem:s3], [sflag:$0x1] =	stream.linear.gather [hbm4b:s12+s3], $0xC40, $0x38;
	[tilespmem:$0x4B50] =	vst v63  }
0x2f: {  	_ =	swait.ge [sflag:s15], $0xC40  }
0x30: {  	[sflag:s15] =	ssyncset.done $0x0  }
0x31: {  	s22 =	simm.s32 $0x0;
	[sflag:s15] =	ssyncadd.s32 $0xFFFFF3C0  }
0x32: {  	v0 =	vld [tilespmem:s22+$0x1900]  }
0x33: {  	v1 =	vld [tilespmem:s22+$0x2580];
	_ =	sdelay $0x1  }
0x34: {  	v2 =	vld [tilespmem:s22+$0x3200];
	_ =	sdelay $0x2  }
0x35: {  	s23 =	simm.s32 $0x10;
	v3 =	vld [tilespmem:s22+$0x3E80];
	v1 =	vadd.f32 v1, v0  }
0x36: {  	v0 =	vld [tilespmem:s23+$0x1900]  }
0x37: {  	v4 =	vadd.f32 v2, v1;
	v2 =	vld [tilespmem:s23+$0x2580];
	_ =	sdelay $0x1  }
0x38: {  	v1 =	vld [tilespmem:s23+$0x3200]  }
0x39: {  	s24 =	simm.s32 $0x80;
	v3 =	vmul.f32 v4, v3  }
.LBB2_2:
0x3a: {  	s25 =	sshra.s32 s24, $0x2;
	v4 =	vld [tilespmem:s23+$0x3E80];
	p1 =	sne.s32 s24, $0x30C0  }
.Ltmp0:
0x3b: {  	s24 =	sadd.s32 $0x40, s24;
	v5 =	vadd.f32 v2, v0;
	v0 =	vld [tilespmem:s25+$0x1900];
	[tilespmem:s22+$0xC80] =	vst v3;
	(pc) =	sbr.rel @p1 .LBB2_2-.Ltmp0, $4  }
0x3c: {  	s22 =	smov.u32 s23;
	s23 =	smov.u32 s25;
	v2 =	vld [tilespmem:s25+$0x2580]  }
0x3d: {  	v3 =	vadd.f32 v1, v5  }
0x3e: {  	v1 =	vld [tilespmem:s23+$0x3200]  }
0x3f: {  	v3 =	vmul.f32 v3, v4  }
0x40: {  	v4 =	vld [tilespmem:s23+$0x3E80]  }
0x41: {  	v0 =	vadd.f32 v2, v0;
	_ =	sdelay $0x1  }
0x42: {  	v0 =	vadd.f32 v1, v0;
	_ =	sdelay $0x1  }
0x43: {  	v0 =	vmul.f32 v0, v4  }
0x44: {  	[tilespmem:s22+$0xC80] =	vst v3  }
0x45: {  	[tilespmem:s23+$0xC80] =	vst v0  }
0x46: {  	[bflag:$0x0] =	sbarrier.arrive $0xFFFF  }
0x47: {  	[spmem:s1] =	stream.indirect.scatter.add.f32 [tilespmem:s20], [sflag:$0x1], $0x1, s3, s19, $0xb8;
	[tilespmem:$0x4B50] =	vst v63  }
0x48: {  	_ =	swait.ge [sflag:s15], $0xC40  }
0x49: {  	[sflag:s15] =	ssyncset.done $0x0  }
0x4a: {  	[sflag:s15] =	ssyncadd.s32 $0xFFFFF3C0  }
0x4b: {  	[tilespmem:s20], [sflag:$0x1] =	stream.linear.gather [hbm4b:s4+s3], $0xC80, $0x38;
	[tilespmem:$0x4B50] =	vst v63  }
0x4c: {  	_ =	swait.ge [sflag:s15], $0xC80  }
0x4d: {  	[sflag:s15] =	ssyncset.done $0x0  }
0x4e: {  	[sflag:s15] =	ssyncadd.s32 $0xFFFFF380  }
0x4f: {  	[spmem:s2] =	stream.indirect.scatter.add.f32 [tilespmem:s20], [sflag:$0x1], $0x1, s3, s19, $0xb8;
	[tilespmem:$0x4B50] =	vst v63  }
0x50: {  	_ =	swait.ge [sflag:s15], $0xC40  }
0x51: {  	[sflag:s15] =	ssyncset.done $0x0  }
0x52: {  	[sflag:s15] =	ssyncadd.s32 $0xFFFFF3C0  }
0x53: {  	s22 =	simm.s32 @!p0 $0x1900;
	s23 =	simm.s32 @!p0 $0x1;
	[bflag:$0x0] =	sbarrier.arrive $0xFFFF  }
0x54: {  	[tilespmem:s22], [sflag:$0x1] =	stream.linear.gather @!p0 [spmem:s1], $0x200, $0x38;
	[tilespmem:$0x4B50] =	vst v63  }
0x55: {  	_ =	swait.ge @!p0 [sflag:s23], $0x200  }
0x56: {  	[sflag:s23] =	ssyncset.done @!p0 $0x0  }
0x57: {  	s24 =	simm.s32 @!p0 $0x2580;
	[sflag:s23] =	ssyncadd.s32 @!p0 $0xFFFFFE00  }
0x58: {  	[tilespmem:s24], [sflag:$0x1] =	stream.linear.gather @!p0 [spmem:s2], $0x200, $0x38;
	[tilespmem:$0x4B50] =	vst v63  }
0x59: {  	_ =	swait.ge @!p0 [sflag:s23], $0x200  }
0x5a: {  	[sflag:s23] =	ssyncset.done @!p0 $0x0  }
0x5b: {  	s25 =	simm.s32 @!p0 $0x0;
	[sflag:s23] =	ssyncadd.s32 @!p0 $0xFFFFFE00  }
0x5c: {  	[hbm4b:s6+s25] =	stream.linear.scatter @!p0 [tilespmem:s22], [sflag:$0x1], $0x200, $0x38;
	[tilespmem:$0x4B50] =	vst v63  }
0x5d: {  	s21 =	sadd.s32 $0x1, s21;
	_ =	swait.ge @!p0 [sflag:s23], $0x200  }
0x5e: {  	p1 =	sne.s32 s21, s13;
	[sflag:s23] =	ssyncset.done @!p0 $0x0  }
.Ltmp1:
0x5f: {  	[sflag:s23] =	ssyncadd.s32 @!p0 $0xFFFFFE00;
	(pc) =	sbr.rel @p1 .LBB2_1-.Ltmp1, $4  }
0x60: {  	[hbm4b:s7+s25] =	stream.linear.scatter @!p0 [tilespmem:s24], [sflag:$0x1], $0x200, $0x38;
	[tilespmem:$0x4B50] =	vst v63  }
0x61: {  	_ =	swait.ge @!p0 [sflag:s23], $0x200  }
0x62: {  	[sflag:s23] =	ssyncset.done @!p0 $0x0  }
0x63: {  	[sflag:s23] =	ssyncadd.s32 @!p0 $0xFFFFFE00  }
0x64: {  	_ =	sfence.sel $0x180000  }
0x65: {  	[bflag:$0x0] =	sbarrier.arrive $0xFFFF  }
0x66: {  	_ =	strace $0x90000053  }
0x67: {  	s0 =	sadd.s32 @!p0 $0x100000, s0;
	[bflag:$0x2] =	sbarrier.arrive $0xFFFF  }
0x68: {  	[sflag:s0] =	ssyncadd.tile.s32 @!p0 $0x1;
	_ =	shalt  }
.Lfunc_end2:
_tile_overlayer_lowered:
.L_overlay_start_2:
0x69: {  	(tag) =	ssettag $0x2  }
0x6a: {  	s0 =	rddreg [dreg:$0x0];
	s2 =	stileid.u32  }
0x6b: {  	s1 =	rddreg [dreg:$0x1];
	p0 =	sne.s32 s2, $0x0  }
0x6c: {  	s3 =	rddreg [dreg:$0x2];
	[bflag:$0x3] =	sbarrier.arrive $0xFFFF;
	s2 =	simm.s32 @!p0 $0x1C01  }
0x6d: {  	[timem:s3], [sflag:s2] =	dma.local @!p0 [hbm:s0], s1  }
0x6e: {  	s0 =	simm.s32 @!p0 $0x1  }
0x6f: {  	_ =	swait.ge @!p0 [sflag:s0], s1  }
0x70: {  	s1 =	ssub.s32 @!p0 $0x0, s1;
	[sflag:s0] =	ssyncset.done @!p0 $0x0  }
0x71: {  	[sflag:s0] =	ssyncadd.s32 @!p0 s1  }
0x72: {  	[bflag:$0x3] =	sbarrier.arrive $0xFFFF  }
0x73: {  	_ =	shalt  }

// kernel: kernel.23.cloned.1.call-start
scs
__scs_entry_jumppad:
0x0: {  	(pc) =	sbr.rel $0x88, $3  }
0x1: {  	(tag) =	ssettag $0x0;
	lr =	simm.s32 $0x1  }
0x2: {  	[smem:$0x3F97] =	sst lr;
	_ =	strace $0xD0000000  }
0x3: {  	_ = 	snop  }
0x4: {  	_ = 	snop  }
0x5: {  	_ = 	snop  }
0x6: {  	_ = 	snop  }
0x7: {  	_ = 	snop  }
__scs_overlays_trampoline_lowered:
0x8: {  	[smem:$0x3FA6] =	sst s0  }
0x9: {  	[smem:$0x3FA7] =	sst s1  }
0xa: {  	[smem:$0x3FA8] =	sst s2  }
0xb: {  	[smem:$0x3FA9] =	sst s3  }
0xc: {  	[smem:$0x3FAA] =	sst s4  }
0xd: {  	[smem:$0x3FAB] =	sst s5  }
0xe: {  	[smem:$0x3FAC] =	sst s6  }
0xf: {  	[smem:$0x3FAD] =	sst s7  }
0x10: {  	[smem:$0x3FAE] =	sst s8  }
0x11: {  	[smem:$0x3FAF] =	sst s9;
	s0 =	simm.s32 @!p0 $0x0  }
0x12: {  	s1 =	sld [smem:$0x3F95];
	s0 =	simm.s32 @p0 $0x1  }
0x13: {  	[smem:$0x3FB0] =	sst s0;
	s0 =	simm.s32 @!p1 $0x0  }
0x14: {  	s2 =	sld [smem:$0x3F94];
	s0 =	simm.s32 @p1 $0x1  }
0x15: {  	[smem:$0x3FB1] =	sst s0;
	s0 =	simm.s32 @!p2 $0x0  }
0x16: {  	s3 =	sld [smem:$0x3FDB];
	s0 =	simm.s32 @p2 $0x1  }
0x17: {  	s4 =	simm.s32 $0x1BF5;
	[smem:$0x3FB3] =	sst s0  }
0x18: {  	s0 =	sld [smem:$0x3F96];
	_ =	swait.ge [sflag:s4], $0x0  }
0x19: {  	s7 =	sld [smem:$0x3F97]  }
0x1a: {  	s8 =	sadd.s32 $0xFFFFE003, lr  }
0x1b: {  	s9 =	sadd.s32 $0xFFFFFEF7, lr;
	s5 =	simm.s32 $0xFFFFFFFF;
	p2 =	slt.u32 s8, $0xFFFFF086  }
0x1c: {  	p1 =	slt.u32 s9, $0xF7A;
	s5 =	simm.s32 @!p2 $0x0  }
0x1d: {  	s5 =	simm.s32 @p1 $0x1;
	p0 =	seq.s32 s7, s2  }
0x1e: {  	s7 =	smul.u32 @!p0 $0xF7A, s2;
	p2 =	seq.s32 @!p0 s5, $0x0  }
0x1f: {  	s9 =	smul.u32 $0xF7A, s1;
	s8 =	simm.s32 @!p0 $0x1BF5;
	p2 =	por !p2, p0  }
0x20: {  	[sflag:s8] =	ssyncset.s32 @!p0 $0xFFFFF086;
	s6 =	sadd.s32 @!p0 s3, s7;
	s7 =	simm.s32 @!p0 $0x108  }
0x21: {  	s3 =	sadd.s32 s3, s9;
	s6 =	sadd.s32 @!p0 $0x88, s6;
	s7 =	simm.s32 @p2 $0x1082  }
0x22: {  	[simem:s7], [sflag:s8] =	dma.local @!p0 [hbm:s6], $0xF7A  }
0x23: {  	s9 =	sor.u32 $0xD0000000, s2;
	s6 =	simm.s32 $0x108;
	_ =	swait.ge @!p0 [sflag:s8], $0x0  }
0x24: {  	s3 =	sadd.s32 $0x88, s3;
	s6 =	simm.s32 @!p1 $0x1082;
	[sflag:s4] =	ssyncset.s32 $0xFFFFF086  }
0x25: {  	[simem:s6], [sflag:s4] =	dma.local [hbm:s3], $0xF7A  }
0x26: {  	[smem:$0x3F97] =	sst s1;
	(tag) =	ssettag s2;
	_ =	strace s9  }
0x27: {  	s1 =	sld [smem:$0x3FA7]  }
0x28: {  	s2 =	sld [smem:$0x3FA8]  }
0x29: {  	s4 =	sld [smem:$0x3FAA]  }
0x2a: {  	p0 =	seq.s32 s5, $0x0;
	s5 =	sld [smem:$0x3FAB]  }
0x2b: {  	s6 =	sld [smem:$0x3FAC]  }
0x2c: {  	s7 =	sld [smem:$0x3FAD]  }
0x2d: {  	s3 =	simm.s32 $0x108;
	s8 =	sld [smem:$0x3FAE]  }
0x2e: {  	s3 =	simm.s32 @!p0 $0x1082;
	s9 =	sld [smem:$0x3FAF]  }
0x2f: {  	lr =	sadd.s32 s0, s3;
	s0 =	sld [smem:$0x3FA6]  }
0x30: {  	s3 =	sld [smem:$0x3FA9]  }
0x31: {  	[smem:$0x3FB2] =	sst s10  }
0x32: {  	s10 =	sld [smem:$0x3FB0];
	_ =	sdelay $0x3  }
0x33: {  	p0 =	seq.s32 s10, $0x1;
	s10 =	sld [smem:$0x3FB2];
	_ =	sdelay $0x3  }
0x34: {  	[smem:$0x3FB2] =	sst s10  }
0x35: {  	s10 =	sld [smem:$0x3FB1];
	_ =	sdelay $0x3  }
0x36: {  	p1 =	seq.s32 s10, $0x1;
	s10 =	sld [smem:$0x3FB2];
	_ =	sdelay $0x3  }
0x37: {  	[smem:$0x3FB2] =	sst s10  }
0x38: {  	s10 =	sld [smem:$0x3FB3]  }
0x39: {  	_ = 	snop;
	(pc) =	sbr.ind lr, $3  }
0x3a: {  	_ = 	snop  }
0x3b: {  	_ = 	snop  }
0x3c: {  	p2 =	seq.s32 s10, $0x1;
	s10 =	sld [smem:$0x3FB2]  }
0x3d: {  	_ =	shalt  }
0x3e: {  	_ =	shalt  }
0x3f: {  	_ =	shalt  }
0x40: {  	_ =	shalt  }
0x41: {  	_ =	shalt  }
0x42: {  	_ =	shalt  }
0x43: {  	_ =	shalt  }
0x44: {  	_ =	shalt  }
0x45: {  	_ =	shalt  }
0x46: {  	_ =	shalt  }
0x47: {  	_ =	shalt  }
0x48: {  	_ =	shalt  }
0x49: {  	_ =	shalt  }
0x4a: {  	_ =	shalt  }
0x4b: {  	_ =	shalt  }
0x4c: {  	_ =	shalt  }
0x4d: {  	_ =	shalt  }
0x4e: {  	_ =	shalt  }
0x4f: {  	_ =	shalt  }
0x50: {  	_ =	shalt  }
0x51: {  	_ =	shalt  }
0x52: {  	_ =	shalt  }
0x53: {  	_ =	shalt  }
0x54: {  	_ =	shalt  }
0x55: {  	_ =	shalt  }
0x56: {  	_ =	shalt  }
0x57: {  	_ =	shalt  }
0x58: {  	_ =	shalt  }
0x59: {  	_ =	shalt  }
0x5a: {  	_ =	shalt  }
0x5b: {  	_ =	shalt  }
0x5c: {  	_ =	shalt  }
0x5d: {  	_ =	shalt  }
0x5e: {  	_ =	shalt  }
0x5f: {  	_ =	shalt  }
0x60: {  	_ =	shalt  }
0x61: {  	_ =	shalt  }
0x62: {  	_ =	shalt  }
0x63: {  	_ =	shalt  }
0x64: {  	_ =	shalt  }
0x65: {  	_ =	shalt  }
0x66: {  	_ =	shalt  }
0x67: {  	_ =	shalt  }
0x68: {  	_ =	shalt  }
0x69: {  	_ =	shalt  }
0x6a: {  	_ =	shalt  }
0x6b: {  	_ =	shalt  }
0x6c: {  	_ =	shalt  }
0x6d: {  	_ =	shalt  }
0x6e: {  	_ =	shalt  }
0x6f: {  	_ =	shalt  }
0x70: {  	_ =	shalt  }
0x71: {  	_ =	shalt  }
0x72: {  	_ =	shalt  }
0x73: {  	_ =	shalt  }
0x74: {  	_ =	shalt  }
0x75: {  	_ =	shalt  }
0x76: {  	_ =	shalt  }
0x77: {  	_ =	shalt  }
0x78: {  	_ =	shalt  }
0x79: {  	_ =	shalt  }
0x7a: {  	_ =	shalt  }
0x7b: {  	_ =	shalt  }
0x7c: {  	_ =	shalt  }
0x7d: {  	_ =	shalt  }
0x7e: {  	_ =	shalt  }
0x7f: {  	_ =	shalt  }
0x80: {  	_ =	shalt  }
0x81: {  	_ =	shalt  }
0x82: {  	_ =	shalt  }
0x83: {  	_ =	shalt  }
0x84: {  	_ =	shalt  }
0x85: {  	_ =	shalt  }
0x86: {  	_ =	shalt  }
0x87: {  	_ =	shalt  }
.Lfunc_end0:
.L_simem_size_0:
called_computation.5_lowered:
.L_overlay_start_0:
0x88: {  	s2 =	sld [smem:$0x3FD9]  }
0x89: {  	s3 =	sld [smem:$0x3FFE];
	_ =	sdelay $0x1  }
0x8a: {  	s1 =	srdreg.scid  }
0x8b: {  	s0 =	sand.u32 $0x1, s1  }
0x8c: {  	s17 =	sshll.u32 s0, $0xA;
	s2 =	sadd.s32 s3, s2  }
0x8d: {  	s2 =	sadd.s32 s2, s17  }
0x8e: {  	[smem:$0x3FBE] =	sst s2  }
0x8f: {  	_ = 	snop  }
0x90: {  	s2 =	sld [smem:$0x3FD0];
	(tm) =	ssettm $0x1  }
0x91: {  	s18 =	sld [smem:$0x3FFB];
	_ =	sdelay $0x3  }
0x92: {  	_ =	strace s18  }
0x93: {  	s3 =	sld [smem:$0x3FFC];
	_ =	sdelay $0x3  }
0x94: {  	_ =	strace s3  }
0x95: {  	s3 =	sld [smem:$0x3FFD];
	_ =	sdelay $0x3  }
0x96: {  	_ =	strace s3  }
0x97: {  	_ =	strace $0x8FFFFFFF  }
0x98: {  	s19 =	sld [smem:$0x3FDB];
	_ =	sdelay $0x1  }
0x99: {  	s4 =	simm.s32 $_scs_section_size  }
0x9a: {  	s5 =	simm.s32 $_size__tile_overlayer_lowered;
	s6 =	simm.s32 $_tile_overlayer_lowered  }
0x9b: {  	s22 =	simm.s32 $0x1BFF;
	s21 =	sshll.u32 s6, $0x1;
	s3 =	sadd.s32 s4, s19  }
0x9c: {  	s7 =	simm.s32 $0x0;
	s20 =	sshll.u32 s5, $0x1;
	s5 =	sadd.s32 s21, s3  }
0x9d: {  	[timem:s7], [sflag:s22] =	dma.local [hbm:s5], s20  }
0x9e: {  	_ =	swait.ge [sflag:s22], s20  }
0x9f: {  	s4 =	ssub.s32 $0x0, s20;
	[sflag:s22] =	ssyncset.done $0x0  }
0xa0: {  	[sflag:s22] =	ssyncadd.s32 s4;
	_ =	sdelay $0x1  }
0xa1: {  	s23 =	simm.s32 $0x1B8B  }
0xa2: {  	_ =	swait.ge [sflag:s23], $0x1  }
0xa3: {  	[sflag:s23] =	ssyncset.done $0x0  }
0xa4: {  	s25 =	simm.s32 $0x1B8E;
	s24 =	sld [smem:$0x3FFE];
	[sflag:s23] =	ssyncadd.s32 $0xFFFFFFFF  }
0xa5: {  	s26 =	simm.s32 $execute0_lowered;
	[smem:$0x3FD2] =	sst s25  }
0xa6: {  	s5 =	sshll.u32 s26, $0x1;
	_ =	strace $0x80000055;
	[dreg:$0x1] =	wrdreg $0xFFFFFFFF  }
0xa7: {  	s28 =	simm.s32 $_size_execute0_lowered;
	s3 =	sadd.s32 s3, s5;
	[dreg:$0x0] =	wrdreg $0x0  }
0xa8: {  	s5 =	sshll.u32 s28, $0x1;
	[dreg:$0x2] =	wrdreg s3  }
0xa9: {  	[dreg:$0x3] =	wrdreg s5  }
0xaa: {  	[dreg:$0x4] =	wrdreg $0xC0  }
0xab: {  	_ =	task [dreg:s7], $0x5FFFF  }
0xac: {  	[dreg:$0x1] =	wrdreg $0xFFFFFFFF  }
0xad: {  	[dreg:$0x0] =	wrdreg $0x60  }
0xae: {  	[dreg:$0x2] =	wrdreg s24  }
0xaf: {  	[dreg:$0x3] =	wrdreg s2  }
0xb0: {  	[dreg:$0x4] =	wrdreg $0x9  }
0xb1: {  	_ =	task.clear_ibuf [dreg:s7], $0x5FFFF;
	_ =	strace $0x90000055  }
0xb2: {  	s29 =	simm.s32 $0x9;
	_ =	strace $0x80000057  }
0xb3: {  	_ =	swait.ge [sflag:s29], $0x1  }
0xb4: {  	[sflag:s29] =	ssyncadd.s32 $0xFFFFFFFF  }
0xb5: {  	_ =	strace $0x90000057  }
0xb6: {  	_ =	sfence  }
0xb7: {  	s30 =	sld [smem:$0x0];
	_ =	sdelay $0x2  }
0xb8: {  	s31 =	sshll.u32 s1, $0xD;
	s1 =	sshrl.u32 s1, $0x2  }
0xb9: {  	s3 =	sand.u32 $0x4000, s31;
	s1 =	sadd.s32 s1, s30  }
0xba: {  	s0 =	sor.u32 s3, s0;
	s1 =	sshll.u32 s1, $0x11  }
0xbb: {  	s0 =	sor.u32 s1, s0  }
0xbc: {  	s0 =	sadd.s32 $0x8F2B, s0  }
0xbd: {  	[sflag:s0] =	ssyncadd.remote.s32 $0x1  }
0xbe: {  	_ =	sfence.sel $0xFFFF  }
0xbf: {  	[dreg:$0x0] =	wrdreg $0xFFFFFFFF;
	(pc) =	sbr.abs _section_cstart, $3  }
0xc0: {  	[dreg:$0x1] =	wrdreg $0xFFFFFFFF  }
0xc1: {  	_ =	task.clear_ibuf [dreg:s7], $0x2FFFF;
	_ =	strace $0x9FFFFFFF  }
0xc2: {  	(tm) =	ssettm $0x7FFFFFFF  }
0xc3: {  	_ =	shalt  }
tec
execute0_lowered:
.L_overlay_start_1:
0x0: {  	(tag) =	ssettag $0x1  }
0x1: {  	s1 =	srdreg.scid  }
0x2: {  	s3 =	rddreg [dreg:$0x0];
	s0 =	stileid.u32;
	s11 =	sand.u32 $0x1, s1  }
0x3: {  	s12 =	rddreg [dreg:$0x1];
	s5 =	sshll.u32 s0, $0x1;
	s4 =	sshll.u32 s11, $0x5  }
0x4: {  	s2 =	simm.s32 $0x0;
	s1 =	rddreg [dreg:$0x2];
	s13 =	sor.u32 s5, s4  }
0x5: {  	[smem:$0x7FF] =	sst s2;
	s9 =	sadd.s32 s13, s3  }
0x6: {  	_ =	strace $0x80000056;
	s3 =	simm.s32 $0x1;
	s4 =	sadd.s32 $0x3F800, s9  }
0x7: {  	[tilespmem:s2], [sflag:$0x1] =	stream.linear.gather [hbm4b:s4+s2], $0x10, $0x38;
	[tilespmem:$0x200] =	vst v63  }
0x8: {  	_ =	swait.ge [sflag:s3], $0x10  }
0x9: {  	[sflag:s3] =	ssyncset.done $0x0  }
0xa: {  	s6 =	simm.s32 $0x80;
	s5 =	sadd.s32 $0x3FA00, s9;
	[sflag:s3] =	ssyncadd.s32 $0xFFFFFFF0  }
0xb: {  	[tilespmem:s6], [sflag:$0x1] =	stream.linear.gather [hbm4b:s5+s2], $0x10, $0x38;
	[tilespmem:$0x200] =	vst v63  }
0xc: {  	_ =	swait.ge [sflag:s3], $0x10  }
0xd: {  	[sflag:s3] =	ssyncset.done $0x0  }
0xe: {  	s8 =	simm.s32 $0x100;
	s7 =	sadd.s32 $0x3FC00, s9;
	[sflag:s3] =	ssyncadd.s32 $0xFFFFFFF0  }
0xf: {  	[tilespmem:s8], [sflag:$0x1] =	stream.linear.gather [hbm4b:s7+s2], $0x10, $0x38;
	[tilespmem:$0x200] =	vst v63  }
0x10: {  	_ =	swait.ge [sflag:s3], $0x10  }
0x11: {  	[sflag:s3] =	ssyncset.done $0x0  }
0x12: {  	s10 =	simm.s32 $0x180;
	s9 =	sadd.s32 $0x3FE00, s9;
	[sflag:s3] =	ssyncadd.s32 $0xFFFFFFF0  }
0x13: {  	[tilespmem:s10], [sflag:$0x1] =	stream.linear.gather [hbm4b:s9+s2], $0x10, $0x38;
	[tilespmem:$0x200] =	vst v63  }
0x14: {  	_ =	swait.ge [sflag:s3], $0x10  }
0x15: {  	[sflag:s3] =	ssyncset.done $0x0  }
0x16: {  	[sflag:s3] =	ssyncadd.s32 $0xFFFFFFF0  }
0x17: {  	v0 =	vld [tilespmem:$0x100]  }
0x18: {  	v1 =	vld [tilespmem:$0x180];
	_ =	sdelay $0x4  }
0x19: {  	v0 =	vadd.f32 v1, v0;
	_ =	sdelay $0x1  }
0x1a: {  	v0 =	vmax.f32 v0, $1.000000000e+00  }
0x1b: {  	(erf) = vrcp.f32 v0;
	_ =	sdelay $0x1  }
0x1c: {  	v61 =	vld [tilespmem:$0x80]  }
0x1d: {  	v62 =	vld [tilespmem:$0x0];
	_ =	sdelay $0x1  }
0x1e: {  	s11 =	ssub.s32 $0x2, s11  }
0x1f: {  	s14 =	sshrl.u32 s11, $0x1  }
0x20: {  	s14 =	ssub.s32 s11, s14  }
0x21: {  	s31 =	smax.u32 s14, $0x1;
	v0 =	vadd.f32 v61, v62  }
0x22: {  	p0 =	sne.s32 s31, $0x1;
	v63 =	vpop (erf)  }
.Ltmp0:
0x23: {  	v0 =	vmul.f32 v63, v0;
	(pc) =	sbr.rel @!p0 .LBB2_2-.Ltmp0, $4  }
0x24: {  	_ = 	snop  }
0x25: {  	s11 =	sadd.s32 s12, s13;
	[tilespmem:$0x0] =	vst v0  }
0x26: {  	[hbm4b:s11+s2] =	stream.linear.scatter [tilespmem:s2], [sflag:$0x1], $0x10, $0x38;
	[tilespmem:$0x200] =	vst v63  }
0x27: {  	s12 =	sadd.s32 $0xFFFFFFFF, s31;
	_ =	swait.ge [sflag:s3], $0x10  }
.LBB2_1:
0x28: {  	p0 =	sne.s32 s12, $0x1;
	s12 =	sadd.s32 $0xFFFFFFFF, s12;
	[sflag:s3] =	ssyncset.done $0x0  }
0x29: {  	[sflag:s3] =	ssyncadd.s32 $0xFFFFFFF0  }
0x2a: {  	[tilespmem:s2], [sflag:$0x1] =	stream.linear.gather [hbm4b:s4+s2], $0x10, $0x38;
	[tilespmem:$0x200] =	vst v63  }
0x2b: {  	_ =	swait.ge [sflag:s3], $0x10  }
0x2c: {  	[sflag:s3] =	ssyncset.done $0x0  }
0x2d: {  	[sflag:s3] =	ssyncadd.s32 $0xFFFFFFF0  }
0x2e: {  	[tilespmem:s6], [sflag:$0x1] =	stream.linear.gather [hbm4b:s5+s2], $0x10, $0x38;
	[tilespmem:$0x200] =	vst v63  }
0x2f: {  	_ =	swait.ge [sflag:s3], $0x10  }
0x30: {  	[sflag:s3] =	ssyncset.done $0x0  }
0x31: {  	[sflag:s3] =	ssyncadd.s32 $0xFFFFFFF0  }
0x32: {  	[tilespmem:s8], [sflag:$0x1] =	stream.linear.gather [hbm4b:s7+s2], $0x10, $0x38;
	[tilespmem:$0x200] =	vst v63  }
0x33: {  	_ =	swait.ge [sflag:s3], $0x10  }
0x34: {  	[sflag:s3] =	ssyncset.done $0x0  }
0x35: {  	[sflag:s3] =	ssyncadd.s32 $0xFFFFFFF0  }
0x36: {  	[tilespmem:s10], [sflag:$0x1] =	stream.linear.gather [hbm4b:s9+s2], $0x10, $0x38;
	[tilespmem:$0x200] =	vst v63  }
0x37: {  	_ =	swait.ge [sflag:s3], $0x10  }
0x38: {  	[sflag:s3] =	ssyncset.done $0x0  }
0x39: {  	[sflag:s3] =	ssyncadd.s32 $0xFFFFFFF0  }
0x3a: {  	v0 =	vld [tilespmem:$0x100]  }
0x3b: {  	v1 =	vld [tilespmem:$0x180];
	_ =	sdelay $0x4  }
0x3c: {  	v0 =	vadd.f32 v1, v0;
	_ =	sdelay $0x1  }
0x3d: {  	v0 =	vmax.f32 v0, $1.000000000e+00  }
0x3e: {  	(erf) = vrcp.f32 v0  }
0x3f: {  	v0 =	vld [tilespmem:$0x80]  }
0x40: {  	v1 =	vld [tilespmem:$0x0];
	_ =	sdelay $0x4  }
0x41: {  	v0 =	vadd.f32 v0, v1;
	_ =	sdelay $0x1  }
0x42: {  	v1 =	vpop (erf)  }
.Ltmp1:
0x43: {  	v0 =	vmul.f32 v1, v0;
	(pc) =	sbr.rel @p0 .LBB2_1-.Ltmp1, $4  }
0x44: {  	_ = 	snop  }
0x45: {  	[tilespmem:$0x0] =	vst v0  }
0x46: {  	[hbm4b:s11+s2] =	stream.linear.scatter [tilespmem:s2], [sflag:$0x1], $0x10, $0x38;
	[tilespmem:$0x200] =	vst v63  }
0x47: {  	_ =	swait.ge [sflag:s3], $0x10  }
.LBB2_2:
0x48: {  	[sflag:s3] =	ssyncset.done $0x0  }
0x49: {  	[sflag:s3] =	ssyncadd.s32 $0xFFFFFFF0  }
0x4a: {  	_ =	sfence.sel $0x180000  }
0x4b: {  	[bflag:$0x0] =	sbarrier.arrive $0xFFFF  }
0x4c: {  	p0 =	sne.s32 s0, $0x0;
	_ =	strace $0x90000056  }
0x4d: {  	s0 =	sadd.s32 @!p0 $0x100000, s1;
	[bflag:$0x2] =	sbarrier.arrive $0xFFFF  }
0x4e: {  	[sflag:s0] =	ssyncadd.tile.s32 @!p0 $0x1;
	_ =	shalt  }
.Lfunc_end2:
_tile_overlayer_lowered:
.L_overlay_start_2:
0x4f: {  	(tag) =	ssettag $0x2  }
0x50: {  	s0 =	rddreg [dreg:$0x0];
	s2 =	stileid.u32  }
0x51: {  	s1 =	rddreg [dreg:$0x1];
	p0 =	sne.s32 s2, $0x0  }
0x52: {  	s3 =	rddreg [dreg:$0x2];
	[bflag:$0x3] =	sbarrier.arrive $0xFFFF;
	s2 =	simm.s32 @!p0 $0x1C01  }
0x53: {  	[timem:s3], [sflag:s2] =	dma.local @!p0 [hbm:s0], s1  }
0x54: {  	s0 =	simm.s32 @!p0 $0x1  }
0x55: {  	_ =	swait.ge @!p0 [sflag:s0], s1  }
0x56: {  	s1 =	ssub.s32 @!p0 $0x0, s1;
	[sflag:s0] =	ssyncset.done @!p0 $0x0  }
0x57: {  	[sflag:s0] =	ssyncadd.s32 @!p0 s1  }
0x58: {  	[bflag:$0x3] =	sbarrier.arrive $0xFFFF  }
0x59: {  	_ =	shalt  }

// kernel: kernel.8.cloned.1.call-start
scs
__scs_entry_jumppad:
0x0: {  	(pc) =	sbr.rel $0x88, $3  }
0x1: {  	(tag) =	ssettag $0x0;
	lr =	simm.s32 $0x1  }
0x2: {  	[smem:$0x3F97] =	sst lr;
	_ =	strace $0xD0000000  }
0x3: {  	_ = 	snop  }
0x4: {  	_ = 	snop  }
0x5: {  	_ = 	snop  }
0x6: {  	_ = 	snop  }
0x7: {  	_ = 	snop  }
__scs_overlays_trampoline_lowered:
0x8: {  	[smem:$0x3FA6] =	sst s0  }
0x9: {  	[smem:$0x3FA7] =	sst s1  }
0xa: {  	[smem:$0x3FA8] =	sst s2  }
0xb: {  	[smem:$0x3FA9] =	sst s3  }
0xc: {  	[smem:$0x3FAA] =	sst s4  }
0xd: {  	[smem:$0x3FAB] =	sst s5  }
0xe: {  	[smem:$0x3FAC] =	sst s6  }
0xf: {  	[smem:$0x3FAD] =	sst s7  }
0x10: {  	[smem:$0x3FAE] =	sst s8  }
0x11: {  	[smem:$0x3FAF] =	sst s9;
	s0 =	simm.s32 @!p0 $0x0  }
0x12: {  	s1 =	sld [smem:$0x3F95];
	s0 =	simm.s32 @p0 $0x1  }
0x13: {  	[smem:$0x3FB0] =	sst s0;
	s0 =	simm.s32 @!p1 $0x0  }
0x14: {  	s2 =	sld [smem:$0x3F94];
	s0 =	simm.s32 @p1 $0x1  }
0x15: {  	[smem:$0x3FB1] =	sst s0;
	s0 =	simm.s32 @!p2 $0x0  }
0x16: {  	s3 =	sld [smem:$0x3FDB];
	s0 =	simm.s32 @p2 $0x1  }
0x17: {  	s4 =	simm.s32 $0x1BF5;
	[smem:$0x3FB3] =	sst s0  }
0x18: {  	s0 =	sld [smem:$0x3F96];
	_ =	swait.ge [sflag:s4], $0x0  }
0x19: {  	s7 =	sld [smem:$0x3F97]  }
0x1a: {  	s8 =	sadd.s32 $0xFFFFE003, lr  }
0x1b: {  	s9 =	sadd.s32 $0xFFFFFEF7, lr;
	s5 =	simm.s32 $0xFFFFFFFF;
	p2 =	slt.u32 s8, $0xFFFFF086  }
0x1c: {  	p1 =	slt.u32 s9, $0xF7A;
	s5 =	simm.s32 @!p2 $0x0  }
0x1d: {  	s5 =	simm.s32 @p1 $0x1;
	p0 =	seq.s32 s7, s2  }
0x1e: {  	s7 =	smul.u32 @!p0 $0xF7A, s2;
	p2 =	seq.s32 @!p0 s5, $0x0  }
0x1f: {  	s9 =	smul.u32 $0xF7A, s1;
	s8 =	simm.s32 @!p0 $0x1BF5;
	p2 =	por !p2, p0  }
0x20: {  	[sflag:s8] =	ssyncset.s32 @!p0 $0xFFFFF086;
	s6 =	sadd.s32 @!p0 s3, s7;
	s7 =	simm.s32 @!p0 $0x108  }
0x21: {  	s3 =	sadd.s32 s3, s9;
	s6 =	sadd.s32 @!p0 $0x88, s6;
	s7 =	simm.s32 @p2 $0x1082  }
0x22: {  	[simem:s7], [sflag:s8] =	dma.local @!p0 [hbm:s6], $0xF7A  }
0x23: {  	s9 =	sor.u32 $0xD0000000, s2;
	s6 =	simm.s32 $0x108;
	_ =	swait.ge @!p0 [sflag:s8], $0x0  }
0x24: {  	s3 =	sadd.s32 $0x88, s3;
	s6 =	simm.s32 @!p1 $0x1082;
	[sflag:s4] =	ssyncset.s32 $0xFFFFF086  }
0x25: {  	[simem:s6], [sflag:s4] =	dma.local [hbm:s3], $0xF7A  }
0x26: {  	[smem:$0x3F97] =	sst s1;
	(tag) =	ssettag s2;
	_ =	strace s9  }
0x27: {  	s1 =	sld [smem:$0x3FA7]  }
0x28: {  	s2 =	sld [smem:$0x3FA8]  }
0x29: {  	s4 =	sld [smem:$0x3FAA]  }
0x2a: {  	p0 =	seq.s32 s5, $0x0;
	s5 =	sld [smem:$0x3FAB]  }
0x2b: {  	s6 =	sld [smem:$0x3FAC]  }
0x2c: {  	s7 =	sld [smem:$0x3FAD]  }
0x2d: {  	s3 =	simm.s32 $0x108;
	s8 =	sld [smem:$0x3FAE]  }
0x2e: {  	s3 =	simm.s32 @!p0 $0x1082;
	s9 =	sld [smem:$0x3FAF]  }
0x2f: {  	lr =	sadd.s32 s0, s3;
	s0 =	sld [smem:$0x3FA6]  }
0x30: {  	s3 =	sld [smem:$0x3FA9]  }
0x31: {  	[smem:$0x3FB2] =	sst s10  }
0x32: {  	s10 =	sld [smem:$0x3FB0];
	_ =	sdelay $0x3  }
0x33: {  	p0 =	seq.s32 s10, $0x1;
	s10 =	sld [smem:$0x3FB2];
	_ =	sdelay $0x3  }
0x34: {  	[smem:$0x3FB2] =	sst s10  }
0x35: {  	s10 =	sld [smem:$0x3FB1];
	_ =	sdelay $0x3  }
0x36: {  	p1 =	seq.s32 s10, $0x1;
	s10 =	sld [smem:$0x3FB2];
	_ =	sdelay $0x3  }
0x37: {  	[smem:$0x3FB2] =	sst s10  }
0x38: {  	s10 =	sld [smem:$0x3FB3]  }
0x39: {  	_ = 	snop;
	(pc) =	sbr.ind lr, $3  }
0x3a: {  	_ = 	snop  }
0x3b: {  	_ = 	snop  }
0x3c: {  	p2 =	seq.s32 s10, $0x1;
	s10 =	sld [smem:$0x3FB2]  }
0x3d: {  	_ =	shalt  }
0x3e: {  	_ =	shalt  }
0x3f: {  	_ =	shalt  }
0x40: {  	_ =	shalt  }
0x41: {  	_ =	shalt  }
0x42: {  	_ =	shalt  }
0x43: {  	_ =	shalt  }
0x44: {  	_ =	shalt  }
0x45: {  	_ =	shalt  }
0x46: {  	_ =	shalt  }
0x47: {  	_ =	shalt  }
0x48: {  	_ =	shalt  }
0x49: {  	_ =	shalt  }
0x4a: {  	_ =	shalt  }
0x4b: {  	_ =	shalt  }
0x4c: {  	_ =	shalt  }
0x4d: {  	_ =	shalt  }
0x4e: {  	_ =	shalt  }
0x4f: {  	_ =	shalt  }
0x50: {  	_ =	shalt  }
0x51: {  	_ =	shalt  }
0x52: {  	_ =	shalt  }
0x53: {  	_ =	shalt  }
0x54: {  	_ =	shalt  }
0x55: {  	_ =	shalt  }
0x56: {  	_ =	shalt  }
0x57: {  	_ =	shalt  }
0x58: {  	_ =	shalt  }
0x59: {  	_ =	shalt  }
0x5a: {  	_ =	shalt  }
0x5b: {  	_ =	shalt  }
0x5c: {  	_ =	shalt  }
0x5d: {  	_ =	shalt  }
0x5e: {  	_ =	shalt  }
0x5f: {  	_ =	shalt  }
0x60: {  	_ =	shalt  }
0x61: {  	_ =	shalt  }
0x62: {  	_ =	shalt  }
0x63: {  	_ =	shalt  }
0x64: {  	_ =	shalt  }
0x65: {  	_ =	shalt  }
0x66: {  	_ =	shalt  }
0x67: {  	_ =	shalt  }
0x68: {  	_ =	shalt  }
0x69: {  	_ =	shalt  }
0x6a: {  	_ =	shalt  }
0x6b: {  	_ =	shalt  }
0x6c: {  	_ =	shalt  }
0x6d: {  	_ =	shalt  }
0x6e: {  	_ =	shalt  }
0x6f: {  	_ =	shalt  }
0x70: {  	_ =	shalt  }
0x71: {  	_ =	shalt  }
0x72: {  	_ =	shalt  }
0x73: {  	_ =	shalt  }
0x74: {  	_ =	shalt  }
0x75: {  	_ =	shalt  }
0x76: {  	_ =	shalt  }
0x77: {  	_ =	shalt  }
0x78: {  	_ =	shalt  }
0x79: {  	_ =	shalt  }
0x7a: {  	_ =	shalt  }
0x7b: {  	_ =	shalt  }
0x7c: {  	_ =	shalt  }
0x7d: {  	_ =	shalt  }
0x7e: {  	_ =	shalt  }
0x7f: {  	_ =	shalt  }
0x80: {  	_ =	shalt  }
0x81: {  	_ =	shalt  }
0x82: {  	_ =	shalt  }
0x83: {  	_ =	shalt  }
0x84: {  	_ =	shalt  }
0x85: {  	_ =	shalt  }
0x86: {  	_ =	shalt  }
0x87: {  	_ =	shalt  }
.Lfunc_end0:
.L_simem_size_0:
called_computation_lowered:
.L_overlay_start_0:
0x88: {  	s2 =	sld [smem:$0x3FD9]  }
0x89: {  	s3 =	sld [smem:$0x3FFE];
	_ =	sdelay $0x1  }
0x8a: {  	s1 =	srdreg.scid  }
0x8b: {  	s0 =	sand.u32 $0x1, s1  }
0x8c: {  	s16 =	sshll.u32 s0, $0xA;
	s2 =	sadd.s32 s3, s2  }
0x8d: {  	s2 =	sadd.s32 s2, s16  }
0x8e: {  	[smem:$0x3FBE] =	sst s2  }
0x8f: {  	_ = 	snop  }
0x90: {  	(tm) =	ssettm $0x1  }
0x91: {  	s17 =	sld [smem:$0x3FFB];
	_ =	sdelay $0x3  }
0x92: {  	_ =	strace s17  }
0x93: {  	s2 =	sld [smem:$0x3FFC];
	_ =	sdelay $0x3  }
0x94: {  	_ =	strace s2  }
0x95: {  	s2 =	sld [smem:$0x3FFD];
	_ =	sdelay $0x3  }
0x96: {  	_ =	strace s2  }
0x97: {  	_ =	strace $0x8FFFFFFF  }
0x98: {  	s18 =	sld [smem:$0x3FDB];
	_ =	sdelay $0x1  }
0x99: {  	s19 =	simm.s32 $_scs_section_size  }
0x9a: {  	s4 =	simm.s32 $_size__tile_overlayer_lowered;
	s5 =	simm.s32 $_tile_overlayer_lowered  }
0x9b: {  	s22 =	simm.s32 $0x1BFF;
	s21 =	sshll.u32 s5, $0x1;
	s2 =	sadd.s32 s19, s18  }
0x9c: {  	s6 =	simm.s32 $0x0;
	s20 =	sshll.u32 s4, $0x1;
	s4 =	sadd.s32 s21, s2  }
0x9d: {  	[timem:s6], [sflag:s22] =	dma.local [hbm:s4], s20  }
0x9e: {  	_ =	swait.ge [sflag:s22], s20  }
0x9f: {  	s3 =	ssub.s32 $0x0, s20;
	[sflag:s22] =	ssyncset.done $0x0  }
0xa0: {  	[sflag:s22] =	ssyncadd.s32 s3;
	_ =	sdelay $0x1  }
0xa1: {  	s23 =	simm.s32 $0x1B8B  }
0xa2: {  	_ =	swait.ge [sflag:s23], $0x1  }
0xa3: {  	[sflag:s23] =	ssyncset.done $0x0  }
0xa4: {  	s25 =	simm.s32 $0x1B8E;
	s24 =	sld [smem:$0x3FFE];
	[sflag:s23] =	ssyncadd.s32 $0xFFFFFFFF  }
0xa5: {  	s26 =	simm.s32 $execute0_lowered;
	[smem:$0x3FD2] =	sst s25  }
0xa6: {  	s4 =	sshll.u32 s26, $0x1;
	_ =	strace $0x80000046;
	[dreg:$0x1] =	wrdreg $0xFFFFFFFF  }
0xa7: {  	s28 =	simm.s32 $_size_execute0_lowered;
	s2 =	sadd.s32 s2, s4;
	[dreg:$0x0] =	wrdreg $0x0  }
0xa8: {  	s4 =	sshll.u32 s28, $0x1;
	[dreg:$0x2] =	wrdreg s2  }
0xa9: {  	[dreg:$0x3] =	wrdreg s4  }
0xaa: {  	[dreg:$0x4] =	wrdreg $0xC0  }
0xab: {  	_ =	task [dreg:s6], $0x5FFFF  }
0xac: {  	[dreg:$0x1] =	wrdreg $0xFFFFFFFF  }
0xad: {  	[dreg:$0x0] =	wrdreg $0x60  }
0xae: {  	[dreg:$0x2] =	wrdreg s24  }
0xaf: {  	[dreg:$0x3] =	wrdreg $0x19800  }
0xb0: {  	[dreg:$0x4] =	wrdreg $0x9  }
0xb1: {  	_ =	task.clear_ibuf [dreg:s6], $0x5FFFF;
	_ =	strace $0x90000046  }
0xb2: {  	s29 =	simm.s32 $0x9;
	_ =	strace $0x80000048  }
0xb3: {  	_ =	swait.ge [sflag:s29], $0x1  }
0xb4: {  	[sflag:s29] =	ssyncadd.s32 $0xFFFFFFFF  }
0xb5: {  	_ =	strace $0x90000048  }
0xb6: {  	_ =	sfence  }
0xb7: {  	s30 =	sld [smem:$0x0];
	_ =	sdelay $0x2  }
0xb8: {  	s31 =	sshll.u32 s1, $0xD;
	s1 =	sshrl.u32 s1, $0x2  }
0xb9: {  	s3 =	sand.u32 $0x4000, s31;
	s1 =	sadd.s32 s1, s30  }
0xba: {  	s0 =	sor.u32 s3, s0;
	s1 =	sshll.u32 s1, $0x11  }
0xbb: {  	s0 =	sor.u32 s1, s0  }
0xbc: {  	s0 =	sadd.s32 $0x8F2B, s0  }
0xbd: {  	[sflag:s0] =	ssyncadd.remote.s32 $0x1  }
0xbe: {  	_ =	sfence.sel $0xFFFF  }
0xbf: {  	[dreg:$0x0] =	wrdreg $0xFFFFFFFF;
	(pc) =	sbr.abs _section_cstart, $3  }
0xc0: {  	[dreg:$0x1] =	wrdreg $0xFFFFFFFF  }
0xc1: {  	_ =	task.clear_ibuf [dreg:s6], $0x2FFFF;
	_ =	strace $0x9FFFFFFF  }
0xc2: {  	(tm) =	ssettm $0x7FFFFFFF  }
0xc3: {  	_ =	shalt  }
tec
execute0_lowered:
.L_overlay_start_1:
0x0: {  	(tag) =	ssettag $0x1  }
0x1: {  	s7 =	rddreg [dreg:$0x0]  }
0x2: {  	s0 =	srdreg.scid;
	s1 =	rddreg [dreg:$0x1];
	s2 =	simm.s32 $0x0  }
0x3: {  	s10 =	stileid.u32;
	s12 =	simm.s32 $0x1D200;
	s14 =	simm.s32 $0x0  }
0x4: {  	s5 =	sand.u32 $0x1, s0;
	s0 =	rddreg [dreg:$0x2];
	s11 =	smul.u32 $0xC40, s10  }
0x5: {  	[smem:$0x7FF] =	sst s2;
	s4 =	sadd.s32 $0x1B400, s7;
	s3 =	smul.u32 $0xC400, s5  }
0x6: {  	_ =	strace $0x80000047;
	s6 =	ssub.s32 $0x2, s5;
	p0 =	seq.s32 s5, $0x1  }
0x7: {  	s9 =	sshrl.u32 s6, $0x1;
	s5 =	sadd.s32 s11, s1;
	s12 =	simm.s32 @!p0 $0x1B800  }
0x8: {  	s13 =	sshrl.u32 s11, $0x3;
	p0 =	sne.s32 s10, $0x0;
	s10 =	simm.s32 $0x1  }
0x9: {  	s8 =	sadd.s32 s3, s7;
	s3 =	sadd.s32 $0x1B200, s7;
	s9 =	ssub.s32 s6, s9  }
0xa: {  	s6 =	sadd.s32 $0xC400, s1;
	s12 =	sadd.s32 s12, s7;
	s11 =	sadd.s32 s11, s8  }
0xb: {  	s7 =	smax.u32 s9, $0x1;
	s8 =	sadd.s32 s12, s13;
	s12 =	simm.s32 $0x1880  }
0xc: {  	s13 =	simm.s32 $0x80;
	s9 =	sadd.s32 $0x2A00, s11;
	s11 =	simm.s32 $0x1900  }
.LBB2_1:
0xd: {  	[tilespmem:s2], [sflag:$0x1] =	stream.linear.gather [hbm4b:s3+s2], $0xC40, $0x38;
	[tilespmem:$0x25C8] =	vst v63  }
0xe: {  	_ =	swait.ge [sflag:s10], $0xC40  }
0xf: {  	[sflag:s10] =	ssyncset.done $0x0  }
0x10: {  	[sflag:s10] =	ssyncadd.s32 $0xFFFFF3C0  }
0x11: {  	[spmem:s5] =	stream.linear.scatter [tilespmem:s2], [sflag:$0x1], $0xC40, $0x38;
	[tilespmem:$0x25C8] =	vst v63  }
0x12: {  	_ =	swait.ge [sflag:s10], $0xC40  }
0x13: {  	[sflag:s10] =	ssyncset.done $0x0  }
0x14: {  	s15 =	simm.s32 @!p0 $0x0;
	[sflag:s10] =	ssyncadd.s32 $0xFFFFF3C0  }
0x15: {  	[spmem:s6] =	stream.linear.scatter @!p0 [tilespmem:s15], [sflag:$0x1], $0x8, $0x38;
	[tilespmem:$0x25C8] =	vst v63  }
0x16: {  	s15 =	simm.s32 @!p0 $0x1  }
0x17: {  	_ =	swait.ge @!p0 [sflag:s15], $0x8  }
0x18: {  	[sflag:s15] =	ssyncset.done @!p0 $0x0  }
0x19: {  	[sflag:s15] =	ssyncadd.s32 @!p0 $0xFFFFFFF8  }
0x1a: {  	[tilespmem:s11], [sflag:$0x1] =	stream.linear.gather [hbm4b:s4+s2], $0x80, $0x38;
	[tilespmem:$0x25C8] =	vst v63  }
0x1b: {  	_ =	swait.ge [sflag:s10], $0x80  }
0x1c: {  	[sflag:s10] =	ssyncset.done $0x0  }
0x1d: {  	[sflag:s10] =	ssyncadd.s32 $0xFFFFFF80  }
0x1e: {  	s31 =	sadd.s32 $0x0, s9;
	[bflag:$0x0] =	sbarrier.arrive $0xFFFF  }
0x1f: {  	[tilespmem:s12], [sflag:$0x1] =	stream.linear.gather [hbm4b:s31+s2], $0x80, $0x38;
	[tilespmem:$0x25C8] =	vst v63  }
0x20: {  	_ =	swait.ge [sflag:s10], $0x80  }
0x21: {  	[sflag:s10] =	ssyncset.done $0x0  }
0x22: {  	[sflag:s10] =	ssyncadd.s32 $0xFFFFFF80  }
0x23: {  	[spmem:s1] =	stream.indirect.scatter.add.f32 [tilespmem:s11], [sflag:$0x1], $0x1, s12, s13, $0xb8;
	[tilespmem:$0x25C8] =	vst v63  }
0x24: {  	_ =	swait.ge [sflag:s10], $0x80  }
0x25: {  	s16 =	simm.s32 $0x20;
	s15 =	simm.s32 $0x10;
	[sflag:s10] =	ssyncset.done $0x0  }
.LBB2_2:
0x26: {  	s17 =	sadd.s32 s15, s9  }
0x27: {  	[sflag:s10] =	ssyncadd.s32 $0xFFFFFF80;
	s15 =	smov.u32 s16;
	s18 =	sadd.s32 $0x10, s16  }
0x28: {  	[tilespmem:s12], [sflag:$0x1] =	stream.linear.gather [hbm4b:s17+s2], $0x80, $0x38;
	[tilespmem:$0x25C8] =	vst v63  }
0x29: {  	p1 =	sne.s32 s16, $0xC30;
	_ =	swait.ge [sflag:s10], $0x80  }
.Ltmp0:
0x2a: {  	[sflag:s10] =	ssyncset.done $0x0;
	(pc) =	sbr.rel @p1 .LBB2_2-.Ltmp0, $4  }
0x2b: {  	[sflag:s10] =	ssyncadd.s32 $0xFFFFFF80  }
0x2c: {  	[spmem:s1] =	stream.indirect.scatter.add.f32 [tilespmem:s11], [sflag:$0x1], $0x1, s12, s13, $0xb8;
	[tilespmem:$0x25C8] =	vst v63  }
0x2d: {  	_ =	swait.ge [sflag:s10], $0x80  }
0x2e: {  	s16 =	smov.u32 s18;
	[sflag:s10] =	ssyncset.done $0x0  }
0x2f: {  	s15 =	sadd.s32 s15, s9;
	[sflag:s10] =	ssyncadd.s32 $0xFFFFFF80  }
0x30: {  	[tilespmem:s12], [sflag:$0x1] =	stream.linear.gather [hbm4b:s15+s2], $0x80, $0x38;
	[tilespmem:$0x25C8] =	vst v63  }
0x31: {  	_ =	swait.ge [sflag:s10], $0x80  }
0x32: {  	[sflag:s10] =	ssyncset.done $0x0  }
0x33: {  	[sflag:s10] =	ssyncadd.s32 $0xFFFFFF80  }
0x34: {  	[spmem:s1] =	stream.indirect.scatter.add.f32 [tilespmem:s11], [sflag:$0x1], $0x1, s12, s13, $0xb8;
	[tilespmem:$0x25C8] =	vst v63  }
0x35: {  	_ =	swait.ge [sflag:s10], $0x80  }
0x36: {  	[sflag:s10] =	ssyncset.done $0x0  }
0x37: {  	[sflag:s10] =	ssyncadd.s32 $0xFFFFFF80  }
0x38: {  	[bflag:$0x0] =	sbarrier.arrive $0xFFFF  }
0x39: {  	[tilespmem:s2], [sflag:$0x1] =	stream.linear.gather [spmem:s5], $0xC40, $0x38;
	[tilespmem:$0x25C8] =	vst v63  }
0x3a: {  	s14 =	sadd.s32 $0x1, s14;
	_ =	swait.ge [sflag:s10], $0xC40  }
0x3b: {  	p1 =	sne.s32 s14, s7;
	[sflag:s10] =	ssyncset.done $0x0  }
.Ltmp1:
0x3c: {  	[sflag:s10] =	ssyncadd.s32 $0xFFFFF3C0;
	(pc) =	sbr.rel @p1 .LBB2_1-.Ltmp1, $4  }
0x3d: {  	[hbm4b:s8+s2] =	stream.linear.scatter [tilespmem:s2], [sflag:$0x1], $0xC40, $0x38;
	[tilespmem:$0x25C8] =	vst v63  }
0x3e: {  	_ =	swait.ge [sflag:s10], $0xC40  }
0x3f: {  	[sflag:s10] =	ssyncset.done $0x0  }
0x40: {  	[sflag:s10] =	ssyncadd.s32 $0xFFFFF3C0  }
0x41: {  	_ =	sfence.sel $0x180000  }
0x42: {  	[bflag:$0x0] =	sbarrier.arrive $0xFFFF  }
0x43: {  	_ =	strace $0x90000047  }
0x44: {  	s0 =	sadd.s32 @!p0 $0x100000, s0;
	[bflag:$0x2] =	sbarrier.arrive $0xFFFF  }
0x45: {  	[sflag:s0] =	ssyncadd.tile.s32 @!p0 $0x1;
	_ =	shalt  }
.Lfunc_end2:
_tile_overlayer_lowered:
.L_overlay_start_2:
0x46: {  	(tag) =	ssettag $0x2  }
0x47: {  	s0 =	rddreg [dreg:$0x0];
	s2 =	stileid.u32  }
0x48: {  	s1 =	rddreg [dreg:$0x1];
	p0 =	sne.s32 s2, $0x0  }
0x49: {  	s3 =	rddreg [dreg:$0x2];
	[bflag:$0x3] =	sbarrier.arrive $0xFFFF;
	s2 =	simm.s32 @!p0 $0x1C01  }
0x4a: {  	[timem:s3], [sflag:s2] =	dma.local @!p0 [hbm:s0], s1  }
0x4b: {  	s0 =	simm.s32 @!p0 $0x1  }
0x4c: {  	_ =	swait.ge @!p0 [sflag:s0], s1  }
0x4d: {  	s1 =	ssub.s32 @!p0 $0x0, s1;
	[sflag:s0] =	ssyncset.done @!p0 $0x0  }
0x4e: {  	[sflag:s0] =	ssyncadd.s32 @!p0 s1  }
0x4f: {  	[bflag:$0x3] =	sbarrier.arrive $0xFFFF  }
0x50: {  	_ =	shalt  }

</sc_bundles>
